<compile_context>
chip_gen: v7x
topology: tpu7x:2x2x1
jax: 0.10.2.dev20260603
libtpu: 0.0.44.dev20260713+nightly
codegen_flags: <defaults>
</compile_context>

<pallas_src>
import jax
import jax.numpy as jnp
from jax import lax
from jax.experimental import pallas as pl
from jax.experimental.pallas import tpu as pltpu
from jax.experimental.pallas import tpu_sc as plsc

NSITES = 64
NTIMES = 8192
NBASE = 2016
NFRAMES = 4096

_PI = 3.141592653589793
_TWO_PI = 6.283185307179586

L = 16
NC = 2
NS = 16
NW = NC * NS
FPW = NFRAMES // NW
SG = 4
GF = 8
NG = FPW // GF
ROW = 2 * NBASE
RPAD = 4096
CVECS = NBASE // L
GPAD = 128


def _wrap(x):
    r = lax.rem(x + _PI, _TWO_PI)
    r = jnp.where(r < 0.0, r + _TWO_PI, r)
    return r - _PI


def _sc_body(bl_hbm, frames_hbm, gt_hbm, gi_hbm, gj_hbm,
             fidx_v, g2_v, gflat_v, rb0, rb1, oi0, oi1, oj0, oj1,
             sem_g, sr0, sr1, so0, so1):
    wid = lax.axis_index("s") * NC + lax.axis_index("c")
    base = wid * FPW
    iota = lax.iota(jnp.int32, L)
    perm = lax.bitwise_and(iota * 2, L - 1)
    permj = perm + 1
    lower = iota < (L // 2)

    pltpu.sync_copy(frames_hbm.at[pl.ds(base, FPW)], fidx_v.at[pl.ds(0, FPW)])
    pltpu.async_copy(
        gt_hbm.at[fidx_v.at[pl.ds(0, FPW)]], g2_v, sem_g).wait()

    @plsc.parallel_loop(0, FPW * NSITES // L, 1, unroll=4)
    def _(k):
        r = lax.shift_right_logical(k, 2)
        c = lax.bitwise_and(k, 3) * L
        gflat_v[pl.ds(k * L, L)] = _wrap(g2_v[r, pl.ds(c, L)])

    rbufs = (rb0, rb1)
    oibufs = (oi0, oi1)
    ojbufs = (oj0, oj1)
    rsems = (sr0, sr1)
    osems = (so0, so1)

    def fire_rows(g, h):
        pltpu.async_copy(
            bl_hbm.at[fidx_v.at[pl.ds(g * GF, GF)]], rbufs[h], rsems[h])

    def compute(g, h, q):
        rb, oi, oj = rbufs[h], oibufs[q], ojbufs[q]
        for j in range(SG):
            jj = SG * q + j
            fofs = jnp.full((L,), (g * GF + jj) * NSITES, jnp.int32)
            obase = j * NBASE

            @plsc.parallel_loop(0, CVECS, 1, unroll=4)
            def _(c):
                a = rb[jj, pl.ds(c * 2 * L, L)]
                b = rb[jj, pl.ds(c * 2 * L + L, L)]
                va = plsc.load_gather(gflat_v, [a + fofs])
                vb = plsc.load_gather(gflat_v, [b + fofs])
                gia = va.at[perm].get(mode="promise_in_bounds")
                gib = vb.at[perm].get(mode="promise_in_bounds")
                gja = va.at[permj].get(mode="promise_in_bounds")
                gjb = vb.at[permj].get(mode="promise_in_bounds")
                oi[pl.ds(obase + c * L, L)] = jnp.where(lower, gia, gib)
                oj[pl.ds(obase + c * L, L)] = jnp.where(lower, gja, gjb)

    fire_rows(0, 0)

    def pair_body(p, carry):
        for h in range(2):
            g = 2 * p + h

            @pl.when(g < NG - 1)
            def _():
                fire_rows(g + 1, (h + 1) % 2)

            pltpu.make_async_copy(
                bl_hbm.at[fidx_v.at[pl.ds(g * GF, GF)]], rbufs[h],
                rsems[h]).wait()

            for q in range(2):
                @pl.when(g >= 1)
                def _():
                    off2 = (base + (g - 1) * GF + q * SG) * NBASE
                    pltpu.make_async_copy(
                        oibufs[q], gi_hbm.at[pl.ds(off2, SG * NBASE)],
                        osems[q]).wait()
                    pltpu.make_async_copy(
                        ojbufs[q], gj_hbm.at[pl.ds(off2, SG * NBASE)],
                        osems[q]).wait()

                compute(g, h, q)

                off = (base + g * GF + q * SG) * NBASE
                pltpu.async_copy(
                    oibufs[q], gi_hbm.at[pl.ds(off, SG * NBASE)], osems[q])
                pltpu.async_copy(
                    ojbufs[q], gj_hbm.at[pl.ds(off, SG * NBASE)], osems[q])
        return carry

    lax.fori_loop(0, NG // 2, pair_body, 0)

    for q in range(2):
        off2 = (base + (NG - 1) * GF + q * SG) * NBASE
        pltpu.make_async_copy(
            oibufs[q], gi_hbm.at[pl.ds(off2, SG * NBASE)], osems[q]).wait()
        pltpu.make_async_copy(
            ojbufs[q], gj_hbm.at[pl.ds(off2, SG * NBASE)], osems[q]).wait()


def _phase_gains_sc(bl_flat, frames, gt):
    k = pl.kernel(
        _sc_body,
        out_type=[
            jax.ShapeDtypeStruct((NFRAMES * NBASE,), jnp.float32),
            jax.ShapeDtypeStruct((NFRAMES * NBASE,), jnp.float32),
        ],
        mesh=plsc.VectorSubcoreMesh(core_axis_name="c", subcore_axis_name="s"),
        scratch_types=[
            pltpu.VMEM((FPW + L,), jnp.int32),
            pltpu.VMEM((FPW, GPAD), jnp.float32),
            pltpu.VMEM((FPW * NSITES,), jnp.float32),
            pltpu.VMEM((GF, RPAD), jnp.int32),
            pltpu.VMEM((GF, RPAD), jnp.int32),
            pltpu.VMEM((SG * NBASE,), jnp.float32),
            pltpu.VMEM((SG * NBASE,), jnp.float32),
            pltpu.VMEM((SG * NBASE,), jnp.float32),
            pltpu.VMEM((SG * NBASE,), jnp.float32),
            pltpu.SemaphoreType.DMA,
            pltpu.SemaphoreType.DMA,
            pltpu.SemaphoreType.DMA,
            pltpu.SemaphoreType.DMA,
            pltpu.SemaphoreType.DMA,
        ],
        compiler_params=pltpu.CompilerParams(needs_layout_passes=False),
    )
    return k(bl_flat, frames, gt)


def kernel(baselines, frames, gains):
    bl2 = jnp.pad(baselines.reshape(NTIMES, ROW), ((0, 0), (0, RPAD - ROW)))
    gt = jnp.pad(gains.T, ((0, 0), (0, GPAD - NSITES)))
    gi, gj = _phase_gains_sc(bl2, frames, gt)
    return gi.reshape(NFRAMES, NBASE), gj.reshape(NFRAMES, NBASE)

# --- scband reference (transcript-rebuilt; emitter-appended) ---
"""Pipeline reference for scband-phase-gains-25185688224538 (READ-ONLY COPY).

The authoritative reference and input builder live on the scoring server;
editing this copy changes nothing except your own understanding.
"""

import jax, jax.numpy as jnp
import numpy as np

NSITES = 64
NTIMES = 8192
NBASE = 2016
NFRAMES = 4096

def _clipping(x):
    x = (x + jnp.pi) % (2 * jnp.pi) - jnp.pi
    return jnp.clip(x, -jnp.pi, jnp.pi)

def setup_inputs(seed: int = 0) -> dict:
    key = jax.random.key(seed)
    k1, k2, k3 = jax.random.split(key, 3)
    baselines = jax.random.randint(k1, (NTIMES, NBASE, 2), 0, NSITES, dtype=jnp.int64 if jax.config.jax_enable_x64 else jnp.int32).astype(jnp.int32)
    frames = jax.random.randint(k2, (NFRAMES,), 0, NTIMES).astype(jnp.int32)
    # learned parameter 'gains' (original init is zeros; use small randn for a non-degenerate test)
    gains = jax.random.normal(k3, (NSITES, NTIMES), dtype=jnp.float32) * 0.5
    return {"baselines": baselines, "frames": frames, "gains": gains}

def reference(baselines, frames, gains):
    i = baselines[frames, :, 0]
    j = baselines[frames, :, 1]
    gi = _clipping(gains[i, frames.reshape(-1, 1)])
    gj = _clipping(gains[j, frames.reshape(-1, 1)])
    return (gi, gj)

if __name__ == "__main__":
    import jax
    _d = setup_inputs()
    print(jax.jit(kernel)(*tuple(_d.values())))

</pallas_src>

<mosaic_0001>
#map = affine_map<(d0, d1) -> (0, 0)>
#map1 = affine_map<(d0, d1) -> (0)>
module attributes {stable_mosaic.version = 14 : i64} {
  func.func @_sc_body(%arg0: i32, %arg1: i32, %arg2: memref<8192x4096xi32, #tpu.memory_space<hbm>>, %arg3: memref<4096xi32, #tpu.memory_space<hbm>>, %arg4: memref<8192x128xf32, #tpu.memory_space<hbm>>, %arg5: memref<8257536xf32, #tpu.memory_space<hbm>>, %arg6: memref<8257536xf32, #tpu.memory_space<hbm>>, %arg7: memref<144xi32, #tpu.memory_space<vmem>>, %arg8: memref<128x128xf32, #tpu.memory_space<vmem>>, %arg9: memref<8192xf32, #tpu.memory_space<vmem>>, %arg10: memref<8x4096xi32, #tpu.memory_space<vmem>>, %arg11: memref<8x4096xi32, #tpu.memory_space<vmem>>, %arg12: memref<8064xf32, #tpu.memory_space<vmem>>, %arg13: memref<8064xf32, #tpu.memory_space<vmem>>, %arg14: memref<8064xf32, #tpu.memory_space<vmem>>, %arg15: memref<8064xf32, #tpu.memory_space<vmem>>, %arg16: memref<!tpu.dma_semaphore, #tpu.memory_space<semaphore_mem>>, %arg17: memref<!tpu.dma_semaphore, #tpu.memory_space<semaphore_mem>>, %arg18: memref<!tpu.dma_semaphore, #tpu.memory_space<semaphore_mem>>, %arg19: memref<!tpu.dma_semaphore, #tpu.memory_space<semaphore_mem>>, %arg20: memref<!tpu.dma_semaphore, #tpu.memory_space<semaphore_mem>>) attributes {dimension_semantics = [#tpu.dimension_semantics<core_parallel>, #tpu.dimension_semantics<subcore_parallel>], iteration_bounds = array<i64: 2, 16>, scalar_prefetch = 0 : i64, scratch_operands = 14 : i64, tpu.core_type = #tpu.core_type<sc_vector_subcore>, window_params = [{transform_indices = #map}, {transform_indices = #map1}, {transform_indices = #map}, {transform_indices = #map1}, {transform_indices = #map1}]} {
    %mul3A = arith.constant 2 : i32
    %mul3A_0 = arith.muli %arg1, %mul3A : i32
    %add3A = arith.addi %mul3A_0, %arg0 : i32
    %mul3A_1 = arith.constant 128 : i32
    %mul3A_2 = arith.muli %add3A, %mul3A_1 : i32
    %iota3A = tpu.iota {dimensions = array<i32: 0>} : vector<16xi32>
    %mul3A_3 = arith.constant 2 : i32
    %mul3A_4 = vector.broadcast %mul3A_3 : i32 to vector<16xi32>
    %mul3A_5 = arith.muli %iota3A, %mul3A_4 : vector<16xi32>
    %and3A = arith.constant 15 : i32
    %and3A_6 = vector.broadcast %and3A : i32 to vector<16xi32>
    %and3A_7 = arith.andi %mul3A_5, %and3A_6 : vector<16xi32>
    %add3A_8 = arith.constant 1 : i32
    %add3A_9 = vector.broadcast %add3A_8 : i32 to vector<16xi32>
    %add3A_10 = arith.addi %and3A_7, %add3A_9 : vector<16xi32>
    %lt3A = arith.constant 8 : i32
    %lt3A_11 = vector.broadcast %lt3A : i32 to vector<16xi32>
    %lt3A_12 = arith.cmpi slt, %iota3A, %lt3A_11 : vector<16xi32>
    "tpu.region"() ({
      %run_scoped3A = tpu.sem_alloc : memref<!tpu.dma_semaphore, #tpu.memory_space<semaphore_mem>>
      %dma_start3A_53 = arith.constant 0 : i32
      %dma_start3A_54 = tpu.memref_slice %arg7[%dma_start3A_53] : memref<144xi32, #tpu.memory_space<vmem>> -> memref<128xi32, #tpu.memory_space<vmem>>
      %dma_start3A_55 = tpu.memref_slice %arg3[%mul3A_2] : memref<4096xi32, #tpu.memory_space<hbm>> -> memref<128xi32, #tpu.memory_space<hbm>>
      %dma_start3A_56 = arith.constant 0 : i32
      %dma_start3A_57 = tpu.memref_slice %arg7[%dma_start3A_56] : memref<144xi32, #tpu.memory_space<vmem>> -> memref<128xi32, #tpu.memory_space<vmem>>
      %dma_start3A_58 = tpu.memref_slice %arg3[%mul3A_2] : memref<4096xi32, #tpu.memory_space<hbm>> -> memref<128xi32, #tpu.memory_space<hbm>>
      tpu.enqueue_dma source(%dma_start3A_58 : memref<128xi32, #tpu.memory_space<hbm>>) target(%dma_start3A_57 : memref<128xi32, #tpu.memory_space<vmem>>) target_semaphore(%run_scoped3A : memref<!tpu.dma_semaphore, #tpu.memory_space<semaphore_mem>>)
      %dma_wait3A_59 = arith.constant 0 : i32
      %dma_wait3A_60 = tpu.memref_slice %arg7[%dma_wait3A_59] : memref<144xi32, #tpu.memory_space<vmem>> -> memref<128xi32, #tpu.memory_space<vmem>>
      %dma_wait3A_61 = tpu.memref_slice %arg3[%mul3A_2] : memref<4096xi32, #tpu.memory_space<hbm>> -> memref<128xi32, #tpu.memory_space<hbm>>
      %dma_wait3A_62 = arith.constant 0 : i32
      %dma_wait3A_63 = tpu.memref_slice %arg7[%dma_wait3A_62] : memref<144xi32, #tpu.memory_space<vmem>> -> memref<128xi32, #tpu.memory_space<vmem>>
      %dma_wait3A_64 = tpu.memref_slice %arg3[%mul3A_2] : memref<4096xi32, #tpu.memory_space<hbm>> -> memref<128xi32, #tpu.memory_space<hbm>>
      tpu.wait_dma2 semaphore(%run_scoped3A : memref<!tpu.dma_semaphore, #tpu.memory_space<semaphore_mem>>) src(%dma_wait3A_64 : memref<128xi32, #tpu.memory_space<hbm>>) dst(%dma_wait3A_63 : memref<128xi32, #tpu.memory_space<vmem>>)
      tpu.yield
    }) : () -> ()
    %dma_start3A = arith.constant 0 : i32
    %dma_start3A_13 = tpu.memref_slice %arg7[%dma_start3A] : memref<144xi32, #tpu.memory_space<vmem>> -> memref<128xi32, #tpu.memory_space<vmem>>
    %dma_start3A_14 = arith.constant 0 : i32
    %dma_start3A_15 = arith.constant 0 : i32
    %dma_start3A_16 = tpu.memref_slice %arg4[%dma_start3A_14, %dma_start3A_15] : memref<8192x128xf32, #tpu.memory_space<hbm>> -> memref<8192x128xf32, #tpu.memory_space<hbm>>
    tpu.enqueue_indirect_dma source(%dma_start3A_16 : memref<8192x128xf32, #tpu.memory_space<hbm>>) target(%arg8 : memref<128x128xf32, #tpu.memory_space<vmem>>) offsets(%dma_start3A_13 : memref<128xi32, #tpu.memory_space<vmem>>) semaphore(%arg16 : memref<!tpu.dma_semaphore, #tpu.memory_space<semaphore_mem>>)
    %dma_wait3A = arith.constant 0 : i32
    %dma_wait3A_17 = tpu.memref_slice %arg7[%dma_wait3A] : memref<144xi32, #tpu.memory_space<vmem>> -> memref<128xi32, #tpu.memory_space<vmem>>
    %dma_wait3A_18 = arith.constant 0 : i32
    %dma_wait3A_19 = arith.constant 0 : i32
    %dma_wait3A_20 = tpu.memref_slice %arg4[%dma_wait3A_18, %dma_wait3A_19] : memref<8192x128xf32, #tpu.memory_space<hbm>> -> memref<8192x128xf32, #tpu.memory_space<hbm>>
    tpu.wait_indirect_dma semaphore(%arg16 : memref<!tpu.dma_semaphore, #tpu.memory_space<semaphore_mem>>) src(%dma_wait3A_20 : memref<8192x128xf32, #tpu.memory_space<hbm>>) dst(%arg8 : memref<128x128xf32, #tpu.memory_space<vmem>>)
    %parallel_loop3A = arith.constant 0 : i32
    %parallel_loop3A_21 = arith.constant 512 : i32
    %parallel_loop3A_22 = arith.constant 1 : i32
    scf.for %parallel_loop3A_53 = %parallel_loop3A to %parallel_loop3A_21 step %parallel_loop3A_22  : i32 {
      %parallel_loop3A_54 = arith.constant 2 : i32
      %parallel_loop3A_55 = arith.shrui %parallel_loop3A_53, %parallel_loop3A_54 : i32
      %parallel_loop3A_56 = arith.constant 3 : i32
      %parallel_loop3A_57 = arith.andi %parallel_loop3A_53, %parallel_loop3A_56 : i32
      %parallel_loop3A_58 = arith.constant 16 : i32
      %parallel_loop3A_59 = arith.muli %parallel_loop3A_57, %parallel_loop3A_58 : i32
      %parallel_loop3A_60 = arith.index_cast %parallel_loop3A_55 : i32 to index
      %parallel_loop3A_61 = arith.index_cast %parallel_loop3A_59 : i32 to index
      %parallel_loop3A_62 = tpu.vector_load %arg8[%parallel_loop3A_60, %parallel_loop3A_61] {strides = array<i32>} : memref<128x128xf32, #tpu.memory_space<vmem>>, vector<16xf32>,
      %parallel_loop3A_63 = arith.constant 3.14159274 : f32
      %parallel_loop3A_64 = vector.broadcast %parallel_loop3A_63 : f32 to vector<16xf32>
      %parallel_loop3A_65 = arith.addf %parallel_loop3A_62, %parallel_loop3A_64 : vector<16xf32>
      %parallel_loop3A_66 = arith.constant 6.28318548 : f32
      %parallel_loop3A_67 = vector.broadcast %parallel_loop3A_66 : f32 to vector<16xf32>
      %parallel_loop3A_68 = arith.remf %parallel_loop3A_65, %parallel_loop3A_67 : vector<16xf32>
      %parallel_loop3A_69 = arith.constant 0.000000e+00 : f32
      %parallel_loop3A_70 = vector.broadcast %parallel_loop3A_69 : f32 to vector<16xf32>
      %parallel_loop3A_71 = arith.cmpf olt, %parallel_loop3A_68, %parallel_loop3A_70 : vector<16xf32>
      %parallel_loop3A_72 = arith.constant 6.28318548 : f32
      %parallel_loop3A_73 = vector.broadcast %parallel_loop3A_72 : f32 to vector<16xf32>
      %parallel_loop3A_74 = arith.addf %parallel_loop3A_68, %parallel_loop3A_73 : vector<16xf32>
      %parallel_loop3A_75 = arith.select %parallel_loop3A_71, %parallel_loop3A_74, %parallel_loop3A_68 : vector<16xi1>, vector<16xf32>
      %parallel_loop3A_76 = arith.constant 3.14159274 : f32
      %parallel_loop3A_77 = vector.broadcast %parallel_loop3A_76 : f32 to vector<16xf32>
      %parallel_loop3A_78 = arith.subf %parallel_loop3A_75, %parallel_loop3A_77 : vector<16xf32>
      %parallel_loop3A_79 = arith.constant 16 : i32
      %parallel_loop3A_80 = arith.muli %parallel_loop3A_53, %parallel_loop3A_79 : i32
      %parallel_loop3A_81 = arith.index_cast %parallel_loop3A_80 : i32 to index
      %parallel_loop3A_82 = tpu.vector_load %arg9[%parallel_loop3A_81] {strides = array<i32>} : memref<8192xf32, #tpu.memory_space<vmem>>, vector<16xf32>,
      tpu.vector_store %arg9[%parallel_loop3A_81], %parallel_loop3A_78 {strides = array<i32>} : memref<8192xf32, #tpu.memory_space<vmem>>, vector<16xf32>,
    } {sc.loop_unroll_factor = 4 : i64, sc.parallel_access}
    %dma_start3A_23 = arith.constant 0 : i32
    %dma_start3A_24 = tpu.memref_slice %arg7[%dma_start3A_23] : memref<144xi32, #tpu.memory_space<vmem>> -> memref<8xi32, #tpu.memory_space<vmem>>
    %dma_start3A_25 = arith.constant 0 : i32
    %dma_start3A_26 = arith.constant 0 : i32
    %dma_start3A_27 = tpu.memref_slice %arg2[%dma_start3A_25, %dma_start3A_26] : memref<8192x4096xi32, #tpu.memory_space<hbm>> -> memref<8192x4096xi32, #tpu.memory_space<hbm>>
    tpu.enqueue_indirect_dma source(%dma_start3A_27 : memref<8192x4096xi32, #tpu.memory_space<hbm>>) target(%arg10 : memref<8x4096xi32, #tpu.memory_space<vmem>>) offsets(%dma_start3A_24 : memref<8xi32, #tpu.memory_space<vmem>>) semaphore(%arg17 : memref<!tpu.dma_semaphore, #tpu.memory_space<semaphore_mem>>)
    %scan3A = arith.constant 0 : i32
    %scan3A_28 = arith.constant 0 : i32
    %scan3A_29 = arith.constant 8 : i32
    %scan3A_30 = arith.addi %scan3A_28, %scan3A_29 : i32
    %scan3A_31 = arith.constant 1 : i32
    scf.for %scan3A_53 = %scan3A_28 to %scan3A_30 step %scan3A_31  : i32 {
      %mul3A_54 = arith.constant 2 : i32
      %mul3A_55 = arith.muli %mul3A_54, %scan3A_53 : i32
      %add3A_56 = arith.constant 0 : i32
      %add3A_57 = arith.addi %mul3A_55, %add3A_56 : i32
      %lt3A_58 = arith.constant 15 : i32
      %lt3A_59 = arith.cmpi slt, %add3A_57, %lt3A_58 : i32
      %convert_element_type3A = arith.extui %lt3A_59 : i1 to i32
      %cond3A = arith.constant 0 : i32
      %cond3A_60 = arith.cmpi ne, %convert_element_type3A, %cond3A : i32
      scf.if %cond3A_60 {
        %add3A_304 = arith.constant 1 : i32
        %add3A_305 = arith.addi %add3A_57, %add3A_304 : i32
        %mul3A_306 = arith.constant 8 : i32
        %mul3A_307 = arith.muli %add3A_305, %mul3A_306 : i32
        %dma_start3A_308 = tpu.memref_slice %arg7[%mul3A_307] : memref<144xi32, #tpu.memory_space<vmem>> -> memref<8xi32, #tpu.memory_space<vmem>>
        %dma_start3A_309 = arith.constant 0 : i32
        %dma_start3A_310 = arith.constant 0 : i32
        %dma_start3A_311 = tpu.memref_slice %arg2[%dma_start3A_309, %dma_start3A_310] : memref<8192x4096xi32, #tpu.memory_space<hbm>> -> memref<8192x4096xi32, #tpu.memory_space<hbm>>
        tpu.enqueue_indirect_dma source(%dma_start3A_311 : memref<8192x4096xi32, #tpu.memory_space<hbm>>) target(%arg11 : memref<8x4096xi32, #tpu.memory_space<vmem>>) offsets(%dma_start3A_308 : memref<8xi32, #tpu.memory_space<vmem>>) semaphore(%arg18 : memref<!tpu.dma_semaphore, #tpu.memory_space<semaphore_mem>>)
      } else {
      }
      %mul3A_61 = arith.constant 8 : i32
      %mul3A_62 = arith.muli %add3A_57, %mul3A_61 : i32
      %dma_wait3A_63 = tpu.memref_slice %arg7[%mul3A_62] : memref<144xi32, #tpu.memory_space<vmem>> -> memref<8xi32, #tpu.memory_space<vmem>>
      %dma_wait3A_64 = arith.constant 0 : i32
      %dma_wait3A_65 = arith.constant 0 : i32
      %dma_wait3A_66 = tpu.memref_slice %arg2[%dma_wait3A_64, %dma_wait3A_65] : memref<8192x4096xi32, #tpu.memory_space<hbm>> -> memref<8192x4096xi32, #tpu.memory_space<hbm>>
      tpu.wait_indirect_dma semaphore(%arg17 : memref<!tpu.dma_semaphore, #tpu.memory_space<semaphore_mem>>) src(%dma_wait3A_66 : memref<8192x4096xi32, #tpu.memory_space<hbm>>) dst(%arg10 : memref<8x4096xi32, #tpu.memory_space<vmem>>)
      %ge3A = arith.constant 1 : i32
      %ge3A_67 = arith.cmpi sge, %add3A_57, %ge3A : i32
      %convert_element_type3A_68 = arith.extui %ge3A_67 : i1 to i32
      %cond3A_69 = arith.constant 0 : i32
      %cond3A_70 = arith.cmpi ne, %convert_element_type3A_68, %cond3A_69 : i32
      scf.if %cond3A_70 {
        %sub3A = arith.constant 1 : i32
        %sub3A_304 = arith.subi %add3A_57, %sub3A : i32
        %mul3A_305 = arith.constant 8 : i32
        %mul3A_306 = arith.muli %sub3A_304, %mul3A_305 : i32
        %add3A_307 = arith.addi %mul3A_2, %mul3A_306 : i32
        %add3A_308 = arith.constant 0 : i32
        %add3A_309 = arith.addi %add3A_307, %add3A_308 : i32
        %mul3A_310 = arith.constant 2016 : i32
        %mul3A_311 = arith.muli %add3A_309, %mul3A_310 : i32
        %dma_wait3A_312 = tpu.memref_slice %arg5[%mul3A_311] : memref<8257536xf32, #tpu.memory_space<hbm>> -> memref<8064xf32, #tpu.memory_space<hbm>>
        %dma_wait3A_313 = tpu.memref_slice %arg5[%mul3A_311] : memref<8257536xf32, #tpu.memory_space<hbm>> -> memref<8064xf32, #tpu.memory_space<hbm>>
        tpu.wait_dma2 semaphore(%arg19 : memref<!tpu.dma_semaphore, #tpu.memory_space<semaphore_mem>>) src(%arg12 : memref<8064xf32, #tpu.memory_space<vmem>>) dst(%dma_wait3A_313 : memref<8064xf32, #tpu.memory_space<hbm>>)
        %dma_wait3A_314 = tpu.memref_slice %arg6[%mul3A_311] : memref<8257536xf32, #tpu.memory_space<hbm>> -> memref<8064xf32, #tpu.memory_space<hbm>>
        %dma_wait3A_315 = tpu.memref_slice %arg6[%mul3A_311] : memref<8257536xf32, #tpu.memory_space<hbm>> -> memref<8064xf32, #tpu.memory_space<hbm>>
        tpu.wait_dma2 semaphore(%arg19 : memref<!tpu.dma_semaphore, #tpu.memory_space<semaphore_mem>>) src(%arg14 : memref<8064xf32, #tpu.memory_space<vmem>>) dst(%dma_wait3A_315 : memref<8064xf32, #tpu.memory_space<hbm>>)
      } else {
      }
      %mul3A_71 = arith.constant 8 : i32
      %mul3A_72 = arith.muli %add3A_57, %mul3A_71 : i32
      %add3A_73 = arith.constant 0 : i32
      %add3A_74 = arith.addi %mul3A_72, %add3A_73 : i32
      %mul3A_75 = arith.constant 64 : i32
      %mul3A_76 = arith.muli %add3A_74, %mul3A_75 : i32
      %broadcast_in_dim3A = vector.broadcast %mul3A_76 : i32 to vector<16xi32>
      %parallel_loop3A_77 = arith.constant 0 : i32
      %parallel_loop3A_78 = arith.constant 126 : i32
      %parallel_loop3A_79 = arith.constant 1 : i32
      scf.for %parallel_loop3A_304 = %parallel_loop3A_77 to %parallel_loop3A_78 step %parallel_loop3A_79  : i32 {
        %parallel_loop3A_305 = arith.constant 2 : i32
        %parallel_loop3A_306 = arith.muli %parallel_loop3A_304, %parallel_loop3A_305 : i32
        %parallel_loop3A_307 = arith.constant 16 : i32
        %parallel_loop3A_308 = arith.muli %parallel_loop3A_306, %parallel_loop3A_307 : i32
        %parallel_loop3A_309 = arith.constant 0 : i32
        %parallel_loop3A_310 = arith.index_cast %parallel_loop3A_309 : i32 to index
        %parallel_loop3A_311 = arith.index_cast %parallel_loop3A_308 : i32 to index
        %parallel_loop3A_312 = tpu.vector_load %arg10[%parallel_loop3A_310, %parallel_loop3A_311] {strides = array<i32>} : memref<8x4096xi32, #tpu.memory_space<vmem>>, vector<16xi32>,
        %parallel_loop3A_313 = arith.constant 2 : i32
        %parallel_loop3A_314 = arith.muli %parallel_loop3A_304, %parallel_loop3A_313 : i32
        %parallel_loop3A_315 = arith.constant 16 : i32
        %parallel_loop3A_316 = arith.muli %parallel_loop3A_314, %parallel_loop3A_315 : i32
        %parallel_loop3A_317 = arith.constant 16 : i32
        %parallel_loop3A_318 = arith.addi %parallel_loop3A_316, %parallel_loop3A_317 : i32
        %parallel_loop3A_319 = arith.constant 0 : i32
        %parallel_loop3A_320 = arith.index_cast %parallel_loop3A_319 : i32 to index
        %parallel_loop3A_321 = arith.index_cast %parallel_loop3A_318 : i32 to index
        %parallel_loop3A_322 = tpu.vector_load %arg10[%parallel_loop3A_320, %parallel_loop3A_321] {strides = array<i32>} : memref<8x4096xi32, #tpu.memory_space<vmem>>, vector<16xi32>,
        %parallel_loop3A_323 = arith.addi %parallel_loop3A_312, %broadcast_in_dim3A : vector<16xi32>
        %parallel_loop3A_324 = tpu.vector_load_idx %arg9[%parallel_loop3A_323] : memref<8192xf32, #tpu.memory_space<vmem>>[vector<16xi32>], vector<16xf32>,
        %parallel_loop3A_325 = arith.addi %parallel_loop3A_322, %broadcast_in_dim3A : vector<16xi32>
        %parallel_loop3A_326 = tpu.vector_load_idx %arg9[%parallel_loop3A_325] : memref<8192xf32, #tpu.memory_space<vmem>>[vector<16xi32>], vector<16xf32>,
        %parallel_loop3A_327 = arith.constant 0 : i32
        %parallel_loop3A_328 = vector.broadcast %parallel_loop3A_327 : i32 to vector<16xi32>
        %parallel_loop3A_329 = arith.cmpi slt, %and3A_7, %parallel_loop3A_328 : vector<16xi32>
        %parallel_loop3A_330 = arith.constant 16 : i32
        %parallel_loop3A_331 = vector.broadcast %parallel_loop3A_330 : i32 to vector<16xi32>
        %parallel_loop3A_332 = arith.addi %and3A_7, %parallel_loop3A_331 : vector<16xi32>
        %parallel_loop3A_333 = arith.select %parallel_loop3A_329, %parallel_loop3A_332, %and3A_7 : vector<16xi1>, vector<16xi32>
        %parallel_loop3A_334 = vector.shape_cast %parallel_loop3A_333 : vector<16xi32> to vector<16x1xi32>
        %parallel_loop3A_335 = vector.shape_cast %parallel_loop3A_334 : vector<16x1xi32> to vector<16xi32>
        %parallel_loop3A_336 = tpu.dynamic_gather %parallel_loop3A_324[%parallel_loop3A_335] in [0] : vector<16xf32>, vector<16xi32> -> vector<16xf32>
        %parallel_loop3A_337 = arith.constant 0 : i32
        %parallel_loop3A_338 = vector.broadcast %parallel_loop3A_337 : i32 to vector<16xi32>
        %parallel_loop3A_339 = arith.cmpi slt, %and3A_7, %parallel_loop3A_338 : vector<16xi32>
        %parallel_loop3A_340 = arith.constant 16 : i32
        %parallel_loop3A_341 = vector.broadcast %parallel_loop3A_340 : i32 to vector<16xi32>
        %parallel_loop3A_342 = arith.addi %and3A_7, %parallel_loop3A_341 : vector<16xi32>
        %parallel_loop3A_343 = arith.select %parallel_loop3A_339, %parallel_loop3A_342, %and3A_7 : vector<16xi1>, vector<16xi32>
        %parallel_loop3A_344 = vector.shape_cast %parallel_loop3A_343 : vector<16xi32> to vector<16x1xi32>
        %parallel_loop3A_345 = vector.shape_cast %parallel_loop3A_344 : vector<16x1xi32> to vector<16xi32>
        %parallel_loop3A_346 = tpu.dynamic_gather %parallel_loop3A_326[%parallel_loop3A_345] in [0] : vector<16xf32>, vector<16xi32> -> vector<16xf32>
        %parallel_loop3A_347 = arith.constant 0 : i32
        %parallel_loop3A_348 = vector.broadcast %parallel_loop3A_347 : i32 to vector<16xi32>
        %parallel_loop3A_349 = arith.cmpi slt, %add3A_10, %parallel_loop3A_348 : vector<16xi32>
        %parallel_loop3A_350 = arith.constant 16 : i32
        %parallel_loop3A_351 = vector.broadcast %parallel_loop3A_350 : i32 to vector<16xi32>
        %parallel_loop3A_352 = arith.addi %add3A_10, %parallel_loop3A_351 : vector<16xi32>
        %parallel_loop3A_353 = arith.select %parallel_loop3A_349, %parallel_loop3A_352, %add3A_10 : vector<16xi1>, vector<16xi32>
        %parallel_loop3A_354 = vector.shape_cast %parallel_loop3A_353 : vector<16xi32> to vector<16x1xi32>
        %parallel_loop3A_355 = vector.shape_cast %parallel_loop3A_354 : vector<16x1xi32> to vector<16xi32>
        %parallel_loop3A_356 = tpu.dynamic_gather %parallel_loop3A_324[%parallel_loop3A_355] in [0] : vector<16xf32>, vector<16xi32> -> vector<16xf32>
        %parallel_loop3A_357 = arith.constant 0 : i32
        %parallel_loop3A_358 = vector.broadcast %parallel_loop3A_357 : i32 to vector<16xi32>
        %parallel_loop3A_359 = arith.cmpi slt, %add3A_10, %parallel_loop3A_358 : vector<16xi32>
        %parallel_loop3A_360 = arith.constant 16 : i32
        %parallel_loop3A_361 = vector.broadcast %parallel_loop3A_360 : i32 to vector<16xi32>
        %parallel_loop3A_362 = arith.addi %add3A_10, %parallel_loop3A_361 : vector<16xi32>
        %parallel_loop3A_363 = arith.select %parallel_loop3A_359, %parallel_loop3A_362, %add3A_10 : vector<16xi1>, vector<16xi32>
        %parallel_loop3A_364 = vector.shape_cast %parallel_loop3A_363 : vector<16xi32> to vector<16x1xi32>
        %parallel_loop3A_365 = vector.shape_cast %parallel_loop3A_364 : vector<16x1xi32> to vector<16xi32>
        %parallel_loop3A_366 = tpu.dynamic_gather %parallel_loop3A_326[%parallel_loop3A_365] in [0] : vector<16xf32>, vector<16xi32> -> vector<16xf32>
        %parallel_loop3A_367 = arith.select %lt3A_12, %parallel_loop3A_336, %parallel_loop3A_346 : vector<16xi1>, vector<16xf32>
        %parallel_loop3A_368 = arith.constant 16 : i32
        %parallel_loop3A_369 = arith.muli %parallel_loop3A_304, %parallel_loop3A_368 : i32
        %parallel_loop3A_370 = arith.constant 0 : i32
        %parallel_loop3A_371 = arith.addi %parallel_loop3A_370, %parallel_loop3A_369 : i32
        %parallel_loop3A_372 = arith.index_cast %parallel_loop3A_371 : i32 to index
        %parallel_loop3A_373 = tpu.vector_load %arg12[%parallel_loop3A_372] {strides = array<i32>} : memref<8064xf32, #tpu.memory_space<vmem>>, vector<16xf32>,
        tpu.vector_store %arg12[%parallel_loop3A_372], %parallel_loop3A_367 {strides = array<i32>} : memref<8064xf32, #tpu.memory_space<vmem>>, vector<16xf32>,
        %parallel_loop3A_374 = arith.select %lt3A_12, %parallel_loop3A_356, %parallel_loop3A_366 : vector<16xi1>, vector<16xf32>
        %parallel_loop3A_375 = arith.constant 16 : i32
        %parallel_loop3A_376 = arith.muli %parallel_loop3A_304, %parallel_loop3A_375 : i32
        %parallel_loop3A_377 = arith.constant 0 : i32
        %parallel_loop3A_378 = arith.addi %parallel_loop3A_377, %parallel_loop3A_376 : i32
        %parallel_loop3A_379 = arith.index_cast %parallel_loop3A_378 : i32 to index
        %parallel_loop3A_380 = tpu.vector_load %arg14[%parallel_loop3A_379] {strides = array<i32>} : memref<8064xf32, #tpu.memory_space<vmem>>, vector<16xf32>,
        tpu.vector_store %arg14[%parallel_loop3A_379], %parallel_loop3A_374 {strides = array<i32>} : memref<8064xf32, #tpu.memory_space<vmem>>, vector<16xf32>,
      } {sc.loop_unroll_factor = 4 : i64, sc.parallel_access}
      %mul3A_80 = arith.constant 8 : i32
      %mul3A_81 = arith.muli %add3A_57, %mul3A_80 : i32
      %add3A_82 = arith.constant 1 : i32
      %add3A_83 = arith.addi %mul3A_81, %add3A_82 : i32
      %mul3A_84 = arith.constant 64 : i32
      %mul3A_85 = arith.muli %add3A_83, %mul3A_84 : i32
      %broadcast_in_dim3A_86 = vector.broadcast %mul3A_85 : i32 to vector<16xi32>
      %parallel_loop3A_87 = arith.constant 0 : i32
      %parallel_loop3A_88 = arith.constant 126 : i32
      %parallel_loop3A_89 = arith.constant 1 : i32
      scf.for %parallel_loop3A_304 = %parallel_loop3A_87 to %parallel_loop3A_88 step %parallel_loop3A_89  : i32 {
        %parallel_loop3A_305 = arith.constant 2 : i32
        %parallel_loop3A_306 = arith.muli %parallel_loop3A_304, %parallel_loop3A_305 : i32
        %parallel_loop3A_307 = arith.constant 16 : i32
        %parallel_loop3A_308 = arith.muli %parallel_loop3A_306, %parallel_loop3A_307 : i32
        %parallel_loop3A_309 = arith.constant 1 : i32
        %parallel_loop3A_310 = arith.index_cast %parallel_loop3A_309 : i32 to index
        %parallel_loop3A_311 = arith.index_cast %parallel_loop3A_308 : i32 to index
        %parallel_loop3A_312 = tpu.vector_load %arg10[%parallel_loop3A_310, %parallel_loop3A_311] {strides = array<i32>} : memref<8x4096xi32, #tpu.memory_space<vmem>>, vector<16xi32>,
        %parallel_loop3A_313 = arith.constant 2 : i32
        %parallel_loop3A_314 = arith.muli %parallel_loop3A_304, %parallel_loop3A_313 : i32
        %parallel_loop3A_315 = arith.constant 16 : i32
        %parallel_loop3A_316 = arith.muli %parallel_loop3A_314, %parallel_loop3A_315 : i32
        %parallel_loop3A_317 = arith.constant 16 : i32
        %parallel_loop3A_318 = arith.addi %parallel_loop3A_316, %parallel_loop3A_317 : i32
        %parallel_loop3A_319 = arith.constant 1 : i32
        %parallel_loop3A_320 = arith.index_cast %parallel_loop3A_319 : i32 to index
        %parallel_loop3A_321 = arith.index_cast %parallel_loop3A_318 : i32 to index
        %parallel_loop3A_322 = tpu.vector_load %arg10[%parallel_loop3A_320, %parallel_loop3A_321] {strides = array<i32>} : memref<8x4096xi32, #tpu.memory_space<vmem>>, vector<16xi32>,
        %parallel_loop3A_323 = arith.addi %parallel_loop3A_312, %broadcast_in_dim3A_86 : vector<16xi32>
        %parallel_loop3A_324 = tpu.vector_load_idx %arg9[%parallel_loop3A_323] : memref<8192xf32, #tpu.memory_space<vmem>>[vector<16xi32>], vector<16xf32>,
        %parallel_loop3A_325 = arith.addi %parallel_loop3A_322, %broadcast_in_dim3A_86 : vector<16xi32>
        %parallel_loop3A_326 = tpu.vector_load_idx %arg9[%parallel_loop3A_325] : memref<8192xf32, #tpu.memory_space<vmem>>[vector<16xi32>], vector<16xf32>,
        %parallel_loop3A_327 = arith.constant 0 : i32
        %parallel_loop3A_328 = vector.broadcast %parallel_loop3A_327 : i32 to vector<16xi32>
        %parallel_loop3A_329 = arith.cmpi slt, %and3A_7, %parallel_loop3A_328 : vector<16xi32>
        %parallel_loop3A_330 = arith.constant 16 : i32
        %parallel_loop3A_331 = vector.broadcast %parallel_loop3A_330 : i32 to vector<16xi32>
        %parallel_loop3A_332 = arith.addi %and3A_7, %parallel_loop3A_331 : vector<16xi32>
        %parallel_loop3A_333 = arith.select %parallel_loop3A_329, %parallel_loop3A_332, %and3A_7 : vector<16xi1>, vector<16xi32>
        %parallel_loop3A_334 = vector.shape_cast %parallel_loop3A_333 : vector<16xi32> to vector<16x1xi32>
        %parallel_loop3A_335 = vector.shape_cast %parallel_loop3A_334 : vector<16x1xi32> to vector<16xi32>
        %parallel_loop3A_336 = tpu.dynamic_gather %parallel_loop3A_324[%parallel_loop3A_335] in [0] : vector<16xf32>, vector<16xi32> -> vector<16xf32>
        %parallel_loop3A_337 = arith.constant 0 : i32
        %parallel_loop3A_338 = vector.broadcast %parallel_loop3A_337 : i32 to vector<16xi32>
        %parallel_loop3A_339 = arith.cmpi slt, %and3A_7, %parallel_loop3A_338 : vector<16xi32>
        %parallel_loop3A_340 = arith.constant 16 : i32
        %parallel_loop3A_341 = vector.broadcast %parallel_loop3A_340 : i32 to vector<16xi32>
        %parallel_loop3A_342 = arith.addi %and3A_7, %parallel_loop3A_341 : vector<16xi32>
        %parallel_loop3A_343 = arith.select %parallel_loop3A_339, %parallel_loop3A_342, %and3A_7 : vector<16xi1>, vector<16xi32>
        %parallel_loop3A_344 = vector.shape_cast %parallel_loop3A_343 : vector<16xi32> to vector<16x1xi32>
        %parallel_loop3A_345 = vector.shape_cast %parallel_loop3A_344 : vector<16x1xi32> to vector<16xi32>
        %parallel_loop3A_346 = tpu.dynamic_gather %parallel_loop3A_326[%parallel_loop3A_345] in [0] : vector<16xf32>, vector<16xi32> -> vector<16xf32>
        %parallel_loop3A_347 = arith.constant 0 : i32
        %parallel_loop3A_348 = vector.broadcast %parallel_loop3A_347 : i32 to vector<16xi32>
        %parallel_loop3A_349 = arith.cmpi slt, %add3A_10, %parallel_loop3A_348 : vector<16xi32>
        %parallel_loop3A_350 = arith.constant 16 : i32
        %parallel_loop3A_351 = vector.broadcast %parallel_loop3A_350 : i32 to vector<16xi32>
        %parallel_loop3A_352 = arith.addi %add3A_10, %parallel_loop3A_351 : vector<16xi32>
        %parallel_loop3A_353 = arith.select %parallel_loop3A_349, %parallel_loop3A_352, %add3A_10 : vector<16xi1>, vector<16xi32>
        %parallel_loop3A_354 = vector.shape_cast %parallel_loop3A_353 : vector<16xi32> to vector<16x1xi32>
        %parallel_loop3A_355 = vector.shape_cast %parallel_loop3A_354 : vector<16x1xi32> to vector<16xi32>
        %parallel_loop3A_356 = tpu.dynamic_gather %parallel_loop3A_324[%parallel_loop3A_355] in [0] : vector<16xf32>, vector<16xi32> -> vector<16xf32>
        %parallel_loop3A_357 = arith.constant 0 : i32
        %parallel_loop3A_358 = vector.broadcast %parallel_loop3A_357 : i32 to vector<16xi32>
        %parallel_loop3A_359 = arith.cmpi slt, %add3A_10, %parallel_loop3A_358 : vector<16xi32>
        %parallel_loop3A_360 = arith.constant 16 : i32
        %parallel_loop3A_361 = vector.broadcast %parallel_loop3A_360 : i32 to vector<16xi32>
        %parallel_loop3A_362 = arith.addi %add3A_10, %parallel_loop3A_361 : vector<16xi32>
        %parallel_loop3A_363 = arith.select %parallel_loop3A_359, %parallel_loop3A_362, %add3A_10 : vector<16xi1>, vector<16xi32>
        %parallel_loop3A_364 = vector.shape_cast %parallel_loop3A_363 : vector<16xi32> to vector<16x1xi32>
        %parallel_loop3A_365 = vector.shape_cast %parallel_loop3A_364 : vector<16x1xi32> to vector<16xi32>
        %parallel_loop3A_366 = tpu.dynamic_gather %parallel_loop3A_326[%parallel_loop3A_365] in [0] : vector<16xf32>, vector<16xi32> -> vector<16xf32>
        %parallel_loop3A_367 = arith.select %lt3A_12, %parallel_loop3A_336, %parallel_loop3A_346 : vector<16xi1>, vector<16xf32>
        %parallel_loop3A_368 = arith.constant 16 : i32
        %parallel_loop3A_369 = arith.muli %parallel_loop3A_304, %parallel_loop3A_368 : i32
        %parallel_loop3A_370 = arith.constant 2016 : i32
        %parallel_loop3A_371 = arith.addi %parallel_loop3A_370, %parallel_loop3A_369 : i32
        %parallel_loop3A_372 = arith.index_cast %parallel_loop3A_371 : i32 to index
        %parallel_loop3A_373 = tpu.vector_load %arg12[%parallel_loop3A_372] {strides = array<i32>} : memref<8064xf32, #tpu.memory_space<vmem>>, vector<16xf32>,
        tpu.vector_store %arg12[%parallel_loop3A_372], %parallel_loop3A_367 {strides = array<i32>} : memref<8064xf32, #tpu.memory_space<vmem>>, vector<16xf32>,
        %parallel_loop3A_374 = arith.select %lt3A_12, %parallel_loop3A_356, %parallel_loop3A_366 : vector<16xi1>, vector<16xf32>
        %parallel_loop3A_375 = arith.constant 16 : i32
        %parallel_loop3A_376 = arith.muli %parallel_loop3A_304, %parallel_loop3A_375 : i32
        %parallel_loop3A_377 = arith.constant 2016 : i32
        %parallel_loop3A_378 = arith.addi %parallel_loop3A_377, %parallel_loop3A_376 : i32
        %parallel_loop3A_379 = arith.index_cast %parallel_loop3A_378 : i32 to index
        %parallel_loop3A_380 = tpu.vector_load %arg14[%parallel_loop3A_379] {strides = array<i32>} : memref<8064xf32, #tpu.memory_space<vmem>>, vector<16xf32>,
        tpu.vector_store %arg14[%parallel_loop3A_379], %parallel_loop3A_374 {strides = array<i32>} : memref<8064xf32, #tpu.memory_space<vmem>>, vector<16xf32>,
      } {sc.loop_unroll_factor = 4 : i64, sc.parallel_access}
      %mul3A_90 = arith.constant 8 : i32
      %mul3A_91 = arith.muli %add3A_57, %mul3A_90 : i32
      %add3A_92 = arith.constant 2 : i32
      %add3A_93 = arith.addi %mul3A_91, %add3A_92 : i32
      %mul3A_94 = arith.constant 64 : i32
      %mul3A_95 = arith.muli %add3A_93, %mul3A_94 : i32
      %broadcast_in_dim3A_96 = vector.broadcast %mul3A_95 : i32 to vector<16xi32>
      %parallel_loop3A_97 = arith.constant 0 : i32
      %parallel_loop3A_98 = arith.constant 126 : i32
      %parallel_loop3A_99 = arith.constant 1 : i32
      scf.for %parallel_loop3A_304 = %parallel_loop3A_97 to %parallel_loop3A_98 step %parallel_loop3A_99  : i32 {
        %parallel_loop3A_305 = arith.constant 2 : i32
        %parallel_loop3A_306 = arith.muli %parallel_loop3A_304, %parallel_loop3A_305 : i32
        %parallel_loop3A_307 = arith.constant 16 : i32
        %parallel_loop3A_308 = arith.muli %parallel_loop3A_306, %parallel_loop3A_307 : i32
        %parallel_loop3A_309 = arith.constant 2 : i32
        %parallel_loop3A_310 = arith.index_cast %parallel_loop3A_309 : i32 to index
        %parallel_loop3A_311 = arith.index_cast %parallel_loop3A_308 : i32 to index
        %parallel_loop3A_312 = tpu.vector_load %arg10[%parallel_loop3A_310, %parallel_loop3A_311] {strides = array<i32>} : memref<8x4096xi32, #tpu.memory_space<vmem>>, vector<16xi32>,
        %parallel_loop3A_313 = arith.constant 2 : i32
        %parallel_loop3A_314 = arith.muli %parallel_loop3A_304, %parallel_loop3A_313 : i32
        %parallel_loop3A_315 = arith.constant 16 : i32
        %parallel_loop3A_316 = arith.muli %parallel_loop3A_314, %parallel_loop3A_315 : i32
        %parallel_loop3A_317 = arith.constant 16 : i32
        %parallel_loop3A_318 = arith.addi %parallel_loop3A_316, %parallel_loop3A_317 : i32
        %parallel_loop3A_319 = arith.constant 2 : i32
        %parallel_loop3A_320 = arith.index_cast %parallel_loop3A_319 : i32 to index
        %parallel_loop3A_321 = arith.index_cast %parallel_loop3A_318 : i32 to index
        %parallel_loop3A_322 = tpu.vector_load %arg10[%parallel_loop3A_320, %parallel_loop3A_321] {strides = array<i32>} : memref<8x4096xi32, #tpu.memory_space<vmem>>, vector<16xi32>,
        %parallel_loop3A_323 = arith.addi %parallel_loop3A_312, %broadcast_in_dim3A_96 : vector<16xi32>
        %parallel_loop3A_324 = tpu.vector_load_idx %arg9[%parallel_loop3A_323] : memref<8192xf32, #tpu.memory_space<vmem>>[vector<16xi32>], vector<16xf32>,
        %parallel_loop3A_325 = arith.addi %parallel_loop3A_322, %broadcast_in_dim3A_96 : vector<16xi32>
        %parallel_loop3A_326 = tpu.vector_load_idx %arg9[%parallel_loop3A_325] : memref<8192xf32, #tpu.memory_space<vmem>>[vector<16xi32>], vector<16xf32>,
        %parallel_loop3A_327 = arith.constant 0 : i32
        %parallel_loop3A_328 = vector.broadcast %parallel_loop3A_327 : i32 to vector<16xi32>
        %parallel_loop3A_329 = arith.cmpi slt, %and3A_7, %parallel_loop3A_328 : vector<16xi32>
        %parallel_loop3A_330 = arith.constant 16 : i32
        %parallel_loop3A_331 = vector.broadcast %parallel_loop3A_330 : i32 to vector<16xi32>
        %parallel_loop3A_332 = arith.addi %and3A_7, %parallel_loop3A_331 : vector<16xi32>
        %parallel_loop3A_333 = arith.select %parallel_loop3A_329, %parallel_loop3A_332, %and3A_7 : vector<16xi1>, vector<16xi32>
        %parallel_loop3A_334 = vector.shape_cast %parallel_loop3A_333 : vector<16xi32> to vector<16x1xi32>
        %parallel_loop3A_335 = vector.shape_cast %parallel_loop3A_334 : vector<16x1xi32> to vector<16xi32>
        %parallel_loop3A_336 = tpu.dynamic_gather %parallel_loop3A_324[%parallel_loop3A_335] in [0] : vector<16xf32>, vector<16xi32> -> vector<16xf32>
        %parallel_loop3A_337 = arith.constant 0 : i32
        %parallel_loop3A_338 = vector.broadcast %parallel_loop3A_337 : i32 to vector<16xi32>
        %parallel_loop3A_339 = arith.cmpi slt, %and3A_7, %parallel_loop3A_338 : vector<16xi32>
        %parallel_loop3A_340 = arith.constant 16 : i32
        %parallel_loop3A_341 = vector.broadcast %parallel_loop3A_340 : i32 to vector<16xi32>
        %parallel_loop3A_342 = arith.addi %and3A_7, %parallel_loop3A_341 : vector<16xi32>
        %parallel_loop3A_343 = arith.select %parallel_loop3A_339, %parallel_loop3A_342, %and3A_7 : vector<16xi1>, vector<16xi32>
        %parallel_loop3A_344 = vector.shape_cast %parallel_loop3A_343 : vector<16xi32> to vector<16x1xi32>
        %parallel_loop3A_345 = vector.shape_cast %parallel_loop3A_344 : vector<16x1xi32> to vector<16xi32>
        %parallel_loop3A_346 = tpu.dynamic_gather %parallel_loop3A_326[%parallel_loop3A_345] in [0] : vector<16xf32>, vector<16xi32> -> vector<16xf32>
        %parallel_loop3A_347 = arith.constant 0 : i32
        %parallel_loop3A_348 = vector.broadcast %parallel_loop3A_347 : i32 to vector<16xi32>
        %parallel_loop3A_349 = arith.cmpi slt, %add3A_10, %parallel_loop3A_348 : vector<16xi32>
        %parallel_loop3A_350 = arith.constant 16 : i32
        %parallel_loop3A_351 = vector.broadcast %parallel_loop3A_350 : i32 to vector<16xi32>
        %parallel_loop3A_352 = arith.addi %add3A_10, %parallel_loop3A_351 : vector<16xi32>
        %parallel_loop3A_353 = arith.select %parallel_loop3A_349, %parallel_loop3A_352, %add3A_10 : vector<16xi1>, vector<16xi32>
        %parallel_loop3A_354 = vector.shape_cast %parallel_loop3A_353 : vector<16xi32> to vector<16x1xi32>
        %parallel_loop3A_355 = vector.shape_cast %parallel_loop3A_354 : vector<16x1xi32> to vector<16xi32>
        %parallel_loop3A_356 = tpu.dynamic_gather %parallel_loop3A_324[%parallel_loop3A_355] in [0] : vector<16xf32>, vector<16xi32> -> vector<16xf32>
        %parallel_loop3A_357 = arith.constant 0 : i32
        %parallel_loop3A_358 = vector.broadcast %parallel_loop3A_357 : i32 to vector<16xi32>
        %parallel_loop3A_359 = arith.cmpi slt, %add3A_10, %parallel_loop3A_358 : vector<16xi32>
        %parallel_loop3A_360 = arith.constant 16 : i32
        %parallel_loop3A_361 = vector.broadcast %parallel_loop3A_360 : i32 to vector<16xi32>
        %parallel_loop3A_362 = arith.addi %add3A_10, %parallel_loop3A_361 : vector<16xi32>
        %parallel_loop3A_363 = arith.select %parallel_loop3A_359, %parallel_loop3A_362, %add3A_10 : vector<16xi1>, vector<16xi32>
        %parallel_loop3A_364 = vector.shape_cast %parallel_loop3A_363 : vector<16xi32> to vector<16x1xi32>
        %parallel_loop3A_365 = vector.shape_cast %parallel_loop3A_364 : vector<16x1xi32> to vector<16xi32>
        %parallel_loop3A_366 = tpu.dynamic_gather %parallel_loop3A_326[%parallel_loop3A_365] in [0] : vector<16xf32>, vector<16xi32> -> vector<16xf32>
        %parallel_loop3A_367 = arith.select %lt3A_12, %parallel_loop3A_336, %parallel_loop3A_346 : vector<16xi1>, vector<16xf32>
        %parallel_loop3A_368 = arith.constant 16 : i32
        %parallel_loop3A_369 = arith.muli %parallel_loop3A_304, %parallel_loop3A_368 : i32
        %parallel_loop3A_370 = arith.constant 4032 : i32
        %parallel_loop3A_371 = arith.addi %parallel_loop3A_370, %parallel_loop3A_369 : i32
        %parallel_loop3A_372 = arith.index_cast %parallel_loop3A_371 : i32 to index
        %parallel_loop3A_373 = tpu.vector_load %arg12[%parallel_loop3A_372] {strides = array<i32>} : memref<8064xf32, #tpu.memory_space<vmem>>, vector<16xf32>,
        tpu.vector_store %arg12[%parallel_loop3A_372], %parallel_loop3A_367 {strides = array<i32>} : memref<8064xf32, #tpu.memory_space<vmem>>, vector<16xf32>,
        %parallel_loop3A_374 = arith.select %lt3A_12, %parallel_loop3A_356, %parallel_loop3A_366 : vector<16xi1>, vector<16xf32>
        %parallel_loop3A_375 = arith.constant 16 : i32
        %parallel_loop3A_376 = arith.muli %parallel_loop3A_304, %parallel_loop3A_375 : i32
        %parallel_loop3A_377 = arith.constant 4032 : i32
        %parallel_loop3A_378 = arith.addi %parallel_loop3A_377, %parallel_loop3A_376 : i32
        %parallel_loop3A_379 = arith.index_cast %parallel_loop3A_378 : i32 to index
        %parallel_loop3A_380 = tpu.vector_load %arg14[%parallel_loop3A_379] {strides = array<i32>} : memref<8064xf32, #tpu.memory_space<vmem>>, vector<16xf32>,
        tpu.vector_store %arg14[%parallel_loop3A_379], %parallel_loop3A_374 {strides = array<i32>} : memref<8064xf32, #tpu.memory_space<vmem>>, vector<16xf32>,
      } {sc.loop_unroll_factor = 4 : i64, sc.parallel_access}
      %mul3A_100 = arith.constant 8 : i32
      %mul3A_101 = arith.muli %add3A_57, %mul3A_100 : i32
      %add3A_102 = arith.constant 3 : i32
      %add3A_103 = arith.addi %mul3A_101, %add3A_102 : i32
      %mul3A_104 = arith.constant 64 : i32
      %mul3A_105 = arith.muli %add3A_103, %mul3A_104 : i32
      %broadcast_in_dim3A_106 = vector.broadcast %mul3A_105 : i32 to vector<16xi32>
      %parallel_loop3A_107 = arith.constant 0 : i32
      %parallel_loop3A_108 = arith.constant 126 : i32
      %parallel_loop3A_109 = arith.constant 1 : i32
      scf.for %parallel_loop3A_304 = %parallel_loop3A_107 to %parallel_loop3A_108 step %parallel_loop3A_109  : i32 {
        %parallel_loop3A_305 = arith.constant 2 : i32
        %parallel_loop3A_306 = arith.muli %parallel_loop3A_304, %parallel_loop3A_305 : i32
        %parallel_loop3A_307 = arith.constant 16 : i32
        %parallel_loop3A_308 = arith.muli %parallel_loop3A_306, %parallel_loop3A_307 : i32
        %parallel_loop3A_309 = arith.constant 3 : i32
        %parallel_loop3A_310 = arith.index_cast %parallel_loop3A_309 : i32 to index
        %parallel_loop3A_311 = arith.index_cast %parallel_loop3A_308 : i32 to index
        %parallel_loop3A_312 = tpu.vector_load %arg10[%parallel_loop3A_310, %parallel_loop3A_311] {strides = array<i32>} : memref<8x4096xi32, #tpu.memory_space<vmem>>, vector<16xi32>,
        %parallel_loop3A_313 = arith.constant 2 : i32
        %parallel_loop3A_314 = arith.muli %parallel_loop3A_304, %parallel_loop3A_313 : i32
        %parallel_loop3A_315 = arith.constant 16 : i32
        %parallel_loop3A_316 = arith.muli %parallel_loop3A_314, %parallel_loop3A_315 : i32
        %parallel_loop3A_317 = arith.constant 16 : i32
        %parallel_loop3A_318 = arith.addi %parallel_loop3A_316, %parallel_loop3A_317 : i32
        %parallel_loop3A_319 = arith.constant 3 : i32
        %parallel_loop3A_320 = arith.index_cast %parallel_loop3A_319 : i32 to index
        %parallel_loop3A_321 = arith.index_cast %parallel_loop3A_318 : i32 to index
        %parallel_loop3A_322 = tpu.vector_load %arg10[%parallel_loop3A_320, %parallel_loop3A_321] {strides = array<i32>} : memref<8x4096xi32, #tpu.memory_space<vmem>>, vector<16xi32>,
        %parallel_loop3A_323 = arith.addi %parallel_loop3A_312, %broadcast_in_dim3A_106 : vector<16xi32>
        %parallel_loop3A_324 = tpu.vector_load_idx %arg9[%parallel_loop3A_323] : memref<8192xf32, #tpu.memory_space<vmem>>[vector<16xi32>], vector<16xf32>,
        %parallel_loop3A_325 = arith.addi %parallel_loop3A_322, %broadcast_in_dim3A_106 : vector<16xi32>
        %parallel_loop3A_326 = tpu.vector_load_idx %arg9[%parallel_loop3A_325] : memref<8192xf32, #tpu.memory_space<vmem>>[vector<16xi32>], vector<16xf32>,
        %parallel_loop3A_327 = arith.constant 0 : i32
        %parallel_loop3A_328 = vector.broadcast %parallel_loop3A_327 : i32 to vector<16xi32>
        %parallel_loop3A_329 = arith.cmpi slt, %and3A_7, %parallel_loop3A_328 : vector<16xi32>
        %parallel_loop3A_330 = arith.constant 16 : i32
        %parallel_loop3A_331 = vector.broadcast %parallel_loop3A_330 : i32 to vector<16xi32>
        %parallel_loop3A_332 = arith.addi %and3A_7, %parallel_loop3A_331 : vector<16xi32>
        %parallel_loop3A_333 = arith.select %parallel_loop3A_329, %parallel_loop3A_332, %and3A_7 : vector<16xi1>, vector<16xi32>
        %parallel_loop3A_334 = vector.shape_cast %parallel_loop3A_333 : vector<16xi32> to vector<16x1xi32>
        %parallel_loop3A_335 = vector.shape_cast %parallel_loop3A_334 : vector<16x1xi32> to vector<16xi32>
        %parallel_loop3A_336 = tpu.dynamic_gather %parallel_loop3A_324[%parallel_loop3A_335] in [0] : vector<16xf32>, vector<16xi32> -> vector<16xf32>
        %parallel_loop3A_337 = arith.constant 0 : i32
        %parallel_loop3A_338 = vector.broadcast %parallel_loop3A_337 : i32 to vector<16xi32>
        %parallel_loop3A_339 = arith.cmpi slt, %and3A_7, %parallel_loop3A_338 : vector<16xi32>
        %parallel_loop3A_340 = arith.constant 16 : i32
        %parallel_loop3A_341 = vector.broadcast %parallel_loop3A_340 : i32 to vector<16xi32>
        %parallel_loop3A_342 = arith.addi %and3A_7, %parallel_loop3A_341 : vector<16xi32>
        %parallel_loop3A_343 = arith.select %parallel_loop3A_339, %parallel_loop3A_342, %and3A_7 : vector<16xi1>, vector<16xi32>
        %parallel_loop3A_344 = vector.shape_cast %parallel_loop3A_343 : vector<16xi32> to vector<16x1xi32>
        %parallel_loop3A_345 = vector.shape_cast %parallel_loop3A_344 : vector<16x1xi32> to vector<16xi32>
        %parallel_loop3A_346 = tpu.dynamic_gather %parallel_loop3A_326[%parallel_loop3A_345] in [0] : vector<16xf32>, vector<16xi32> -> vector<16xf32>
        %parallel_loop3A_347 = arith.constant 0 : i32
        %parallel_loop3A_348 = vector.broadcast %parallel_loop3A_347 : i32 to vector<16xi32>
        %parallel_loop3A_349 = arith.cmpi slt, %add3A_10, %parallel_loop3A_348 : vector<16xi32>
        %parallel_loop3A_350 = arith.constant 16 : i32
        %parallel_loop3A_351 = vector.broadcast %parallel_loop3A_350 : i32 to vector<16xi32>
        %parallel_loop3A_352 = arith.addi %add3A_10, %parallel_loop3A_351 : vector<16xi32>
        %parallel_loop3A_353 = arith.select %parallel_loop3A_349, %parallel_loop3A_352, %add3A_10 : vector<16xi1>, vector<16xi32>
        %parallel_loop3A_354 = vector.shape_cast %parallel_loop3A_353 : vector<16xi32> to vector<16x1xi32>
        %parallel_loop3A_355 = vector.shape_cast %parallel_loop3A_354 : vector<16x1xi32> to vector<16xi32>
        %parallel_loop3A_356 = tpu.dynamic_gather %parallel_loop3A_324[%parallel_loop3A_355] in [0] : vector<16xf32>, vector<16xi32> -> vector<16xf32>
        %parallel_loop3A_357 = arith.constant 0 : i32
        %parallel_loop3A_358 = vector.broadcast %parallel_loop3A_357 : i32 to vector<16xi32>
        %parallel_loop3A_359 = arith.cmpi slt, %add3A_10, %parallel_loop3A_358 : vector<16xi32>
        %parallel_loop3A_360 = arith.constant 16 : i32
        %parallel_loop3A_361 = vector.broadcast %parallel_loop3A_360 : i32 to vector<16xi32>
        %parallel_loop3A_362 = arith.addi %add3A_10, %parallel_loop3A_361 : vector<16xi32>
        %parallel_loop3A_363 = arith.select %parallel_loop3A_359, %parallel_loop3A_362, %add3A_10 : vector<16xi1>, vector<16xi32>
        %parallel_loop3A_364 = vector.shape_cast %parallel_loop3A_363 : vector<16xi32> to vector<16x1xi32>
        %parallel_loop3A_365 = vector.shape_cast %parallel_loop3A_364 : vector<16x1xi32> to vector<16xi32>
        %parallel_loop3A_366 = tpu.dynamic_gather %parallel_loop3A_326[%parallel_loop3A_365] in [0] : vector<16xf32>, vector<16xi32> -> vector<16xf32>
        %parallel_loop3A_367 = arith.select %lt3A_12, %parallel_loop3A_336, %parallel_loop3A_346 : vector<16xi1>, vector<16xf32>
        %parallel_loop3A_368 = arith.constant 16 : i32
        %parallel_loop3A_369 = arith.muli %parallel_loop3A_304, %parallel_loop3A_368 : i32
        %parallel_loop3A_370 = arith.constant 6048 : i32
        %parallel_loop3A_371 = arith.addi %parallel_loop3A_370, %parallel_loop3A_369 : i32
        %parallel_loop3A_372 = arith.index_cast %parallel_loop3A_371 : i32 to index
        %parallel_loop3A_373 = tpu.vector_load %arg12[%parallel_loop3A_372] {strides = array<i32>} : memref<8064xf32, #tpu.memory_space<vmem>>, vector<16xf32>,
        tpu.vector_store %arg12[%parallel_loop3A_372], %parallel_loop3A_367 {strides = array<i32>} : memref<8064xf32, #tpu.memory_space<vmem>>, vector<16xf32>,
        %parallel_loop3A_374 = arith.select %lt3A_12, %parallel_loop3A_356, %parallel_loop3A_366 : vector<16xi1>, vector<16xf32>
        %parallel_loop3A_375 = arith.constant 16 : i32
        %parallel_loop3A_376 = arith.muli %parallel_loop3A_304, %parallel_loop3A_375 : i32
        %parallel_loop3A_377 = arith.constant 6048 : i32
        %parallel_loop3A_378 = arith.addi %parallel_loop3A_377, %parallel_loop3A_376 : i32
        %parallel_loop3A_379 = arith.index_cast %parallel_loop3A_378 : i32 to index
        %parallel_loop3A_380 = tpu.vector_load %arg14[%parallel_loop3A_379] {strides = array<i32>} : memref<8064xf32, #tpu.memory_space<vmem>>, vector<16xf32>,
        tpu.vector_store %arg14[%parallel_loop3A_379], %parallel_loop3A_374 {strides = array<i32>} : memref<8064xf32, #tpu.memory_space<vmem>>, vector<16xf32>,
      } {sc.loop_unroll_factor = 4 : i64, sc.parallel_access}
      %mul3A_110 = arith.constant 8 : i32
      %mul3A_111 = arith.muli %add3A_57, %mul3A_110 : i32
      %add3A_112 = arith.addi %mul3A_2, %mul3A_111 : i32
      %add3A_113 = arith.constant 0 : i32
      %add3A_114 = arith.addi %add3A_112, %add3A_113 : i32
      %mul3A_115 = arith.constant 2016 : i32
      %mul3A_116 = arith.muli %add3A_114, %mul3A_115 : i32
      %dma_start3A_117 = tpu.memref_slice %arg5[%mul3A_116] : memref<8257536xf32, #tpu.memory_space<hbm>> -> memref<8064xf32, #tpu.memory_space<hbm>>
      %dma_start3A_118 = tpu.memref_slice %arg5[%mul3A_116] : memref<8257536xf32, #tpu.memory_space<hbm>> -> memref<8064xf32, #tpu.memory_space<hbm>>
      tpu.enqueue_dma source(%arg12 : memref<8064xf32, #tpu.memory_space<vmem>>) target(%dma_start3A_118 : memref<8064xf32, #tpu.memory_space<hbm>>) target_semaphore(%arg19 : memref<!tpu.dma_semaphore, #tpu.memory_space<semaphore_mem>>)
      %dma_start3A_119 = tpu.memref_slice %arg6[%mul3A_116] : memref<8257536xf32, #tpu.memory_space<hbm>> -> memref<8064xf32, #tpu.memory_space<hbm>>
      %dma_start3A_120 = tpu.memref_slice %arg6[%mul3A_116] : memref<8257536xf32, #tpu.memory_space<hbm>> -> memref<8064xf32, #tpu.memory_space<hbm>>
      tpu.enqueue_dma source(%arg14 : memref<8064xf32, #tpu.memory_space<vmem>>) target(%dma_start3A_120 : memref<8064xf32, #tpu.memory_space<hbm>>) target_semaphore(%arg19 : memref<!tpu.dma_semaphore, #tpu.memory_space<semaphore_mem>>)
      %ge3A_121 = arith.constant 1 : i32
      %ge3A_122 = arith.cmpi sge, %add3A_57, %ge3A_121 : i32
      %convert_element_type3A_123 = arith.extui %ge3A_122 : i1 to i32
      %cond3A_124 = arith.constant 0 : i32
      %cond3A_125 = arith.cmpi ne, %convert_element_type3A_123, %cond3A_124 : i32
      scf.if %cond3A_125 {
        %sub3A = arith.constant 1 : i32
        %sub3A_304 = arith.subi %add3A_57, %sub3A : i32
        %mul3A_305 = arith.constant 8 : i32
        %mul3A_306 = arith.muli %sub3A_304, %mul3A_305 : i32
        %add3A_307 = arith.addi %mul3A_2, %mul3A_306 : i32
        %add3A_308 = arith.constant 4 : i32
        %add3A_309 = arith.addi %add3A_307, %add3A_308 : i32
        %mul3A_310 = arith.constant 2016 : i32
        %mul3A_311 = arith.muli %add3A_309, %mul3A_310 : i32
        %dma_wait3A_312 = tpu.memref_slice %arg5[%mul3A_311] : memref<8257536xf32, #tpu.memory_space<hbm>> -> memref<8064xf32, #tpu.memory_space<hbm>>
        %dma_wait3A_313 = tpu.memref_slice %arg5[%mul3A_311] : memref<8257536xf32, #tpu.memory_space<hbm>> -> memref<8064xf32, #tpu.memory_space<hbm>>
        tpu.wait_dma2 semaphore(%arg20 : memref<!tpu.dma_semaphore, #tpu.memory_space<semaphore_mem>>) src(%arg13 : memref<8064xf32, #tpu.memory_space<vmem>>) dst(%dma_wait3A_313 : memref<8064xf32, #tpu.memory_space<hbm>>)
        %dma_wait3A_314 = tpu.memref_slice %arg6[%mul3A_311] : memref<8257536xf32, #tpu.memory_space<hbm>> -> memref<8064xf32, #tpu.memory_space<hbm>>
        %dma_wait3A_315 = tpu.memref_slice %arg6[%mul3A_311] : memref<8257536xf32, #tpu.memory_space<hbm>> -> memref<8064xf32, #tpu.memory_space<hbm>>
        tpu.wait_dma2 semaphore(%arg20 : memref<!tpu.dma_semaphore, #tpu.memory_space<semaphore_mem>>) src(%arg15 : memref<8064xf32, #tpu.memory_space<vmem>>) dst(%dma_wait3A_315 : memref<8064xf32, #tpu.memory_space<hbm>>)
      } else {
      }
      %mul3A_126 = arith.constant 8 : i32
      %mul3A_127 = arith.muli %add3A_57, %mul3A_126 : i32
      %add3A_128 = arith.constant 4 : i32
      %add3A_129 = arith.addi %mul3A_127, %add3A_128 : i32
      %mul3A_130 = arith.constant 64 : i32
      %mul3A_131 = arith.muli %add3A_129, %mul3A_130 : i32
      %broadcast_in_dim3A_132 = vector.broadcast %mul3A_131 : i32 to vector<16xi32>
      %parallel_loop3A_133 = arith.constant 0 : i32
      %parallel_loop3A_134 = arith.constant 126 : i32
      %parallel_loop3A_135 = arith.constant 1 : i32
      scf.for %parallel_loop3A_304 = %parallel_loop3A_133 to %parallel_loop3A_134 step %parallel_loop3A_135  : i32 {
        %parallel_loop3A_305 = arith.constant 2 : i32
        %parallel_loop3A_306 = arith.muli %parallel_loop3A_304, %parallel_loop3A_305 : i32
        %parallel_loop3A_307 = arith.constant 16 : i32
        %parallel_loop3A_308 = arith.muli %parallel_loop3A_306, %parallel_loop3A_307 : i32
        %parallel_loop3A_309 = arith.constant 4 : i32
        %parallel_loop3A_310 = arith.index_cast %parallel_loop3A_309 : i32 to index
        %parallel_loop3A_311 = arith.index_cast %parallel_loop3A_308 : i32 to index
        %parallel_loop3A_312 = tpu.vector_load %arg10[%parallel_loop3A_310, %parallel_loop3A_311] {strides = array<i32>} : memref<8x4096xi32, #tpu.memory_space<vmem>>, vector<16xi32>,
        %parallel_loop3A_313 = arith.constant 2 : i32
        %parallel_loop3A_314 = arith.muli %parallel_loop3A_304, %parallel_loop3A_313 : i32
        %parallel_loop3A_315 = arith.constant 16 : i32
        %parallel_loop3A_316 = arith.muli %parallel_loop3A_314, %parallel_loop3A_315 : i32
        %parallel_loop3A_317 = arith.constant 16 : i32
        %parallel_loop3A_318 = arith.addi %parallel_loop3A_316, %parallel_loop3A_317 : i32
        %parallel_loop3A_319 = arith.constant 4 : i32
        %parallel_loop3A_320 = arith.index_cast %parallel_loop3A_319 : i32 to index
        %parallel_loop3A_321 = arith.index_cast %parallel_loop3A_318 : i32 to index
        %parallel_loop3A_322 = tpu.vector_load %arg10[%parallel_loop3A_320, %parallel_loop3A_321] {strides = array<i32>} : memref<8x4096xi32, #tpu.memory_space<vmem>>, vector<16xi32>,
        %parallel_loop3A_323 = arith.addi %parallel_loop3A_312, %broadcast_in_dim3A_132 : vector<16xi32>
        %parallel_loop3A_324 = tpu.vector_load_idx %arg9[%parallel_loop3A_323] : memref<8192xf32, #tpu.memory_space<vmem>>[vector<16xi32>], vector<16xf32>,
        %parallel_loop3A_325 = arith.addi %parallel_loop3A_322, %broadcast_in_dim3A_132 : vector<16xi32>
        %parallel_loop3A_326 = tpu.vector_load_idx %arg9[%parallel_loop3A_325] : memref<8192xf32, #tpu.memory_space<vmem>>[vector<16xi32>], vector<16xf32>,
        %parallel_loop3A_327 = arith.constant 0 : i32
        %parallel_loop3A_328 = vector.broadcast %parallel_loop3A_327 : i32 to vector<16xi32>
        %parallel_loop3A_329 = arith.cmpi slt, %and3A_7, %parallel_loop3A_328 : vector<16xi32>
        %parallel_loop3A_330 = arith.constant 16 : i32
        %parallel_loop3A_331 = vector.broadcast %parallel_loop3A_330 : i32 to vector<16xi32>
        %parallel_loop3A_332 = arith.addi %and3A_7, %parallel_loop3A_331 : vector<16xi32>
        %parallel_loop3A_333 = arith.select %parallel_loop3A_329, %parallel_loop3A_332, %and3A_7 : vector<16xi1>, vector<16xi32>
        %parallel_loop3A_334 = vector.shape_cast %parallel_loop3A_333 : vector<16xi32> to vector<16x1xi32>
        %parallel_loop3A_335 = vector.shape_cast %parallel_loop3A_334 : vector<16x1xi32> to vector<16xi32>
        %parallel_loop3A_336 = tpu.dynamic_gather %parallel_loop3A_324[%parallel_loop3A_335] in [0] : vector<16xf32>, vector<16xi32> -> vector<16xf32>
        %parallel_loop3A_337 = arith.constant 0 : i32
        %parallel_loop3A_338 = vector.broadcast %parallel_loop3A_337 : i32 to vector<16xi32>
        %parallel_loop3A_339 = arith.cmpi slt, %and3A_7, %parallel_loop3A_338 : vector<16xi32>
        %parallel_loop3A_340 = arith.constant 16 : i32
        %parallel_loop3A_341 = vector.broadcast %parallel_loop3A_340 : i32 to vector<16xi32>
        %parallel_loop3A_342 = arith.addi %and3A_7, %parallel_loop3A_341 : vector<16xi32>
        %parallel_loop3A_343 = arith.select %parallel_loop3A_339, %parallel_loop3A_342, %and3A_7 : vector<16xi1>, vector<16xi32>
        %parallel_loop3A_344 = vector.shape_cast %parallel_loop3A_343 : vector<16xi32> to vector<16x1xi32>
        %parallel_loop3A_345 = vector.shape_cast %parallel_loop3A_344 : vector<16x1xi32> to vector<16xi32>
        %parallel_loop3A_346 = tpu.dynamic_gather %parallel_loop3A_326[%parallel_loop3A_345] in [0] : vector<16xf32>, vector<16xi32> -> vector<16xf32>
        %parallel_loop3A_347 = arith.constant 0 : i32
        %parallel_loop3A_348 = vector.broadcast %parallel_loop3A_347 : i32 to vector<16xi32>
        %parallel_loop3A_349 = arith.cmpi slt, %add3A_10, %parallel_loop3A_348 : vector<16xi32>
        %parallel_loop3A_350 = arith.constant 16 : i32
        %parallel_loop3A_351 = vector.broadcast %parallel_loop3A_350 : i32 to vector<16xi32>
        %parallel_loop3A_352 = arith.addi %add3A_10, %parallel_loop3A_351 : vector<16xi32>
        %parallel_loop3A_353 = arith.select %parallel_loop3A_349, %parallel_loop3A_352, %add3A_10 : vector<16xi1>, vector<16xi32>
        %parallel_loop3A_354 = vector.shape_cast %parallel_loop3A_353 : vector<16xi32> to vector<16x1xi32>
        %parallel_loop3A_355 = vector.shape_cast %parallel_loop3A_354 : vector<16x1xi32> to vector<16xi32>
        %parallel_loop3A_356 = tpu.dynamic_gather %parallel_loop3A_324[%parallel_loop3A_355] in [0] : vector<16xf32>, vector<16xi32> -> vector<16xf32>
        %parallel_loop3A_357 = arith.constant 0 : i32
        %parallel_loop3A_358 = vector.broadcast %parallel_loop3A_357 : i32 to vector<16xi32>
        %parallel_loop3A_359 = arith.cmpi slt, %add3A_10, %parallel_loop3A_358 : vector<16xi32>
        %parallel_loop3A_360 = arith.constant 16 : i32
        %parallel_loop3A_361 = vector.broadcast %parallel_loop3A_360 : i32 to vector<16xi32>
        %parallel_loop3A_362 = arith.addi %add3A_10, %parallel_loop3A_361 : vector<16xi32>
        %parallel_loop3A_363 = arith.select %parallel_loop3A_359, %parallel_loop3A_362, %add3A_10 : vector<16xi1>, vector<16xi32>
        %parallel_loop3A_364 = vector.shape_cast %parallel_loop3A_363 : vector<16xi32> to vector<16x1xi32>
        %parallel_loop3A_365 = vector.shape_cast %parallel_loop3A_364 : vector<16x1xi32> to vector<16xi32>
        %parallel_loop3A_366 = tpu.dynamic_gather %parallel_loop3A_326[%parallel_loop3A_365] in [0] : vector<16xf32>, vector<16xi32> -> vector<16xf32>
        %parallel_loop3A_367 = arith.select %lt3A_12, %parallel_loop3A_336, %parallel_loop3A_346 : vector<16xi1>, vector<16xf32>
        %parallel_loop3A_368 = arith.constant 16 : i32
        %parallel_loop3A_369 = arith.muli %parallel_loop3A_304, %parallel_loop3A_368 : i32
        %parallel_loop3A_370 = arith.constant 0 : i32
        %parallel_loop3A_371 = arith.addi %parallel_loop3A_370, %parallel_loop3A_369 : i32
        %parallel_loop3A_372 = arith.index_cast %parallel_loop3A_371 : i32 to index
        %parallel_loop3A_373 = tpu.vector_load %arg13[%parallel_loop3A_372] {strides = array<i32>} : memref<8064xf32, #tpu.memory_space<vmem>>, vector<16xf32>,
        tpu.vector_store %arg13[%parallel_loop3A_372], %parallel_loop3A_367 {strides = array<i32>} : memref<8064xf32, #tpu.memory_space<vmem>>, vector<16xf32>,
        %parallel_loop3A_374 = arith.select %lt3A_12, %parallel_loop3A_356, %parallel_loop3A_366 : vector<16xi1>, vector<16xf32>
        %parallel_loop3A_375 = arith.constant 16 : i32
        %parallel_loop3A_376 = arith.muli %parallel_loop3A_304, %parallel_loop3A_375 : i32
        %parallel_loop3A_377 = arith.constant 0 : i32
        %parallel_loop3A_378 = arith.addi %parallel_loop3A_377, %parallel_loop3A_376 : i32
        %parallel_loop3A_379 = arith.index_cast %parallel_loop3A_378 : i32 to index
        %parallel_loop3A_380 = tpu.vector_load %arg15[%parallel_loop3A_379] {strides = array<i32>} : memref<8064xf32, #tpu.memory_space<vmem>>, vector<16xf32>,
        tpu.vector_store %arg15[%parallel_loop3A_379], %parallel_loop3A_374 {strides = array<i32>} : memref<8064xf32, #tpu.memory_space<vmem>>, vector<16xf32>,
      } {sc.loop_unroll_factor = 4 : i64, sc.parallel_access}
      %mul3A_136 = arith.constant 8 : i32
      %mul3A_137 = arith.muli %add3A_57, %mul3A_136 : i32
      %add3A_138 = arith.constant 5 : i32
      %add3A_139 = arith.addi %mul3A_137, %add3A_138 : i32
      %mul3A_140 = arith.constant 64 : i32
      %mul3A_141 = arith.muli %add3A_139, %mul3A_140 : i32
      %broadcast_in_dim3A_142 = vector.broadcast %mul3A_141 : i32 to vector<16xi32>
      %parallel_loop3A_143 = arith.constant 0 : i32
      %parallel_loop3A_144 = arith.constant 126 : i32
      %parallel_loop3A_145 = arith.constant 1 : i32
      scf.for %parallel_loop3A_304 = %parallel_loop3A_143 to %parallel_loop3A_144 step %parallel_loop3A_145  : i32 {
        %parallel_loop3A_305 = arith.constant 2 : i32
        %parallel_loop3A_306 = arith.muli %parallel_loop3A_304, %parallel_loop3A_305 : i32
        %parallel_loop3A_307 = arith.constant 16 : i32
        %parallel_loop3A_308 = arith.muli %parallel_loop3A_306, %parallel_loop3A_307 : i32
        %parallel_loop3A_309 = arith.constant 5 : i32
        %parallel_loop3A_310 = arith.index_cast %parallel_loop3A_309 : i32 to index
        %parallel_loop3A_311 = arith.index_cast %parallel_loop3A_308 : i32 to index
        %parallel_loop3A_312 = tpu.vector_load %arg10[%parallel_loop3A_310, %parallel_loop3A_311] {strides = array<i32>} : memref<8x4096xi32, #tpu.memory_space<vmem>>, vector<16xi32>,
        %parallel_loop3A_313 = arith.constant 2 : i32
        %parallel_loop3A_314 = arith.muli %parallel_loop3A_304, %parallel_loop3A_313 : i32
        %parallel_loop3A_315 = arith.constant 16 : i32
        %parallel_loop3A_316 = arith.muli %parallel_loop3A_314, %parallel_loop3A_315 : i32
        %parallel_loop3A_317 = arith.constant 16 : i32
        %parallel_loop3A_318 = arith.addi %parallel_loop3A_316, %parallel_loop3A_317 : i32
        %parallel_loop3A_319 = arith.constant 5 : i32
        %parallel_loop3A_320 = arith.index_cast %parallel_loop3A_319 : i32 to index
        %parallel_loop3A_321 = arith.index_cast %parallel_loop3A_318 : i32 to index
        %parallel_loop3A_322 = tpu.vector_load %arg10[%parallel_loop3A_320, %parallel_loop3A_321] {strides = array<i32>} : memref<8x4096xi32, #tpu.memory_space<vmem>>, vector<16xi32>,
        %parallel_loop3A_323 = arith.addi %parallel_loop3A_312, %broadcast_in_dim3A_142 : vector<16xi32>
        %parallel_loop3A_324 = tpu.vector_load_idx %arg9[%parallel_loop3A_323] : memref<8192xf32, #tpu.memory_space<vmem>>[vector<16xi32>], vector<16xf32>,
        %parallel_loop3A_325 = arith.addi %parallel_loop3A_322, %broadcast_in_dim3A_142 : vector<16xi32>
        %parallel_loop3A_326 = tpu.vector_load_idx %arg9[%parallel_loop3A_325] : memref<8192xf32, #tpu.memory_space<vmem>>[vector<16xi32>], vector<16xf32>,
        %parallel_loop3A_327 = arith.constant 0 : i32
        %parallel_loop3A_328 = vector.broadcast %parallel_loop3A_327 : i32 to vector<16xi32>
        %parallel_loop3A_329 = arith.cmpi slt, %and3A_7, %parallel_loop3A_328 : vector<16xi32>
        %parallel_loop3A_330 = arith.constant 16 : i32
        %parallel_loop3A_331 = vector.broadcast %parallel_loop3A_330 : i32 to vector<16xi32>
        %parallel_loop3A_332 = arith.addi %and3A_7, %parallel_loop3A_331 : vector<16xi32>
        %parallel_loop3A_333 = arith.select %parallel_loop3A_329, %parallel_loop3A_332, %and3A_7 : vector<16xi1>, vector<16xi32>
        %parallel_loop3A_334 = vector.shape_cast %parallel_loop3A_333 : vector<16xi32> to vector<16x1xi32>
        %parallel_loop3A_335 = vector.shape_cast %parallel_loop3A_334 : vector<16x1xi32> to vector<16xi32>
        %parallel_loop3A_336 = tpu.dynamic_gather %parallel_loop3A_324[%parallel_loop3A_335] in [0] : vector<16xf32>, vector<16xi32> -> vector<16xf32>
        %parallel_loop3A_337 = arith.constant 0 : i32
        %parallel_loop3A_338 = vector.broadcast %parallel_loop3A_337 : i32 to vector<16xi32>
        %parallel_loop3A_339 = arith.cmpi slt, %and3A_7, %parallel_loop3A_338 : vector<16xi32>
        %parallel_loop3A_340 = arith.constant 16 : i32
        %parallel_loop3A_341 = vector.broadcast %parallel_loop3A_340 : i32 to vector<16xi32>
        %parallel_loop3A_342 = arith.addi %and3A_7, %parallel_loop3A_341 : vector<16xi32>
        %parallel_loop3A_343 = arith.select %parallel_loop3A_339, %parallel_loop3A_342, %and3A_7 : vector<16xi1>, vector<16xi32>
        %parallel_loop3A_344 = vector.shape_cast %parallel_loop3A_343 : vector<16xi32> to vector<16x1xi32>
        %parallel_loop3A_345 = vector.shape_cast %parallel_loop3A_344 : vector<16x1xi32> to vector<16xi32>
        %parallel_loop3A_346 = tpu.dynamic_gather %parallel_loop3A_326[%parallel_loop3A_345] in [0] : vector<16xf32>, vector<16xi32> -> vector<16xf32>
        %parallel_loop3A_347 = arith.constant 0 : i32
        %parallel_loop3A_348 = vector.broadcast %parallel_loop3A_347 : i32 to vector<16xi32>
        %parallel_loop3A_349 = arith.cmpi slt, %add3A_10, %parallel_loop3A_348 : vector<16xi32>
        %parallel_loop3A_350 = arith.constant 16 : i32
        %parallel_loop3A_351 = vector.broadcast %parallel_loop3A_350 : i32 to vector<16xi32>
        %parallel_loop3A_352 = arith.addi %add3A_10, %parallel_loop3A_351 : vector<16xi32>
        %parallel_loop3A_353 = arith.select %parallel_loop3A_349, %parallel_loop3A_352, %add3A_10 : vector<16xi1>, vector<16xi32>
        %parallel_loop3A_354 = vector.shape_cast %parallel_loop3A_353 : vector<16xi32> to vector<16x1xi32>
        %parallel_loop3A_355 = vector.shape_cast %parallel_loop3A_354 : vector<16x1xi32> to vector<16xi32>
        %parallel_loop3A_356 = tpu.dynamic_gather %parallel_loop3A_324[%parallel_loop3A_355] in [0] : vector<16xf32>, vector<16xi32> -> vector<16xf32>
        %parallel_loop3A_357 = arith.constant 0 : i32
        %parallel_loop3A_358 = vector.broadcast %parallel_loop3A_357 : i32 to vector<16xi32>
        %parallel_loop3A_359 = arith.cmpi slt, %add3A_10, %parallel_loop3A_358 : vector<16xi32>
        %parallel_loop3A_360 = arith.constant 16 : i32
        %parallel_loop3A_361 = vector.broadcast %parallel_loop3A_360 : i32 to vector<16xi32>
        %parallel_loop3A_362 = arith.addi %add3A_10, %parallel_loop3A_361 : vector<16xi32>
        %parallel_loop3A_363 = arith.select %parallel_loop3A_359, %parallel_loop3A_362, %add3A_10 : vector<16xi1>, vector<16xi32>
        %parallel_loop3A_364 = vector.shape_cast %parallel_loop3A_363 : vector<16xi32> to vector<16x1xi32>
        %parallel_loop3A_365 = vector.shape_cast %parallel_loop3A_364 : vector<16x1xi32> to vector<16xi32>
        %parallel_loop3A_366 = tpu.dynamic_gather %parallel_loop3A_326[%parallel_loop3A_365] in [0] : vector<16xf32>, vector<16xi32> -> vector<16xf32>
        %parallel_loop3A_367 = arith.select %lt3A_12, %parallel_loop3A_336, %parallel_loop3A_346 : vector<16xi1>, vector<16xf32>
        %parallel_loop3A_368 = arith.constant 16 : i32
        %parallel_loop3A_369 = arith.muli %parallel_loop3A_304, %parallel_loop3A_368 : i32
        %parallel_loop3A_370 = arith.constant 2016 : i32
        %parallel_loop3A_371 = arith.addi %parallel_loop3A_370, %parallel_loop3A_369 : i32
        %parallel_loop3A_372 = arith.index_cast %parallel_loop3A_371 : i32 to index
        %parallel_loop3A_373 = tpu.vector_load %arg13[%parallel_loop3A_372] {strides = array<i32>} : memref<8064xf32, #tpu.memory_space<vmem>>, vector<16xf32>,
        tpu.vector_store %arg13[%parallel_loop3A_372], %parallel_loop3A_367 {strides = array<i32>} : memref<8064xf32, #tpu.memory_space<vmem>>, vector<16xf32>,
        %parallel_loop3A_374 = arith.select %lt3A_12, %parallel_loop3A_356, %parallel_loop3A_366 : vector<16xi1>, vector<16xf32>
        %parallel_loop3A_375 = arith.constant 16 : i32
        %parallel_loop3A_376 = arith.muli %parallel_loop3A_304, %parallel_loop3A_375 : i32
        %parallel_loop3A_377 = arith.constant 2016 : i32
        %parallel_loop3A_378 = arith.addi %parallel_loop3A_377, %parallel_loop3A_376 : i32
        %parallel_loop3A_379 = arith.index_cast %parallel_loop3A_378 : i32 to index
        %parallel_loop3A_380 = tpu.vector_load %arg15[%parallel_loop3A_379] {strides = array<i32>} : memref<8064xf32, #tpu.memory_space<vmem>>, vector<16xf32>,
        tpu.vector_store %arg15[%parallel_loop3A_379], %parallel_loop3A_374 {strides = array<i32>} : memref<8064xf32, #tpu.memory_space<vmem>>, vector<16xf32>,
      } {sc.loop_unroll_factor = 4 : i64, sc.parallel_access}
      %mul3A_146 = arith.constant 8 : i32
      %mul3A_147 = arith.muli %add3A_57, %mul3A_146 : i32
      %add3A_148 = arith.constant 6 : i32
      %add3A_149 = arith.addi %mul3A_147, %add3A_148 : i32
      %mul3A_150 = arith.constant 64 : i32
      %mul3A_151 = arith.muli %add3A_149, %mul3A_150 : i32
      %broadcast_in_dim3A_152 = vector.broadcast %mul3A_151 : i32 to vector<16xi32>
      %parallel_loop3A_153 = arith.constant 0 : i32
      %parallel_loop3A_154 = arith.constant 126 : i32
      %parallel_loop3A_155 = arith.constant 1 : i32
      scf.for %parallel_loop3A_304 = %parallel_loop3A_153 to %parallel_loop3A_154 step %parallel_loop3A_155  : i32 {
        %parallel_loop3A_305 = arith.constant 2 : i32
        %parallel_loop3A_306 = arith.muli %parallel_loop3A_304, %parallel_loop3A_305 : i32
        %parallel_loop3A_307 = arith.constant 16 : i32
        %parallel_loop3A_308 = arith.muli %parallel_loop3A_306, %parallel_loop3A_307 : i32
        %parallel_loop3A_309 = arith.constant 6 : i32
        %parallel_loop3A_310 = arith.index_cast %parallel_loop3A_309 : i32 to index
        %parallel_loop3A_311 = arith.index_cast %parallel_loop3A_308 : i32 to index
        %parallel_loop3A_312 = tpu.vector_load %arg10[%parallel_loop3A_310, %parallel_loop3A_311] {strides = array<i32>} : memref<8x4096xi32, #tpu.memory_space<vmem>>, vector<16xi32>,
        %parallel_loop3A_313 = arith.constant 2 : i32
        %parallel_loop3A_314 = arith.muli %parallel_loop3A_304, %parallel_loop3A_313 : i32
        %parallel_loop3A_315 = arith.constant 16 : i32
        %parallel_loop3A_316 = arith.muli %parallel_loop3A_314, %parallel_loop3A_315 : i32
        %parallel_loop3A_317 = arith.constant 16 : i32
        %parallel_loop3A_318 = arith.addi %parallel_loop3A_316, %parallel_loop3A_317 : i32
        %parallel_loop3A_319 = arith.constant 6 : i32
        %parallel_loop3A_320 = arith.index_cast %parallel_loop3A_319 : i32 to index
        %parallel_loop3A_321 = arith.index_cast %parallel_loop3A_318 : i32 to index
        %parallel_loop3A_322 = tpu.vector_load %arg10[%parallel_loop3A_320, %parallel_loop3A_321] {strides = array<i32>} : memref<8x4096xi32, #tpu.memory_space<vmem>>, vector<16xi32>,
        %parallel_loop3A_323 = arith.addi %parallel_loop3A_312, %broadcast_in_dim3A_152 : vector<16xi32>
        %parallel_loop3A_324 = tpu.vector_load_idx %arg9[%parallel_loop3A_323] : memref<8192xf32, #tpu.memory_space<vmem>>[vector<16xi32>], vector<16xf32>,
        %parallel_loop3A_325 = arith.addi %parallel_loop3A_322, %broadcast_in_dim3A_152 : vector<16xi32>
        %parallel_loop3A_326 = tpu.vector_load_idx %arg9[%parallel_loop3A_325] : memref<8192xf32, #tpu.memory_space<vmem>>[vector<16xi32>], vector<16xf32>,
        %parallel_loop3A_327 = arith.constant 0 : i32
        %parallel_loop3A_328 = vector.broadcast %parallel_loop3A_327 : i32 to vector<16xi32>
        %parallel_loop3A_329 = arith.cmpi slt, %and3A_7, %parallel_loop3A_328 : vector<16xi32>
        %parallel_loop3A_330 = arith.constant 16 : i32
        %parallel_loop3A_331 = vector.broadcast %parallel_loop3A_330 : i32 to vector<16xi32>
        %parallel_loop3A_332 = arith.addi %and3A_7, %parallel_loop3A_331 : vector<16xi32>
        %parallel_loop3A_333 = arith.select %parallel_loop3A_329, %parallel_loop3A_332, %and3A_7 : vector<16xi1>, vector<16xi32>
        %parallel_loop3A_334 = vector.shape_cast %parallel_loop3A_333 : vector<16xi32> to vector<16x1xi32>
        %parallel_loop3A_335 = vector.shape_cast %parallel_loop3A_334 : vector<16x1xi32> to vector<16xi32>
        %parallel_loop3A_336 = tpu.dynamic_gather %parallel_loop3A_324[%parallel_loop3A_335] in [0] : vector<16xf32>, vector<16xi32> -> vector<16xf32>
        %parallel_loop3A_337 = arith.constant 0 : i32
        %parallel_loop3A_338 = vector.broadcast %parallel_loop3A_337 : i32 to vector<16xi32>
        %parallel_loop3A_339 = arith.cmpi slt, %and3A_7, %parallel_loop3A_338 : vector<16xi32>
        %parallel_loop3A_340 = arith.constant 16 : i32
        %parallel_loop3A_341 = vector.broadcast %parallel_loop3A_340 : i32 to vector<16xi32>
        %parallel_loop3A_342 = arith.addi %and3A_7, %parallel_loop3A_341 : vector<16xi32>
        %parallel_loop3A_343 = arith.select %parallel_loop3A_339, %parallel_loop3A_342, %and3A_7 : vector<16xi1>, vector<16xi32>
        %parallel_loop3A_344 = vector.shape_cast %parallel_loop3A_343 : vector<16xi32> to vector<16x1xi32>
        %parallel_loop3A_345 = vector.shape_cast %parallel_loop3A_344 : vector<16x1xi32> to vector<16xi32>
        %parallel_loop3A_346 = tpu.dynamic_gather %parallel_loop3A_326[%parallel_loop3A_345] in [0] : vector<16xf32>, vector<16xi32> -> vector<16xf32>
        %parallel_loop3A_347 = arith.constant 0 : i32
        %parallel_loop3A_348 = vector.broadcast %parallel_loop3A_347 : i32 to vector<16xi32>
        %parallel_loop3A_349 = arith.cmpi slt, %add3A_10, %parallel_loop3A_348 : vector<16xi32>
        %parallel_loop3A_350 = arith.constant 16 : i32
        %parallel_loop3A_351 = vector.broadcast %parallel_loop3A_350 : i32 to vector<16xi32>
        %parallel_loop3A_352 = arith.addi %add3A_10, %parallel_loop3A_351 : vector<16xi32>
        %parallel_loop3A_353 = arith.select %parallel_loop3A_349, %parallel_loop3A_352, %add3A_10 : vector<16xi1>, vector<16xi32>
        %parallel_loop3A_354 = vector.shape_cast %parallel_loop3A_353 : vector<16xi32> to vector<16x1xi32>
        %parallel_loop3A_355 = vector.shape_cast %parallel_loop3A_354 : vector<16x1xi32> to vector<16xi32>
        %parallel_loop3A_356 = tpu.dynamic_gather %parallel_loop3A_324[%parallel_loop3A_355] in [0] : vector<16xf32>, vector<16xi32> -> vector<16xf32>
        %parallel_loop3A_357 = arith.constant 0 : i32
        %parallel_loop3A_358 = vector.broadcast %parallel_loop3A_357 : i32 to vector<16xi32>
        %parallel_loop3A_359 = arith.cmpi slt, %add3A_10, %parallel_loop3A_358 : vector<16xi32>
        %parallel_loop3A_360 = arith.constant 16 : i32
        %parallel_loop3A_361 = vector.broadcast %parallel_loop3A_360 : i32 to vector<16xi32>
        %parallel_loop3A_362 = arith.addi %add3A_10, %parallel_loop3A_361 : vector<16xi32>
        %parallel_loop3A_363 = arith.select %parallel_loop3A_359, %parallel_loop3A_362, %add3A_10 : vector<16xi1>, vector<16xi32>
        %parallel_loop3A_364 = vector.shape_cast %parallel_loop3A_363 : vector<16xi32> to vector<16x1xi32>
        %parallel_loop3A_365 = vector.shape_cast %parallel_loop3A_364 : vector<16x1xi32> to vector<16xi32>
        %parallel_loop3A_366 = tpu.dynamic_gather %parallel_loop3A_326[%parallel_loop3A_365] in [0] : vector<16xf32>, vector<16xi32> -> vector<16xf32>
        %parallel_loop3A_367 = arith.select %lt3A_12, %parallel_loop3A_336, %parallel_loop3A_346 : vector<16xi1>, vector<16xf32>
        %parallel_loop3A_368 = arith.constant 16 : i32
        %parallel_loop3A_369 = arith.muli %parallel_loop3A_304, %parallel_loop3A_368 : i32
        %parallel_loop3A_370 = arith.constant 4032 : i32
        %parallel_loop3A_371 = arith.addi %parallel_loop3A_370, %parallel_loop3A_369 : i32
        %parallel_loop3A_372 = arith.index_cast %parallel_loop3A_371 : i32 to index
        %parallel_loop3A_373 = tpu.vector_load %arg13[%parallel_loop3A_372] {strides = array<i32>} : memref<8064xf32, #tpu.memory_space<vmem>>, vector<16xf32>,
        tpu.vector_store %arg13[%parallel_loop3A_372], %parallel_loop3A_367 {strides = array<i32>} : memref<8064xf32, #tpu.memory_space<vmem>>, vector<16xf32>,
        %parallel_loop3A_374 = arith.select %lt3A_12, %parallel_loop3A_356, %parallel_loop3A_366 : vector<16xi1>, vector<16xf32>
        %parallel_loop3A_375 = arith.constant 16 : i32
        %parallel_loop3A_376 = arith.muli %parallel_loop3A_304, %parallel_loop3A_375 : i32
        %parallel_loop3A_377 = arith.constant 4032 : i32
        %parallel_loop3A_378 = arith.addi %parallel_loop3A_377, %parallel_loop3A_376 : i32
        %parallel_loop3A_379 = arith.index_cast %parallel_loop3A_378 : i32 to index
        %parallel_loop3A_380 = tpu.vector_load %arg15[%parallel_loop3A_379] {strides = array<i32>} : memref<8064xf32, #tpu.memory_space<vmem>>, vector<16xf32>,
        tpu.vector_store %arg15[%parallel_loop3A_379], %parallel_loop3A_374 {strides = array<i32>} : memref<8064xf32, #tpu.memory_space<vmem>>, vector<16xf32>,
      } {sc.loop_unroll_factor = 4 : i64, sc.parallel_access}
      %mul3A_156 = arith.constant 8 : i32
      %mul3A_157 = arith.muli %add3A_57, %mul3A_156 : i32
      %add3A_158 = arith.constant 7 : i32
      %add3A_159 = arith.addi %mul3A_157, %add3A_158 : i32
      %mul3A_160 = arith.constant 64 : i32
      %mul3A_161 = arith.muli %add3A_159, %mul3A_160 : i32
      %broadcast_in_dim3A_162 = vector.broadcast %mul3A_161 : i32 to vector<16xi32>
      %parallel_loop3A_163 = arith.constant 0 : i32
      %parallel_loop3A_164 = arith.constant 126 : i32
      %parallel_loop3A_165 = arith.constant 1 : i32
      scf.for %parallel_loop3A_304 = %parallel_loop3A_163 to %parallel_loop3A_164 step %parallel_loop3A_165  : i32 {
        %parallel_loop3A_305 = arith.constant 2 : i32
        %parallel_loop3A_306 = arith.muli %parallel_loop3A_304, %parallel_loop3A_305 : i32
        %parallel_loop3A_307 = arith.constant 16 : i32
        %parallel_loop3A_308 = arith.muli %parallel_loop3A_306, %parallel_loop3A_307 : i32
        %parallel_loop3A_309 = arith.constant 7 : i32
        %parallel_loop3A_310 = arith.index_cast %parallel_loop3A_309 : i32 to index
        %parallel_loop3A_311 = arith.index_cast %parallel_loop3A_308 : i32 to index
        %parallel_loop3A_312 = tpu.vector_load %arg10[%parallel_loop3A_310, %parallel_loop3A_311] {strides = array<i32>} : memref<8x4096xi32, #tpu.memory_space<vmem>>, vector<16xi32>,
        %parallel_loop3A_313 = arith.constant 2 : i32
        %parallel_loop3A_314 = arith.muli %parallel_loop3A_304, %parallel_loop3A_313 : i32
        %parallel_loop3A_315 = arith.constant 16 : i32
        %parallel_loop3A_316 = arith.muli %parallel_loop3A_314, %parallel_loop3A_315 : i32
        %parallel_loop3A_317 = arith.constant 16 : i32
        %parallel_loop3A_318 = arith.addi %parallel_loop3A_316, %parallel_loop3A_317 : i32
        %parallel_loop3A_319 = arith.constant 7 : i32
        %parallel_loop3A_320 = arith.index_cast %parallel_loop3A_319 : i32 to index
        %parallel_loop3A_321 = arith.index_cast %parallel_loop3A_318 : i32 to index
        %parallel_loop3A_322 = tpu.vector_load %arg10[%parallel_loop3A_320, %parallel_loop3A_321] {strides = array<i32>} : memref<8x4096xi32, #tpu.memory_space<vmem>>, vector<16xi32>,
        %parallel_loop3A_323 = arith.addi %parallel_loop3A_312, %broadcast_in_dim3A_162 : vector<16xi32>
        %parallel_loop3A_324 = tpu.vector_load_idx %arg9[%parallel_loop3A_323] : memref<8192xf32, #tpu.memory_space<vmem>>[vector<16xi32>], vector<16xf32>,
        %parallel_loop3A_325 = arith.addi %parallel_loop3A_322, %broadcast_in_dim3A_162 : vector<16xi32>
        %parallel_loop3A_326 = tpu.vector_load_idx %arg9[%parallel_loop3A_325] : memref<8192xf32, #tpu.memory_space<vmem>>[vector<16xi32>], vector<16xf32>,
        %parallel_loop3A_327 = arith.constant 0 : i32
        %parallel_loop3A_328 = vector.broadcast %parallel_loop3A_327 : i32 to vector<16xi32>
        %parallel_loop3A_329 = arith.cmpi slt, %and3A_7, %parallel_loop3A_328 : vector<16xi32>
        %parallel_loop3A_330 = arith.constant 16 : i32
        %parallel_loop3A_331 = vector.broadcast %parallel_loop3A_330 : i32 to vector<16xi32>
        %parallel_loop3A_332 = arith.addi %and3A_7, %parallel_loop3A_331 : vector<16xi32>
        %parallel_loop3A_333 = arith.select %parallel_loop3A_329, %parallel_loop3A_332, %and3A_7 : vector<16xi1>, vector<16xi32>
        %parallel_loop3A_334 = vector.shape_cast %parallel_loop3A_333 : vector<16xi32> to vector<16x1xi32>
        %parallel_loop3A_335 = vector.shape_cast %parallel_loop3A_334 : vector<16x1xi32> to vector<16xi32>
        %parallel_loop3A_336 = tpu.dynamic_gather %parallel_loop3A_324[%parallel_loop3A_335] in [0] : vector<16xf32>, vector<16xi32> -> vector<16xf32>
        %parallel_loop3A_337 = arith.constant 0 : i32
        %parallel_loop3A_338 = vector.broadcast %parallel_loop3A_337 : i32 to vector<16xi32>
        %parallel_loop3A_339 = arith.cmpi slt, %and3A_7, %parallel_loop3A_338 : vector<16xi32>
        %parallel_loop3A_340 = arith.constant 16 : i32
        %parallel_loop3A_341 = vector.broadcast %parallel_loop3A_340 : i32 to vector<16xi32>
        %parallel_loop3A_342 = arith.addi %and3A_7, %parallel_loop3A_341 : vector<16xi32>
        %parallel_loop3A_343 = arith.select %parallel_loop3A_339, %parallel_loop3A_342, %and3A_7 : vector<16xi1>, vector<16xi32>
        %parallel_loop3A_344 = vector.shape_cast %parallel_loop3A_343 : vector<16xi32> to vector<16x1xi32>
        %parallel_loop3A_345 = vector.shape_cast %parallel_loop3A_344 : vector<16x1xi32> to vector<16xi32>
        %parallel_loop3A_346 = tpu.dynamic_gather %parallel_loop3A_326[%parallel_loop3A_345] in [0] : vector<16xf32>, vector<16xi32> -> vector<16xf32>
        %parallel_loop3A_347 = arith.constant 0 : i32
        %parallel_loop3A_348 = vector.broadcast %parallel_loop3A_347 : i32 to vector<16xi32>
        %parallel_loop3A_349 = arith.cmpi slt, %add3A_10, %parallel_loop3A_348 : vector<16xi32>
        %parallel_loop3A_350 = arith.constant 16 : i32
        %parallel_loop3A_351 = vector.broadcast %parallel_loop3A_350 : i32 to vector<16xi32>
        %parallel_loop3A_352 = arith.addi %add3A_10, %parallel_loop3A_351 : vector<16xi32>
        %parallel_loop3A_353 = arith.select %parallel_loop3A_349, %parallel_loop3A_352, %add3A_10 : vector<16xi1>, vector<16xi32>
        %parallel_loop3A_354 = vector.shape_cast %parallel_loop3A_353 : vector<16xi32> to vector<16x1xi32>
        %parallel_loop3A_355 = vector.shape_cast %parallel_loop3A_354 : vector<16x1xi32> to vector<16xi32>
        %parallel_loop3A_356 = tpu.dynamic_gather %parallel_loop3A_324[%parallel_loop3A_355] in [0] : vector<16xf32>, vector<16xi32> -> vector<16xf32>
        %parallel_loop3A_357 = arith.constant 0 : i32
        %parallel_loop3A_358 = vector.broadcast %parallel_loop3A_357 : i32 to vector<16xi32>
        %parallel_loop3A_359 = arith.cmpi slt, %add3A_10, %parallel_loop3A_358 : vector<16xi32>
        %parallel_loop3A_360 = arith.constant 16 : i32
        %parallel_loop3A_361 = vector.broadcast %parallel_loop3A_360 : i32 to vector<16xi32>
        %parallel_loop3A_362 = arith.addi %add3A_10, %parallel_loop3A_361 : vector<16xi32>
        %parallel_loop3A_363 = arith.select %parallel_loop3A_359, %parallel_loop3A_362, %add3A_10 : vector<16xi1>, vector<16xi32>
        %parallel_loop3A_364 = vector.shape_cast %parallel_loop3A_363 : vector<16xi32> to vector<16x1xi32>
        %parallel_loop3A_365 = vector.shape_cast %parallel_loop3A_364 : vector<16x1xi32> to vector<16xi32>
        %parallel_loop3A_366 = tpu.dynamic_gather %parallel_loop3A_326[%parallel_loop3A_365] in [0] : vector<16xf32>, vector<16xi32> -> vector<16xf32>
        %parallel_loop3A_367 = arith.select %lt3A_12, %parallel_loop3A_336, %parallel_loop3A_346 : vector<16xi1>, vector<16xf32>
        %parallel_loop3A_368 = arith.constant 16 : i32
        %parallel_loop3A_369 = arith.muli %parallel_loop3A_304, %parallel_loop3A_368 : i32
        %parallel_loop3A_370 = arith.constant 6048 : i32
        %parallel_loop3A_371 = arith.addi %parallel_loop3A_370, %parallel_loop3A_369 : i32
        %parallel_loop3A_372 = arith.index_cast %parallel_loop3A_371 : i32 to index
        %parallel_loop3A_373 = tpu.vector_load %arg13[%parallel_loop3A_372] {strides = array<i32>} : memref<8064xf32, #tpu.memory_space<vmem>>, vector<16xf32>,
        tpu.vector_store %arg13[%parallel_loop3A_372], %parallel_loop3A_367 {strides = array<i32>} : memref<8064xf32, #tpu.memory_space<vmem>>, vector<16xf32>,
        %parallel_loop3A_374 = arith.select %lt3A_12, %parallel_loop3A_356, %parallel_loop3A_366 : vector<16xi1>, vector<16xf32>
        %parallel_loop3A_375 = arith.constant 16 : i32
        %parallel_loop3A_376 = arith.muli %parallel_loop3A_304, %parallel_loop3A_375 : i32
        %parallel_loop3A_377 = arith.constant 6048 : i32
        %parallel_loop3A_378 = arith.addi %parallel_loop3A_377, %parallel_loop3A_376 : i32
        %parallel_loop3A_379 = arith.index_cast %parallel_loop3A_378 : i32 to index
        %parallel_loop3A_380 = tpu.vector_load %arg15[%parallel_loop3A_379] {strides = array<i32>} : memref<8064xf32, #tpu.memory_space<vmem>>, vector<16xf32>,
        tpu.vector_store %arg15[%parallel_loop3A_379], %parallel_loop3A_374 {strides = array<i32>} : memref<8064xf32, #tpu.memory_space<vmem>>, vector<16xf32>,
      } {sc.loop_unroll_factor = 4 : i64, sc.parallel_access}
      %mul3A_166 = arith.constant 8 : i32
      %mul3A_167 = arith.muli %add3A_57, %mul3A_166 : i32
      %add3A_168 = arith.addi %mul3A_2, %mul3A_167 : i32
      %add3A_169 = arith.constant 4 : i32
      %add3A_170 = arith.addi %add3A_168, %add3A_169 : i32
      %mul3A_171 = arith.constant 2016 : i32
      %mul3A_172 = arith.muli %add3A_170, %mul3A_171 : i32
      %dma_start3A_173 = tpu.memref_slice %arg5[%mul3A_172] : memref<8257536xf32, #tpu.memory_space<hbm>> -> memref<8064xf32, #tpu.memory_space<hbm>>
      %dma_start3A_174 = tpu.memref_slice %arg5[%mul3A_172] : memref<8257536xf32, #tpu.memory_space<hbm>> -> memref<8064xf32, #tpu.memory_space<hbm>>
      tpu.enqueue_dma source(%arg13 : memref<8064xf32, #tpu.memory_space<vmem>>) target(%dma_start3A_174 : memref<8064xf32, #tpu.memory_space<hbm>>) target_semaphore(%arg20 : memref<!tpu.dma_semaphore, #tpu.memory_space<semaphore_mem>>)
      %dma_start3A_175 = tpu.memref_slice %arg6[%mul3A_172] : memref<8257536xf32, #tpu.memory_space<hbm>> -> memref<8064xf32, #tpu.memory_space<hbm>>
      %dma_start3A_176 = tpu.memref_slice %arg6[%mul3A_172] : memref<8257536xf32, #tpu.memory_space<hbm>> -> memref<8064xf32, #tpu.memory_space<hbm>>
      tpu.enqueue_dma source(%arg15 : memref<8064xf32, #tpu.memory_space<vmem>>) target(%dma_start3A_176 : memref<8064xf32, #tpu.memory_space<hbm>>) target_semaphore(%arg20 : memref<!tpu.dma_semaphore, #tpu.memory_space<semaphore_mem>>)
      %mul3A_177 = arith.constant 2 : i32
      %mul3A_178 = arith.muli %mul3A_177, %scan3A_53 : i32
      %add3A_179 = arith.constant 1 : i32
      %add3A_180 = arith.addi %mul3A_178, %add3A_179 : i32
      %lt3A_181 = arith.constant 15 : i32
      %lt3A_182 = arith.cmpi slt, %add3A_180, %lt3A_181 : i32
      %convert_element_type3A_183 = arith.extui %lt3A_182 : i1 to i32
      %cond3A_184 = arith.constant 0 : i32
      %cond3A_185 = arith.cmpi ne, %convert_element_type3A_183, %cond3A_184 : i32
      scf.if %cond3A_185 {
        %add3A_304 = arith.constant 1 : i32
        %add3A_305 = arith.addi %add3A_180, %add3A_304 : i32
        %mul3A_306 = arith.constant 8 : i32
        %mul3A_307 = arith.muli %add3A_305, %mul3A_306 : i32
        %dma_start3A_308 = tpu.memref_slice %arg7[%mul3A_307] : memref<144xi32, #tpu.memory_space<vmem>> -> memref<8xi32, #tpu.memory_space<vmem>>
        %dma_start3A_309 = arith.constant 0 : i32
        %dma_start3A_310 = arith.constant 0 : i32
        %dma_start3A_311 = tpu.memref_slice %arg2[%dma_start3A_309, %dma_start3A_310] : memref<8192x4096xi32, #tpu.memory_space<hbm>> -> memref<8192x4096xi32, #tpu.memory_space<hbm>>
        tpu.enqueue_indirect_dma source(%dma_start3A_311 : memref<8192x4096xi32, #tpu.memory_space<hbm>>) target(%arg10 : memref<8x4096xi32, #tpu.memory_space<vmem>>) offsets(%dma_start3A_308 : memref<8xi32, #tpu.memory_space<vmem>>) semaphore(%arg17 : memref<!tpu.dma_semaphore, #tpu.memory_space<semaphore_mem>>)
      } else {
      }
      %mul3A_186 = arith.constant 8 : i32
      %mul3A_187 = arith.muli %add3A_180, %mul3A_186 : i32
      %dma_wait3A_188 = tpu.memref_slice %arg7[%mul3A_187] : memref<144xi32, #tpu.memory_space<vmem>> -> memref<8xi32, #tpu.memory_space<vmem>>
      %dma_wait3A_189 = arith.constant 0 : i32
      %dma_wait3A_190 = arith.constant 0 : i32
      %dma_wait3A_191 = tpu.memref_slice %arg2[%dma_wait3A_189, %dma_wait3A_190] : memref<8192x4096xi32, #tpu.memory_space<hbm>> -> memref<8192x4096xi32, #tpu.memory_space<hbm>>
      tpu.wait_indirect_dma semaphore(%arg18 : memref<!tpu.dma_semaphore, #tpu.memory_space<semaphore_mem>>) src(%dma_wait3A_191 : memref<8192x4096xi32, #tpu.memory_space<hbm>>) dst(%arg11 : memref<8x4096xi32, #tpu.memory_space<vmem>>)
      %ge3A_192 = arith.constant 1 : i32
      %ge3A_193 = arith.cmpi sge, %add3A_180, %ge3A_192 : i32
      %convert_element_type3A_194 = arith.extui %ge3A_193 : i1 to i32
      %cond3A_195 = arith.constant 0 : i32
      %cond3A_196 = arith.cmpi ne, %convert_element_type3A_194, %cond3A_195 : i32
      scf.if %cond3A_196 {
        %sub3A = arith.constant 1 : i32
        %sub3A_304 = arith.subi %add3A_180, %sub3A : i32
        %mul3A_305 = arith.constant 8 : i32
        %mul3A_306 = arith.muli %sub3A_304, %mul3A_305 : i32
        %add3A_307 = arith.addi %mul3A_2, %mul3A_306 : i32
        %add3A_308 = arith.constant 0 : i32
        %add3A_309 = arith.addi %add3A_307, %add3A_308 : i32
        %mul3A_310 = arith.constant 2016 : i32
        %mul3A_311 = arith.muli %add3A_309, %mul3A_310 : i32
        %dma_wait3A_312 = tpu.memref_slice %arg5[%mul3A_311] : memref<8257536xf32, #tpu.memory_space<hbm>> -> memref<8064xf32, #tpu.memory_space<hbm>>
        %dma_wait3A_313 = tpu.memref_slice %arg5[%mul3A_311] : memref<8257536xf32, #tpu.memory_space<hbm>> -> memref<8064xf32, #tpu.memory_space<hbm>>
        tpu.wait_dma2 semaphore(%arg19 : memref<!tpu.dma_semaphore, #tpu.memory_space<semaphore_mem>>) src(%arg12 : memref<8064xf32, #tpu.memory_space<vmem>>) dst(%dma_wait3A_313 : memref<8064xf32, #tpu.memory_space<hbm>>)
        %dma_wait3A_314 = tpu.memref_slice %arg6[%mul3A_311] : memref<8257536xf32, #tpu.memory_space<hbm>> -> memref<8064xf32, #tpu.memory_space<hbm>>
        %dma_wait3A_315 = tpu.memref_slice %arg6[%mul3A_311] : memref<8257536xf32, #tpu.memory_space<hbm>> -> memref<8064xf32, #tpu.memory_space<hbm>>
        tpu.wait_dma2 semaphore(%arg19 : memref<!tpu.dma_semaphore, #tpu.memory_space<semaphore_mem>>) src(%arg14 : memref<8064xf32, #tpu.memory_space<vmem>>) dst(%dma_wait3A_315 : memref<8064xf32, #tpu.memory_space<hbm>>)
      } else {
      }
      %mul3A_197 = arith.constant 8 : i32
      %mul3A_198 = arith.muli %add3A_180, %mul3A_197 : i32
      %add3A_199 = arith.constant 0 : i32
      %add3A_200 = arith.addi %mul3A_198, %add3A_199 : i32
      %mul3A_201 = arith.constant 64 : i32
      %mul3A_202 = arith.muli %add3A_200, %mul3A_201 : i32
      %broadcast_in_dim3A_203 = vector.broadcast %mul3A_202 : i32 to vector<16xi32>
      %parallel_loop3A_204 = arith.constant 0 : i32
      %parallel_loop3A_205 = arith.constant 126 : i32
      %parallel_loop3A_206 = arith.constant 1 : i32
      scf.for %parallel_loop3A_304 = %parallel_loop3A_204 to %parallel_loop3A_205 step %parallel_loop3A_206  : i32 {
        %parallel_loop3A_305 = arith.constant 2 : i32
        %parallel_loop3A_306 = arith.muli %parallel_loop3A_304, %parallel_loop3A_305 : i32
        %parallel_loop3A_307 = arith.constant 16 : i32
        %parallel_loop3A_308 = arith.muli %parallel_loop3A_306, %parallel_loop3A_307 : i32
        %parallel_loop3A_309 = arith.constant 0 : i32
        %parallel_loop3A_310 = arith.index_cast %parallel_loop3A_309 : i32 to index
        %parallel_loop3A_311 = arith.index_cast %parallel_loop3A_308 : i32 to index
        %parallel_loop3A_312 = tpu.vector_load %arg11[%parallel_loop3A_310, %parallel_loop3A_311] {strides = array<i32>} : memref<8x4096xi32, #tpu.memory_space<vmem>>, vector<16xi32>,
        %parallel_loop3A_313 = arith.constant 2 : i32
        %parallel_loop3A_314 = arith.muli %parallel_loop3A_304, %parallel_loop3A_313 : i32
        %parallel_loop3A_315 = arith.constant 16 : i32
        %parallel_loop3A_316 = arith.muli %parallel_loop3A_314, %parallel_loop3A_315 : i32
        %parallel_loop3A_317 = arith.constant 16 : i32
        %parallel_loop3A_318 = arith.addi %parallel_loop3A_316, %parallel_loop3A_317 : i32
        %parallel_loop3A_319 = arith.constant 0 : i32
        %parallel_loop3A_320 = arith.index_cast %parallel_loop3A_319 : i32 to index
        %parallel_loop3A_321 = arith.index_cast %parallel_loop3A_318 : i32 to index
        %parallel_loop3A_322 = tpu.vector_load %arg11[%parallel_loop3A_320, %parallel_loop3A_321] {strides = array<i32>} : memref<8x4096xi32, #tpu.memory_space<vmem>>, vector<16xi32>,
        %parallel_loop3A_323 = arith.addi %parallel_loop3A_312, %broadcast_in_dim3A_203 : vector<16xi32>
        %parallel_loop3A_324 = tpu.vector_load_idx %arg9[%parallel_loop3A_323] : memref<8192xf32, #tpu.memory_space<vmem>>[vector<16xi32>], vector<16xf32>,
        %parallel_loop3A_325 = arith.addi %parallel_loop3A_322, %broadcast_in_dim3A_203 : vector<16xi32>
        %parallel_loop3A_326 = tpu.vector_load_idx %arg9[%parallel_loop3A_325] : memref<8192xf32, #tpu.memory_space<vmem>>[vector<16xi32>], vector<16xf32>,
        %parallel_loop3A_327 = arith.constant 0 : i32
        %parallel_loop3A_328 = vector.broadcast %parallel_loop3A_327 : i32 to vector<16xi32>
        %parallel_loop3A_329 = arith.cmpi slt, %and3A_7, %parallel_loop3A_328 : vector<16xi32>
        %parallel_loop3A_330 = arith.constant 16 : i32
        %parallel_loop3A_331 = vector.broadcast %parallel_loop3A_330 : i32 to vector<16xi32>
        %parallel_loop3A_332 = arith.addi %and3A_7, %parallel_loop3A_331 : vector<16xi32>
        %parallel_loop3A_333 = arith.select %parallel_loop3A_329, %parallel_loop3A_332, %and3A_7 : vector<16xi1>, vector<16xi32>
        %parallel_loop3A_334 = vector.shape_cast %parallel_loop3A_333 : vector<16xi32> to vector<16x1xi32>
        %parallel_loop3A_335 = vector.shape_cast %parallel_loop3A_334 : vector<16x1xi32> to vector<16xi32>
        %parallel_loop3A_336 = tpu.dynamic_gather %parallel_loop3A_324[%parallel_loop3A_335] in [0] : vector<16xf32>, vector<16xi32> -> vector<16xf32>
        %parallel_loop3A_337 = arith.constant 0 : i32
        %parallel_loop3A_338 = vector.broadcast %parallel_loop3A_337 : i32 to vector<16xi32>
        %parallel_loop3A_339 = arith.cmpi slt, %and3A_7, %parallel_loop3A_338 : vector<16xi32>
        %parallel_loop3A_340 = arith.constant 16 : i32
        %parallel_loop3A_341 = vector.broadcast %parallel_loop3A_340 : i32 to vector<16xi32>
        %parallel_loop3A_342 = arith.addi %and3A_7, %parallel_loop3A_341 : vector<16xi32>
        %parallel_loop3A_343 = arith.select %parallel_loop3A_339, %parallel_loop3A_342, %and3A_7 : vector<16xi1>, vector<16xi32>
        %parallel_loop3A_344 = vector.shape_cast %parallel_loop3A_343 : vector<16xi32> to vector<16x1xi32>
        %parallel_loop3A_345 = vector.shape_cast %parallel_loop3A_344 : vector<16x1xi32> to vector<16xi32>
        %parallel_loop3A_346 = tpu.dynamic_gather %parallel_loop3A_326[%parallel_loop3A_345] in [0] : vector<16xf32>, vector<16xi32> -> vector<16xf32>
        %parallel_loop3A_347 = arith.constant 0 : i32
        %parallel_loop3A_348 = vector.broadcast %parallel_loop3A_347 : i32 to vector<16xi32>
        %parallel_loop3A_349 = arith.cmpi slt, %add3A_10, %parallel_loop3A_348 : vector<16xi32>
        %parallel_loop3A_350 = arith.constant 16 : i32
        %parallel_loop3A_351 = vector.broadcast %parallel_loop3A_350 : i32 to vector<16xi32>
        %parallel_loop3A_352 = arith.addi %add3A_10, %parallel_loop3A_351 : vector<16xi32>
        %parallel_loop3A_353 = arith.select %parallel_loop3A_349, %parallel_loop3A_352, %add3A_10 : vector<16xi1>, vector<16xi32>
        %parallel_loop3A_354 = vector.shape_cast %parallel_loop3A_353 : vector<16xi32> to vector<16x1xi32>
        %parallel_loop3A_355 = vector.shape_cast %parallel_loop3A_354 : vector<16x1xi32> to vector<16xi32>
        %parallel_loop3A_356 = tpu.dynamic_gather %parallel_loop3A_324[%parallel_loop3A_355] in [0] : vector<16xf32>, vector<16xi32> -> vector<16xf32>
        %parallel_loop3A_357 = arith.constant 0 : i32
        %parallel_loop3A_358 = vector.broadcast %parallel_loop3A_357 : i32 to vector<16xi32>
        %parallel_loop3A_359 = arith.cmpi slt, %add3A_10, %parallel_loop3A_358 : vector<16xi32>
        %parallel_loop3A_360 = arith.constant 16 : i32
        %parallel_loop3A_361 = vector.broadcast %parallel_loop3A_360 : i32 to vector<16xi32>
        %parallel_loop3A_362 = arith.addi %add3A_10, %parallel_loop3A_361 : vector<16xi32>
        %parallel_loop3A_363 = arith.select %parallel_loop3A_359, %parallel_loop3A_362, %add3A_10 : vector<16xi1>, vector<16xi32>
        %parallel_loop3A_364 = vector.shape_cast %parallel_loop3A_363 : vector<16xi32> to vector<16x1xi32>
        %parallel_loop3A_365 = vector.shape_cast %parallel_loop3A_364 : vector<16x1xi32> to vector<16xi32>
        %parallel_loop3A_366 = tpu.dynamic_gather %parallel_loop3A_326[%parallel_loop3A_365] in [0] : vector<16xf32>, vector<16xi32> -> vector<16xf32>
        %parallel_loop3A_367 = arith.select %lt3A_12, %parallel_loop3A_336, %parallel_loop3A_346 : vector<16xi1>, vector<16xf32>
        %parallel_loop3A_368 = arith.constant 16 : i32
        %parallel_loop3A_369 = arith.muli %parallel_loop3A_304, %parallel_loop3A_368 : i32
        %parallel_loop3A_370 = arith.constant 0 : i32
        %parallel_loop3A_371 = arith.addi %parallel_loop3A_370, %parallel_loop3A_369 : i32
        %parallel_loop3A_372 = arith.index_cast %parallel_loop3A_371 : i32 to index
        %parallel_loop3A_373 = tpu.vector_load %arg12[%parallel_loop3A_372] {strides = array<i32>} : memref<8064xf32, #tpu.memory_space<vmem>>, vector<16xf32>,
        tpu.vector_store %arg12[%parallel_loop3A_372], %parallel_loop3A_367 {strides = array<i32>} : memref<8064xf32, #tpu.memory_space<vmem>>, vector<16xf32>,
        %parallel_loop3A_374 = arith.select %lt3A_12, %parallel_loop3A_356, %parallel_loop3A_366 : vector<16xi1>, vector<16xf32>
        %parallel_loop3A_375 = arith.constant 16 : i32
        %parallel_loop3A_376 = arith.muli %parallel_loop3A_304, %parallel_loop3A_375 : i32
        %parallel_loop3A_377 = arith.constant 0 : i32
        %parallel_loop3A_378 = arith.addi %parallel_loop3A_377, %parallel_loop3A_376 : i32
        %parallel_loop3A_379 = arith.index_cast %parallel_loop3A_378 : i32 to index
        %parallel_loop3A_380 = tpu.vector_load %arg14[%parallel_loop3A_379] {strides = array<i32>} : memref<8064xf32, #tpu.memory_space<vmem>>, vector<16xf32>,
        tpu.vector_store %arg14[%parallel_loop3A_379], %parallel_loop3A_374 {strides = array<i32>} : memref<8064xf32, #tpu.memory_space<vmem>>, vector<16xf32>,
      } {sc.loop_unroll_factor = 4 : i64, sc.parallel_access}
      %mul3A_207 = arith.constant 8 : i32
      %mul3A_208 = arith.muli %add3A_180, %mul3A_207 : i32
      %add3A_209 = arith.constant 1 : i32
      %add3A_210 = arith.addi %mul3A_208, %add3A_209 : i32
      %mul3A_211 = arith.constant 64 : i32
      %mul3A_212 = arith.muli %add3A_210, %mul3A_211 : i32
      %broadcast_in_dim3A_213 = vector.broadcast %mul3A_212 : i32 to vector<16xi32>
      %parallel_loop3A_214 = arith.constant 0 : i32
      %parallel_loop3A_215 = arith.constant 126 : i32
      %parallel_loop3A_216 = arith.constant 1 : i32
      scf.for %parallel_loop3A_304 = %parallel_loop3A_214 to %parallel_loop3A_215 step %parallel_loop3A_216  : i32 {
        %parallel_loop3A_305 = arith.constant 2 : i32
        %parallel_loop3A_306 = arith.muli %parallel_loop3A_304, %parallel_loop3A_305 : i32
        %parallel_loop3A_307 = arith.constant 16 : i32
        %parallel_loop3A_308 = arith.muli %parallel_loop3A_306, %parallel_loop3A_307 : i32
        %parallel_loop3A_309 = arith.constant 1 : i32
        %parallel_loop3A_310 = arith.index_cast %parallel_loop3A_309 : i32 to index
        %parallel_loop3A_311 = arith.index_cast %parallel_loop3A_308 : i32 to index
        %parallel_loop3A_312 = tpu.vector_load %arg11[%parallel_loop3A_310, %parallel_loop3A_311] {strides = array<i32>} : memref<8x4096xi32, #tpu.memory_space<vmem>>, vector<16xi32>,
        %parallel_loop3A_313 = arith.constant 2 : i32
        %parallel_loop3A_314 = arith.muli %parallel_loop3A_304, %parallel_loop3A_313 : i32
        %parallel_loop3A_315 = arith.constant 16 : i32
        %parallel_loop3A_316 = arith.muli %parallel_loop3A_314, %parallel_loop3A_315 : i32
        %parallel_loop3A_317 = arith.constant 16 : i32
        %parallel_loop3A_318 = arith.addi %parallel_loop3A_316, %parallel_loop3A_317 : i32
        %parallel_loop3A_319 = arith.constant 1 : i32
        %parallel_loop3A_320 = arith.index_cast %parallel_loop3A_319 : i32 to index
        %parallel_loop3A_321 = arith.index_cast %parallel_loop3A_318 : i32 to index
        %parallel_loop3A_322 = tpu.vector_load %arg11[%parallel_loop3A_320, %parallel_loop3A_321] {strides = array<i32>} : memref<8x4096xi32, #tpu.memory_space<vmem>>, vector<16xi32>,
        %parallel_loop3A_323 = arith.addi %parallel_loop3A_312, %broadcast_in_dim3A_213 : vector<16xi32>
        %parallel_loop3A_324 = tpu.vector_load_idx %arg9[%parallel_loop3A_323] : memref<8192xf32, #tpu.memory_space<vmem>>[vector<16xi32>], vector<16xf32>,
        %parallel_loop3A_325 = arith.addi %parallel_loop3A_322, %broadcast_in_dim3A_213 : vector<16xi32>
        %parallel_loop3A_326 = tpu.vector_load_idx %arg9[%parallel_loop3A_325] : memref<8192xf32, #tpu.memory_space<vmem>>[vector<16xi32>], vector<16xf32>,
        %parallel_loop3A_327 = arith.constant 0 : i32
        %parallel_loop3A_328 = vector.broadcast %parallel_loop3A_327 : i32 to vector<16xi32>
        %parallel_loop3A_329 = arith.cmpi slt, %and3A_7, %parallel_loop3A_328 : vector<16xi32>
        %parallel_loop3A_330 = arith.constant 16 : i32
        %parallel_loop3A_331 = vector.broadcast %parallel_loop3A_330 : i32 to vector<16xi32>
        %parallel_loop3A_332 = arith.addi %and3A_7, %parallel_loop3A_331 : vector<16xi32>
        %parallel_loop3A_333 = arith.select %parallel_loop3A_329, %parallel_loop3A_332, %and3A_7 : vector<16xi1>, vector<16xi32>
        %parallel_loop3A_334 = vector.shape_cast %parallel_loop3A_333 : vector<16xi32> to vector<16x1xi32>
        %parallel_loop3A_335 = vector.shape_cast %parallel_loop3A_334 : vector<16x1xi32> to vector<16xi32>
        %parallel_loop3A_336 = tpu.dynamic_gather %parallel_loop3A_324[%parallel_loop3A_335] in [0] : vector<16xf32>, vector<16xi32> -> vector<16xf32>
        %parallel_loop3A_337 = arith.constant 0 : i32
        %parallel_loop3A_338 = vector.broadcast %parallel_loop3A_337 : i32 to vector<16xi32>
        %parallel_loop3A_339 = arith.cmpi slt, %and3A_7, %parallel_loop3A_338 : vector<16xi32>
        %parallel_loop3A_340 = arith.constant 16 : i32
        %parallel_loop3A_341 = vector.broadcast %parallel_loop3A_340 : i32 to vector<16xi32>
        %parallel_loop3A_342 = arith.addi %and3A_7, %parallel_loop3A_341 : vector<16xi32>
        %parallel_loop3A_343 = arith.select %parallel_loop3A_339, %parallel_loop3A_342, %and3A_7 : vector<16xi1>, vector<16xi32>
        %parallel_loop3A_344 = vector.shape_cast %parallel_loop3A_343 : vector<16xi32> to vector<16x1xi32>
        %parallel_loop3A_345 = vector.shape_cast %parallel_loop3A_344 : vector<16x1xi32> to vector<16xi32>
        %parallel_loop3A_346 = tpu.dynamic_gather %parallel_loop3A_326[%parallel_loop3A_345] in [0] : vector<16xf32>, vector<16xi32> -> vector<16xf32>
        %parallel_loop3A_347 = arith.constant 0 : i32
        %parallel_loop3A_348 = vector.broadcast %parallel_loop3A_347 : i32 to vector<16xi32>
        %parallel_loop3A_349 = arith.cmpi slt, %add3A_10, %parallel_loop3A_348 : vector<16xi32>
        %parallel_loop3A_350 = arith.constant 16 : i32
        %parallel_loop3A_351 = vector.broadcast %parallel_loop3A_350 : i32 to vector<16xi32>
        %parallel_loop3A_352 = arith.addi %add3A_10, %parallel_loop3A_351 : vector<16xi32>
        %parallel_loop3A_353 = arith.select %parallel_loop3A_349, %parallel_loop3A_352, %add3A_10 : vector<16xi1>, vector<16xi32>
        %parallel_loop3A_354 = vector.shape_cast %parallel_loop3A_353 : vector<16xi32> to vector<16x1xi32>
        %parallel_loop3A_355 = vector.shape_cast %parallel_loop3A_354 : vector<16x1xi32> to vector<16xi32>
        %parallel_loop3A_356 = tpu.dynamic_gather %parallel_loop3A_324[%parallel_loop3A_355] in [0] : vector<16xf32>, vector<16xi32> -> vector<16xf32>
        %parallel_loop3A_357 = arith.constant 0 : i32
        %parallel_loop3A_358 = vector.broadcast %parallel_loop3A_357 : i32 to vector<16xi32>
        %parallel_loop3A_359 = arith.cmpi slt, %add3A_10, %parallel_loop3A_358 : vector<16xi32>
        %parallel_loop3A_360 = arith.constant 16 : i32
        %parallel_loop3A_361 = vector.broadcast %parallel_loop3A_360 : i32 to vector<16xi32>
        %parallel_loop3A_362 = arith.addi %add3A_10, %parallel_loop3A_361 : vector<16xi32>
        %parallel_loop3A_363 = arith.select %parallel_loop3A_359, %parallel_loop3A_362, %add3A_10 : vector<16xi1>, vector<16xi32>
        %parallel_loop3A_364 = vector.shape_cast %parallel_loop3A_363 : vector<16xi32> to vector<16x1xi32>
        %parallel_loop3A_365 = vector.shape_cast %parallel_loop3A_364 : vector<16x1xi32> to vector<16xi32>
        %parallel_loop3A_366 = tpu.dynamic_gather %parallel_loop3A_326[%parallel_loop3A_365] in [0] : vector<16xf32>, vector<16xi32> -> vector<16xf32>
        %parallel_loop3A_367 = arith.select %lt3A_12, %parallel_loop3A_336, %parallel_loop3A_346 : vector<16xi1>, vector<16xf32>
        %parallel_loop3A_368 = arith.constant 16 : i32
        %parallel_loop3A_369 = arith.muli %parallel_loop3A_304, %parallel_loop3A_368 : i32
        %parallel_loop3A_370 = arith.constant 2016 : i32
        %parallel_loop3A_371 = arith.addi %parallel_loop3A_370, %parallel_loop3A_369 : i32
        %parallel_loop3A_372 = arith.index_cast %parallel_loop3A_371 : i32 to index
        %parallel_loop3A_373 = tpu.vector_load %arg12[%parallel_loop3A_372] {strides = array<i32>} : memref<8064xf32, #tpu.memory_space<vmem>>, vector<16xf32>,
        tpu.vector_store %arg12[%parallel_loop3A_372], %parallel_loop3A_367 {strides = array<i32>} : memref<8064xf32, #tpu.memory_space<vmem>>, vector<16xf32>,
        %parallel_loop3A_374 = arith.select %lt3A_12, %parallel_loop3A_356, %parallel_loop3A_366 : vector<16xi1>, vector<16xf32>
        %parallel_loop3A_375 = arith.constant 16 : i32
        %parallel_loop3A_376 = arith.muli %parallel_loop3A_304, %parallel_loop3A_375 : i32
        %parallel_loop3A_377 = arith.constant 2016 : i32
        %parallel_loop3A_378 = arith.addi %parallel_loop3A_377, %parallel_loop3A_376 : i32
        %parallel_loop3A_379 = arith.index_cast %parallel_loop3A_378 : i32 to index
        %parallel_loop3A_380 = tpu.vector_load %arg14[%parallel_loop3A_379] {strides = array<i32>} : memref<8064xf32, #tpu.memory_space<vmem>>, vector<16xf32>,
        tpu.vector_store %arg14[%parallel_loop3A_379], %parallel_loop3A_374 {strides = array<i32>} : memref<8064xf32, #tpu.memory_space<vmem>>, vector<16xf32>,
      } {sc.loop_unroll_factor = 4 : i64, sc.parallel_access}
      %mul3A_217 = arith.constant 8 : i32
      %mul3A_218 = arith.muli %add3A_180, %mul3A_217 : i32
      %add3A_219 = arith.constant 2 : i32
      %add3A_220 = arith.addi %mul3A_218, %add3A_219 : i32
      %mul3A_221 = arith.constant 64 : i32
      %mul3A_222 = arith.muli %add3A_220, %mul3A_221 : i32
      %broadcast_in_dim3A_223 = vector.broadcast %mul3A_222 : i32 to vector<16xi32>
      %parallel_loop3A_224 = arith.constant 0 : i32
      %parallel_loop3A_225 = arith.constant 126 : i32
      %parallel_loop3A_226 = arith.constant 1 : i32
      scf.for %parallel_loop3A_304 = %parallel_loop3A_224 to %parallel_loop3A_225 step %parallel_loop3A_226  : i32 {
        %parallel_loop3A_305 = arith.constant 2 : i32
        %parallel_loop3A_306 = arith.muli %parallel_loop3A_304, %parallel_loop3A_305 : i32
        %parallel_loop3A_307 = arith.constant 16 : i32
        %parallel_loop3A_308 = arith.muli %parallel_loop3A_306, %parallel_loop3A_307 : i32
        %parallel_loop3A_309 = arith.constant 2 : i32
        %parallel_loop3A_310 = arith.index_cast %parallel_loop3A_309 : i32 to index
        %parallel_loop3A_311 = arith.index_cast %parallel_loop3A_308 : i32 to index
        %parallel_loop3A_312 = tpu.vector_load %arg11[%parallel_loop3A_310, %parallel_loop3A_311] {strides = array<i32>} : memref<8x4096xi32, #tpu.memory_space<vmem>>, vector<16xi32>,
        %parallel_loop3A_313 = arith.constant 2 : i32
        %parallel_loop3A_314 = arith.muli %parallel_loop3A_304, %parallel_loop3A_313 : i32
        %parallel_loop3A_315 = arith.constant 16 : i32
        %parallel_loop3A_316 = arith.muli %parallel_loop3A_314, %parallel_loop3A_315 : i32
        %parallel_loop3A_317 = arith.constant 16 : i32
        %parallel_loop3A_318 = arith.addi %parallel_loop3A_316, %parallel_loop3A_317 : i32
        %parallel_loop3A_319 = arith.constant 2 : i32
        %parallel_loop3A_320 = arith.index_cast %parallel_loop3A_319 : i32 to index
        %parallel_loop3A_321 = arith.index_cast %parallel_loop3A_318 : i32 to index
        %parallel_loop3A_322 = tpu.vector_load %arg11[%parallel_loop3A_320, %parallel_loop3A_321] {strides = array<i32>} : memref<8x4096xi32, #tpu.memory_space<vmem>>, vector<16xi32>,
        %parallel_loop3A_323 = arith.addi %parallel_loop3A_312, %broadcast_in_dim3A_223 : vector<16xi32>
        %parallel_loop3A_324 = tpu.vector_load_idx %arg9[%parallel_loop3A_323] : memref<8192xf32, #tpu.memory_space<vmem>>[vector<16xi32>], vector<16xf32>,
        %parallel_loop3A_325 = arith.addi %parallel_loop3A_322, %broadcast_in_dim3A_223 : vector<16xi32>
        %parallel_loop3A_326 = tpu.vector_load_idx %arg9[%parallel_loop3A_325] : memref<8192xf32, #tpu.memory_space<vmem>>[vector<16xi32>], vector<16xf32>,
        %parallel_loop3A_327 = arith.constant 0 : i32
        %parallel_loop3A_328 = vector.broadcast %parallel_loop3A_327 : i32 to vector<16xi32>
        %parallel_loop3A_329 = arith.cmpi slt, %and3A_7, %parallel_loop3A_328 : vector<16xi32>
        %parallel_loop3A_330 = arith.constant 16 : i32
        %parallel_loop3A_331 = vector.broadcast %parallel_loop3A_330 : i32 to vector<16xi32>
        %parallel_loop3A_332 = arith.addi %and3A_7, %parallel_loop3A_331 : vector<16xi32>
        %parallel_loop3A_333 = arith.select %parallel_loop3A_329, %parallel_loop3A_332, %and3A_7 : vector<16xi1>, vector<16xi32>
        %parallel_loop3A_334 = vector.shape_cast %parallel_loop3A_333 : vector<16xi32> to vector<16x1xi32>
        %parallel_loop3A_335 = vector.shape_cast %parallel_loop3A_334 : vector<16x1xi32> to vector<16xi32>
        %parallel_loop3A_336 = tpu.dynamic_gather %parallel_loop3A_324[%parallel_loop3A_335] in [0] : vector<16xf32>, vector<16xi32> -> vector<16xf32>
        %parallel_loop3A_337 = arith.constant 0 : i32
        %parallel_loop3A_338 = vector.broadcast %parallel_loop3A_337 : i32 to vector<16xi32>
        %parallel_loop3A_339 = arith.cmpi slt, %and3A_7, %parallel_loop3A_338 : vector<16xi32>
        %parallel_loop3A_340 = arith.constant 16 : i32
        %parallel_loop3A_341 = vector.broadcast %parallel_loop3A_340 : i32 to vector<16xi32>
        %parallel_loop3A_342 = arith.addi %and3A_7, %parallel_loop3A_341 : vector<16xi32>
        %parallel_loop3A_343 = arith.select %parallel_loop3A_339, %parallel_loop3A_342, %and3A_7 : vector<16xi1>, vector<16xi32>
        %parallel_loop3A_344 = vector.shape_cast %parallel_loop3A_343 : vector<16xi32> to vector<16x1xi32>
        %parallel_loop3A_345 = vector.shape_cast %parallel_loop3A_344 : vector<16x1xi32> to vector<16xi32>
        %parallel_loop3A_346 = tpu.dynamic_gather %parallel_loop3A_326[%parallel_loop3A_345] in [0] : vector<16xf32>, vector<16xi32> -> vector<16xf32>
        %parallel_loop3A_347 = arith.constant 0 : i32
        %parallel_loop3A_348 = vector.broadcast %parallel_loop3A_347 : i32 to vector<16xi32>
        %parallel_loop3A_349 = arith.cmpi slt, %add3A_10, %parallel_loop3A_348 : vector<16xi32>
        %parallel_loop3A_350 = arith.constant 16 : i32
        %parallel_loop3A_351 = vector.broadcast %parallel_loop3A_350 : i32 to vector<16xi32>
        %parallel_loop3A_352 = arith.addi %add3A_10, %parallel_loop3A_351 : vector<16xi32>
        %parallel_loop3A_353 = arith.select %parallel_loop3A_349, %parallel_loop3A_352, %add3A_10 : vector<16xi1>, vector<16xi32>
        %parallel_loop3A_354 = vector.shape_cast %parallel_loop3A_353 : vector<16xi32> to vector<16x1xi32>
        %parallel_loop3A_355 = vector.shape_cast %parallel_loop3A_354 : vector<16x1xi32> to vector<16xi32>
        %parallel_loop3A_356 = tpu.dynamic_gather %parallel_loop3A_324[%parallel_loop3A_355] in [0] : vector<16xf32>, vector<16xi32> -> vector<16xf32>
        %parallel_loop3A_357 = arith.constant 0 : i32
        %parallel_loop3A_358 = vector.broadcast %parallel_loop3A_357 : i32 to vector<16xi32>
        %parallel_loop3A_359 = arith.cmpi slt, %add3A_10, %parallel_loop3A_358 : vector<16xi32>
        %parallel_loop3A_360 = arith.constant 16 : i32
        %parallel_loop3A_361 = vector.broadcast %parallel_loop3A_360 : i32 to vector<16xi32>
        %parallel_loop3A_362 = arith.addi %add3A_10, %parallel_loop3A_361 : vector<16xi32>
        %parallel_loop3A_363 = arith.select %parallel_loop3A_359, %parallel_loop3A_362, %add3A_10 : vector<16xi1>, vector<16xi32>
        %parallel_loop3A_364 = vector.shape_cast %parallel_loop3A_363 : vector<16xi32> to vector<16x1xi32>
        %parallel_loop3A_365 = vector.shape_cast %parallel_loop3A_364 : vector<16x1xi32> to vector<16xi32>
        %parallel_loop3A_366 = tpu.dynamic_gather %parallel_loop3A_326[%parallel_loop3A_365] in [0] : vector<16xf32>, vector<16xi32> -> vector<16xf32>
        %parallel_loop3A_367 = arith.select %lt3A_12, %parallel_loop3A_336, %parallel_loop3A_346 : vector<16xi1>, vector<16xf32>
        %parallel_loop3A_368 = arith.constant 16 : i32
        %parallel_loop3A_369 = arith.muli %parallel_loop3A_304, %parallel_loop3A_368 : i32
        %parallel_loop3A_370 = arith.constant 4032 : i32
        %parallel_loop3A_371 = arith.addi %parallel_loop3A_370, %parallel_loop3A_369 : i32
        %parallel_loop3A_372 = arith.index_cast %parallel_loop3A_371 : i32 to index
        %parallel_loop3A_373 = tpu.vector_load %arg12[%parallel_loop3A_372] {strides = array<i32>} : memref<8064xf32, #tpu.memory_space<vmem>>, vector<16xf32>,
        tpu.vector_store %arg12[%parallel_loop3A_372], %parallel_loop3A_367 {strides = array<i32>} : memref<8064xf32, #tpu.memory_space<vmem>>, vector<16xf32>,
        %parallel_loop3A_374 = arith.select %lt3A_12, %parallel_loop3A_356, %parallel_loop3A_366 : vector<16xi1>, vector<16xf32>
        %parallel_loop3A_375 = arith.constant 16 : i32
        %parallel_loop3A_376 = arith.muli %parallel_loop3A_304, %parallel_loop3A_375 : i32
        %parallel_loop3A_377 = arith.constant 4032 : i32
        %parallel_loop3A_378 = arith.addi %parallel_loop3A_377, %parallel_loop3A_376 : i32
        %parallel_loop3A_379 = arith.index_cast %parallel_loop3A_378 : i32 to index
        %parallel_loop3A_380 = tpu.vector_load %arg14[%parallel_loop3A_379] {strides = array<i32>} : memref<8064xf32, #tpu.memory_space<vmem>>, vector<16xf32>,
        tpu.vector_store %arg14[%parallel_loop3A_379], %parallel_loop3A_374 {strides = array<i32>} : memref<8064xf32, #tpu.memory_space<vmem>>, vector<16xf32>,
      } {sc.loop_unroll_factor = 4 : i64, sc.parallel_access}
      %mul3A_227 = arith.constant 8 : i32
      %mul3A_228 = arith.muli %add3A_180, %mul3A_227 : i32
      %add3A_229 = arith.constant 3 : i32
      %add3A_230 = arith.addi %mul3A_228, %add3A_229 : i32
      %mul3A_231 = arith.constant 64 : i32
      %mul3A_232 = arith.muli %add3A_230, %mul3A_231 : i32
      %broadcast_in_dim3A_233 = vector.broadcast %mul3A_232 : i32 to vector<16xi32>
      %parallel_loop3A_234 = arith.constant 0 : i32
      %parallel_loop3A_235 = arith.constant 126 : i32
      %parallel_loop3A_236 = arith.constant 1 : i32
      scf.for %parallel_loop3A_304 = %parallel_loop3A_234 to %parallel_loop3A_235 step %parallel_loop3A_236  : i32 {
        %parallel_loop3A_305 = arith.constant 2 : i32
        %parallel_loop3A_306 = arith.muli %parallel_loop3A_304, %parallel_loop3A_305 : i32
        %parallel_loop3A_307 = arith.constant 16 : i32
        %parallel_loop3A_308 = arith.muli %parallel_loop3A_306, %parallel_loop3A_307 : i32
        %parallel_loop3A_309 = arith.constant 3 : i32
        %parallel_loop3A_310 = arith.index_cast %parallel_loop3A_309 : i32 to index
        %parallel_loop3A_311 = arith.index_cast %parallel_loop3A_308 : i32 to index
        %parallel_loop3A_312 = tpu.vector_load %arg11[%parallel_loop3A_310, %parallel_loop3A_311] {strides = array<i32>} : memref<8x4096xi32, #tpu.memory_space<vmem>>, vector<16xi32>,
        %parallel_loop3A_313 = arith.constant 2 : i32
        %parallel_loop3A_314 = arith.muli %parallel_loop3A_304, %parallel_loop3A_313 : i32
        %parallel_loop3A_315 = arith.constant 16 : i32
        %parallel_loop3A_316 = arith.muli %parallel_loop3A_314, %parallel_loop3A_315 : i32
        %parallel_loop3A_317 = arith.constant 16 : i32
        %parallel_loop3A_318 = arith.addi %parallel_loop3A_316, %parallel_loop3A_317 : i32
        %parallel_loop3A_319 = arith.constant 3 : i32
        %parallel_loop3A_320 = arith.index_cast %parallel_loop3A_319 : i32 to index
        %parallel_loop3A_321 = arith.index_cast %parallel_loop3A_318 : i32 to index
        %parallel_loop3A_322 = tpu.vector_load %arg11[%parallel_loop3A_320, %parallel_loop3A_321] {strides = array<i32>} : memref<8x4096xi32, #tpu.memory_space<vmem>>, vector<16xi32>,
        %parallel_loop3A_323 = arith.addi %parallel_loop3A_312, %broadcast_in_dim3A_233 : vector<16xi32>
        %parallel_loop3A_324 = tpu.vector_load_idx %arg9[%parallel_loop3A_323] : memref<8192xf32, #tpu.memory_space<vmem>>[vector<16xi32>], vector<16xf32>,
        %parallel_loop3A_325 = arith.addi %parallel_loop3A_322, %broadcast_in_dim3A_233 : vector<16xi32>
        %parallel_loop3A_326 = tpu.vector_load_idx %arg9[%parallel_loop3A_325] : memref<8192xf32, #tpu.memory_space<vmem>>[vector<16xi32>], vector<16xf32>,
        %parallel_loop3A_327 = arith.constant 0 : i32
        %parallel_loop3A_328 = vector.broadcast %parallel_loop3A_327 : i32 to vector<16xi32>
        %parallel_loop3A_329 = arith.cmpi slt, %and3A_7, %parallel_loop3A_328 : vector<16xi32>
        %parallel_loop3A_330 = arith.constant 16 : i32
        %parallel_loop3A_331 = vector.broadcast %parallel_loop3A_330 : i32 to vector<16xi32>
        %parallel_loop3A_332 = arith.addi %and3A_7, %parallel_loop3A_331 : vector<16xi32>
        %parallel_loop3A_333 = arith.select %parallel_loop3A_329, %parallel_loop3A_332, %and3A_7 : vector<16xi1>, vector<16xi32>
        %parallel_loop3A_334 = vector.shape_cast %parallel_loop3A_333 : vector<16xi32> to vector<16x1xi32>
        %parallel_loop3A_335 = vector.shape_cast %parallel_loop3A_334 : vector<16x1xi32> to vector<16xi32>
        %parallel_loop3A_336 = tpu.dynamic_gather %parallel_loop3A_324[%parallel_loop3A_335] in [0] : vector<16xf32>, vector<16xi32> -> vector<16xf32>
        %parallel_loop3A_337 = arith.constant 0 : i32
        %parallel_loop3A_338 = vector.broadcast %parallel_loop3A_337 : i32 to vector<16xi32>
        %parallel_loop3A_339 = arith.cmpi slt, %and3A_7, %parallel_loop3A_338 : vector<16xi32>
        %parallel_loop3A_340 = arith.constant 16 : i32
        %parallel_loop3A_341 = vector.broadcast %parallel_loop3A_340 : i32 to vector<16xi32>
        %parallel_loop3A_342 = arith.addi %and3A_7, %parallel_loop3A_341 : vector<16xi32>
        %parallel_loop3A_343 = arith.select %parallel_loop3A_339, %parallel_loop3A_342, %and3A_7 : vector<16xi1>, vector<16xi32>
        %parallel_loop3A_344 = vector.shape_cast %parallel_loop3A_343 : vector<16xi32> to vector<16x1xi32>
        %parallel_loop3A_345 = vector.shape_cast %parallel_loop3A_344 : vector<16x1xi32> to vector<16xi32>
        %parallel_loop3A_346 = tpu.dynamic_gather %parallel_loop3A_326[%parallel_loop3A_345] in [0] : vector<16xf32>, vector<16xi32> -> vector<16xf32>
        %parallel_loop3A_347 = arith.constant 0 : i32
        %parallel_loop3A_348 = vector.broadcast %parallel_loop3A_347 : i32 to vector<16xi32>
        %parallel_loop3A_349 = arith.cmpi slt, %add3A_10, %parallel_loop3A_348 : vector<16xi32>
        %parallel_loop3A_350 = arith.constant 16 : i32
        %parallel_loop3A_351 = vector.broadcast %parallel_loop3A_350 : i32 to vector<16xi32>
        %parallel_loop3A_352 = arith.addi %add3A_10, %parallel_loop3A_351 : vector<16xi32>
        %parallel_loop3A_353 = arith.select %parallel_loop3A_349, %parallel_loop3A_352, %add3A_10 : vector<16xi1>, vector<16xi32>
        %parallel_loop3A_354 = vector.shape_cast %parallel_loop3A_353 : vector<16xi32> to vector<16x1xi32>
        %parallel_loop3A_355 = vector.shape_cast %parallel_loop3A_354 : vector<16x1xi32> to vector<16xi32>
        %parallel_loop3A_356 = tpu.dynamic_gather %parallel_loop3A_324[%parallel_loop3A_355] in [0] : vector<16xf32>, vector<16xi32> -> vector<16xf32>
        %parallel_loop3A_357 = arith.constant 0 : i32
        %parallel_loop3A_358 = vector.broadcast %parallel_loop3A_357 : i32 to vector<16xi32>
        %parallel_loop3A_359 = arith.cmpi slt, %add3A_10, %parallel_loop3A_358 : vector<16xi32>
        %parallel_loop3A_360 = arith.constant 16 : i32
        %parallel_loop3A_361 = vector.broadcast %parallel_loop3A_360 : i32 to vector<16xi32>
        %parallel_loop3A_362 = arith.addi %add3A_10, %parallel_loop3A_361 : vector<16xi32>
        %parallel_loop3A_363 = arith.select %parallel_loop3A_359, %parallel_loop3A_362, %add3A_10 : vector<16xi1>, vector<16xi32>
        %parallel_loop3A_364 = vector.shape_cast %parallel_loop3A_363 : vector<16xi32> to vector<16x1xi32>
        %parallel_loop3A_365 = vector.shape_cast %parallel_loop3A_364 : vector<16x1xi32> to vector<16xi32>
        %parallel_loop3A_366 = tpu.dynamic_gather %parallel_loop3A_326[%parallel_loop3A_365] in [0] : vector<16xf32>, vector<16xi32> -> vector<16xf32>
        %parallel_loop3A_367 = arith.select %lt3A_12, %parallel_loop3A_336, %parallel_loop3A_346 : vector<16xi1>, vector<16xf32>
        %parallel_loop3A_368 = arith.constant 16 : i32
        %parallel_loop3A_369 = arith.muli %parallel_loop3A_304, %parallel_loop3A_368 : i32
        %parallel_loop3A_370 = arith.constant 6048 : i32
        %parallel_loop3A_371 = arith.addi %parallel_loop3A_370, %parallel_loop3A_369 : i32
        %parallel_loop3A_372 = arith.index_cast %parallel_loop3A_371 : i32 to index
        %parallel_loop3A_373 = tpu.vector_load %arg12[%parallel_loop3A_372] {strides = array<i32>} : memref<8064xf32, #tpu.memory_space<vmem>>, vector<16xf32>,
        tpu.vector_store %arg12[%parallel_loop3A_372], %parallel_loop3A_367 {strides = array<i32>} : memref<8064xf32, #tpu.memory_space<vmem>>, vector<16xf32>,
        %parallel_loop3A_374 = arith.select %lt3A_12, %parallel_loop3A_356, %parallel_loop3A_366 : vector<16xi1>, vector<16xf32>
        %parallel_loop3A_375 = arith.constant 16 : i32
        %parallel_loop3A_376 = arith.muli %parallel_loop3A_304, %parallel_loop3A_375 : i32
        %parallel_loop3A_377 = arith.constant 6048 : i32
        %parallel_loop3A_378 = arith.addi %parallel_loop3A_377, %parallel_loop3A_376 : i32
        %parallel_loop3A_379 = arith.index_cast %parallel_loop3A_378 : i32 to index
        %parallel_loop3A_380 = tpu.vector_load %arg14[%parallel_loop3A_379] {strides = array<i32>} : memref<8064xf32, #tpu.memory_space<vmem>>, vector<16xf32>,
        tpu.vector_store %arg14[%parallel_loop3A_379], %parallel_loop3A_374 {strides = array<i32>} : memref<8064xf32, #tpu.memory_space<vmem>>, vector<16xf32>,
      } {sc.loop_unroll_factor = 4 : i64, sc.parallel_access}
      %mul3A_237 = arith.constant 8 : i32
      %mul3A_238 = arith.muli %add3A_180, %mul3A_237 : i32
      %add3A_239 = arith.addi %mul3A_2, %mul3A_238 : i32
      %add3A_240 = arith.constant 0 : i32
      %add3A_241 = arith.addi %add3A_239, %add3A_240 : i32
      %mul3A_242 = arith.constant 2016 : i32
      %mul3A_243 = arith.muli %add3A_241, %mul3A_242 : i32
      %dma_start3A_244 = tpu.memref_slice %arg5[%mul3A_243] : memref<8257536xf32, #tpu.memory_space<hbm>> -> memref<8064xf32, #tpu.memory_space<hbm>>
      %dma_start3A_245 = tpu.memref_slice %arg5[%mul3A_243] : memref<8257536xf32, #tpu.memory_space<hbm>> -> memref<8064xf32, #tpu.memory_space<hbm>>
      tpu.enqueue_dma source(%arg12 : memref<8064xf32, #tpu.memory_space<vmem>>) target(%dma_start3A_245 : memref<8064xf32, #tpu.memory_space<hbm>>) target_semaphore(%arg19 : memref<!tpu.dma_semaphore, #tpu.memory_space<semaphore_mem>>)
      %dma_start3A_246 = tpu.memref_slice %arg6[%mul3A_243] : memref<8257536xf32, #tpu.memory_space<hbm>> -> memref<8064xf32, #tpu.memory_space<hbm>>
      %dma_start3A_247 = tpu.memref_slice %arg6[%mul3A_243] : memref<8257536xf32, #tpu.memory_space<hbm>> -> memref<8064xf32, #tpu.memory_space<hbm>>
      tpu.enqueue_dma source(%arg14 : memref<8064xf32, #tpu.memory_space<vmem>>) target(%dma_start3A_247 : memref<8064xf32, #tpu.memory_space<hbm>>) target_semaphore(%arg19 : memref<!tpu.dma_semaphore, #tpu.memory_space<semaphore_mem>>)
      %ge3A_248 = arith.constant 1 : i32
      %ge3A_249 = arith.cmpi sge, %add3A_180, %ge3A_248 : i32
      %convert_element_type3A_250 = arith.extui %ge3A_249 : i1 to i32
      %cond3A_251 = arith.constant 0 : i32
      %cond3A_252 = arith.cmpi ne, %convert_element_type3A_250, %cond3A_251 : i32
      scf.if %cond3A_252 {
        %sub3A = arith.constant 1 : i32
        %sub3A_304 = arith.subi %add3A_180, %sub3A : i32
        %mul3A_305 = arith.constant 8 : i32
        %mul3A_306 = arith.muli %sub3A_304, %mul3A_305 : i32
        %add3A_307 = arith.addi %mul3A_2, %mul3A_306 : i32
        %add3A_308 = arith.constant 4 : i32
        %add3A_309 = arith.addi %add3A_307, %add3A_308 : i32
        %mul3A_310 = arith.constant 2016 : i32
        %mul3A_311 = arith.muli %add3A_309, %mul3A_310 : i32
        %dma_wait3A_312 = tpu.memref_slice %arg5[%mul3A_311] : memref<8257536xf32, #tpu.memory_space<hbm>> -> memref<8064xf32, #tpu.memory_space<hbm>>
        %dma_wait3A_313 = tpu.memref_slice %arg5[%mul3A_311] : memref<8257536xf32, #tpu.memory_space<hbm>> -> memref<8064xf32, #tpu.memory_space<hbm>>
        tpu.wait_dma2 semaphore(%arg20 : memref<!tpu.dma_semaphore, #tpu.memory_space<semaphore_mem>>) src(%arg13 : memref<8064xf32, #tpu.memory_space<vmem>>) dst(%dma_wait3A_313 : memref<8064xf32, #tpu.memory_space<hbm>>)
        %dma_wait3A_314 = tpu.memref_slice %arg6[%mul3A_311] : memref<8257536xf32, #tpu.memory_space<hbm>> -> memref<8064xf32, #tpu.memory_space<hbm>>
        %dma_wait3A_315 = tpu.memref_slice %arg6[%mul3A_311] : memref<8257536xf32, #tpu.memory_space<hbm>> -> memref<8064xf32, #tpu.memory_space<hbm>>
        tpu.wait_dma2 semaphore(%arg20 : memref<!tpu.dma_semaphore, #tpu.memory_space<semaphore_mem>>) src(%arg15 : memref<8064xf32, #tpu.memory_space<vmem>>) dst(%dma_wait3A_315 : memref<8064xf32, #tpu.memory_space<hbm>>)
      } else {
      }
      %mul3A_253 = arith.constant 8 : i32
      %mul3A_254 = arith.muli %add3A_180, %mul3A_253 : i32
      %add3A_255 = arith.constant 4 : i32
      %add3A_256 = arith.addi %mul3A_254, %add3A_255 : i32
      %mul3A_257 = arith.constant 64 : i32
      %mul3A_258 = arith.muli %add3A_256, %mul3A_257 : i32
      %broadcast_in_dim3A_259 = vector.broadcast %mul3A_258 : i32 to vector<16xi32>
      %parallel_loop3A_260 = arith.constant 0 : i32
      %parallel_loop3A_261 = arith.constant 126 : i32
      %parallel_loop3A_262 = arith.constant 1 : i32
      scf.for %parallel_loop3A_304 = %parallel_loop3A_260 to %parallel_loop3A_261 step %parallel_loop3A_262  : i32 {
        %parallel_loop3A_305 = arith.constant 2 : i32
        %parallel_loop3A_306 = arith.muli %parallel_loop3A_304, %parallel_loop3A_305 : i32
        %parallel_loop3A_307 = arith.constant 16 : i32
        %parallel_loop3A_308 = arith.muli %parallel_loop3A_306, %parallel_loop3A_307 : i32
        %parallel_loop3A_309 = arith.constant 4 : i32
        %parallel_loop3A_310 = arith.index_cast %parallel_loop3A_309 : i32 to index
        %parallel_loop3A_311 = arith.index_cast %parallel_loop3A_308 : i32 to index
        %parallel_loop3A_312 = tpu.vector_load %arg11[%parallel_loop3A_310, %parallel_loop3A_311] {strides = array<i32>} : memref<8x4096xi32, #tpu.memory_space<vmem>>, vector<16xi32>,
        %parallel_loop3A_313 = arith.constant 2 : i32
        %parallel_loop3A_314 = arith.muli %parallel_loop3A_304, %parallel_loop3A_313 : i32
        %parallel_loop3A_315 = arith.constant 16 : i32
        %parallel_loop3A_316 = arith.muli %parallel_loop3A_314, %parallel_loop3A_315 : i32
        %parallel_loop3A_317 = arith.constant 16 : i32
        %parallel_loop3A_318 = arith.addi %parallel_loop3A_316, %parallel_loop3A_317 : i32
        %parallel_loop3A_319 = arith.constant 4 : i32
        %parallel_loop3A_320 = arith.index_cast %parallel_loop3A_319 : i32 to index
        %parallel_loop3A_321 = arith.index_cast %parallel_loop3A_318 : i32 to index
        %parallel_loop3A_322 = tpu.vector_load %arg11[%parallel_loop3A_320, %parallel_loop3A_321] {strides = array<i32>} : memref<8x4096xi32, #tpu.memory_space<vmem>>, vector<16xi32>,
        %parallel_loop3A_323 = arith.addi %parallel_loop3A_312, %broadcast_in_dim3A_259 : vector<16xi32>
        %parallel_loop3A_324 = tpu.vector_load_idx %arg9[%parallel_loop3A_323] : memref<8192xf32, #tpu.memory_space<vmem>>[vector<16xi32>], vector<16xf32>,
        %parallel_loop3A_325 = arith.addi %parallel_loop3A_322, %broadcast_in_dim3A_259 : vector<16xi32>
        %parallel_loop3A_326 = tpu.vector_load_idx %arg9[%parallel_loop3A_325] : memref<8192xf32, #tpu.memory_space<vmem>>[vector<16xi32>], vector<16xf32>,
        %parallel_loop3A_327 = arith.constant 0 : i32
        %parallel_loop3A_328 = vector.broadcast %parallel_loop3A_327 : i32 to vector<16xi32>
        %parallel_loop3A_329 = arith.cmpi slt, %and3A_7, %parallel_loop3A_328 : vector<16xi32>
        %parallel_loop3A_330 = arith.constant 16 : i32
        %parallel_loop3A_331 = vector.broadcast %parallel_loop3A_330 : i32 to vector<16xi32>
        %parallel_loop3A_332 = arith.addi %and3A_7, %parallel_loop3A_331 : vector<16xi32>
        %parallel_loop3A_333 = arith.select %parallel_loop3A_329, %parallel_loop3A_332, %and3A_7 : vector<16xi1>, vector<16xi32>
        %parallel_loop3A_334 = vector.shape_cast %parallel_loop3A_333 : vector<16xi32> to vector<16x1xi32>
        %parallel_loop3A_335 = vector.shape_cast %parallel_loop3A_334 : vector<16x1xi32> to vector<16xi32>
        %parallel_loop3A_336 = tpu.dynamic_gather %parallel_loop3A_324[%parallel_loop3A_335] in [0] : vector<16xf32>, vector<16xi32> -> vector<16xf32>
        %parallel_loop3A_337 = arith.constant 0 : i32
        %parallel_loop3A_338 = vector.broadcast %parallel_loop3A_337 : i32 to vector<16xi32>
        %parallel_loop3A_339 = arith.cmpi slt, %and3A_7, %parallel_loop3A_338 : vector<16xi32>
        %parallel_loop3A_340 = arith.constant 16 : i32
        %parallel_loop3A_341 = vector.broadcast %parallel_loop3A_340 : i32 to vector<16xi32>
        %parallel_loop3A_342 = arith.addi %and3A_7, %parallel_loop3A_341 : vector<16xi32>
        %parallel_loop3A_343 = arith.select %parallel_loop3A_339, %parallel_loop3A_342, %and3A_7 : vector<16xi1>, vector<16xi32>
        %parallel_loop3A_344 = vector.shape_cast %parallel_loop3A_343 : vector<16xi32> to vector<16x1xi32>
        %parallel_loop3A_345 = vector.shape_cast %parallel_loop3A_344 : vector<16x1xi32> to vector<16xi32>
        %parallel_loop3A_346 = tpu.dynamic_gather %parallel_loop3A_326[%parallel_loop3A_345] in [0] : vector<16xf32>, vector<16xi32> -> vector<16xf32>
        %parallel_loop3A_347 = arith.constant 0 : i32
        %parallel_loop3A_348 = vector.broadcast %parallel_loop3A_347 : i32 to vector<16xi32>
        %parallel_loop3A_349 = arith.cmpi slt, %add3A_10, %parallel_loop3A_348 : vector<16xi32>
        %parallel_loop3A_350 = arith.constant 16 : i32
        %parallel_loop3A_351 = vector.broadcast %parallel_loop3A_350 : i32 to vector<16xi32>
        %parallel_loop3A_352 = arith.addi %add3A_10, %parallel_loop3A_351 : vector<16xi32>
        %parallel_loop3A_353 = arith.select %parallel_loop3A_349, %parallel_loop3A_352, %add3A_10 : vector<16xi1>, vector<16xi32>
        %parallel_loop3A_354 = vector.shape_cast %parallel_loop3A_353 : vector<16xi32> to vector<16x1xi32>
        %parallel_loop3A_355 = vector.shape_cast %parallel_loop3A_354 : vector<16x1xi32> to vector<16xi32>
        %parallel_loop3A_356 = tpu.dynamic_gather %parallel_loop3A_324[%parallel_loop3A_355] in [0] : vector<16xf32>, vector<16xi32> -> vector<16xf32>
        %parallel_loop3A_357 = arith.constant 0 : i32
        %parallel_loop3A_358 = vector.broadcast %parallel_loop3A_357 : i32 to vector<16xi32>
        %parallel_loop3A_359 = arith.cmpi slt, %add3A_10, %parallel_loop3A_358 : vector<16xi32>
        %parallel_loop3A_360 = arith.constant 16 : i32
        %parallel_loop3A_361 = vector.broadcast %parallel_loop3A_360 : i32 to vector<16xi32>
        %parallel_loop3A_362 = arith.addi %add3A_10, %parallel_loop3A_361 : vector<16xi32>
        %parallel_loop3A_363 = arith.select %parallel_loop3A_359, %parallel_loop3A_362, %add3A_10 : vector<16xi1>, vector<16xi32>
        %parallel_loop3A_364 = vector.shape_cast %parallel_loop3A_363 : vector<16xi32> to vector<16x1xi32>
        %parallel_loop3A_365 = vector.shape_cast %parallel_loop3A_364 : vector<16x1xi32> to vector<16xi32>
        %parallel_loop3A_366 = tpu.dynamic_gather %parallel_loop3A_326[%parallel_loop3A_365] in [0] : vector<16xf32>, vector<16xi32> -> vector<16xf32>
        %parallel_loop3A_367 = arith.select %lt3A_12, %parallel_loop3A_336, %parallel_loop3A_346 : vector<16xi1>, vector<16xf32>
        %parallel_loop3A_368 = arith.constant 16 : i32
        %parallel_loop3A_369 = arith.muli %parallel_loop3A_304, %parallel_loop3A_368 : i32
        %parallel_loop3A_370 = arith.constant 0 : i32
        %parallel_loop3A_371 = arith.addi %parallel_loop3A_370, %parallel_loop3A_369 : i32
        %parallel_loop3A_372 = arith.index_cast %parallel_loop3A_371 : i32 to index
        %parallel_loop3A_373 = tpu.vector_load %arg13[%parallel_loop3A_372] {strides = array<i32>} : memref<8064xf32, #tpu.memory_space<vmem>>, vector<16xf32>,
        tpu.vector_store %arg13[%parallel_loop3A_372], %parallel_loop3A_367 {strides = array<i32>} : memref<8064xf32, #tpu.memory_space<vmem>>, vector<16xf32>,
        %parallel_loop3A_374 = arith.select %lt3A_12, %parallel_loop3A_356, %parallel_loop3A_366 : vector<16xi1>, vector<16xf32>
        %parallel_loop3A_375 = arith.constant 16 : i32
        %parallel_loop3A_376 = arith.muli %parallel_loop3A_304, %parallel_loop3A_375 : i32
        %parallel_loop3A_377 = arith.constant 0 : i32
        %parallel_loop3A_378 = arith.addi %parallel_loop3A_377, %parallel_loop3A_376 : i32
        %parallel_loop3A_379 = arith.index_cast %parallel_loop3A_378 : i32 to index
        %parallel_loop3A_380 = tpu.vector_load %arg15[%parallel_loop3A_379] {strides = array<i32>} : memref<8064xf32, #tpu.memory_space<vmem>>, vector<16xf32>,
        tpu.vector_store %arg15[%parallel_loop3A_379], %parallel_loop3A_374 {strides = array<i32>} : memref<8064xf32, #tpu.memory_space<vmem>>, vector<16xf32>,
      } {sc.loop_unroll_factor = 4 : i64, sc.parallel_access}
      %mul3A_263 = arith.constant 8 : i32
      %mul3A_264 = arith.muli %add3A_180, %mul3A_263 : i32
      %add3A_265 = arith.constant 5 : i32
      %add3A_266 = arith.addi %mul3A_264, %add3A_265 : i32
      %mul3A_267 = arith.constant 64 : i32
      %mul3A_268 = arith.muli %add3A_266, %mul3A_267 : i32
      %broadcast_in_dim3A_269 = vector.broadcast %mul3A_268 : i32 to vector<16xi32>
      %parallel_loop3A_270 = arith.constant 0 : i32
      %parallel_loop3A_271 = arith.constant 126 : i32
      %parallel_loop3A_272 = arith.constant 1 : i32
      scf.for %parallel_loop3A_304 = %parallel_loop3A_270 to %parallel_loop3A_271 step %parallel_loop3A_272  : i32 {
        %parallel_loop3A_305 = arith.constant 2 : i32
        %parallel_loop3A_306 = arith.muli %parallel_loop3A_304, %parallel_loop3A_305 : i32
        %parallel_loop3A_307 = arith.constant 16 : i32
        %parallel_loop3A_308 = arith.muli %parallel_loop3A_306, %parallel_loop3A_307 : i32
        %parallel_loop3A_309 = arith.constant 5 : i32
        %parallel_loop3A_310 = arith.index_cast %parallel_loop3A_309 : i32 to index
        %parallel_loop3A_311 = arith.index_cast %parallel_loop3A_308 : i32 to index
        %parallel_loop3A_312 = tpu.vector_load %arg11[%parallel_loop3A_310, %parallel_loop3A_311] {strides = array<i32>} : memref<8x4096xi32, #tpu.memory_space<vmem>>, vector<16xi32>,
        %parallel_loop3A_313 = arith.constant 2 : i32
        %parallel_loop3A_314 = arith.muli %parallel_loop3A_304, %parallel_loop3A_313 : i32
        %parallel_loop3A_315 = arith.constant 16 : i32
        %parallel_loop3A_316 = arith.muli %parallel_loop3A_314, %parallel_loop3A_315 : i32
        %parallel_loop3A_317 = arith.constant 16 : i32
        %parallel_loop3A_318 = arith.addi %parallel_loop3A_316, %parallel_loop3A_317 : i32
        %parallel_loop3A_319 = arith.constant 5 : i32
        %parallel_loop3A_320 = arith.index_cast %parallel_loop3A_319 : i32 to index
        %parallel_loop3A_321 = arith.index_cast %parallel_loop3A_318 : i32 to index
        %parallel_loop3A_322 = tpu.vector_load %arg11[%parallel_loop3A_320, %parallel_loop3A_321] {strides = array<i32>} : memref<8x4096xi32, #tpu.memory_space<vmem>>, vector<16xi32>,
        %parallel_loop3A_323 = arith.addi %parallel_loop3A_312, %broadcast_in_dim3A_269 : vector<16xi32>
        %parallel_loop3A_324 = tpu.vector_load_idx %arg9[%parallel_loop3A_323] : memref<8192xf32, #tpu.memory_space<vmem>>[vector<16xi32>], vector<16xf32>,
        %parallel_loop3A_325 = arith.addi %parallel_loop3A_322, %broadcast_in_dim3A_269 : vector<16xi32>
        %parallel_loop3A_326 = tpu.vector_load_idx %arg9[%parallel_loop3A_325] : memref<8192xf32, #tpu.memory_space<vmem>>[vector<16xi32>], vector<16xf32>,
        %parallel_loop3A_327 = arith.constant 0 : i32
        %parallel_loop3A_328 = vector.broadcast %parallel_loop3A_327 : i32 to vector<16xi32>
        %parallel_loop3A_329 = arith.cmpi slt, %and3A_7, %parallel_loop3A_328 : vector<16xi32>
        %parallel_loop3A_330 = arith.constant 16 : i32
        %parallel_loop3A_331 = vector.broadcast %parallel_loop3A_330 : i32 to vector<16xi32>
        %parallel_loop3A_332 = arith.addi %and3A_7, %parallel_loop3A_331 : vector<16xi32>
        %parallel_loop3A_333 = arith.select %parallel_loop3A_329, %parallel_loop3A_332, %and3A_7 : vector<16xi1>, vector<16xi32>
        %parallel_loop3A_334 = vector.shape_cast %parallel_loop3A_333 : vector<16xi32> to vector<16x1xi32>
        %parallel_loop3A_335 = vector.shape_cast %parallel_loop3A_334 : vector<16x1xi32> to vector<16xi32>
        %parallel_loop3A_336 = tpu.dynamic_gather %parallel_loop3A_324[%parallel_loop3A_335] in [0] : vector<16xf32>, vector<16xi32> -> vector<16xf32>
        %parallel_loop3A_337 = arith.constant 0 : i32
        %parallel_loop3A_338 = vector.broadcast %parallel_loop3A_337 : i32 to vector<16xi32>
        %parallel_loop3A_339 = arith.cmpi slt, %and3A_7, %parallel_loop3A_338 : vector<16xi32>
        %parallel_loop3A_340 = arith.constant 16 : i32
        %parallel_loop3A_341 = vector.broadcast %parallel_loop3A_340 : i32 to vector<16xi32>
        %parallel_loop3A_342 = arith.addi %and3A_7, %parallel_loop3A_341 : vector<16xi32>
        %parallel_loop3A_343 = arith.select %parallel_loop3A_339, %parallel_loop3A_342, %and3A_7 : vector<16xi1>, vector<16xi32>
        %parallel_loop3A_344 = vector.shape_cast %parallel_loop3A_343 : vector<16xi32> to vector<16x1xi32>
        %parallel_loop3A_345 = vector.shape_cast %parallel_loop3A_344 : vector<16x1xi32> to vector<16xi32>
        %parallel_loop3A_346 = tpu.dynamic_gather %parallel_loop3A_326[%parallel_loop3A_345] in [0] : vector<16xf32>, vector<16xi32> -> vector<16xf32>
        %parallel_loop3A_347 = arith.constant 0 : i32
        %parallel_loop3A_348 = vector.broadcast %parallel_loop3A_347 : i32 to vector<16xi32>
        %parallel_loop3A_349 = arith.cmpi slt, %add3A_10, %parallel_loop3A_348 : vector<16xi32>
        %parallel_loop3A_350 = arith.constant 16 : i32
        %parallel_loop3A_351 = vector.broadcast %parallel_loop3A_350 : i32 to vector<16xi32>
        %parallel_loop3A_352 = arith.addi %add3A_10, %parallel_loop3A_351 : vector<16xi32>
        %parallel_loop3A_353 = arith.select %parallel_loop3A_349, %parallel_loop3A_352, %add3A_10 : vector<16xi1>, vector<16xi32>
        %parallel_loop3A_354 = vector.shape_cast %parallel_loop3A_353 : vector<16xi32> to vector<16x1xi32>
        %parallel_loop3A_355 = vector.shape_cast %parallel_loop3A_354 : vector<16x1xi32> to vector<16xi32>
        %parallel_loop3A_356 = tpu.dynamic_gather %parallel_loop3A_324[%parallel_loop3A_355] in [0] : vector<16xf32>, vector<16xi32> -> vector<16xf32>
        %parallel_loop3A_357 = arith.constant 0 : i32
        %parallel_loop3A_358 = vector.broadcast %parallel_loop3A_357 : i32 to vector<16xi32>
        %parallel_loop3A_359 = arith.cmpi slt, %add3A_10, %parallel_loop3A_358 : vector<16xi32>
        %parallel_loop3A_360 = arith.constant 16 : i32
        %parallel_loop3A_361 = vector.broadcast %parallel_loop3A_360 : i32 to vector<16xi32>
        %parallel_loop3A_362 = arith.addi %add3A_10, %parallel_loop3A_361 : vector<16xi32>
        %parallel_loop3A_363 = arith.select %parallel_loop3A_359, %parallel_loop3A_362, %add3A_10 : vector<16xi1>, vector<16xi32>
        %parallel_loop3A_364 = vector.shape_cast %parallel_loop3A_363 : vector<16xi32> to vector<16x1xi32>
        %parallel_loop3A_365 = vector.shape_cast %parallel_loop3A_364 : vector<16x1xi32> to vector<16xi32>
        %parallel_loop3A_366 = tpu.dynamic_gather %parallel_loop3A_326[%parallel_loop3A_365] in [0] : vector<16xf32>, vector<16xi32> -> vector<16xf32>
        %parallel_loop3A_367 = arith.select %lt3A_12, %parallel_loop3A_336, %parallel_loop3A_346 : vector<16xi1>, vector<16xf32>
        %parallel_loop3A_368 = arith.constant 16 : i32
        %parallel_loop3A_369 = arith.muli %parallel_loop3A_304, %parallel_loop3A_368 : i32
        %parallel_loop3A_370 = arith.constant 2016 : i32
        %parallel_loop3A_371 = arith.addi %parallel_loop3A_370, %parallel_loop3A_369 : i32
        %parallel_loop3A_372 = arith.index_cast %parallel_loop3A_371 : i32 to index
        %parallel_loop3A_373 = tpu.vector_load %arg13[%parallel_loop3A_372] {strides = array<i32>} : memref<8064xf32, #tpu.memory_space<vmem>>, vector<16xf32>,
        tpu.vector_store %arg13[%parallel_loop3A_372], %parallel_loop3A_367 {strides = array<i32>} : memref<8064xf32, #tpu.memory_space<vmem>>, vector<16xf32>,
        %parallel_loop3A_374 = arith.select %lt3A_12, %parallel_loop3A_356, %parallel_loop3A_366 : vector<16xi1>, vector<16xf32>
        %parallel_loop3A_375 = arith.constant 16 : i32
        %parallel_loop3A_376 = arith.muli %parallel_loop3A_304, %parallel_loop3A_375 : i32
        %parallel_loop3A_377 = arith.constant 2016 : i32
        %parallel_loop3A_378 = arith.addi %parallel_loop3A_377, %parallel_loop3A_376 : i32
        %parallel_loop3A_379 = arith.index_cast %parallel_loop3A_378 : i32 to index
        %parallel_loop3A_380 = tpu.vector_load %arg15[%parallel_loop3A_379] {strides = array<i32>} : memref<8064xf32, #tpu.memory_space<vmem>>, vector<16xf32>,
        tpu.vector_store %arg15[%parallel_loop3A_379], %parallel_loop3A_374 {strides = array<i32>} : memref<8064xf32, #tpu.memory_space<vmem>>, vector<16xf32>,
      } {sc.loop_unroll_factor = 4 : i64, sc.parallel_access}
      %mul3A_273 = arith.constant 8 : i32
      %mul3A_274 = arith.muli %add3A_180, %mul3A_273 : i32
      %add3A_275 = arith.constant 6 : i32
      %add3A_276 = arith.addi %mul3A_274, %add3A_275 : i32
      %mul3A_277 = arith.constant 64 : i32
      %mul3A_278 = arith.muli %add3A_276, %mul3A_277 : i32
      %broadcast_in_dim3A_279 = vector.broadcast %mul3A_278 : i32 to vector<16xi32>
      %parallel_loop3A_280 = arith.constant 0 : i32
      %parallel_loop3A_281 = arith.constant 126 : i32
      %parallel_loop3A_282 = arith.constant 1 : i32
      scf.for %parallel_loop3A_304 = %parallel_loop3A_280 to %parallel_loop3A_281 step %parallel_loop3A_282  : i32 {
        %parallel_loop3A_305 = arith.constant 2 : i32
        %parallel_loop3A_306 = arith.muli %parallel_loop3A_304, %parallel_loop3A_305 : i32
        %parallel_loop3A_307 = arith.constant 16 : i32
        %parallel_loop3A_308 = arith.muli %parallel_loop3A_306, %parallel_loop3A_307 : i32
        %parallel_loop3A_309 = arith.constant 6 : i32
        %parallel_loop3A_310 = arith.index_cast %parallel_loop3A_309 : i32 to index
        %parallel_loop3A_311 = arith.index_cast %parallel_loop3A_308 : i32 to index
        %parallel_loop3A_312 = tpu.vector_load %arg11[%parallel_loop3A_310, %parallel_loop3A_311] {strides = array<i32>} : memref<8x4096xi32, #tpu.memory_space<vmem>>, vector<16xi32>,
        %parallel_loop3A_313 = arith.constant 2 : i32
        %parallel_loop3A_314 = arith.muli %parallel_loop3A_304, %parallel_loop3A_313 : i32
        %parallel_loop3A_315 = arith.constant 16 : i32
        %parallel_loop3A_316 = arith.muli %parallel_loop3A_314, %parallel_loop3A_315 : i32
        %parallel_loop3A_317 = arith.constant 16 : i32
        %parallel_loop3A_318 = arith.addi %parallel_loop3A_316, %parallel_loop3A_317 : i32
        %parallel_loop3A_319 = arith.constant 6 : i32
        %parallel_loop3A_320 = arith.index_cast %parallel_loop3A_319 : i32 to index
        %parallel_loop3A_321 = arith.index_cast %parallel_loop3A_318 : i32 to index
        %parallel_loop3A_322 = tpu.vector_load %arg11[%parallel_loop3A_320, %parallel_loop3A_321] {strides = array<i32>} : memref<8x4096xi32, #tpu.memory_space<vmem>>, vector<16xi32>,
        %parallel_loop3A_323 = arith.addi %parallel_loop3A_312, %broadcast_in_dim3A_279 : vector<16xi32>
        %parallel_loop3A_324 = tpu.vector_load_idx %arg9[%parallel_loop3A_323] : memref<8192xf32, #tpu.memory_space<vmem>>[vector<16xi32>], vector<16xf32>,
        %parallel_loop3A_325 = arith.addi %parallel_loop3A_322, %broadcast_in_dim3A_279 : vector<16xi32>
        %parallel_loop3A_326 = tpu.vector_load_idx %arg9[%parallel_loop3A_325] : memref<8192xf32, #tpu.memory_space<vmem>>[vector<16xi32>], vector<16xf32>,
        %parallel_loop3A_327 = arith.constant 0 : i32
        %parallel_loop3A_328 = vector.broadcast %parallel_loop3A_327 : i32 to vector<16xi32>
        %parallel_loop3A_329 = arith.cmpi slt, %and3A_7, %parallel_loop3A_328 : vector<16xi32>
        %parallel_loop3A_330 = arith.constant 16 : i32
        %parallel_loop3A_331 = vector.broadcast %parallel_loop3A_330 : i32 to vector<16xi32>
        %parallel_loop3A_332 = arith.addi %and3A_7, %parallel_loop3A_331 : vector<16xi32>
        %parallel_loop3A_333 = arith.select %parallel_loop3A_329, %parallel_loop3A_332, %and3A_7 : vector<16xi1>, vector<16xi32>
        %parallel_loop3A_334 = vector.shape_cast %parallel_loop3A_333 : vector<16xi32> to vector<16x1xi32>
        %parallel_loop3A_335 = vector.shape_cast %parallel_loop3A_334 : vector<16x1xi32> to vector<16xi32>
        %parallel_loop3A_336 = tpu.dynamic_gather %parallel_loop3A_324[%parallel_loop3A_335] in [0] : vector<16xf32>, vector<16xi32> -> vector<16xf32>
        %parallel_loop3A_337 = arith.constant 0 : i32
        %parallel_loop3A_338 = vector.broadcast %parallel_loop3A_337 : i32 to vector<16xi32>
        %parallel_loop3A_339 = arith.cmpi slt, %and3A_7, %parallel_loop3A_338 : vector<16xi32>
        %parallel_loop3A_340 = arith.constant 16 : i32
        %parallel_loop3A_341 = vector.broadcast %parallel_loop3A_340 : i32 to vector<16xi32>
        %parallel_loop3A_342 = arith.addi %and3A_7, %parallel_loop3A_341 : vector<16xi32>
        %parallel_loop3A_343 = arith.select %parallel_loop3A_339, %parallel_loop3A_342, %and3A_7 : vector<16xi1>, vector<16xi32>
        %parallel_loop3A_344 = vector.shape_cast %parallel_loop3A_343 : vector<16xi32> to vector<16x1xi32>
        %parallel_loop3A_345 = vector.shape_cast %parallel_loop3A_344 : vector<16x1xi32> to vector<16xi32>
        %parallel_loop3A_346 = tpu.dynamic_gather %parallel_loop3A_326[%parallel_loop3A_345] in [0] : vector<16xf32>, vector<16xi32> -> vector<16xf32>
        %parallel_loop3A_347 = arith.constant 0 : i32
        %parallel_loop3A_348 = vector.broadcast %parallel_loop3A_347 : i32 to vector<16xi32>
        %parallel_loop3A_349 = arith.cmpi slt, %add3A_10, %parallel_loop3A_348 : vector<16xi32>
        %parallel_loop3A_350 = arith.constant 16 : i32
        %parallel_loop3A_351 = vector.broadcast %parallel_loop3A_350 : i32 to vector<16xi32>
        %parallel_loop3A_352 = arith.addi %add3A_10, %parallel_loop3A_351 : vector<16xi32>
        %parallel_loop3A_353 = arith.select %parallel_loop3A_349, %parallel_loop3A_352, %add3A_10 : vector<16xi1>, vector<16xi32>
        %parallel_loop3A_354 = vector.shape_cast %parallel_loop3A_353 : vector<16xi32> to vector<16x1xi32>
        %parallel_loop3A_355 = vector.shape_cast %parallel_loop3A_354 : vector<16x1xi32> to vector<16xi32>
        %parallel_loop3A_356 = tpu.dynamic_gather %parallel_loop3A_324[%parallel_loop3A_355] in [0] : vector<16xf32>, vector<16xi32> -> vector<16xf32>
        %parallel_loop3A_357 = arith.constant 0 : i32
        %parallel_loop3A_358 = vector.broadcast %parallel_loop3A_357 : i32 to vector<16xi32>
        %parallel_loop3A_359 = arith.cmpi slt, %add3A_10, %parallel_loop3A_358 : vector<16xi32>
        %parallel_loop3A_360 = arith.constant 16 : i32
        %parallel_loop3A_361 = vector.broadcast %parallel_loop3A_360 : i32 to vector<16xi32>
        %parallel_loop3A_362 = arith.addi %add3A_10, %parallel_loop3A_361 : vector<16xi32>
        %parallel_loop3A_363 = arith.select %parallel_loop3A_359, %parallel_loop3A_362, %add3A_10 : vector<16xi1>, vector<16xi32>
        %parallel_loop3A_364 = vector.shape_cast %parallel_loop3A_363 : vector<16xi32> to vector<16x1xi32>
        %parallel_loop3A_365 = vector.shape_cast %parallel_loop3A_364 : vector<16x1xi32> to vector<16xi32>
        %parallel_loop3A_366 = tpu.dynamic_gather %parallel_loop3A_326[%parallel_loop3A_365] in [0] : vector<16xf32>, vector<16xi32> -> vector<16xf32>
        %parallel_loop3A_367 = arith.select %lt3A_12, %parallel_loop3A_336, %parallel_loop3A_346 : vector<16xi1>, vector<16xf32>
        %parallel_loop3A_368 = arith.constant 16 : i32
        %parallel_loop3A_369 = arith.muli %parallel_loop3A_304, %parallel_loop3A_368 : i32
        %parallel_loop3A_370 = arith.constant 4032 : i32
        %parallel_loop3A_371 = arith.addi %parallel_loop3A_370, %parallel_loop3A_369 : i32
        %parallel_loop3A_372 = arith.index_cast %parallel_loop3A_371 : i32 to index
        %parallel_loop3A_373 = tpu.vector_load %arg13[%parallel_loop3A_372] {strides = array<i32>} : memref<8064xf32, #tpu.memory_space<vmem>>, vector<16xf32>,
        tpu.vector_store %arg13[%parallel_loop3A_372], %parallel_loop3A_367 {strides = array<i32>} : memref<8064xf32, #tpu.memory_space<vmem>>, vector<16xf32>,
        %parallel_loop3A_374 = arith.select %lt3A_12, %parallel_loop3A_356, %parallel_loop3A_366 : vector<16xi1>, vector<16xf32>
        %parallel_loop3A_375 = arith.constant 16 : i32
        %parallel_loop3A_376 = arith.muli %parallel_loop3A_304, %parallel_loop3A_375 : i32
        %parallel_loop3A_377 = arith.constant 4032 : i32
        %parallel_loop3A_378 = arith.addi %parallel_loop3A_377, %parallel_loop3A_376 : i32
        %parallel_loop3A_379 = arith.index_cast %parallel_loop3A_378 : i32 to index
        %parallel_loop3A_380 = tpu.vector_load %arg15[%parallel_loop3A_379] {strides = array<i32>} : memref<8064xf32, #tpu.memory_space<vmem>>, vector<16xf32>,
        tpu.vector_store %arg15[%parallel_loop3A_379], %parallel_loop3A_374 {strides = array<i32>} : memref<8064xf32, #tpu.memory_space<vmem>>, vector<16xf32>,
      } {sc.loop_unroll_factor = 4 : i64, sc.parallel_access}
      %mul3A_283 = arith.constant 8 : i32
      %mul3A_284 = arith.muli %add3A_180, %mul3A_283 : i32
      %add3A_285 = arith.constant 7 : i32
      %add3A_286 = arith.addi %mul3A_284, %add3A_285 : i32
      %mul3A_287 = arith.constant 64 : i32
      %mul3A_288 = arith.muli %add3A_286, %mul3A_287 : i32
      %broadcast_in_dim3A_289 = vector.broadcast %mul3A_288 : i32 to vector<16xi32>
      %parallel_loop3A_290 = arith.constant 0 : i32
      %parallel_loop3A_291 = arith.constant 126 : i32
      %parallel_loop3A_292 = arith.constant 1 : i32
      scf.for %parallel_loop3A_304 = %parallel_loop3A_290 to %parallel_loop3A_291 step %parallel_loop3A_292  : i32 {
        %parallel_loop3A_305 = arith.constant 2 : i32
        %parallel_loop3A_306 = arith.muli %parallel_loop3A_304, %parallel_loop3A_305 : i32
        %parallel_loop3A_307 = arith.constant 16 : i32
        %parallel_loop3A_308 = arith.muli %parallel_loop3A_306, %parallel_loop3A_307 : i32
        %parallel_loop3A_309 = arith.constant 7 : i32
        %parallel_loop3A_310 = arith.index_cast %parallel_loop3A_309 : i32 to index
        %parallel_loop3A_311 = arith.index_cast %parallel_loop3A_308 : i32 to index
        %parallel_loop3A_312 = tpu.vector_load %arg11[%parallel_loop3A_310, %parallel_loop3A_311] {strides = array<i32>} : memref<8x4096xi32, #tpu.memory_space<vmem>>, vector<16xi32>,
        %parallel_loop3A_313 = arith.constant 2 : i32
        %parallel_loop3A_314 = arith.muli %parallel_loop3A_304, %parallel_loop3A_313 : i32
        %parallel_loop3A_315 = arith.constant 16 : i32
        %parallel_loop3A_316 = arith.muli %parallel_loop3A_314, %parallel_loop3A_315 : i32
        %parallel_loop3A_317 = arith.constant 16 : i32
        %parallel_loop3A_318 = arith.addi %parallel_loop3A_316, %parallel_loop3A_317 : i32
        %parallel_loop3A_319 = arith.constant 7 : i32
        %parallel_loop3A_320 = arith.index_cast %parallel_loop3A_319 : i32 to index
        %parallel_loop3A_321 = arith.index_cast %parallel_loop3A_318 : i32 to index
        %parallel_loop3A_322 = tpu.vector_load %arg11[%parallel_loop3A_320, %parallel_loop3A_321] {strides = array<i32>} : memref<8x4096xi32, #tpu.memory_space<vmem>>, vector<16xi32>,
        %parallel_loop3A_323 = arith.addi %parallel_loop3A_312, %broadcast_in_dim3A_289 : vector<16xi32>
        %parallel_loop3A_324 = tpu.vector_load_idx %arg9[%parallel_loop3A_323] : memref<8192xf32, #tpu.memory_space<vmem>>[vector<16xi32>], vector<16xf32>,
        %parallel_loop3A_325 = arith.addi %parallel_loop3A_322, %broadcast_in_dim3A_289 : vector<16xi32>
        %parallel_loop3A_326 = tpu.vector_load_idx %arg9[%parallel_loop3A_325] : memref<8192xf32, #tpu.memory_space<vmem>>[vector<16xi32>], vector<16xf32>,
        %parallel_loop3A_327 = arith.constant 0 : i32
        %parallel_loop3A_328 = vector.broadcast %parallel_loop3A_327 : i32 to vector<16xi32>
        %parallel_loop3A_329 = arith.cmpi slt, %and3A_7, %parallel_loop3A_328 : vector<16xi32>
        %parallel_loop3A_330 = arith.constant 16 : i32
        %parallel_loop3A_331 = vector.broadcast %parallel_loop3A_330 : i32 to vector<16xi32>
        %parallel_loop3A_332 = arith.addi %and3A_7, %parallel_loop3A_331 : vector<16xi32>
        %parallel_loop3A_333 = arith.select %parallel_loop3A_329, %parallel_loop3A_332, %and3A_7 : vector<16xi1>, vector<16xi32>
        %parallel_loop3A_334 = vector.shape_cast %parallel_loop3A_333 : vector<16xi32> to vector<16x1xi32>
        %parallel_loop3A_335 = vector.shape_cast %parallel_loop3A_334 : vector<16x1xi32> to vector<16xi32>
        %parallel_loop3A_336 = tpu.dynamic_gather %parallel_loop3A_324[%parallel_loop3A_335] in [0] : vector<16xf32>, vector<16xi32> -> vector<16xf32>
        %parallel_loop3A_337 = arith.constant 0 : i32
        %parallel_loop3A_338 = vector.broadcast %parallel_loop3A_337 : i32 to vector<16xi32>
        %parallel_loop3A_339 = arith.cmpi slt, %and3A_7, %parallel_loop3A_338 : vector<16xi32>
        %parallel_loop3A_340 = arith.constant 16 : i32
        %parallel_loop3A_341 = vector.broadcast %parallel_loop3A_340 : i32 to vector<16xi32>
        %parallel_loop3A_342 = arith.addi %and3A_7, %parallel_loop3A_341 : vector<16xi32>
        %parallel_loop3A_343 = arith.select %parallel_loop3A_339, %parallel_loop3A_342, %and3A_7 : vector<16xi1>, vector<16xi32>
        %parallel_loop3A_344 = vector.shape_cast %parallel_loop3A_343 : vector<16xi32> to vector<16x1xi32>
        %parallel_loop3A_345 = vector.shape_cast %parallel_loop3A_344 : vector<16x1xi32> to vector<16xi32>
        %parallel_loop3A_346 = tpu.dynamic_gather %parallel_loop3A_326[%parallel_loop3A_345] in [0] : vector<16xf32>, vector<16xi32> -> vector<16xf32>
        %parallel_loop3A_347 = arith.constant 0 : i32
        %parallel_loop3A_348 = vector.broadcast %parallel_loop3A_347 : i32 to vector<16xi32>
        %parallel_loop3A_349 = arith.cmpi slt, %add3A_10, %parallel_loop3A_348 : vector<16xi32>
        %parallel_loop3A_350 = arith.constant 16 : i32
        %parallel_loop3A_351 = vector.broadcast %parallel_loop3A_350 : i32 to vector<16xi32>
        %parallel_loop3A_352 = arith.addi %add3A_10, %parallel_loop3A_351 : vector<16xi32>
        %parallel_loop3A_353 = arith.select %parallel_loop3A_349, %parallel_loop3A_352, %add3A_10 : vector<16xi1>, vector<16xi32>
        %parallel_loop3A_354 = vector.shape_cast %parallel_loop3A_353 : vector<16xi32> to vector<16x1xi32>
        %parallel_loop3A_355 = vector.shape_cast %parallel_loop3A_354 : vector<16x1xi32> to vector<16xi32>
        %parallel_loop3A_356 = tpu.dynamic_gather %parallel_loop3A_324[%parallel_loop3A_355] in [0] : vector<16xf32>, vector<16xi32> -> vector<16xf32>
        %parallel_loop3A_357 = arith.constant 0 : i32
        %parallel_loop3A_358 = vector.broadcast %parallel_loop3A_357 : i32 to vector<16xi32>
        %parallel_loop3A_359 = arith.cmpi slt, %add3A_10, %parallel_loop3A_358 : vector<16xi32>
        %parallel_loop3A_360 = arith.constant 16 : i32
        %parallel_loop3A_361 = vector.broadcast %parallel_loop3A_360 : i32 to vector<16xi32>
        %parallel_loop3A_362 = arith.addi %add3A_10, %parallel_loop3A_361 : vector<16xi32>
        %parallel_loop3A_363 = arith.select %parallel_loop3A_359, %parallel_loop3A_362, %add3A_10 : vector<16xi1>, vector<16xi32>
        %parallel_loop3A_364 = vector.shape_cast %parallel_loop3A_363 : vector<16xi32> to vector<16x1xi32>
        %parallel_loop3A_365 = vector.shape_cast %parallel_loop3A_364 : vector<16x1xi32> to vector<16xi32>
        %parallel_loop3A_366 = tpu.dynamic_gather %parallel_loop3A_326[%parallel_loop3A_365] in [0] : vector<16xf32>, vector<16xi32> -> vector<16xf32>
        %parallel_loop3A_367 = arith.select %lt3A_12, %parallel_loop3A_336, %parallel_loop3A_346 : vector<16xi1>, vector<16xf32>
        %parallel_loop3A_368 = arith.constant 16 : i32
        %parallel_loop3A_369 = arith.muli %parallel_loop3A_304, %parallel_loop3A_368 : i32
        %parallel_loop3A_370 = arith.constant 6048 : i32
        %parallel_loop3A_371 = arith.addi %parallel_loop3A_370, %parallel_loop3A_369 : i32
        %parallel_loop3A_372 = arith.index_cast %parallel_loop3A_371 : i32 to index
        %parallel_loop3A_373 = tpu.vector_load %arg13[%parallel_loop3A_372] {strides = array<i32>} : memref<8064xf32, #tpu.memory_space<vmem>>, vector<16xf32>,
        tpu.vector_store %arg13[%parallel_loop3A_372], %parallel_loop3A_367 {strides = array<i32>} : memref<8064xf32, #tpu.memory_space<vmem>>, vector<16xf32>,
        %parallel_loop3A_374 = arith.select %lt3A_12, %parallel_loop3A_356, %parallel_loop3A_366 : vector<16xi1>, vector<16xf32>
        %parallel_loop3A_375 = arith.constant 16 : i32
        %parallel_loop3A_376 = arith.muli %parallel_loop3A_304, %parallel_loop3A_375 : i32
        %parallel_loop3A_377 = arith.constant 6048 : i32
        %parallel_loop3A_378 = arith.addi %parallel_loop3A_377, %parallel_loop3A_376 : i32
        %parallel_loop3A_379 = arith.index_cast %parallel_loop3A_378 : i32 to index
        %parallel_loop3A_380 = tpu.vector_load %arg15[%parallel_loop3A_379] {strides = array<i32>} : memref<8064xf32, #tpu.memory_space<vmem>>, vector<16xf32>,
        tpu.vector_store %arg15[%parallel_loop3A_379], %parallel_loop3A_374 {strides = array<i32>} : memref<8064xf32, #tpu.memory_space<vmem>>, vector<16xf32>,
      } {sc.loop_unroll_factor = 4 : i64, sc.parallel_access}
      %mul3A_293 = arith.constant 8 : i32
      %mul3A_294 = arith.muli %add3A_180, %mul3A_293 : i32
      %add3A_295 = arith.addi %mul3A_2, %mul3A_294 : i32
      %add3A_296 = arith.constant 4 : i32
      %add3A_297 = arith.addi %add3A_295, %add3A_296 : i32
      %mul3A_298 = arith.constant 2016 : i32
      %mul3A_299 = arith.muli %add3A_297, %mul3A_298 : i32
      %dma_start3A_300 = tpu.memref_slice %arg5[%mul3A_299] : memref<8257536xf32, #tpu.memory_space<hbm>> -> memref<8064xf32, #tpu.memory_space<hbm>>
      %dma_start3A_301 = tpu.memref_slice %arg5[%mul3A_299] : memref<8257536xf32, #tpu.memory_space<hbm>> -> memref<8064xf32, #tpu.memory_space<hbm>>
      tpu.enqueue_dma source(%arg13 : memref<8064xf32, #tpu.memory_space<vmem>>) target(%dma_start3A_301 : memref<8064xf32, #tpu.memory_space<hbm>>) target_semaphore(%arg20 : memref<!tpu.dma_semaphore, #tpu.memory_space<semaphore_mem>>)
      %dma_start3A_302 = tpu.memref_slice %arg6[%mul3A_299] : memref<8257536xf32, #tpu.memory_space<hbm>> -> memref<8064xf32, #tpu.memory_space<hbm>>
      %dma_start3A_303 = tpu.memref_slice %arg6[%mul3A_299] : memref<8257536xf32, #tpu.memory_space<hbm>> -> memref<8064xf32, #tpu.memory_space<hbm>>
      tpu.enqueue_dma source(%arg15 : memref<8064xf32, #tpu.memory_space<vmem>>) target(%dma_start3A_303 : memref<8064xf32, #tpu.memory_space<hbm>>) target_semaphore(%arg20 : memref<!tpu.dma_semaphore, #tpu.memory_space<semaphore_mem>>)
    }
    %scan3A_32 = arith.constant 8 : i32
    %add3A_33 = arith.constant 120 : i32
    %add3A_34 = arith.addi %mul3A_2, %add3A_33 : i32
    %add3A_35 = arith.constant 0 : i32
    %add3A_36 = arith.addi %add3A_34, %add3A_35 : i32
    %mul3A_37 = arith.constant 2016 : i32
    %mul3A_38 = arith.muli %add3A_36, %mul3A_37 : i32
    %dma_wait3A_39 = tpu.memref_slice %arg5[%mul3A_38] : memref<8257536xf32, #tpu.memory_space<hbm>> -> memref<8064xf32, #tpu.memory_space<hbm>>
    %dma_wait3A_40 = tpu.memref_slice %arg5[%mul3A_38] : memref<8257536xf32, #tpu.memory_space<hbm>> -> memref<8064xf32, #tpu.memory_space<hbm>>
    tpu.wait_dma2 semaphore(%arg19 : memref<!tpu.dma_semaphore, #tpu.memory_space<semaphore_mem>>) src(%arg12 : memref<8064xf32, #tpu.memory_space<vmem>>) dst(%dma_wait3A_40 : memref<8064xf32, #tpu.memory_space<hbm>>)
    %dma_wait3A_41 = tpu.memref_slice %arg6[%mul3A_38] : memref<8257536xf32, #tpu.memory_space<hbm>> -> memref<8064xf32, #tpu.memory_space<hbm>>
    %dma_wait3A_42 = tpu.memref_slice %arg6[%mul3A_38] : memref<8257536xf32, #tpu.memory_space<hbm>> -> memref<8064xf32, #tpu.memory_space<hbm>>
    tpu.wait_dma2 semaphore(%arg19 : memref<!tpu.dma_semaphore, #tpu.memory_space<semaphore_mem>>) src(%arg14 : memref<8064xf32, #tpu.memory_space<vmem>>) dst(%dma_wait3A_42 : memref<8064xf32, #tpu.memory_space<hbm>>)
    %add3A_43 = arith.constant 120 : i32
    %add3A_44 = arith.addi %mul3A_2, %add3A_43 : i32
    %add3A_45 = arith.constant 4 : i32
    %add3A_46 = arith.addi %add3A_44, %add3A_45 : i32
    %mul3A_47 = arith.constant 2016 : i32
    %mul3A_48 = arith.muli %add3A_46, %mul3A_47 : i32
    %dma_wait3A_49 = tpu.memref_slice %arg5[%mul3A_48] : memref<8257536xf32, #tpu.memory_space<hbm>> -> memref<8064xf32, #tpu.memory_space<hbm>>
    %dma_wait3A_50 = tpu.memref_slice %arg5[%mul3A_48] : memref<8257536xf32, #tpu.memory_space<hbm>> -> memref<8064xf32, #tpu.memory_space<hbm>>
    tpu.wait_dma2 semaphore(%arg20 : memref<!tpu.dma_semaphore, #tpu.memory_space<semaphore_mem>>) src(%arg13 : memref<8064xf32, #tpu.memory_space<vmem>>) dst(%dma_wait3A_50 : memref<8064xf32, #tpu.memory_space<hbm>>)
    %dma_wait3A_51 = tpu.memref_slice %arg6[%mul3A_48] : memref<8257536xf32, #tpu.memory_space<hbm>> -> memref<8064xf32, #tpu.memory_space<hbm>>
    %dma_wait3A_52 = tpu.memref_slice %arg6[%mul3A_48] : memref<8257536xf32, #tpu.memory_space<hbm>> -> memref<8064xf32, #tpu.memory_space<hbm>>
    tpu.wait_dma2 semaphore(%arg20 : memref<!tpu.dma_semaphore, #tpu.memory_space<semaphore_mem>>) src(%arg15 : memref<8064xf32, #tpu.memory_space<vmem>>) dst(%dma_wait3A_52 : memref<8064xf32, #tpu.memory_space<hbm>>)
    return
  }
}

</mosaic_0001>

<sc_bundles>
// kernel: kernel.3.cloned.1.call-start
scs
__scs_entry_jumppad:
0x0: {  	(pc) =	sbr.rel $0x88, $3  }
0x1: {  	(tag) =	ssettag $0x0;
	lr =	simm.s32 $0x1  }
0x2: {  	[smem:$0x3F9E] =	sst lr;
	_ =	strace $0xD0000000  }
0x3: {  	_ = 	snop  }
0x4: {  	_ = 	snop  }
0x5: {  	_ = 	snop  }
0x6: {  	_ = 	snop  }
0x7: {  	_ = 	snop  }
__scs_overlays_trampoline_lowered:
0x8: {  	[smem:$0x3FAD] =	sst s0  }
0x9: {  	[smem:$0x3FAE] =	sst s1  }
0xa: {  	[smem:$0x3FAF] =	sst s2  }
0xb: {  	[smem:$0x3FB0] =	sst s3  }
0xc: {  	[smem:$0x3FB1] =	sst s4  }
0xd: {  	[smem:$0x3FB2] =	sst s5  }
0xe: {  	[smem:$0x3FB3] =	sst s6  }
0xf: {  	[smem:$0x3FB4] =	sst s7  }
0x10: {  	[smem:$0x3FB5] =	sst s8  }
0x11: {  	[smem:$0x3FB6] =	sst s9;
	s0 =	simm.s32 @!p0 $0x0  }
0x12: {  	s1 =	sld [smem:$0x3F9C];
	s0 =	simm.s32 @p0 $0x1  }
0x13: {  	[smem:$0x3FB7] =	sst s0;
	s0 =	simm.s32 @!p1 $0x0  }
0x14: {  	s2 =	sld [smem:$0x3F9B];
	s0 =	simm.s32 @p1 $0x1  }
0x15: {  	[smem:$0x3FB8] =	sst s0;
	s0 =	simm.s32 @!p2 $0x0  }
0x16: {  	s3 =	sld [smem:$0x3FDB];
	s0 =	simm.s32 @p2 $0x1  }
0x17: {  	s4 =	simm.s32 $0x1BF5;
	[smem:$0x3FBA] =	sst s0  }
0x18: {  	s0 =	sld [smem:$0x3F9D];
	_ =	swait.ge [sflag:s4], $0x0  }
0x19: {  	s7 =	sld [smem:$0x3F9E]  }
0x1a: {  	s8 =	sadd.s32 $0xFFFFE003, lr  }
0x1b: {  	s9 =	sadd.s32 $0xFFFFFEF7, lr;
	s5 =	simm.s32 $0xFFFFFFFF;
	p2 =	slt.u32 s8, $0xFFFFF086  }
0x1c: {  	p1 =	slt.u32 s9, $0xF7A;
	s5 =	simm.s32 @!p2 $0x0  }
0x1d: {  	s5 =	simm.s32 @p1 $0x1;
	p0 =	seq.s32 s7, s2  }
0x1e: {  	s7 =	smul.u32 @!p0 $0xF7A, s2;
	p2 =	seq.s32 @!p0 s5, $0x0  }
0x1f: {  	s9 =	smul.u32 $0xF7A, s1;
	s8 =	simm.s32 @!p0 $0x1BF5;
	p2 =	por !p2, p0  }
0x20: {  	[sflag:s8] =	ssyncset.s32 @!p0 $0xFFFFF086;
	s6 =	sadd.s32 @!p0 s3, s7;
	s7 =	simm.s32 @!p0 $0x108  }
0x21: {  	s3 =	sadd.s32 s3, s9;
	s6 =	sadd.s32 @!p0 $0x88, s6;
	s7 =	simm.s32 @p2 $0x1082  }
0x22: {  	[simem:s7], [sflag:s8] =	dma.local @!p0 [hbm:s6], $0xF7A  }
0x23: {  	s9 =	sor.u32 $0xD0000000, s2;
	s6 =	simm.s32 $0x108;
	_ =	swait.ge @!p0 [sflag:s8], $0x0  }
0x24: {  	s3 =	sadd.s32 $0x88, s3;
	s6 =	simm.s32 @!p1 $0x1082;
	[sflag:s4] =	ssyncset.s32 $0xFFFFF086  }
0x25: {  	[simem:s6], [sflag:s4] =	dma.local [hbm:s3], $0xF7A  }
0x26: {  	[smem:$0x3F9E] =	sst s1;
	(tag) =	ssettag s2;
	_ =	strace s9  }
0x27: {  	s1 =	sld [smem:$0x3FAE]  }
0x28: {  	s2 =	sld [smem:$0x3FAF]  }
0x29: {  	s4 =	sld [smem:$0x3FB1]  }
0x2a: {  	p0 =	seq.s32 s5, $0x0;
	s5 =	sld [smem:$0x3FB2]  }
0x2b: {  	s6 =	sld [smem:$0x3FB3]  }
0x2c: {  	s7 =	sld [smem:$0x3FB4]  }
0x2d: {  	s3 =	simm.s32 $0x108;
	s8 =	sld [smem:$0x3FB5]  }
0x2e: {  	s3 =	simm.s32 @!p0 $0x1082;
	s9 =	sld [smem:$0x3FB6]  }
0x2f: {  	lr =	sadd.s32 s0, s3;
	s0 =	sld [smem:$0x3FAD]  }
0x30: {  	s3 =	sld [smem:$0x3FB0]  }
0x31: {  	[smem:$0x3FB9] =	sst s10  }
0x32: {  	s10 =	sld [smem:$0x3FB7];
	_ =	sdelay $0x3  }
0x33: {  	p0 =	seq.s32 s10, $0x1;
	s10 =	sld [smem:$0x3FB9];
	_ =	sdelay $0x3  }
0x34: {  	[smem:$0x3FB9] =	sst s10  }
0x35: {  	s10 =	sld [smem:$0x3FB8];
	_ =	sdelay $0x3  }
0x36: {  	p1 =	seq.s32 s10, $0x1;
	s10 =	sld [smem:$0x3FB9];
	_ =	sdelay $0x3  }
0x37: {  	[smem:$0x3FB9] =	sst s10  }
0x38: {  	s10 =	sld [smem:$0x3FBA]  }
0x39: {  	_ = 	snop;
	(pc) =	sbr.ind lr, $3  }
0x3a: {  	_ = 	snop  }
0x3b: {  	_ = 	snop  }
0x3c: {  	p2 =	seq.s32 s10, $0x1;
	s10 =	sld [smem:$0x3FB9]  }
0x3d: {  	_ =	shalt  }
0x3e: {  	_ =	shalt  }
0x3f: {  	_ =	shalt  }
0x40: {  	_ =	shalt  }
0x41: {  	_ =	shalt  }
0x42: {  	_ =	shalt  }
0x43: {  	_ =	shalt  }
0x44: {  	_ =	shalt  }
0x45: {  	_ =	shalt  }
0x46: {  	_ =	shalt  }
0x47: {  	_ =	shalt  }
0x48: {  	_ =	shalt  }
0x49: {  	_ =	shalt  }
0x4a: {  	_ =	shalt  }
0x4b: {  	_ =	shalt  }
0x4c: {  	_ =	shalt  }
0x4d: {  	_ =	shalt  }
0x4e: {  	_ =	shalt  }
0x4f: {  	_ =	shalt  }
0x50: {  	_ =	shalt  }
0x51: {  	_ =	shalt  }
0x52: {  	_ =	shalt  }
0x53: {  	_ =	shalt  }
0x54: {  	_ =	shalt  }
0x55: {  	_ =	shalt  }
0x56: {  	_ =	shalt  }
0x57: {  	_ =	shalt  }
0x58: {  	_ =	shalt  }
0x59: {  	_ =	shalt  }
0x5a: {  	_ =	shalt  }
0x5b: {  	_ =	shalt  }
0x5c: {  	_ =	shalt  }
0x5d: {  	_ =	shalt  }
0x5e: {  	_ =	shalt  }
0x5f: {  	_ =	shalt  }
0x60: {  	_ =	shalt  }
0x61: {  	_ =	shalt  }
0x62: {  	_ =	shalt  }
0x63: {  	_ =	shalt  }
0x64: {  	_ =	shalt  }
0x65: {  	_ =	shalt  }
0x66: {  	_ =	shalt  }
0x67: {  	_ =	shalt  }
0x68: {  	_ =	shalt  }
0x69: {  	_ =	shalt  }
0x6a: {  	_ =	shalt  }
0x6b: {  	_ =	shalt  }
0x6c: {  	_ =	shalt  }
0x6d: {  	_ =	shalt  }
0x6e: {  	_ =	shalt  }
0x6f: {  	_ =	shalt  }
0x70: {  	_ =	shalt  }
0x71: {  	_ =	shalt  }
0x72: {  	_ =	shalt  }
0x73: {  	_ =	shalt  }
0x74: {  	_ =	shalt  }
0x75: {  	_ =	shalt  }
0x76: {  	_ =	shalt  }
0x77: {  	_ =	shalt  }
0x78: {  	_ =	shalt  }
0x79: {  	_ =	shalt  }
0x7a: {  	_ =	shalt  }
0x7b: {  	_ =	shalt  }
0x7c: {  	_ =	shalt  }
0x7d: {  	_ =	shalt  }
0x7e: {  	_ =	shalt  }
0x7f: {  	_ =	shalt  }
0x80: {  	_ =	shalt  }
0x81: {  	_ =	shalt  }
0x82: {  	_ =	shalt  }
0x83: {  	_ =	shalt  }
0x84: {  	_ =	shalt  }
0x85: {  	_ =	shalt  }
0x86: {  	_ =	shalt  }
0x87: {  	_ =	shalt  }
.Lfunc_end0:
.L_simem_size_0:
called_computation.1_lowered:
.L_overlay_start_0:
0x88: {  	s2 =	sld [smem:$0x3FD9]  }
0x89: {  	s3 =	sld [smem:$0x3FFE];
	_ =	sdelay $0x1  }
0x8a: {  	s1 =	srdreg.scid  }
0x8b: {  	s0 =	sand.u32 $0x1, s1  }
0x8c: {  	s14 =	sshll.u32 s0, $0xA;
	s2 =	sadd.s32 s3, s2  }
0x8d: {  	s2 =	sadd.s32 s2, s14  }
0x8e: {  	[smem:$0x3FC5] =	sst s2  }
0x8f: {  	_ = 	snop  }
0x90: {  	s2 =	sld [smem:$0x3FD0];
	_ =	sdelay $0x2  }
0x91: {  	s4 =	simm.s32 $0xA;
	s5 =	simm.s32 $0x10;
	s15 =	sld [smem:$0x3FC8]  }
0x92: {  	[smem:s5], [sflag:s4] =	dma.local [hbm:s2], $0x1  }
0x93: {  	_ =	swait.eq [sflag:s4], $0x1  }
0x94: {  	[sflag:s4] =	ssyncset.done $0x0  }
0x95: {  	s16 =	sld [smem:$0x10];
	[sflag:s4] =	ssyncadd.s32 $0xFFFFFFFF  }
0x96: {  	s17 =	sld [smem:$0x11];
	(tm) =	ssettm $0x1  }
0x97: {  	s18 =	sld [smem:$0x3FFB];
	_ =	sdelay $0x3  }
0x98: {  	_ =	strace s18  }
0x99: {  	s5 =	sld [smem:$0x3FFC];
	_ =	sdelay $0x3  }
0x9a: {  	_ =	strace s5  }
0x9b: {  	s5 =	sld [smem:$0x3FFD];
	_ =	sdelay $0x3  }
0x9c: {  	_ =	strace s5  }
0x9d: {  	_ =	strace $0x8FFFFFFF  }
0x9e: {  	s19 =	sld [smem:$0x3FDB];
	_ =	sdelay $0x1  }
0x9f: {  	s6 =	simm.s32 $_scs_section_size  }
0xa0: {  	s7 =	simm.s32 $_size__tile_overlayer_lowered;
	s8 =	simm.s32 $_tile_overlayer_lowered  }
0xa1: {  	s22 =	simm.s32 $0x1BFF;
	s21 =	sshll.u32 s8, $0x1;
	s5 =	sadd.s32 s6, s19  }
0xa2: {  	s9 =	simm.s32 $0x0;
	s20 =	sshll.u32 s7, $0x1;
	s7 =	sadd.s32 s21, s5  }
0xa3: {  	[timem:s9], [sflag:s22] =	dma.local [hbm:s7], s20  }
0xa4: {  	_ =	swait.ge [sflag:s22], s20  }
0xa5: {  	s6 =	ssub.s32 $0x0, s20;
	[sflag:s22] =	ssyncset.done $0x0  }
0xa6: {  	[sflag:s22] =	ssyncadd.s32 s6;
	_ =	sdelay $0x1  }
0xa7: {  	s23 =	simm.s32 $0x1B8B  }
0xa8: {  	_ =	swait.ge [sflag:s23], $0x1  }
0xa9: {  	[sflag:s23] =	ssyncset.done $0x0  }
0xaa: {  	s25 =	simm.s32 $0x1B8E;
	s24 =	sld [smem:$0x3FFE];
	[sflag:s23] =	ssyncadd.s32 $0xFFFFFFFF  }
0xab: {  	s26 =	simm.s32 $execute0_lowered;
	[smem:$0x3FD2] =	sst s25  }
0xac: {  	s7 =	sshll.u32 s26, $0x1;
	_ =	strace $0x80000049;
	[dreg:$0x1] =	wrdreg $0xFFFFFFFF  }
0xad: {  	s28 =	simm.s32 $_size_execute0_lowered;
	s5 =	sadd.s32 s5, s7;
	[dreg:$0x0] =	wrdreg $0x0  }
0xae: {  	s7 =	sshll.u32 s28, $0x1;
	[dreg:$0x2] =	wrdreg s5  }
0xaf: {  	[dreg:$0x3] =	wrdreg s7  }
0xb0: {  	[dreg:$0x4] =	wrdreg $0xC0  }
0xb1: {  	_ =	task [dreg:s9], $0x5FFFF  }
0xb2: {  	[dreg:$0x1] =	wrdreg $0xFFFFFFFF  }
0xb3: {  	[dreg:$0x0] =	wrdreg $0x60  }
0xb4: {  	[dreg:$0x2] =	wrdreg s24  }
0xb5: {  	[dreg:$0x3] =	wrdreg s15  }
0xb6: {  	[dreg:$0x4] =	wrdreg s16  }
0xb7: {  	[dreg:$0x5] =	wrdreg s17  }
0xb8: {  	[dreg:$0x6] =	wrdreg $0x9  }
0xb9: {  	_ =	task.clear_ibuf [dreg:s9], $0x7FFFF;
	_ =	strace $0x90000049  }
0xba: {  	s29 =	simm.s32 $0x9;
	_ =	strace $0x8000004B  }
0xbb: {  	_ =	swait.ge [sflag:s29], $0x1  }
0xbc: {  	[sflag:s29] =	ssyncadd.s32 $0xFFFFFFFF  }
0xbd: {  	_ =	strace $0x9000004B  }
0xbe: {  	_ =	sfence  }
0xbf: {  	s30 =	sld [smem:$0x0];
	_ =	sdelay $0x2  }
0xc0: {  	s31 =	sshll.u32 s1, $0xD;
	s1 =	sshrl.u32 s1, $0x2  }
0xc1: {  	s3 =	sand.u32 $0x4000, s31;
	s1 =	sadd.s32 s1, s30  }
0xc2: {  	s0 =	sor.u32 s3, s0;
	s1 =	sshll.u32 s1, $0x11  }
0xc3: {  	s0 =	sor.u32 s1, s0  }
0xc4: {  	s0 =	sadd.s32 $0x8F2B, s0  }
0xc5: {  	[sflag:s0] =	ssyncadd.remote.s32 $0x1  }
0xc6: {  	_ =	sfence.sel $0xFFFF  }
0xc7: {  	[dreg:$0x0] =	wrdreg $0xFFFFFFFF;
	(pc) =	sbr.abs _section_cstart, $3  }
0xc8: {  	[dreg:$0x1] =	wrdreg $0xFFFFFFFF  }
0xc9: {  	_ =	task.clear_ibuf [dreg:s9], $0x2FFFF;
	_ =	strace $0x9FFFFFFF  }
0xca: {  	(tm) =	ssettm $0x7FFFFFFF  }
0xcb: {  	_ =	shalt  }
tec
execute0_lowered:
.L_overlay_start_1:
0x0: {  	(tag) =	ssettag $0x1  }
0x1: {  	s0 =	rddreg [dreg:$0x0];
	s3 =	simm.s32 $0x0  }
0x2: {  	s31 =	simm.s32 $0x4100;
	[smem:$0x7FF] =	sst s3  }
0x3: {  	s1 =	rddreg [dreg:$0x1];
	s30 =	sadd.s32 $0x7F2E00, s0;
	s7 =	sadd.s32 $0x7F2F00, s0  }
0x4: {  	s6 =	sadd.s32 $0x2E00, s0;
	s8 =	sadd.s32 $0x7F3000, s0;
	s10 =	sadd.s32 $0x7F3200, s0  }
0x5: {  	s29 =	rddreg [dreg:$0x3];
	v0 =	vimm.f32 $6.283185480e+00;
	s11 =	sadd.s32 $0x7F3300, s0;
	_ =	strace $0x8000004A  }
0x6: {  	s2 =	srdreg.scid;
	s12 =	sadd.s32 $0x7F3400, s0;
	s13 =	sadd.s32 $0x7F3500, s0;
	(erf) = vrcp.f32 v0  }
0x7: {  	s5 =	stileid.u32;
	s14 =	sadd.s32 $0x7F3600, s0;
	s16 =	sadd.s32 $0x7F3700, s0  }
0x8: {  	s2 =	sand.u32 $0x1, s2;
	s17 =	sadd.s32 $0x7F3800, s0;
	s18 =	sadd.s32 $0x7F3900, s0  }
0x9: {  	s15 =	sshll.u32 s5, $0x8;
	s19 =	sadd.s32 $0x7F3A00, s0;
	s21 =	sadd.s32 $0x7F3B00, s0  }
0xa: {  	s22 =	sadd.s32 $0x7F3C00, s0;
	s4 =	ssub.s32 $0x2, s2;
	s2 =	sshll.u32 s2, $0x7  }
0xb: {  	v1 =	vlaneseq.u32;
	s23 =	sadd.s32 $0x7F3D00, s0;
	[dreg:$0x5] =	wrdreg s7;
	s2 =	sor.u32 s2, s15  }
0xc: {  	s9 =	sshrl.u32 s4, $0x1;
	v0 =	vand.u32 $0x7, v1;
	[dreg:$0x6] =	wrdreg s2;
	s2 =	sshrl.u32 s2, $0x3  }
0xd: {  	v2 =	vshrl.u32 v1, $0x3;
	s4 =	ssub.s32 s4, s9;
	s9 =	sadd.s32 $0x7F3100, s0;
	v1 =	vmul.u32 $0x2, v0;
	s1 =	sadd.s32 s1, s2  }
0xe: {  	vm0 =	vmmov $0xffff;
	s28 =	smax.u32 s4, $0x1;
	s4 =	simm.s32 $0x4;
	[dreg:$0x7] =	wrdreg s1  }
0xf: {  	vm1 =	vmmov $0xff;
	v2 =	vmul.u32 $0x8, v2;
	s2 =	simm.s32 $0x0;
	[dreg:$0x8] =	wrdreg s28;
	v4 =	vor.u32 $0x1, v1;
	s1 =	simm.s32 $0x5;
	v3 =	vpop (erf)  }
.LBB2_1:
0x10: {  	[dreg:$0x9] =	wrdreg s2  }
0x11: {  	s0 =	rddreg [dreg:$0x7];
	s20 =	simm.s32 $0x6  }
0x12: {  	[tilespmem:s3], [sflag:$0x6] =	stream.linear.gather [hbm4b:s0+s3], $0x80, $0x38;
	[tilespmem:$0x1DF00] =	vst v63  }
0x13: {  	_ =	swait.ge [sflag:s20], $0x80  }
0x14: {  	[sflag:s20] =	ssyncset.done $0x0  }
0x15: {  	s24 =	simm.s32 $0x80;
	[sflag:s20] =	ssyncadd.s32 $0xFFFFFF80  }
0x16: {  	s5 =	simm.s32 $0x100;
	s25 =	simm.s32 $0x1;
	s0 =	rddreg [dreg:$0x2]  }
0x17: {  	[tilespmem:s5], [sflag:$0x1] =	stream.indirect.gather [hbm4b:s0+s24], $0x80, s3, s24, $0xb8;
	[tilespmem:$0x1DF00] =	vst v63  }
0x18: {  	_ =	swait.ge [sflag:s25], $0x4000  }
0x19: {  	[sflag:s25] =	ssyncset.done $0x0  }
0x1a: {  	s26 =	simm.s32 $0x120;
	[sflag:s25] =	ssyncadd.s32 $0xFFFFC000  }
0x1b: {  	v5 =	vld [tilespmem:s26+$0x10]  }
0x1c: {  	v6 =	vld [tilespmem:s26+$0xFFFFFFF0]  }
0x1d: {  	v7 =	vld [tilespmem:s26+$0x0]  }
0x1e: {  	v8 =	vld [tilespmem:s26+$0xFFFFFFE0];
	_ =	sdelay $0x2  }
0x1f: {  	v5 =	vadd.f32 $3.141592740e+00, v5  }
0x20: {  	v6 =	vadd.f32 $3.141592740e+00, v6;
	v7 =	vadd.f32 $3.141592740e+00, v7  }
0x21: {  	v8 =	vadd.f32 $3.141592740e+00, v8;
	v9 =	vand.u32 $0x7FFFFFFF, v5  }
0x22: {  	v10 =	vand.u32 $0x7FFFFFFF, v6;
	v13 =	vand.u32 $0x7FFFFFFF, v7;
	v11 =	vmul.f32 v9, v3  }
0x23: {  	v14 =	vand.u32 $0x7FFFFFFF, v8;
	v12 =	vmul.f32 v10, v3;
	v15 =	vmul.f32 v13, v3  }
0x24: {  	v16 =	vmul.f32 v14, v3;
	v11 =	vfloor.f32 v11  }
0x25: {  	v12 =	vfloor.f32 v12;
	v11 =	vmul.f32 $6.283185480e+00, v11  }
0x26: {  	v15 =	vfloor.f32 v15;
	v16 =	vfloor.f32 v16  }
0x27: {  	v12 =	vmul.f32 $6.283185480e+00, v12;
	v15 =	vmul.f32 $6.283185480e+00, v15;
	v9 =	vsub.f32 v9, v11  }
0x28: {  	s28 =	simm.s32 $0x1A0;
	v6 =	vand.u32 $0x80000000, v6;
	v8 =	vand.u32 $0x80000000, v8;
	v11 =	vmul.f32 $6.283185480e+00, v16  }
0x29: {  	v10 =	vsub.f32 v10, v12;
	v12 =	vsub.f32 v13, v15;
	v13 =	vld [tilespmem:s28+$0x10];
	vm2 =	veq.f32 v9, $6.283185480e+00  }
0x2a: {  	v7 =	vand.u32 $0x80000000, v7;
	v5 =	vand.u32 $0x80000000, v5;
	v9 =	vsel vm2, $0x0, v9  }
0x2b: {  	v11 =	vsub.f32 v14, v11;
	vm4 =	veq.f32 v12, $6.283185480e+00;
	v9 =	vand.u32 $0x7FFFFFFF, v9  }
0x2c: {  	vm2 =	veq.f32 v10, $6.283185480e+00;
	v12 =	vsel vm4, $0x0, v12;
	v5 =	vor.u32 v5, v9;
	v9 =	vld [tilespmem:s28+$0xFFFFFFF0]  }
0x2d: {  	vm3 =	veq.f32 v11, $6.283185480e+00;
	v10 =	vsel vm2, $0x0, v10;
	v12 =	vand.u32 $0x7FFFFFFF, v12  }
0x2e: {  	v11 =	vsel vm3, $0x0, v11;
	v10 =	vand.u32 $0x7FFFFFFF, v10;
	v13 =	vadd.f32 $3.141592740e+00, v13  }
0x2f: {  	v7 =	vor.u32 v7, v12;
	v14 =	vadd.f32 $6.283185480e+00, v5;
	v11 =	vand.u32 $0x7FFFFFFF, v11  }
0x30: {  	vm2 =	vlt.f32 v5, $0.0e+00;
	v6 =	vor.u32 v6, v10;
	v18 =	vadd.f32 $6.283185480e+00, v7  }
0x31: {  	v8 =	vor.u32 v8, v11;
	v5 =	vsel vm2, v14, v5;
	v14 =	vld [tilespmem:s28+$0xFFFFFFE0];
	v9 =	vadd.f32 $3.141592740e+00, v9  }
0x32: {  	v11 =	vld [tilespmem:s28+$0x0];
	v15 =	vadd.f32 $6.283185480e+00, v6;
	v12 =	vand.u32 $0x7FFFFFFF, v13;
	v10 =	vadd.f32 $6.283185480e+00, v8  }
0x33: {  	vm2 =	vlt.f32 v8, $0.0e+00;
	v17 =	vmul.f32 v12, v3;
	v62 =	vand.u32 $0x7FFFFFFF, v9  }
0x34: {  	vm3 =	vlt.f32 v6, $0.0e+00;
	v8 =	vsel vm2, v10, v8;
	v10 =	vmul.f32 v62, v3  }
0x35: {  	v15 =	vsel vm3, v15, v6;
	v20 =	vadd.f32 $-3.141592740e+00, v5;
	v17 =	vfloor.f32 v17  }
0x36: {  	v17 =	vmul.f32 $6.283185480e+00, v17;
	v14 =	vadd.f32 $3.141592740e+00, v14;
	v10 =	vfloor.f32 v10  }
0x37: {  	vm2 =	vlt.f32 v7, $0.0e+00;
	v11 =	vadd.f32 $3.141592740e+00, v11;
	v6 =	vmul.f32 $6.283185480e+00, v10  }
0x38: {  	v18 =	vsel vm2, v18, v7;
	v12 =	vsub.f32 v12, v17;
	v19 =	vand.u32 $0x7FFFFFFF, v14  }
0x39: {  	v10 =	vand.u32 $0x7FFFFFFF, v11;
	v16 =	vsub.f32 v62, v6;
	v6 =	vmul.f32 v19, v3  }
0x3a: {  	v21 =	vadd.f32 $-3.141592740e+00, v8;
	v5 =	vand.u32 $0x80000000, v9;
	v63 =	vmul.f32 v10, v3  }
0x3b: {  	v7 =	vand.u32 $0x80000000, v14;
	vm2 =	veq.f32 v12, $6.283185480e+00;
	v9 =	vfloor.f32 v6  }
0x3c: {  	v14 =	vadd.f32 $-3.141592740e+00, v18;
	v8 =	vfloor.f32 v63;
	v9 =	vmul.f32 $6.283185480e+00, v9  }
0x3d: {  	s20 =	simm.s32 $0x4120;
	v6 =	vand.u32 $0x80000000, v11;
	v8 =	vmul.f32 $6.283185480e+00, v8;
	v11 =	vadd.f32 $-3.141592740e+00, v15  }
0x3e: {  	[tilespmem:s20+$0x10] =	vst v20;
	vm3 =	veq.f32 v16, $6.283185480e+00;
	v15 =	vsub.f32 v19, v9;
	v9 =	vsel vm2, $0x0, v12  }
0x3f: {  	[tilespmem:s20+$0xFFFFFFE0] =	vst v21;
	v8 =	vsub.f32 v10, v8;
	v10 =	vand.u32 $0x80000000, v13;
	v9 =	vand.u32 $0x7FFFFFFF, v9  }
0x40: {  	[tilespmem:s20+$0xFFFFFFF0] =	vst v11;
	v11 =	vsel vm3, $0x0, v16;
	vm15 =	veq.f32 v15, $6.283185480e+00;
	v9 =	vor.u32 v10, v9  }
0x41: {  	s0 =	simm.s32 $0x4;
	s24 =	simm.s32 $0x220;
	[tilespmem:s20+$0x0] =	vst v14;
	vm2 =	veq.f32 v8, $6.283185480e+00;
	v12 =	vsel vm15, $0x0, v15;
	v10 =	vadd.f32 $6.283185480e+00, v9  }
.LBB2_2:
0x42: {  	v13 =	vld [tilespmem:s24+$0x10];
	s0 =	sadd.s32 $0x4, s0;
	v12 =	vand.u32 $0x7FFFFFFF, v12;
	v8 =	vsel vm2, $0x0, v8;
	vm2 =	vlt.f32 v9, $0.0e+00  }
0x43: {  	v11 =	vand.u32 $0x7FFFFFFF, v11;
	v14 =	vld [tilespmem:s24+$0xFFFFFFF0];
	p0 =	slt.u32 s0, $0x1FC;
	v8 =	vand.u32 $0x7FFFFFFF, v8;
	v9 =	vsel vm2, v10, v9  }
0x44: {  	v7 =	vor.u32 v7, v12;
	v5 =	vor.u32 v5, v11;
	v10 =	vld [tilespmem:s24+$0x0];
	v9 =	vadd.f32 $-3.141592740e+00, v9  }
0x45: {  	s20 =	sadd.s32 $0x40, s20;
	v12 =	vadd.f32 $6.283185480e+00, v7;
	v15 =	vadd.f32 $6.283185480e+00, v5;
	v6 =	vor.u32 v6, v8;
	v11 =	vld [tilespmem:s24+$0xFFFFFFE0]  }
0x46: {  	vm2 =	vlt.f32 v7, $0.0e+00;
	vm3 =	vlt.f32 v5, $0.0e+00;
	v8 =	vadd.f32 $6.283185480e+00, v6;
	[tilespmem:s20+$0x10] =	vst v9  }
0x47: {  	v7 =	vsel vm2, v12, v7;
	vm2 =	vlt.f32 v6, $0.0e+00;
	v9 =	vadd.f32 $3.141592740e+00, v13  }
0x48: {  	v13 =	vsel vm3, v15, v5;
	v8 =	vsel vm2, v8, v6;
	v12 =	vadd.f32 $3.141592740e+00, v14  }
0x49: {  	v7 =	vadd.f32 $-3.141592740e+00, v7;
	v6 =	vadd.f32 $3.141592740e+00, v10;
	v10 =	vand.u32 $0x7FFFFFFF, v9  }
0x4a: {  	v11 =	vadd.f32 $3.141592740e+00, v11;
	v14 =	vand.u32 $0x7FFFFFFF, v12;
	v15 =	vmul.f32 v10, v3  }
0x4b: {  	v5 =	vand.u32 $0x80000000, v12;
	v16 =	vmul.f32 v14, v3;
	v12 =	vand.u32 $0x7FFFFFFF, v6;
	[tilespmem:s20+$0xFFFFFFE0] =	vst v7  }
0x4c: {  	v17 =	vand.u32 $0x7FFFFFFF, v11;
	v18 =	vmul.f32 v12, v3;
	v15 =	vfloor.f32 v15  }
0x4d: {  	v7 =	vand.u32 $0x80000000, v11;
	v19 =	vmul.f32 v17, v3;
	v11 =	vmul.f32 $6.283185480e+00, v15  }
0x4e: {  	v6 =	vand.u32 $0x80000000, v6;
	v15 =	vfloor.f32 v16;
	v16 =	vfloor.f32 v18  }
0x4f: {  	v15 =	vmul.f32 $6.283185480e+00, v15;
	v18 =	vfloor.f32 v19;
	v10 =	vsub.f32 v10, v11  }
0x50: {  	v13 =	vadd.f32 $-3.141592740e+00, v13;
	v16 =	vmul.f32 $6.283185480e+00, v16;
	v11 =	vmul.f32 $6.283185480e+00, v18  }
.Ltmp0:
0x51: {  	v14 =	vsub.f32 v14, v15;
	v15 =	vadd.f32 $-3.141592740e+00, v8;
	vm2 =	veq.f32 v10, $6.283185480e+00;
	(pc) =	sbr.rel @p0 .LBB2_2-.Ltmp0, $4  }
0x52: {  	v8 =	vsub.f32 v12, v16;
	v11 =	vsub.f32 v17, v11;
	v10 =	vsel vm2, $0x0, v10;
	[tilespmem:s20+$0xFFFFFFF0] =	vst v13  }
0x53: {  	v9 =	vand.u32 $0x80000000, v9;
	vm3 =	veq.f32 v14, $6.283185480e+00;
	v10 =	vand.u32 $0x7FFFFFFF, v10;
	[tilespmem:s20+$0x0] =	vst v15  }
0x54: {  	vm2 =	veq.f32 v8, $6.283185480e+00;
	vm4 =	veq.f32 v11, $6.283185480e+00;
	v9 =	vor.u32 v9, v10  }
0x55: {  	s24 =	sadd.s32 $0x80, s24;
	v12 =	vsel vm4, $0x0, v11;
	v11 =	vsel vm3, $0x0, v14;
	v10 =	vadd.f32 $6.283185480e+00, v9  }
0x56: {  	v12 =	vand.u32 $0x7FFFFFFF, v12  }
0x57: {  	v8 =	vsel vm2, $0x0, v8;
	vm2 =	vlt.f32 v9, $0.0e+00;
	v11 =	vand.u32 $0x7FFFFFFF, v11  }
0x58: {  	v8 =	vand.u32 $0x7FFFFFFF, v8;
	v9 =	vsel vm2, v10, v9;
	v7 =	vor.u32 v7, v12  }
0x59: {  	v5 =	vor.u32 v5, v11;
	v9 =	vadd.f32 $-3.141592740e+00, v9;
	v63 =	vadd.f32 $6.283185480e+00, v7  }
0x5a: {  	v11 =	vadd.f32 $6.283185480e+00, v5;
	v6 =	vor.u32 v6, v8;
	vm2 =	vlt.f32 v7, $0.0e+00  }
0x5b: {  	vm3 =	vlt.f32 v5, $0.0e+00;
	v8 =	vadd.f32 $6.283185480e+00, v6;
	v7 =	vsel vm2, v63, v7  }
0x5c: {  	s0 =	sadd.s32 $0x40, s20;
	vm2 =	vlt.f32 v6, $0.0e+00;
	v5 =	vsel vm3, v11, v5;
	v7 =	vadd.f32 $-3.141592740e+00, v7  }
0x5d: {  	[tilespmem:s0+$0x10] =	vst v9;
	v6 =	vsel vm2, v8, v6;
	v5 =	vadd.f32 $-3.141592740e+00, v5  }
0x5e: {  	v6 =	vadd.f32 $-3.141592740e+00, v6;
	[tilespmem:s0+$0xFFFFFFE0] =	vst v7  }
0x5f: {  	[tilespmem:s0+$0xFFFFFFF0] =	vst v5  }
0x60: {  	[tilespmem:s0+$0x0] =	vst v6  }
0x61: {  	v5 =	vld.msk [tilespmem:$0x0], $0xff;
	_ =	sdelay $0x4  }
0x62: {  	v6 =	vshll.u32 v5, $0x5  }
0x63: {  	v5 =	vand.u32 $0x7, v5;
	v6 =	vand.u32 $0xFFFFFF00, v6  }
0x64: {  	v5 =	vor.u32 v5, v6  }
0x65: {  	v5 =	vperm.xlane v5, v0;
	_ =	sdelay $0x1  }
0x66: {  	v5 =	vadd.s32 v2, v5;
	_ =	sdelay $0x3  }
0x67: {  	s26 =	simm.s32 $0x0;
	s2 =	simm.s32 $0x6100  }
0x68: {  	[tilespmem:s2], [sflag:$0x2] =	stream.indirect_vreg.gather [hbm4b:s30+s26], $0x80, v5, vm0, $0xb8;
	[tilespmem:$0x1DF00] =	vst v63  }
0x69: {  	s5 =	rddreg [dreg:$0x5];
	s2 =	simm.s32 $0x6900  }
0x6a: {  	[tilespmem:s2], [sflag:$0x2] =	stream.indirect_vreg.gather [hbm4b:s5+s26], $0x80, v5, vm0, $0xb8;
	[tilespmem:$0x1DF00] =	vst v63  }
0x6b: {  	s7 =	simm.s32 $0x7100  }
0x6c: {  	[tilespmem:s7], [sflag:$0x2] =	stream.indirect_vreg.gather [hbm4b:s8+s26], $0x80, v5, vm0, $0xb8;
	[tilespmem:$0x1DF00] =	vst v63  }
0x6d: {  	s15 =	simm.s32 $0x7900  }
0x6e: {  	[tilespmem:s15], [sflag:$0x2] =	stream.indirect_vreg.gather [hbm4b:s9+s26], $0x80, v5, vm0, $0xb8;
	[tilespmem:$0x1DF00] =	vst v63  }
0x6f: {  	s20 =	simm.s32 $0x8100  }
0x70: {  	[tilespmem:s20], [sflag:$0x2] =	stream.indirect_vreg.gather [hbm4b:s10+s26], $0x80, v5, vm0, $0xb8;
	[tilespmem:$0x1DF00] =	vst v63  }
0x71: {  	s24 =	simm.s32 $0x8900  }
0x72: {  	[tilespmem:s24], [sflag:$0x2] =	stream.indirect_vreg.gather [hbm4b:s11+s26], $0x80, v5, vm0, $0xb8;
	[tilespmem:$0x1DF00] =	vst v63  }
0x73: {  	s25 =	simm.s32 $0x9100  }
0x74: {  	[tilespmem:s25], [sflag:$0x2] =	stream.indirect_vreg.gather [hbm4b:s12+s26], $0x80, v5, vm0, $0xb8;
	[tilespmem:$0x1DF00] =	vst v63  }
0x75: {  	s28 =	simm.s32 $0x9900  }
0x76: {  	[tilespmem:s28], [sflag:$0x2] =	stream.indirect_vreg.gather [hbm4b:s13+s26], $0x80, v5, vm0, $0xb8;
	[tilespmem:$0x1DF00] =	vst v63  }
0x77: {  	s2 =	simm.s32 $0xA100  }
0x78: {  	[tilespmem:s2], [sflag:$0x2] =	stream.indirect_vreg.gather [hbm4b:s14+s26], $0x80, v5, vm0, $0xb8;
	[tilespmem:$0x1DF00] =	vst v63  }
0x79: {  	s5 =	simm.s32 $0xA900  }
0x7a: {  	[tilespmem:s5], [sflag:$0x2] =	stream.indirect_vreg.gather [hbm4b:s16+s26], $0x80, v5, vm0, $0xb8;
	[tilespmem:$0x1DF00] =	vst v63  }
0x7b: {  	s7 =	simm.s32 $0xB100  }
0x7c: {  	[tilespmem:s7], [sflag:$0x2] =	stream.indirect_vreg.gather [hbm4b:s17+s26], $0x80, v5, vm0, $0xb8;
	[tilespmem:$0x1DF00] =	vst v63  }
0x7d: {  	s15 =	simm.s32 $0xB900  }
0x7e: {  	[tilespmem:s15], [sflag:$0x2] =	stream.indirect_vreg.gather [hbm4b:s18+s26], $0x80, v5, vm0, $0xb8;
	[tilespmem:$0x1DF00] =	vst v63  }
0x7f: {  	s20 =	simm.s32 $0xC100  }
0x80: {  	[tilespmem:s20], [sflag:$0x2] =	stream.indirect_vreg.gather [hbm4b:s19+s26], $0x80, v5, vm0, $0xb8;
	[tilespmem:$0x1DF00] =	vst v63  }
0x81: {  	s24 =	simm.s32 $0xC900  }
0x82: {  	[tilespmem:s24], [sflag:$0x2] =	stream.indirect_vreg.gather [hbm4b:s21+s26], $0x80, v5, vm0, $0xb8;
	[tilespmem:$0x1DF00] =	vst v63  }
0x83: {  	s25 =	simm.s32 $0xD100  }
0x84: {  	[tilespmem:s25], [sflag:$0x2] =	stream.indirect_vreg.gather [hbm4b:s22+s26], $0x80, v5, vm0, $0xb8;
	[tilespmem:$0x1DF00] =	vst v63  }
0x85: {  	s28 =	simm.s32 $0xD900  }
0x86: {  	[tilespmem:s28], [sflag:$0x2] =	stream.indirect_vreg.gather [hbm4b:s23+s26], $0x80, v5, vm0, $0xb8;
	[tilespmem:$0x1DF00] =	vst v63  }
.LBB2_4:
0x87: {  	s25 =	sshll.u32 s26, $0x4  }
0x88: {  	s28 =	sand.u32 $0x3FFFFFF0, s25  }
0x89: {  	s0 =	sor.u32 $0x8, s28  }
0x8a: {  	v5 =	vld.msk [tilespmem:s0+$0x0], $0xff;
	_ =	sdelay $0x4  }
0x8b: {  	v6 =	vshll.u32 v5, $0x5  }
0x8c: {  	v5 =	vand.u32 $0x7, v5;
	v6 =	vand.u32 $0xFFFFFF00, v6  }
0x8d: {  	v5 =	vor.u32 v5, v6  }
0x8e: {  	v5 =	vperm.xlane v5, v0;
	_ =	sdelay $0x1  }
0x8f: {  	v5 =	vadd.s32 v2, v5;
	_ =	sdelay $0x3  }
0x90: {  	s2 =	simm.s32 $0xE100  }
0x91: {  	[tilespmem:s2], [sflag:$0x3] =	stream.indirect_vreg.gather [hbm4b:s30+s3], $0x80, v5, vm0, $0xb8;
	[tilespmem:$0x1DF00] =	vst v63  }
0x92: {  	s15 =	rddreg [dreg:$0x5];
	s2 =	simm.s32 $0xE900  }
0x93: {  	[tilespmem:s2], [sflag:$0x3] =	stream.indirect_vreg.gather [hbm4b:s15+s3], $0x80, v5, vm0, $0xb8;
	[tilespmem:$0x1DF00] =	vst v63  }
0x94: {  	s20 =	simm.s32 $0xF100  }
0x95: {  	[tilespmem:s20], [sflag:$0x3] =	stream.indirect_vreg.gather [hbm4b:s8+s3], $0x80, v5, vm0, $0xb8;
	[tilespmem:$0x1DF00] =	vst v63  }
0x96: {  	s24 =	simm.s32 $0xF900  }
0x97: {  	[tilespmem:s24], [sflag:$0x3] =	stream.indirect_vreg.gather [hbm4b:s9+s3], $0x80, v5, vm0, $0xb8;
	[tilespmem:$0x1DF00] =	vst v63  }
0x98: {  	s2 =	simm.s32 $0x10100  }
0x99: {  	[tilespmem:s2], [sflag:$0x3] =	stream.indirect_vreg.gather [hbm4b:s10+s3], $0x80, v5, vm0, $0xb8;
	[tilespmem:$0x1DF00] =	vst v63  }
0x9a: {  	s15 =	simm.s32 $0x10900  }
0x9b: {  	[tilespmem:s15], [sflag:$0x3] =	stream.indirect_vreg.gather [hbm4b:s11+s3], $0x80, v5, vm0, $0xb8;
	[tilespmem:$0x1DF00] =	vst v63  }
0x9c: {  	s20 =	simm.s32 $0x11100  }
0x9d: {  	[tilespmem:s20], [sflag:$0x3] =	stream.indirect_vreg.gather [hbm4b:s12+s3], $0x80, v5, vm0, $0xb8;
	[tilespmem:$0x1DF00] =	vst v63  }
0x9e: {  	s24 =	simm.s32 $0x11900  }
0x9f: {  	[tilespmem:s24], [sflag:$0x3] =	stream.indirect_vreg.gather [hbm4b:s13+s3], $0x80, v5, vm0, $0xb8;
	[tilespmem:$0x1DF00] =	vst v63  }
0xa0: {  	s2 =	simm.s32 $0x12100  }
0xa1: {  	[tilespmem:s2], [sflag:$0x3] =	stream.indirect_vreg.gather [hbm4b:s14+s3], $0x80, v5, vm0, $0xb8;
	[tilespmem:$0x1DF00] =	vst v63  }
0xa2: {  	s15 =	simm.s32 $0x12900  }
0xa3: {  	[tilespmem:s15], [sflag:$0x3] =	stream.indirect_vreg.gather [hbm4b:s16+s3], $0x80, v5, vm0, $0xb8;
	[tilespmem:$0x1DF00] =	vst v63  }
0xa4: {  	s20 =	simm.s32 $0x13100  }
0xa5: {  	[tilespmem:s20], [sflag:$0x3] =	stream.indirect_vreg.gather [hbm4b:s17+s3], $0x80, v5, vm0, $0xb8;
	[tilespmem:$0x1DF00] =	vst v63  }
0xa6: {  	s24 =	simm.s32 $0x13900  }
0xa7: {  	[tilespmem:s24], [sflag:$0x3] =	stream.indirect_vreg.gather [hbm4b:s18+s3], $0x80, v5, vm0, $0xb8;
	[tilespmem:$0x1DF00] =	vst v63  }
0xa8: {  	s2 =	simm.s32 $0x14100  }
0xa9: {  	[tilespmem:s2], [sflag:$0x3] =	stream.indirect_vreg.gather [hbm4b:s19+s3], $0x80, v5, vm0, $0xb8;
	[tilespmem:$0x1DF00] =	vst v63  }
0xaa: {  	s15 =	simm.s32 $0x14900  }
0xab: {  	[tilespmem:s15], [sflag:$0x3] =	stream.indirect_vreg.gather [hbm4b:s21+s3], $0x80, v5, vm0, $0xb8;
	[tilespmem:$0x1DF00] =	vst v63  }
0xac: {  	s20 =	simm.s32 $0x15100  }
0xad: {  	[tilespmem:s20], [sflag:$0x3] =	stream.indirect_vreg.gather [hbm4b:s22+s3], $0x80, v5, vm0, $0xb8;
	[tilespmem:$0x1DF00] =	vst v63  }
0xae: {  	s24 =	simm.s32 $0x15900;
	s2 =	simm.s32 $0x2  }
0xaf: {  	[tilespmem:s24], [sflag:$0x3] =	stream.indirect_vreg.gather [hbm4b:s23+s3], $0x80, v5, vm0, $0xb8;
	[tilespmem:$0x1DF00] =	vst v63  }
0xb0: {  	_ =	swait.ge [sflag:s2], $0x8000  }
0xb1: {  	p0 =	seq.s32 s26, $0x0;
	[sflag:s2] =	ssyncset.done $0x0  }
0xb2: {  	s0 =	simm.s32 @!p0 $0x4;
	[sflag:s2] =	ssyncadd.s32 $0xFFFF8000  }
0xb3: {  	_ =	swait.ge @!p0 [sflag:s0], $0x1F80  }
0xb4: {  	[sflag:s0] =	ssyncset.done @!p0 $0x0  }
0xb5: {  	[sflag:s0] =	ssyncadd.s32 @!p0 $0xFFFFE080  }
0xb6: {  	_ =	swait.ge @!p0 [sflag:s0], $0x1F80  }
0xb7: {  	[sflag:s0] =	ssyncset.done @!p0 $0x0  }
0xb8: {  	s15 =	simm.s32 $0x6140;
	[sflag:s0] =	ssyncadd.s32 @!p0 $0xFFFFE080  }
0xb9: {  	v6 =	vld [tilespmem:s15+$0x20]  }
0xba: {  	v7 =	vld [tilespmem:s15+$0x30]  }
0xbb: {  	v8 =	vld [tilespmem:s15+$0xFFFFFFD0]  }
0xbc: {  	v9 =	vld [tilespmem:s15+$0xFFFFFFE0]  }
0xbd: {  	v10 =	vld [tilespmem:s15+$0xFFFFFFF0]  }
0xbe: {  	v11 =	vld [tilespmem:s15+$0x0]  }
0xbf: {  	v12 =	vld [tilespmem:s15+$0x10]  }
0xc0: {  	s20 =	simm.s32 $0x6540;
	s24 =	sshll.u32 s26, $0xA;
	v13 =	vld [tilespmem:s15+$0xFFFFFFC0]  }
0xc1: {  	v5 =	vmov s24;
	v14 =	vld [tilespmem:s20+$0x20]  }
0xc2: {  	v15 =	vld [tilespmem:s20+$0x30];
	v6 =	vadd.s32 v5, v6  }
0xc3: {  	v16 =	vld [tilespmem:s20+$0xFFFFFFD0];
	v7 =	vadd.s32 v5, v7  }
0xc4: {  	v17 =	vld [tilespmem:s20+$0xFFFFFFE0];
	v9 =	vadd.s32 v5, v9  }
0xc5: {  	v18 =	vld [tilespmem:s20+$0xFFFFFFF0];
	v10 =	vadd.s32 v5, v10  }
0xc6: {  	v21 =	vld [tilespmem:s20+$0x0];
	v13 =	vadd.s32 v5, v13  }
0xc7: {  	v8 =	vadd.s32 v5, v8;
	v6 =	vld.idx.msk [tilespmem:v6+s31+$0x0], $0xffff  }
0xc8: {  	v12 =	vadd.s32 v5, v12;
	v7 =	vld.idx.msk [tilespmem:v7+s31+$0x0], $0xffff  }
0xc9: {  	v9 =	vld.idx.msk [tilespmem:v9+s31+$0x0], $0xffff  }
0xca: {  	v11 =	vadd.s32 v5, v11;
	v10 =	vld.idx.msk [tilespmem:v10+s31+$0x0], $0xffff  }
0xcb: {  	v13 =	vld.idx.msk [tilespmem:v13+s31+$0x0], $0xffff  }
0xcc: {  	v14 =	vadd.s32 v5, v14;
	v15 =	vadd.s32 v5, v15;
	v8 =	vld.idx.msk [tilespmem:v8+s31+$0x0], $0xffff;
	v19 =	vperm.xlane v6, v1  }
0xcd: {  	v18 =	vadd.s32 v5, v18;
	v25 =	vld.idx.msk [tilespmem:v12+s31+$0x0], $0xffff;
	v20 =	vperm.xlane v7, v1;
	v6 =	vperm.xlane v6, v4  }
0xce: {  	v22 =	vld [tilespmem:s20+$0x10];
	v26 =	vadd.s32 v5, v21;
	v7 =	vperm.xlane v7, v4;
	v24 =	vperm.xlane v9, v1  }
0xcf: {  	v11 =	vld.idx.msk [tilespmem:v11+s31+$0x0], $0xffff;
	v12 =	vperm.xlane v10, v4;
	v19 =	vsel vm1, v19, v20;
	v20 =	vadd.s32 v5, v16  }
0xd0: {  	s5 =	smov.u32 s29;
	s29 =	simm.s32 $0x16120;
	v23 =	vld [tilespmem:s20+$0xFFFFFFC0];
	v21 =	vperm.xlane v13, v4;
	v6 =	vsel vm1, v6, v7;
	v7 =	vperm.xlane v9, v4  }
0xd1: {  	v16 =	vld.idx.msk [tilespmem:v14+s31+$0x0], $0xffff;
	[tilespmem:s29+$0x10] =	vst v19;
	v19 =	vadd.s32 v5, v17;
	v17 =	vperm.xlane v10, v1  }
0xd2: {  	s7 =	smov.u32 s30;
	s30 =	simm.s32 $0x1A020;
	v9 =	vperm.xlane v8, v1;
	v14 =	vld.idx.msk [tilespmem:v18+s31+$0x0], $0xffff;
	v18 =	vperm.xlane v25, v4  }
0xd3: {  	v10 =	vperm.xlane v8, v4;
	[tilespmem:s30+$0x10] =	vst v6;
	v6 =	vsel vm1, v24, v17;
	v17 =	vld.idx.msk [tilespmem:v15+s31+$0x0], $0xffff  }
0xd4: {  	v8 =	vsel vm1, v7, v12;
	v7 =	vperm.xlane v11, v4;
	[tilespmem:s29+$0xFFFFFFF0] =	vst v6;
	v12 =	vld.idx.msk [tilespmem:v20+s31+$0x0], $0xffff  }
0xd5: {  	s2 =	simm.s32 $0x4;
	v15 =	vperm.xlane v11, v1;
	[tilespmem:s30+$0xFFFFFFF0] =	vst v8;
	v20 =	vperm.xlane v13, v1;
	v8 =	vld.idx.msk [tilespmem:v26+s31+$0x0], $0xffff  }
0xd6: {  	s0 =	simm.s32 $0x1A020;
	s20 =	sshll.u32 s26, $0x1;
	s15 =	simm.s32 $0x6940;
	v6 =	vadd.s32 v5, v22;
	v13 =	vadd.s32 v5, v23;
	v11 =	vld.idx.msk [tilespmem:v19+s31+$0x0], $0xffff;
	v19 =	vperm.xlane v25, v1  }
.LBB2_5:
0xd7: {  	v22 =	vld [tilespmem:s15+$0x20];
	v9 =	vsel vm1, v20, v9;
	v10 =	vsel vm1, v21, v10  }
0xd8: {  	v21 =	vperm.xlane v16, v1;
	v23 =	vperm.xlane v17, v1;
	v20 =	vld [tilespmem:s15+$0x30];
	[tilespmem:s29+$0xFFFFFFE0] =	vst v9;
	v15 =	vsel vm1, v15, v19  }
0xd9: {  	s2 =	sadd.s32 $0x4, s2;
	v16 =	vperm.xlane v16, v4;
	v17 =	vperm.xlane v17, v4;
	v18 =	vsel vm1, v7, v18;
	v19 =	vld [tilespmem:s15+$0xFFFFFFD0];
	[tilespmem:s30+$0xFFFFFFE0] =	vst v10  }
0xda: {  	p1 =	slt.u32 s2, $0x78;
	v9 =	vperm.xlane v12, v1;
	v10 =	vperm.xlane v12, v4;
	v7 =	vsel vm1, v21, v23;
	v24 =	vld [tilespmem:s15+$0xFFFFFFE0];
	[tilespmem:s29+$0x0] =	vst v15;
	s29 =	sadd.s32 $0x40, s29  }
0xdb: {  	v21 =	vperm.xlane v11, v1;
	s30 =	sadd.s32 $0x40, s30;
	v23 =	vperm.xlane v14, v1;
	v12 =	vld [tilespmem:s15+$0xFFFFFFF0];
	[tilespmem:s29+$0x10] =	vst v7;
	v7 =	vsel vm1, v16, v17  }
0xdc: {  	v11 =	vperm.xlane v11, v4;
	v14 =	vperm.xlane v14, v4;
	v16 =	vld [tilespmem:s15+$0x0];
	v17 =	vadd.s32 v5, v22;
	[tilespmem:s30+$0x10] =	vst v7  }
0xdd: {  	v15 =	vperm.xlane v8, v1;
	v7 =	vperm.xlane v8, v4;
	v22 =	vld [tilespmem:s15+$0x10];
	v20 =	vadd.s32 v5, v20;
	[tilespmem:s0+$0x0] =	vst v18;
	s0 =	smov.u32 s30  }
0xde: {  	v11 =	vsel vm1, v11, v14;
	v8 =	vld [tilespmem:s15+$0xFFFFFFC0];
	v18 =	vadd.s32 v5, v19;
	v19 =	vsel vm1, v21, v23  }
0xdf: {  	v14 =	vadd.s32 v5, v24;
	v21 =	vld.idx.msk [tilespmem:v13+s31+$0x0], $0xffff;
	[tilespmem:s29+$0xFFFFFFF0] =	vst v19  }
0xe0: {  	v19 =	vadd.s32 v5, v12;
	[tilespmem:s30+$0xFFFFFFF0] =	vst v11;
	v23 =	vld.idx.msk [tilespmem:v6+s31+$0x0], $0xffff  }
0xe1: {  	v24 =	vadd.s32 v5, v16;
	v16 =	vld.idx.msk [tilespmem:v17+s31+$0x0], $0xffff  }
.Ltmp1:
0xe2: {  	v6 =	vadd.s32 v5, v22;
	v17 =	vld.idx.msk [tilespmem:v20+s31+$0x0], $0xffff;
	(pc) =	sbr.rel @p1 .LBB2_5-.Ltmp1, $4  }
0xe3: {  	v13 =	vadd.s32 v5, v8;
	v12 =	vld.idx.msk [tilespmem:v18+s31+$0x0], $0xffff  }
0xe4: {  	v11 =	vld.idx.msk [tilespmem:v14+s31+$0x0], $0xffff  }
0xe5: {  	v20 =	vperm.xlane v21, v1;
	v21 =	vperm.xlane v21, v4;
	v14 =	vld.idx.msk [tilespmem:v19+s31+$0x0], $0xffff  }
0xe6: {  	s15 =	sadd.s32 $0x400, s15;
	v19 =	vperm.xlane v23, v1;
	v18 =	vperm.xlane v23, v4;
	v8 =	vld.idx.msk [tilespmem:v24+s31+$0x0], $0xffff  }
0xe7: {  	_ =	sdelay $0x2  }
0xe8: {  	v9 =	vsel vm1, v20, v9;
	v10 =	vsel vm1, v21, v10  }
0xe9: {  	v46 =	vperm.xlane v16, v1;
	v47 =	vperm.xlane v17, v1;
	v48 =	vld.idx.msk [tilespmem:v13+s31+$0x0], $0xffff;
	[tilespmem:s29+$0xFFFFFFE0] =	vst v9  }
0xea: {  	v6 =	vld.idx.msk [tilespmem:v6+s31+$0x0], $0xffff;
	v49 =	vsel vm1, v15, v19;
	[tilespmem:s30+$0xFFFFFFE0] =	vst v10  }
0xeb: {  	v50 =	vperm.xlane v16, v4;
	v51 =	vperm.xlane v17, v4;
	s2 =	sadd.s32 $0x40, s29;
	v52 =	vsel vm1, v46, v47;
	[tilespmem:s29+$0x0] =	vst v49  }
0xec: {  	v7 =	vsel vm1, v7, v18;
	v53 =	vperm.xlane v11, v1;
	v54 =	vperm.xlane v14, v1;
	[tilespmem:s2+$0x10] =	vst v52  }
0xed: {  	s15 =	sadd.s32 $0x40, s30;
	v55 =	vsel vm1, v50, v51;
	v56 =	vperm.xlane v11, v4;
	v57 =	vperm.xlane v14, v4;
	[tilespmem:s0+$0x0] =	vst v7  }
0xee: {  	v58 =	vperm.xlane v12, v1;
	[tilespmem:s15+$0x10] =	vst v55;
	v7 =	vsel vm1, v53, v54;
	v59 =	vperm.xlane v48, v1  }
0xef: {  	v61 =	vperm.xlane v8, v1;
	v11 =	vsel vm1, v56, v57;
	v62 =	vperm.xlane v6, v1;
	[tilespmem:s2+$0xFFFFFFF0] =	vst v7  }
0xf0: {  	v60 =	vperm.xlane v12, v4;
	v7 =	vperm.xlane v48, v4;
	[tilespmem:s15+$0xFFFFFFF0] =	vst v11;
	v10 =	vsel vm1, v59, v58  }
0xf1: {  	v63 =	vperm.xlane v8, v4;
	v6 =	vperm.xlane v6, v4;
	v9 =	vsel vm1, v61, v62;
	[tilespmem:s2+$0xFFFFFFE0] =	vst v10  }
0xf2: {  	v7 =	vsel vm1, v7, v60;
	[tilespmem:s2+$0x0] =	vst v9  }
0xf3: {  	v6 =	vsel vm1, v63, v6;
	[tilespmem:s15+$0xFFFFFFE0] =	vst v7  }
0xf4: {  	s0 =	simm.s32 $0x0;
	s2 =	simm.s32 $0xDD10;
	[tilespmem:s15+$0x0] =	vst v6  }
.LBB2_7:
0xf5: {  	v6 =	vld [tilespmem:s2+$0xFFFFFFF0]  }
0xf6: {  	v7 =	vld [tilespmem:s2+$0x0];
	_ =	sdelay $0x3  }
0xf7: {  	v6 =	vadd.s32 v5, v6  }
0xf8: {  	v7 =	vadd.s32 v5, v7;
	_ =	sdelay $0x3  }
0xf9: {  	v6 =	vld.idx.msk [tilespmem:v6+s31+$0x0], $0xffff  }
0xfa: {  	v7 =	vld.idx.msk [tilespmem:v7+s31+$0x0], $0xffff;
	_ =	sdelay $0x3  }
0xfb: {  	p1 =	sne.s32 s0, $0x40  }
.Ltmp2:
0xfc: {  	v8 =	vperm.xlane v6, v1;
	v9 =	vperm.xlane v7, v1;
	(pc) =	sbr.rel @p1 .LBB2_7-.Ltmp2, $4  }
0xfd: {  	v6 =	vperm.xlane v6, v4;
	v7 =	vperm.xlane v7, v4  }
0xfe: {  	s15 =	sshra.s32 s0, $0x2;
	v8 =	vsel vm1, v8, v9  }
0xff: {  	v6 =	vsel vm1, v6, v7;
	[tilespmem:s15+$0x168C0] =	vst v8  }
0x100: {  	s2 =	sadd.s32 $0x20, s2;
	s0 =	sadd.s32 $0x40, s0;
	[tilespmem:s15+$0x1A7C0] =	vst v6  }
0x101: {  	s0 =	simm.s32 $0x61F0  }
0x102: {  	v6 =	vld [tilespmem:s0+$0xFFFFFFF0]  }
0x103: {  	v7 =	vld [tilespmem:s0+$0x0]  }
0x104: {  	v8 =	vld [tilespmem:s0+$0xFFFFFFA0]  }
0x105: {  	v9 =	vld [tilespmem:s0+$0xFFFFFFB0]  }
0x106: {  	v10 =	vld [tilespmem:s0+$0xFFFFFFC0]  }
0x107: {  	v11 =	vld [tilespmem:s0+$0xFFFFFFD0]  }
0x108: {  	s2 =	sor.u32 $0x40, s24;
	v12 =	vld [tilespmem:s0+$0xFFFFFFE0]  }
0x109: {  	s15 =	simm.s32 $0x65F0;
	v5 =	vmov s2;
	v13 =	vld [tilespmem:s0+$0xFFFFFF90]  }
0x10a: {  	v14 =	vld [tilespmem:s15+$0xFFFFFFF0];
	v6 =	vadd.s32 v5, v6  }
0x10b: {  	v15 =	vld [tilespmem:s15+$0x0];
	v7 =	vadd.s32 v5, v7  }
0x10c: {  	v16 =	vld [tilespmem:s15+$0xFFFFFFA0]  }
0x10d: {  	v17 =	vld [tilespmem:s15+$0xFFFFFFB0]  }
0x10e: {  	v18 =	vld [tilespmem:s15+$0xFFFFFFC0];
	v9 =	vadd.s32 v5, v9  }
0x10f: {  	v10 =	vadd.s32 v5, v10;
	v6 =	vld.idx.msk [tilespmem:v6+s31+$0x0], $0xffff  }
0x110: {  	v7 =	vld.idx.msk [tilespmem:v7+s31+$0x0], $0xffff  }
0x111: {  	v21 =	vld [tilespmem:s15+$0xFFFFFFD0];
	v13 =	vadd.s32 v5, v13  }
0x112: {  	v22 =	vld [tilespmem:s15+$0xFFFFFFE0];
	v8 =	vadd.s32 v5, v8  }
0x113: {  	v11 =	vadd.s32 v5, v11;
	v9 =	vld.idx.msk [tilespmem:v9+s31+$0x0], $0xffff  }
0x114: {  	v12 =	vadd.s32 v5, v12;
	v10 =	vld.idx.msk [tilespmem:v10+s31+$0x0], $0xffff  }
0x115: {  	v23 =	vld [tilespmem:s15+$0xFFFFFF90];
	v14 =	vadd.s32 v5, v14;
	v19 =	vperm.xlane v6, v1;
	v20 =	vperm.xlane v7, v1  }
0x116: {  	v15 =	vadd.s32 v5, v15;
	v13 =	vld.idx.msk [tilespmem:v13+s31+$0x0], $0xffff;
	v6 =	vperm.xlane v6, v4;
	v7 =	vperm.xlane v7, v4  }
0x117: {  	v26 =	vadd.s32 v5, v21;
	v8 =	vld.idx.msk [tilespmem:v8+s31+$0x0], $0xffff;
	v19 =	vsel vm1, v19, v20;
	v20 =	vadd.s32 v5, v16  }
0x118: {  	s29 =	simm.s32 $0x16910;
	v11 =	vld.idx.msk [tilespmem:v11+s31+$0x0], $0xffff;
	v24 =	vperm.xlane v9, v1;
	v6 =	vsel vm1, v6, v7;
	v7 =	vadd.s32 v5, v18  }
0x119: {  	v18 =	vld.idx.msk [tilespmem:v12+s31+$0x0], $0xffff;
	[tilespmem:s29+$0x0] =	vst v19;
	v19 =	vadd.s32 v5, v17;
	v17 =	vperm.xlane v10, v1  }
0x11a: {  	s30 =	simm.s32 $0x1A810;
	v25 =	vperm.xlane v10, v4;
	v12 =	vperm.xlane v9, v4;
	v16 =	vld.idx.msk [tilespmem:v14+s31+$0x0], $0xffff  }
0x11b: {  	v21 =	vperm.xlane v13, v4;
	[tilespmem:s30+$0x0] =	vst v6;
	v6 =	vsel vm1, v24, v17;
	v17 =	vld.idx.msk [tilespmem:v15+s31+$0x0], $0xffff  }
0x11c: {  	v9 =	vperm.xlane v8, v1;
	v14 =	vsel vm1, v12, v25;
	[tilespmem:s29+$0xFFFFFFE0] =	vst v6;
	v12 =	vld.idx.msk [tilespmem:v20+s31+$0x0], $0xffff  }
0x11d: {  	v10 =	vperm.xlane v8, v4;
	v8 =	vperm.xlane v11, v4;
	[tilespmem:s30+$0xFFFFFFE0] =	vst v14;
	v14 =	vld.idx.msk [tilespmem:v7+s31+$0x0], $0xffff  }
0x11e: {  	v15 =	vperm.xlane v11, v1;
	v6 =	vadd.s32 v5, v22;
	v20 =	vperm.xlane v13, v1;
	v7 =	vld.idx.msk [tilespmem:v26+s31+$0x0], $0xffff  }
0x11f: {  	s2 =	simm.s32 $0x4;
	s15 =	simm.s32 $0x69F0;
	s0 =	simm.s32 $0x1A810;
	v13 =	vadd.s32 v5, v23;
	v11 =	vld.idx.msk [tilespmem:v19+s31+$0x0], $0xffff;
	v19 =	vperm.xlane v18, v1;
	v18 =	vperm.xlane v18, v4  }
.LBB2_9:
0x120: {  	v22 =	vld [tilespmem:s15+$0xFFFFFFF0];
	v9 =	vsel vm1, v20, v9;
	v10 =	vsel vm1, v21, v10  }
0x121: {  	v21 =	vperm.xlane v16, v1;
	v23 =	vperm.xlane v17, v1;
	v20 =	vld [tilespmem:s15+$0x0];
	[tilespmem:s29+$0xFFFFFFD0] =	vst v9;
	v15 =	vsel vm1, v15, v19  }
0x122: {  	s2 =	sadd.s32 $0x4, s2;
	v16 =	vperm.xlane v16, v4;
	v17 =	vperm.xlane v17, v4;
	v18 =	vsel vm1, v8, v18;
	v19 =	vld [tilespmem:s15+$0xFFFFFFA0];
	[tilespmem:s30+$0xFFFFFFD0] =	vst v10  }
0x123: {  	p1 =	slt.u32 s2, $0x78;
	v9 =	vperm.xlane v12, v1;
	v10 =	vperm.xlane v12, v4;
	v8 =	vsel vm1, v21, v23;
	v24 =	vld [tilespmem:s15+$0xFFFFFFB0];
	[tilespmem:s29+$0xFFFFFFF0] =	vst v15;
	s29 =	sadd.s32 $0x40, s29  }
0x124: {  	v21 =	vperm.xlane v11, v1;
	s30 =	sadd.s32 $0x40, s30;
	v23 =	vperm.xlane v14, v1;
	v12 =	vld [tilespmem:s15+$0xFFFFFFC0];
	[tilespmem:s29+$0x0] =	vst v8;
	v8 =	vsel vm1, v16, v17  }
0x125: {  	v11 =	vperm.xlane v11, v4;
	v14 =	vperm.xlane v14, v4;
	v16 =	vld [tilespmem:s15+$0xFFFFFFD0];
	v17 =	vadd.s32 v5, v22;
	[tilespmem:s30+$0x0] =	vst v8  }
0x126: {  	v15 =	vperm.xlane v7, v1;
	v8 =	vperm.xlane v7, v4;
	v22 =	vld [tilespmem:s15+$0xFFFFFFE0];
	v20 =	vadd.s32 v5, v20;
	[tilespmem:s0+$0xFFFFFFF0] =	vst v18;
	s0 =	smov.u32 s30  }
0x127: {  	v11 =	vsel vm1, v11, v14;
	v7 =	vld [tilespmem:s15+$0xFFFFFF90];
	v18 =	vadd.s32 v5, v19;
	v19 =	vsel vm1, v21, v23  }
0x128: {  	v14 =	vadd.s32 v5, v24;
	v21 =	vld.idx.msk [tilespmem:v13+s31+$0x0], $0xffff;
	[tilespmem:s29+$0xFFFFFFE0] =	vst v19  }
0x129: {  	v19 =	vadd.s32 v5, v12;
	[tilespmem:s30+$0xFFFFFFE0] =	vst v11;
	v23 =	vld.idx.msk [tilespmem:v6+s31+$0x0], $0xffff  }
0x12a: {  	v24 =	vadd.s32 v5, v16;
	v16 =	vld.idx.msk [tilespmem:v17+s31+$0x0], $0xffff  }
.Ltmp3:
0x12b: {  	v6 =	vadd.s32 v5, v22;
	v17 =	vld.idx.msk [tilespmem:v20+s31+$0x0], $0xffff;
	(pc) =	sbr.rel @p1 .LBB2_9-.Ltmp3, $4  }
0x12c: {  	v13 =	vadd.s32 v5, v7;
	v12 =	vld.idx.msk [tilespmem:v18+s31+$0x0], $0xffff  }
0x12d: {  	v11 =	vld.idx.msk [tilespmem:v14+s31+$0x0], $0xffff  }
0x12e: {  	v20 =	vperm.xlane v21, v1;
	v21 =	vperm.xlane v21, v4;
	v14 =	vld.idx.msk [tilespmem:v19+s31+$0x0], $0xffff  }
0x12f: {  	s15 =	sadd.s32 $0x400, s15;
	v19 =	vperm.xlane v23, v1;
	v18 =	vperm.xlane v23, v4;
	v7 =	vld.idx.msk [tilespmem:v24+s31+$0x0], $0xffff  }
0x130: {  	_ =	sdelay $0x2  }
0x131: {  	v9 =	vsel vm1, v20, v9;
	v10 =	vsel vm1, v21, v10  }
0x132: {  	v45 =	vperm.xlane v16, v1;
	v46 =	vperm.xlane v17, v1;
	v47 =	vld.idx.msk [tilespmem:v13+s31+$0x0], $0xffff;
	[tilespmem:s29+$0xFFFFFFD0] =	vst v9  }
0x133: {  	v6 =	vld.idx.msk [tilespmem:v6+s31+$0x0], $0xffff;
	v48 =	vsel vm1, v15, v19;
	[tilespmem:s30+$0xFFFFFFD0] =	vst v10  }
0x134: {  	v49 =	vperm.xlane v16, v4;
	v50 =	vperm.xlane v17, v4;
	s2 =	sadd.s32 $0x40, s29;
	v51 =	vsel vm1, v45, v46;
	[tilespmem:s29+$0xFFFFFFF0] =	vst v48  }
0x135: {  	v8 =	vsel vm1, v8, v18;
	v52 =	vperm.xlane v11, v1;
	v53 =	vperm.xlane v14, v1;
	[tilespmem:s2+$0x0] =	vst v51  }
0x136: {  	s15 =	sadd.s32 $0x40, s30;
	v54 =	vsel vm1, v49, v50;
	v55 =	vperm.xlane v11, v4;
	v56 =	vperm.xlane v14, v4;
	[tilespmem:s0+$0xFFFFFFF0] =	vst v8  }
0x137: {  	v57 =	vperm.xlane v12, v1;
	[tilespmem:s15+$0x0] =	vst v54;
	v58 =	vsel vm1, v52, v53;
	v59 =	vperm.xlane v47, v1  }
0x138: {  	v62 =	vperm.xlane v7, v1;
	v11 =	vsel vm1, v55, v56;
	v63 =	vperm.xlane v6, v1;
	[tilespmem:s2+$0xFFFFFFE0] =	vst v58  }
0x139: {  	v60 =	vperm.xlane v12, v4;
	v61 =	vperm.xlane v47, v4;
	[tilespmem:s15+$0xFFFFFFE0] =	vst v11;
	v10 =	vsel vm1, v59, v57  }
0x13a: {  	v7 =	vperm.xlane v7, v4;
	v6 =	vperm.xlane v6, v4;
	v9 =	vsel vm1, v62, v63;
	[tilespmem:s2+$0xFFFFFFD0] =	vst v10  }
0x13b: {  	v8 =	vsel vm1, v61, v60;
	[tilespmem:s2+$0xFFFFFFF0] =	vst v9  }
0x13c: {  	v6 =	vsel vm1, v7, v6;
	[tilespmem:s15+$0xFFFFFFD0] =	vst v8  }
0x13d: {  	s0 =	simm.s32 $0x0;
	s2 =	simm.s32 $0xDD90;
	[tilespmem:s15+$0xFFFFFFF0] =	vst v6  }
.LBB2_11:
0x13e: {  	v6 =	vld [tilespmem:s2+$0xFFFFFFF0]  }
0x13f: {  	v7 =	vld [tilespmem:s2+$0x0];
	_ =	sdelay $0x3  }
0x140: {  	v6 =	vadd.s32 v5, v6  }
0x141: {  	v7 =	vadd.s32 v5, v7;
	_ =	sdelay $0x3  }
0x142: {  	v6 =	vld.idx.msk [tilespmem:v6+s31+$0x0], $0xffff  }
0x143: {  	v7 =	vld.idx.msk [tilespmem:v7+s31+$0x0], $0xffff;
	_ =	sdelay $0x3  }
0x144: {  	p1 =	sne.s32 s0, $0x40  }
.Ltmp4:
0x145: {  	v8 =	vperm.xlane v6, v1;
	v9 =	vperm.xlane v7, v1;
	(pc) =	sbr.rel @p1 .LBB2_11-.Ltmp4, $4  }
0x146: {  	v6 =	vperm.xlane v6, v4;
	v7 =	vperm.xlane v7, v4  }
0x147: {  	s15 =	sshra.s32 s0, $0x2;
	v8 =	vsel vm1, v8, v9  }
0x148: {  	v6 =	vsel vm1, v6, v7;
	[tilespmem:s15+$0x170A0] =	vst v8  }
0x149: {  	s2 =	sadd.s32 $0x20, s2;
	s0 =	sadd.s32 $0x40, s0;
	[tilespmem:s15+$0x1AFA0] =	vst v6  }
0x14a: {  	s0 =	simm.s32 $0x6270  }
0x14b: {  	v6 =	vld [tilespmem:s0+$0xFFFFFFF0]  }
0x14c: {  	v7 =	vld [tilespmem:s0+$0x0]  }
0x14d: {  	v8 =	vld [tilespmem:s0+$0xFFFFFFA0]  }
0x14e: {  	v9 =	vld [tilespmem:s0+$0xFFFFFFB0]  }
0x14f: {  	v10 =	vld [tilespmem:s0+$0xFFFFFFC0]  }
0x150: {  	v11 =	vld [tilespmem:s0+$0xFFFFFFD0]  }
0x151: {  	s2 =	sor.u32 $0x80, s24;
	v12 =	vld [tilespmem:s0+$0xFFFFFFE0]  }
0x152: {  	s15 =	simm.s32 $0x6670;
	v5 =	vmov s2;
	v13 =	vld [tilespmem:s0+$0xFFFFFF90]  }
0x153: {  	v14 =	vld [tilespmem:s15+$0xFFFFFFF0];
	v6 =	vadd.s32 v5, v6  }
0x154: {  	v15 =	vld [tilespmem:s15+$0x0];
	v7 =	vadd.s32 v5, v7  }
0x155: {  	v16 =	vld [tilespmem:s15+$0xFFFFFFA0]  }
0x156: {  	v17 =	vld [tilespmem:s15+$0xFFFFFFB0]  }
0x157: {  	v18 =	vld [tilespmem:s15+$0xFFFFFFC0];
	v9 =	vadd.s32 v5, v9  }
0x158: {  	v10 =	vadd.s32 v5, v10;
	v6 =	vld.idx.msk [tilespmem:v6+s31+$0x0], $0xffff  }
0x159: {  	v7 =	vld.idx.msk [tilespmem:v7+s31+$0x0], $0xffff  }
0x15a: {  	v21 =	vld [tilespmem:s15+$0xFFFFFFD0];
	v13 =	vadd.s32 v5, v13  }
0x15b: {  	v22 =	vld [tilespmem:s15+$0xFFFFFFE0];
	v8 =	vadd.s32 v5, v8  }
0x15c: {  	v11 =	vadd.s32 v5, v11;
	v9 =	vld.idx.msk [tilespmem:v9+s31+$0x0], $0xffff  }
0x15d: {  	v12 =	vadd.s32 v5, v12;
	v10 =	vld.idx.msk [tilespmem:v10+s31+$0x0], $0xffff  }
0x15e: {  	v23 =	vld [tilespmem:s15+$0xFFFFFF90];
	v14 =	vadd.s32 v5, v14;
	v19 =	vperm.xlane v6, v1;
	v20 =	vperm.xlane v7, v1  }
0x15f: {  	v15 =	vadd.s32 v5, v15;
	v13 =	vld.idx.msk [tilespmem:v13+s31+$0x0], $0xffff;
	v6 =	vperm.xlane v6, v4;
	v7 =	vperm.xlane v7, v4  }
0x160: {  	v26 =	vadd.s32 v5, v21;
	v8 =	vld.idx.msk [tilespmem:v8+s31+$0x0], $0xffff;
	v19 =	vsel vm1, v19, v20;
	v20 =	vadd.s32 v5, v16  }
0x161: {  	s29 =	simm.s32 $0x170F0;
	v11 =	vld.idx.msk [tilespmem:v11+s31+$0x0], $0xffff;
	v24 =	vperm.xlane v9, v1;
	v6 =	vsel vm1, v6, v7;
	v7 =	vadd.s32 v5, v18  }
0x162: {  	v18 =	vld.idx.msk [tilespmem:v12+s31+$0x0], $0xffff;
	[tilespmem:s29+$0x0] =	vst v19;
	v19 =	vadd.s32 v5, v17;
	v17 =	vperm.xlane v10, v1  }
0x163: {  	s30 =	simm.s32 $0x1AFF0;
	v25 =	vperm.xlane v10, v4;
	v12 =	vperm.xlane v9, v4;
	v16 =	vld.idx.msk [tilespmem:v14+s31+$0x0], $0xffff  }
0x164: {  	v21 =	vperm.xlane v13, v4;
	[tilespmem:s30+$0x0] =	vst v6;
	v6 =	vsel vm1, v24, v17;
	v17 =	vld.idx.msk [tilespmem:v15+s31+$0x0], $0xffff  }
0x165: {  	v9 =	vperm.xlane v8, v1;
	v14 =	vsel vm1, v12, v25;
	[tilespmem:s29+$0xFFFFFFE0] =	vst v6;
	v12 =	vld.idx.msk [tilespmem:v20+s31+$0x0], $0xffff  }
0x166: {  	v10 =	vperm.xlane v8, v4;
	v8 =	vperm.xlane v11, v4;
	[tilespmem:s30+$0xFFFFFFE0] =	vst v14;
	v14 =	vld.idx.msk [tilespmem:v7+s31+$0x0], $0xffff  }
0x167: {  	v15 =	vperm.xlane v11, v1;
	v6 =	vadd.s32 v5, v22;
	v20 =	vperm.xlane v13, v1;
	v7 =	vld.idx.msk [tilespmem:v26+s31+$0x0], $0xffff  }
0x168: {  	s2 =	simm.s32 $0x4;
	s15 =	simm.s32 $0x6A70;
	s0 =	simm.s32 $0x1AFF0;
	v13 =	vadd.s32 v5, v23;
	v11 =	vld.idx.msk [tilespmem:v19+s31+$0x0], $0xffff;
	v19 =	vperm.xlane v18, v1;
	v18 =	vperm.xlane v18, v4  }
.LBB2_13:
0x169: {  	v22 =	vld [tilespmem:s15+$0xFFFFFFF0];
	v9 =	vsel vm1, v20, v9;
	v10 =	vsel vm1, v21, v10  }
0x16a: {  	v21 =	vperm.xlane v16, v1;
	v23 =	vperm.xlane v17, v1;
	v20 =	vld [tilespmem:s15+$0x0];
	[tilespmem:s29+$0xFFFFFFD0] =	vst v9;
	v15 =	vsel vm1, v15, v19  }
0x16b: {  	s2 =	sadd.s32 $0x4, s2;
	v16 =	vperm.xlane v16, v4;
	v17 =	vperm.xlane v17, v4;
	v18 =	vsel vm1, v8, v18;
	v19 =	vld [tilespmem:s15+$0xFFFFFFA0];
	[tilespmem:s30+$0xFFFFFFD0] =	vst v10  }
0x16c: {  	p1 =	slt.u32 s2, $0x78;
	v9 =	vperm.xlane v12, v1;
	v10 =	vperm.xlane v12, v4;
	v8 =	vsel vm1, v21, v23;
	v24 =	vld [tilespmem:s15+$0xFFFFFFB0];
	[tilespmem:s29+$0xFFFFFFF0] =	vst v15;
	s29 =	sadd.s32 $0x40, s29  }
0x16d: {  	v21 =	vperm.xlane v11, v1;
	s30 =	sadd.s32 $0x40, s30;
	v23 =	vperm.xlane v14, v1;
	v12 =	vld [tilespmem:s15+$0xFFFFFFC0];
	[tilespmem:s29+$0x0] =	vst v8;
	v8 =	vsel vm1, v16, v17  }
0x16e: {  	v11 =	vperm.xlane v11, v4;
	v14 =	vperm.xlane v14, v4;
	v16 =	vld [tilespmem:s15+$0xFFFFFFD0];
	v17 =	vadd.s32 v5, v22;
	[tilespmem:s30+$0x0] =	vst v8  }
0x16f: {  	v15 =	vperm.xlane v7, v1;
	v8 =	vperm.xlane v7, v4;
	v22 =	vld [tilespmem:s15+$0xFFFFFFE0];
	v20 =	vadd.s32 v5, v20;
	[tilespmem:s0+$0xFFFFFFF0] =	vst v18;
	s0 =	smov.u32 s30  }
0x170: {  	v11 =	vsel vm1, v11, v14;
	v7 =	vld [tilespmem:s15+$0xFFFFFF90];
	v18 =	vadd.s32 v5, v19;
	v19 =	vsel vm1, v21, v23  }
0x171: {  	v14 =	vadd.s32 v5, v24;
	v21 =	vld.idx.msk [tilespmem:v13+s31+$0x0], $0xffff;
	[tilespmem:s29+$0xFFFFFFE0] =	vst v19  }
0x172: {  	v19 =	vadd.s32 v5, v12;
	[tilespmem:s30+$0xFFFFFFE0] =	vst v11;
	v23 =	vld.idx.msk [tilespmem:v6+s31+$0x0], $0xffff  }
0x173: {  	v24 =	vadd.s32 v5, v16;
	v16 =	vld.idx.msk [tilespmem:v17+s31+$0x0], $0xffff  }
.Ltmp5:
0x174: {  	v6 =	vadd.s32 v5, v22;
	v17 =	vld.idx.msk [tilespmem:v20+s31+$0x0], $0xffff;
	(pc) =	sbr.rel @p1 .LBB2_13-.Ltmp5, $4  }
0x175: {  	v13 =	vadd.s32 v5, v7;
	v12 =	vld.idx.msk [tilespmem:v18+s31+$0x0], $0xffff  }
0x176: {  	v11 =	vld.idx.msk [tilespmem:v14+s31+$0x0], $0xffff  }
0x177: {  	v20 =	vperm.xlane v21, v1;
	v21 =	vperm.xlane v21, v4;
	v14 =	vld.idx.msk [tilespmem:v19+s31+$0x0], $0xffff  }
0x178: {  	s15 =	sadd.s32 $0x400, s15;
	v19 =	vperm.xlane v23, v1;
	v18 =	vperm.xlane v23, v4;
	v7 =	vld.idx.msk [tilespmem:v24+s31+$0x0], $0xffff  }
0x179: {  	_ =	sdelay $0x2  }
0x17a: {  	v9 =	vsel vm1, v20, v9;
	v10 =	vsel vm1, v21, v10  }
0x17b: {  	v45 =	vperm.xlane v16, v1;
	v46 =	vperm.xlane v17, v1;
	v47 =	vld.idx.msk [tilespmem:v13+s31+$0x0], $0xffff;
	[tilespmem:s29+$0xFFFFFFD0] =	vst v9  }
0x17c: {  	v6 =	vld.idx.msk [tilespmem:v6+s31+$0x0], $0xffff;
	v48 =	vsel vm1, v15, v19;
	[tilespmem:s30+$0xFFFFFFD0] =	vst v10  }
0x17d: {  	v49 =	vperm.xlane v16, v4;
	v50 =	vperm.xlane v17, v4;
	s2 =	sadd.s32 $0x40, s29;
	v51 =	vsel vm1, v45, v46;
	[tilespmem:s29+$0xFFFFFFF0] =	vst v48  }
0x17e: {  	v8 =	vsel vm1, v8, v18;
	v52 =	vperm.xlane v11, v1;
	v53 =	vperm.xlane v14, v1;
	[tilespmem:s2+$0x0] =	vst v51  }
0x17f: {  	s15 =	sadd.s32 $0x40, s30;
	v54 =	vsel vm1, v49, v50;
	v55 =	vperm.xlane v11, v4;
	v56 =	vperm.xlane v14, v4;
	[tilespmem:s0+$0xFFFFFFF0] =	vst v8  }
0x180: {  	v57 =	vperm.xlane v12, v1;
	[tilespmem:s15+$0x0] =	vst v54;
	v58 =	vsel vm1, v52, v53;
	v59 =	vperm.xlane v47, v1  }
0x181: {  	v62 =	vperm.xlane v7, v1;
	v11 =	vsel vm1, v55, v56;
	v63 =	vperm.xlane v6, v1;
	[tilespmem:s2+$0xFFFFFFE0] =	vst v58  }
0x182: {  	v60 =	vperm.xlane v12, v4;
	v61 =	vperm.xlane v47, v4;
	[tilespmem:s15+$0xFFFFFFE0] =	vst v11;
	v10 =	vsel vm1, v59, v57  }
0x183: {  	v7 =	vperm.xlane v7, v4;
	v6 =	vperm.xlane v6, v4;
	v9 =	vsel vm1, v62, v63;
	[tilespmem:s2+$0xFFFFFFD0] =	vst v10  }
0x184: {  	v8 =	vsel vm1, v61, v60;
	[tilespmem:s2+$0xFFFFFFF0] =	vst v9  }
0x185: {  	v6 =	vsel vm1, v7, v6;
	[tilespmem:s15+$0xFFFFFFD0] =	vst v8  }
0x186: {  	s0 =	simm.s32 $0x0;
	s2 =	simm.s32 $0xDE10;
	[tilespmem:s15+$0xFFFFFFF0] =	vst v6  }
.LBB2_15:
0x187: {  	v6 =	vld [tilespmem:s2+$0xFFFFFFF0]  }
0x188: {  	v7 =	vld [tilespmem:s2+$0x0];
	_ =	sdelay $0x3  }
0x189: {  	v6 =	vadd.s32 v5, v6  }
0x18a: {  	v7 =	vadd.s32 v5, v7;
	_ =	sdelay $0x3  }
0x18b: {  	v6 =	vld.idx.msk [tilespmem:v6+s31+$0x0], $0xffff  }
0x18c: {  	v7 =	vld.idx.msk [tilespmem:v7+s31+$0x0], $0xffff;
	_ =	sdelay $0x3  }
0x18d: {  	p1 =	sne.s32 s0, $0x40  }
.Ltmp6:
0x18e: {  	v8 =	vperm.xlane v6, v1;
	v9 =	vperm.xlane v7, v1;
	(pc) =	sbr.rel @p1 .LBB2_15-.Ltmp6, $4  }
0x18f: {  	v6 =	vperm.xlane v6, v4;
	v7 =	vperm.xlane v7, v4  }
0x190: {  	s15 =	sshra.s32 s0, $0x2;
	v8 =	vsel vm1, v8, v9  }
0x191: {  	v6 =	vsel vm1, v6, v7;
	[tilespmem:s15+$0x17880] =	vst v8  }
0x192: {  	s2 =	sadd.s32 $0x20, s2;
	s0 =	sadd.s32 $0x40, s0;
	[tilespmem:s15+$0x1B780] =	vst v6  }
0x193: {  	s0 =	simm.s32 $0x62F0  }
0x194: {  	v6 =	vld [tilespmem:s0+$0xFFFFFFF0]  }
0x195: {  	v7 =	vld [tilespmem:s0+$0x0]  }
0x196: {  	v8 =	vld [tilespmem:s0+$0xFFFFFFA0]  }
0x197: {  	v9 =	vld [tilespmem:s0+$0xFFFFFFB0]  }
0x198: {  	v10 =	vld [tilespmem:s0+$0xFFFFFFC0]  }
0x199: {  	v11 =	vld [tilespmem:s0+$0xFFFFFFD0]  }
0x19a: {  	s2 =	sor.u32 $0xC0, s24;
	v12 =	vld [tilespmem:s0+$0xFFFFFFE0]  }
0x19b: {  	s15 =	simm.s32 $0x66F0;
	v5 =	vmov s2;
	v13 =	vld [tilespmem:s0+$0xFFFFFF90]  }
0x19c: {  	v14 =	vld [tilespmem:s15+$0xFFFFFFF0];
	v6 =	vadd.s32 v5, v6  }
0x19d: {  	v15 =	vld [tilespmem:s15+$0x0];
	v7 =	vadd.s32 v5, v7  }
0x19e: {  	v16 =	vld [tilespmem:s15+$0xFFFFFFA0]  }
0x19f: {  	v17 =	vld [tilespmem:s15+$0xFFFFFFB0]  }
0x1a0: {  	v18 =	vld [tilespmem:s15+$0xFFFFFFC0];
	v9 =	vadd.s32 v5, v9  }
0x1a1: {  	v10 =	vadd.s32 v5, v10;
	v6 =	vld.idx.msk [tilespmem:v6+s31+$0x0], $0xffff  }
0x1a2: {  	v7 =	vld.idx.msk [tilespmem:v7+s31+$0x0], $0xffff  }
0x1a3: {  	v21 =	vld [tilespmem:s15+$0xFFFFFFD0];
	v13 =	vadd.s32 v5, v13  }
0x1a4: {  	v22 =	vld [tilespmem:s15+$0xFFFFFFE0];
	v8 =	vadd.s32 v5, v8  }
0x1a5: {  	v11 =	vadd.s32 v5, v11;
	v9 =	vld.idx.msk [tilespmem:v9+s31+$0x0], $0xffff  }
0x1a6: {  	v12 =	vadd.s32 v5, v12;
	v10 =	vld.idx.msk [tilespmem:v10+s31+$0x0], $0xffff  }
0x1a7: {  	v23 =	vld [tilespmem:s15+$0xFFFFFF90];
	v14 =	vadd.s32 v5, v14;
	v19 =	vperm.xlane v6, v1;
	v20 =	vperm.xlane v7, v1  }
0x1a8: {  	v15 =	vadd.s32 v5, v15;
	v13 =	vld.idx.msk [tilespmem:v13+s31+$0x0], $0xffff;
	v6 =	vperm.xlane v6, v4;
	v7 =	vperm.xlane v7, v4  }
0x1a9: {  	v26 =	vadd.s32 v5, v21;
	v8 =	vld.idx.msk [tilespmem:v8+s31+$0x0], $0xffff;
	v19 =	vsel vm1, v19, v20;
	v20 =	vadd.s32 v5, v16  }
0x1aa: {  	s29 =	simm.s32 $0x178D0;
	v11 =	vld.idx.msk [tilespmem:v11+s31+$0x0], $0xffff;
	v24 =	vperm.xlane v9, v1;
	v6 =	vsel vm1, v6, v7;
	v7 =	vadd.s32 v5, v18  }
0x1ab: {  	v18 =	vld.idx.msk [tilespmem:v12+s31+$0x0], $0xffff;
	[tilespmem:s29+$0x0] =	vst v19;
	v19 =	vadd.s32 v5, v17;
	v17 =	vperm.xlane v10, v1  }
0x1ac: {  	s30 =	simm.s32 $0x1B7D0;
	v25 =	vperm.xlane v10, v4;
	v12 =	vperm.xlane v9, v4;
	v16 =	vld.idx.msk [tilespmem:v14+s31+$0x0], $0xffff  }
0x1ad: {  	v21 =	vperm.xlane v13, v4;
	[tilespmem:s30+$0x0] =	vst v6;
	v6 =	vsel vm1, v24, v17;
	v17 =	vld.idx.msk [tilespmem:v15+s31+$0x0], $0xffff  }
0x1ae: {  	v9 =	vperm.xlane v8, v1;
	v14 =	vsel vm1, v12, v25;
	[tilespmem:s29+$0xFFFFFFE0] =	vst v6;
	v12 =	vld.idx.msk [tilespmem:v20+s31+$0x0], $0xffff  }
0x1af: {  	v10 =	vperm.xlane v8, v4;
	v8 =	vperm.xlane v11, v4;
	[tilespmem:s30+$0xFFFFFFE0] =	vst v14;
	v14 =	vld.idx.msk [tilespmem:v7+s31+$0x0], $0xffff  }
0x1b0: {  	v15 =	vperm.xlane v11, v1;
	v6 =	vadd.s32 v5, v22;
	v20 =	vperm.xlane v13, v1;
	v7 =	vld.idx.msk [tilespmem:v26+s31+$0x0], $0xffff  }
0x1b1: {  	s2 =	simm.s32 $0x4;
	s15 =	simm.s32 $0x6AF0;
	s0 =	simm.s32 $0x1B7D0;
	v13 =	vadd.s32 v5, v23;
	v11 =	vld.idx.msk [tilespmem:v19+s31+$0x0], $0xffff;
	v19 =	vperm.xlane v18, v1;
	v18 =	vperm.xlane v18, v4  }
.LBB2_17:
0x1b2: {  	v22 =	vld [tilespmem:s15+$0xFFFFFFF0];
	v9 =	vsel vm1, v20, v9;
	v10 =	vsel vm1, v21, v10  }
0x1b3: {  	v21 =	vperm.xlane v16, v1;
	v23 =	vperm.xlane v17, v1;
	v20 =	vld [tilespmem:s15+$0x0];
	[tilespmem:s29+$0xFFFFFFD0] =	vst v9;
	v15 =	vsel vm1, v15, v19  }
0x1b4: {  	s2 =	sadd.s32 $0x4, s2;
	v16 =	vperm.xlane v16, v4;
	v17 =	vperm.xlane v17, v4;
	v18 =	vsel vm1, v8, v18;
	v19 =	vld [tilespmem:s15+$0xFFFFFFA0];
	[tilespmem:s30+$0xFFFFFFD0] =	vst v10  }
0x1b5: {  	p1 =	slt.u32 s2, $0x78;
	v9 =	vperm.xlane v12, v1;
	v10 =	vperm.xlane v12, v4;
	v8 =	vsel vm1, v21, v23;
	v24 =	vld [tilespmem:s15+$0xFFFFFFB0];
	[tilespmem:s29+$0xFFFFFFF0] =	vst v15;
	s29 =	sadd.s32 $0x40, s29  }
0x1b6: {  	v21 =	vperm.xlane v11, v1;
	s30 =	sadd.s32 $0x40, s30;
	v23 =	vperm.xlane v14, v1;
	v12 =	vld [tilespmem:s15+$0xFFFFFFC0];
	[tilespmem:s29+$0x0] =	vst v8;
	v8 =	vsel vm1, v16, v17  }
0x1b7: {  	v11 =	vperm.xlane v11, v4;
	v14 =	vperm.xlane v14, v4;
	v16 =	vld [tilespmem:s15+$0xFFFFFFD0];
	v17 =	vadd.s32 v5, v22;
	[tilespmem:s30+$0x0] =	vst v8  }
0x1b8: {  	v15 =	vperm.xlane v7, v1;
	v8 =	vperm.xlane v7, v4;
	v22 =	vld [tilespmem:s15+$0xFFFFFFE0];
	v20 =	vadd.s32 v5, v20;
	[tilespmem:s0+$0xFFFFFFF0] =	vst v18;
	s0 =	smov.u32 s30  }
0x1b9: {  	v11 =	vsel vm1, v11, v14;
	v7 =	vld [tilespmem:s15+$0xFFFFFF90];
	v18 =	vadd.s32 v5, v19;
	v19 =	vsel vm1, v21, v23  }
0x1ba: {  	v14 =	vadd.s32 v5, v24;
	v21 =	vld.idx.msk [tilespmem:v13+s31+$0x0], $0xffff;
	[tilespmem:s29+$0xFFFFFFE0] =	vst v19  }
0x1bb: {  	v19 =	vadd.s32 v5, v12;
	[tilespmem:s30+$0xFFFFFFE0] =	vst v11;
	v23 =	vld.idx.msk [tilespmem:v6+s31+$0x0], $0xffff  }
0x1bc: {  	v24 =	vadd.s32 v5, v16;
	v16 =	vld.idx.msk [tilespmem:v17+s31+$0x0], $0xffff  }
.Ltmp7:
0x1bd: {  	v6 =	vadd.s32 v5, v22;
	v17 =	vld.idx.msk [tilespmem:v20+s31+$0x0], $0xffff;
	(pc) =	sbr.rel @p1 .LBB2_17-.Ltmp7, $4  }
0x1be: {  	v13 =	vadd.s32 v5, v7;
	v12 =	vld.idx.msk [tilespmem:v18+s31+$0x0], $0xffff  }
0x1bf: {  	v11 =	vld.idx.msk [tilespmem:v14+s31+$0x0], $0xffff  }
0x1c0: {  	v20 =	vperm.xlane v21, v1;
	v21 =	vperm.xlane v21, v4;
	v14 =	vld.idx.msk [tilespmem:v19+s31+$0x0], $0xffff  }
0x1c1: {  	s15 =	sadd.s32 $0x400, s15;
	v19 =	vperm.xlane v23, v1;
	v18 =	vperm.xlane v23, v4;
	v7 =	vld.idx.msk [tilespmem:v24+s31+$0x0], $0xffff  }
0x1c2: {  	_ =	sdelay $0x2  }
0x1c3: {  	v9 =	vsel vm1, v20, v9;
	v10 =	vsel vm1, v21, v10  }
0x1c4: {  	v45 =	vperm.xlane v16, v1;
	v46 =	vperm.xlane v17, v1;
	v47 =	vld.idx.msk [tilespmem:v13+s31+$0x0], $0xffff;
	[tilespmem:s29+$0xFFFFFFD0] =	vst v9  }
0x1c5: {  	v6 =	vld.idx.msk [tilespmem:v6+s31+$0x0], $0xffff;
	v48 =	vsel vm1, v15, v19;
	[tilespmem:s30+$0xFFFFFFD0] =	vst v10  }
0x1c6: {  	v49 =	vperm.xlane v16, v4;
	v50 =	vperm.xlane v17, v4;
	s2 =	sadd.s32 $0x40, s29;
	v51 =	vsel vm1, v45, v46;
	[tilespmem:s29+$0xFFFFFFF0] =	vst v48  }
0x1c7: {  	v8 =	vsel vm1, v8, v18;
	v52 =	vperm.xlane v11, v1;
	v53 =	vperm.xlane v14, v1;
	[tilespmem:s2+$0x0] =	vst v51  }
0x1c8: {  	s15 =	sadd.s32 $0x40, s30;
	v54 =	vsel vm1, v49, v50;
	v55 =	vperm.xlane v11, v4;
	v56 =	vperm.xlane v14, v4;
	[tilespmem:s0+$0xFFFFFFF0] =	vst v8  }
0x1c9: {  	v57 =	vperm.xlane v12, v1;
	[tilespmem:s15+$0x0] =	vst v54;
	v58 =	vsel vm1, v52, v53;
	v59 =	vperm.xlane v47, v1  }
0x1ca: {  	v62 =	vperm.xlane v7, v1;
	v11 =	vsel vm1, v55, v56;
	v63 =	vperm.xlane v6, v1;
	[tilespmem:s2+$0xFFFFFFE0] =	vst v58  }
0x1cb: {  	v60 =	vperm.xlane v12, v4;
	v61 =	vperm.xlane v47, v4;
	[tilespmem:s15+$0xFFFFFFE0] =	vst v11;
	v10 =	vsel vm1, v59, v57  }
0x1cc: {  	v7 =	vperm.xlane v7, v4;
	v6 =	vperm.xlane v6, v4;
	v9 =	vsel vm1, v62, v63;
	[tilespmem:s2+$0xFFFFFFD0] =	vst v10  }
0x1cd: {  	v8 =	vsel vm1, v61, v60;
	[tilespmem:s2+$0xFFFFFFF0] =	vst v9  }
0x1ce: {  	v6 =	vsel vm1, v7, v6;
	[tilespmem:s15+$0xFFFFFFD0] =	vst v8  }
0x1cf: {  	s0 =	simm.s32 $0x0;
	s2 =	simm.s32 $0xDE90;
	[tilespmem:s15+$0xFFFFFFF0] =	vst v6  }
.LBB2_19:
0x1d0: {  	v6 =	vld [tilespmem:s2+$0xFFFFFFF0]  }
0x1d1: {  	v7 =	vld [tilespmem:s2+$0x0];
	_ =	sdelay $0x3  }
0x1d2: {  	v6 =	vadd.s32 v5, v6  }
0x1d3: {  	v7 =	vadd.s32 v5, v7;
	_ =	sdelay $0x3  }
0x1d4: {  	v6 =	vld.idx.msk [tilespmem:v6+s31+$0x0], $0xffff  }
0x1d5: {  	v7 =	vld.idx.msk [tilespmem:v7+s31+$0x0], $0xffff;
	_ =	sdelay $0x3  }
0x1d6: {  	p1 =	sne.s32 s0, $0x40  }
.Ltmp8:
0x1d7: {  	v8 =	vperm.xlane v6, v1;
	v9 =	vperm.xlane v7, v1;
	(pc) =	sbr.rel @p1 .LBB2_19-.Ltmp8, $4  }
0x1d8: {  	v6 =	vperm.xlane v6, v4;
	v7 =	vperm.xlane v7, v4  }
0x1d9: {  	s15 =	sshra.s32 s0, $0x2;
	v8 =	vsel vm1, v8, v9  }
0x1da: {  	v6 =	vsel vm1, v6, v7;
	[tilespmem:s15+$0x18060] =	vst v8  }
0x1db: {  	s2 =	sadd.s32 $0x20, s2;
	s0 =	sadd.s32 $0x40, s0;
	[tilespmem:s15+$0x1BF60] =	vst v6  }
0x1dc: {  	s0 =	rddreg [dreg:$0x6]  }
0x1dd: {  	s25 =	sadd.s32 s0, s25  }
0x1de: {  	s0 =	smul.u32 $0xFC, s25;
	_ =	sdelay $0x1  }
0x1df: {  	s15 =	simm.s32 $0x16100;
	s2 =	sadd.s32 s5, s0  }
0x1e0: {  	[hbm4b:s2+s3] =	stream.linear.scatter [tilespmem:s15], [sflag:$0x4], $0x1F80, $0x38;
	[tilespmem:$0x1DF00] =	vst v63  }
0x1e1: {  	s0 =	sadd.s32 s6, s0;
	s15 =	simm.s32 $0x1A000  }
0x1e2: {  	[hbm4b:s0+s3] =	stream.linear.scatter [tilespmem:s15], [sflag:$0x4], $0x1F80, $0x38;
	[tilespmem:$0x1DF00] =	vst v63  }
0x1e3: {  	s0 =	simm.s32 @!p0 $0x5  }
0x1e4: {  	_ =	swait.ge @!p0 [sflag:s0], $0x1F80  }
0x1e5: {  	[sflag:s0] =	ssyncset.done @!p0 $0x0  }
0x1e6: {  	[sflag:s0] =	ssyncadd.s32 @!p0 $0xFFFFE080  }
0x1e7: {  	_ =	swait.ge @!p0 [sflag:s0], $0x1F80  }
0x1e8: {  	[sflag:s0] =	ssyncset.done @!p0 $0x0  }
0x1e9: {  	[sflag:s0] =	ssyncadd.s32 @!p0 $0xFFFFE080;
	s0 =	simm.s32 $0x6370  }
0x1ea: {  	v6 =	vld [tilespmem:s0+$0xFFFFFFF0]  }
0x1eb: {  	v7 =	vld [tilespmem:s0+$0x0]  }
0x1ec: {  	v8 =	vld [tilespmem:s0+$0xFFFFFFA0]  }
0x1ed: {  	v9 =	vld [tilespmem:s0+$0xFFFFFFB0]  }
0x1ee: {  	v10 =	vld [tilespmem:s0+$0xFFFFFFC0]  }
0x1ef: {  	v11 =	vld [tilespmem:s0+$0xFFFFFFD0]  }
0x1f0: {  	s15 =	sor.u32 $0x100, s24;
	v12 =	vld [tilespmem:s0+$0xFFFFFFE0]  }
0x1f1: {  	v5 =	vmov s15;
	s15 =	simm.s32 $0x6770;
	v13 =	vld [tilespmem:s0+$0xFFFFFF90]  }
0x1f2: {  	v14 =	vld [tilespmem:s15+$0xFFFFFFF0];
	v6 =	vadd.s32 v5, v6  }
0x1f3: {  	v15 =	vld [tilespmem:s15+$0x0];
	v7 =	vadd.s32 v5, v7  }
0x1f4: {  	v16 =	vld [tilespmem:s15+$0xFFFFFFA0]  }
0x1f5: {  	v17 =	vld [tilespmem:s15+$0xFFFFFFB0]  }
0x1f6: {  	v18 =	vld [tilespmem:s15+$0xFFFFFFC0];
	v9 =	vadd.s32 v5, v9  }
0x1f7: {  	v10 =	vadd.s32 v5, v10;
	v6 =	vld.idx.msk [tilespmem:v6+s31+$0x0], $0xffff  }
0x1f8: {  	v7 =	vld.idx.msk [tilespmem:v7+s31+$0x0], $0xffff  }
0x1f9: {  	v21 =	vld [tilespmem:s15+$0xFFFFFFD0];
	v13 =	vadd.s32 v5, v13  }
0x1fa: {  	v22 =	vld [tilespmem:s15+$0xFFFFFFE0];
	v8 =	vadd.s32 v5, v8  }
0x1fb: {  	v11 =	vadd.s32 v5, v11;
	v9 =	vld.idx.msk [tilespmem:v9+s31+$0x0], $0xffff  }
0x1fc: {  	v12 =	vadd.s32 v5, v12;
	v10 =	vld.idx.msk [tilespmem:v10+s31+$0x0], $0xffff  }
0x1fd: {  	v23 =	vld [tilespmem:s15+$0xFFFFFF90];
	v14 =	vadd.s32 v5, v14;
	v19 =	vperm.xlane v6, v1;
	v20 =	vperm.xlane v7, v1  }
0x1fe: {  	v15 =	vadd.s32 v5, v15;
	v13 =	vld.idx.msk [tilespmem:v13+s31+$0x0], $0xffff;
	v6 =	vperm.xlane v6, v4;
	v7 =	vperm.xlane v7, v4  }
0x1ff: {  	v26 =	vadd.s32 v5, v21;
	v8 =	vld.idx.msk [tilespmem:v8+s31+$0x0], $0xffff;
	v19 =	vsel vm1, v19, v20;
	v20 =	vadd.s32 v5, v16  }
0x200: {  	s29 =	simm.s32 $0x180A0;
	v11 =	vld.idx.msk [tilespmem:v11+s31+$0x0], $0xffff;
	v24 =	vperm.xlane v9, v1;
	v6 =	vsel vm1, v6, v7;
	v7 =	vadd.s32 v5, v18  }
0x201: {  	v18 =	vld.idx.msk [tilespmem:v12+s31+$0x0], $0xffff;
	[tilespmem:s29+$0x10] =	vst v19;
	v19 =	vadd.s32 v5, v17;
	v17 =	vperm.xlane v10, v1  }
0x202: {  	s30 =	simm.s32 $0x1BFA0;
	v25 =	vperm.xlane v10, v4;
	v12 =	vperm.xlane v9, v4;
	v16 =	vld.idx.msk [tilespmem:v14+s31+$0x0], $0xffff  }
0x203: {  	v21 =	vperm.xlane v13, v4;
	[tilespmem:s30+$0x10] =	vst v6;
	v6 =	vsel vm1, v24, v17;
	v17 =	vld.idx.msk [tilespmem:v15+s31+$0x0], $0xffff  }
0x204: {  	v9 =	vperm.xlane v8, v1;
	v14 =	vsel vm1, v12, v25;
	[tilespmem:s29+$0xFFFFFFF0] =	vst v6;
	v12 =	vld.idx.msk [tilespmem:v20+s31+$0x0], $0xffff  }
0x205: {  	v10 =	vperm.xlane v8, v4;
	v8 =	vperm.xlane v11, v4;
	[tilespmem:s30+$0xFFFFFFF0] =	vst v14;
	v14 =	vld.idx.msk [tilespmem:v7+s31+$0x0], $0xffff  }
0x206: {  	v15 =	vperm.xlane v11, v1;
	v6 =	vadd.s32 v5, v22;
	v20 =	vperm.xlane v13, v1;
	v7 =	vld.idx.msk [tilespmem:v26+s31+$0x0], $0xffff  }
0x207: {  	s2 =	simm.s32 $0x4;
	s15 =	simm.s32 $0x6B70;
	s0 =	simm.s32 $0x1BFA0;
	v13 =	vadd.s32 v5, v23;
	v11 =	vld.idx.msk [tilespmem:v19+s31+$0x0], $0xffff;
	v19 =	vperm.xlane v18, v1;
	v18 =	vperm.xlane v18, v4  }
.LBB2_21:
0x208: {  	v22 =	vld [tilespmem:s15+$0xFFFFFFF0];
	v9 =	vsel vm1, v20, v9;
	v10 =	vsel vm1, v21, v10  }
0x209: {  	v21 =	vperm.xlane v16, v1;
	v23 =	vperm.xlane v17, v1;
	v20 =	vld [tilespmem:s15+$0x0];
	[tilespmem:s29+$0xFFFFFFE0] =	vst v9;
	v15 =	vsel vm1, v15, v19  }
0x20a: {  	s2 =	sadd.s32 $0x4, s2;
	v16 =	vperm.xlane v16, v4;
	v17 =	vperm.xlane v17, v4;
	v18 =	vsel vm1, v8, v18;
	v19 =	vld [tilespmem:s15+$0xFFFFFFA0];
	[tilespmem:s30+$0xFFFFFFE0] =	vst v10  }
0x20b: {  	p0 =	slt.u32 s2, $0x78;
	v9 =	vperm.xlane v12, v1;
	v10 =	vperm.xlane v12, v4;
	v8 =	vsel vm1, v21, v23;
	v24 =	vld [tilespmem:s15+$0xFFFFFFB0];
	[tilespmem:s29+$0x0] =	vst v15;
	s29 =	sadd.s32 $0x40, s29  }
0x20c: {  	v21 =	vperm.xlane v11, v1;
	s30 =	sadd.s32 $0x40, s30;
	v23 =	vperm.xlane v14, v1;
	v12 =	vld [tilespmem:s15+$0xFFFFFFC0];
	[tilespmem:s29+$0x10] =	vst v8;
	v8 =	vsel vm1, v16, v17  }
0x20d: {  	v11 =	vperm.xlane v11, v4;
	v14 =	vperm.xlane v14, v4;
	v16 =	vld [tilespmem:s15+$0xFFFFFFD0];
	v17 =	vadd.s32 v5, v22;
	[tilespmem:s30+$0x10] =	vst v8  }
0x20e: {  	v15 =	vperm.xlane v7, v1;
	v8 =	vperm.xlane v7, v4;
	v22 =	vld [tilespmem:s15+$0xFFFFFFE0];
	v20 =	vadd.s32 v5, v20;
	[tilespmem:s0+$0x0] =	vst v18;
	s0 =	smov.u32 s30  }
0x20f: {  	v11 =	vsel vm1, v11, v14;
	v7 =	vld [tilespmem:s15+$0xFFFFFF90];
	v18 =	vadd.s32 v5, v19;
	v19 =	vsel vm1, v21, v23  }
0x210: {  	v14 =	vadd.s32 v5, v24;
	v21 =	vld.idx.msk [tilespmem:v13+s31+$0x0], $0xffff;
	[tilespmem:s29+$0xFFFFFFF0] =	vst v19  }
0x211: {  	v19 =	vadd.s32 v5, v12;
	[tilespmem:s30+$0xFFFFFFF0] =	vst v11;
	v23 =	vld.idx.msk [tilespmem:v6+s31+$0x0], $0xffff  }
0x212: {  	v24 =	vadd.s32 v5, v16;
	v16 =	vld.idx.msk [tilespmem:v17+s31+$0x0], $0xffff  }
.Ltmp9:
0x213: {  	v6 =	vadd.s32 v5, v22;
	v17 =	vld.idx.msk [tilespmem:v20+s31+$0x0], $0xffff;
	(pc) =	sbr.rel @p0 .LBB2_21-.Ltmp9, $4  }
0x214: {  	v13 =	vadd.s32 v5, v7;
	v12 =	vld.idx.msk [tilespmem:v18+s31+$0x0], $0xffff  }
0x215: {  	v11 =	vld.idx.msk [tilespmem:v14+s31+$0x0], $0xffff  }
0x216: {  	v20 =	vperm.xlane v21, v1;
	v21 =	vperm.xlane v21, v4;
	v14 =	vld.idx.msk [tilespmem:v19+s31+$0x0], $0xffff  }
0x217: {  	s15 =	sadd.s32 $0x400, s15;
	v19 =	vperm.xlane v23, v1;
	v18 =	vperm.xlane v23, v4;
	v7 =	vld.idx.msk [tilespmem:v24+s31+$0x0], $0xffff  }
0x218: {  	_ =	sdelay $0x2  }
0x219: {  	v9 =	vsel vm1, v20, v9;
	v10 =	vsel vm1, v21, v10  }
0x21a: {  	v45 =	vperm.xlane v16, v1;
	v46 =	vperm.xlane v17, v1;
	v47 =	vld.idx.msk [tilespmem:v13+s31+$0x0], $0xffff;
	[tilespmem:s29+$0xFFFFFFE0] =	vst v9  }
0x21b: {  	v6 =	vld.idx.msk [tilespmem:v6+s31+$0x0], $0xffff;
	v48 =	vsel vm1, v15, v19;
	[tilespmem:s30+$0xFFFFFFE0] =	vst v10  }
0x21c: {  	v49 =	vperm.xlane v16, v4;
	v50 =	vperm.xlane v17, v4;
	s2 =	sadd.s32 $0x40, s29;
	v51 =	vsel vm1, v45, v46;
	[tilespmem:s29+$0x0] =	vst v48  }
0x21d: {  	v8 =	vsel vm1, v8, v18;
	v52 =	vperm.xlane v11, v1;
	v53 =	vperm.xlane v14, v1;
	[tilespmem:s2+$0x10] =	vst v51  }
0x21e: {  	s15 =	sadd.s32 $0x40, s30;
	v54 =	vsel vm1, v49, v50;
	v55 =	vperm.xlane v11, v4;
	v56 =	vperm.xlane v14, v4;
	[tilespmem:s0+$0x0] =	vst v8  }
0x21f: {  	v57 =	vperm.xlane v12, v1;
	[tilespmem:s15+$0x10] =	vst v54;
	v58 =	vsel vm1, v52, v53;
	v59 =	vperm.xlane v47, v1  }
0x220: {  	v62 =	vperm.xlane v7, v1;
	v11 =	vsel vm1, v55, v56;
	v63 =	vperm.xlane v6, v1;
	[tilespmem:s2+$0xFFFFFFF0] =	vst v58  }
0x221: {  	v60 =	vperm.xlane v12, v4;
	v61 =	vperm.xlane v47, v4;
	[tilespmem:s15+$0xFFFFFFF0] =	vst v11;
	v10 =	vsel vm1, v59, v57  }
0x222: {  	v7 =	vperm.xlane v7, v4;
	v6 =	vperm.xlane v6, v4;
	v9 =	vsel vm1, v62, v63;
	[tilespmem:s2+$0xFFFFFFE0] =	vst v10  }
0x223: {  	v8 =	vsel vm1, v61, v60;
	[tilespmem:s2+$0x0] =	vst v9  }
0x224: {  	v6 =	vsel vm1, v7, v6;
	[tilespmem:s15+$0xFFFFFFE0] =	vst v8  }
0x225: {  	s0 =	simm.s32 $0x0;
	s2 =	simm.s32 $0xDF10;
	[tilespmem:s15+$0x0] =	vst v6  }
.LBB2_23:
0x226: {  	v6 =	vld [tilespmem:s2+$0xFFFFFFF0]  }
0x227: {  	v7 =	vld [tilespmem:s2+$0x0];
	_ =	sdelay $0x3  }
0x228: {  	v6 =	vadd.s32 v5, v6  }
0x229: {  	v7 =	vadd.s32 v5, v7;
	_ =	sdelay $0x3  }
0x22a: {  	v6 =	vld.idx.msk [tilespmem:v6+s31+$0x0], $0xffff  }
0x22b: {  	v7 =	vld.idx.msk [tilespmem:v7+s31+$0x0], $0xffff;
	_ =	sdelay $0x3  }
0x22c: {  	p0 =	sne.s32 s0, $0x40  }
.Ltmp10:
0x22d: {  	v8 =	vperm.xlane v6, v1;
	v9 =	vperm.xlane v7, v1;
	(pc) =	sbr.rel @p0 .LBB2_23-.Ltmp10, $4  }
0x22e: {  	v6 =	vperm.xlane v6, v4;
	v7 =	vperm.xlane v7, v4  }
0x22f: {  	s15 =	sshra.s32 s0, $0x2;
	v8 =	vsel vm1, v8, v9  }
0x230: {  	v6 =	vsel vm1, v6, v7;
	[tilespmem:s15+$0x18840] =	vst v8  }
0x231: {  	s2 =	sadd.s32 $0x20, s2;
	s0 =	sadd.s32 $0x40, s0;
	[tilespmem:s15+$0x1C740] =	vst v6  }
0x232: {  	s0 =	simm.s32 $0x63F0  }
0x233: {  	v6 =	vld [tilespmem:s0+$0xFFFFFFF0]  }
0x234: {  	v7 =	vld [tilespmem:s0+$0x0]  }
0x235: {  	v8 =	vld [tilespmem:s0+$0xFFFFFFA0]  }
0x236: {  	v9 =	vld [tilespmem:s0+$0xFFFFFFB0]  }
0x237: {  	v10 =	vld [tilespmem:s0+$0xFFFFFFC0]  }
0x238: {  	v11 =	vld [tilespmem:s0+$0xFFFFFFD0]  }
0x239: {  	s2 =	sor.u32 $0x140, s24;
	v12 =	vld [tilespmem:s0+$0xFFFFFFE0]  }
0x23a: {  	s15 =	simm.s32 $0x67F0;
	v5 =	vmov s2;
	v13 =	vld [tilespmem:s0+$0xFFFFFF90]  }
0x23b: {  	v14 =	vld [tilespmem:s15+$0xFFFFFFF0];
	v6 =	vadd.s32 v5, v6  }
0x23c: {  	v15 =	vld [tilespmem:s15+$0x0];
	v7 =	vadd.s32 v5, v7  }
0x23d: {  	v16 =	vld [tilespmem:s15+$0xFFFFFFA0]  }
0x23e: {  	v17 =	vld [tilespmem:s15+$0xFFFFFFB0]  }
0x23f: {  	v18 =	vld [tilespmem:s15+$0xFFFFFFC0];
	v9 =	vadd.s32 v5, v9  }
0x240: {  	v10 =	vadd.s32 v5, v10;
	v6 =	vld.idx.msk [tilespmem:v6+s31+$0x0], $0xffff  }
0x241: {  	v7 =	vld.idx.msk [tilespmem:v7+s31+$0x0], $0xffff  }
0x242: {  	v21 =	vld [tilespmem:s15+$0xFFFFFFD0];
	v13 =	vadd.s32 v5, v13  }
0x243: {  	v22 =	vld [tilespmem:s15+$0xFFFFFFE0];
	v8 =	vadd.s32 v5, v8  }
0x244: {  	v11 =	vadd.s32 v5, v11;
	v9 =	vld.idx.msk [tilespmem:v9+s31+$0x0], $0xffff  }
0x245: {  	v12 =	vadd.s32 v5, v12;
	v10 =	vld.idx.msk [tilespmem:v10+s31+$0x0], $0xffff  }
0x246: {  	v23 =	vld [tilespmem:s15+$0xFFFFFF90];
	v14 =	vadd.s32 v5, v14;
	v19 =	vperm.xlane v6, v1;
	v20 =	vperm.xlane v7, v1  }
0x247: {  	v15 =	vadd.s32 v5, v15;
	v13 =	vld.idx.msk [tilespmem:v13+s31+$0x0], $0xffff;
	v6 =	vperm.xlane v6, v4;
	v7 =	vperm.xlane v7, v4  }
0x248: {  	v26 =	vadd.s32 v5, v21;
	v8 =	vld.idx.msk [tilespmem:v8+s31+$0x0], $0xffff;
	v19 =	vsel vm1, v19, v20;
	v20 =	vadd.s32 v5, v16  }
0x249: {  	s29 =	simm.s32 $0x18890;
	v11 =	vld.idx.msk [tilespmem:v11+s31+$0x0], $0xffff;
	v24 =	vperm.xlane v9, v1;
	v6 =	vsel vm1, v6, v7;
	v7 =	vadd.s32 v5, v18  }
0x24a: {  	v18 =	vld.idx.msk [tilespmem:v12+s31+$0x0], $0xffff;
	[tilespmem:s29+$0x0] =	vst v19;
	v19 =	vadd.s32 v5, v17;
	v17 =	vperm.xlane v10, v1  }
0x24b: {  	s30 =	simm.s32 $0x1C790;
	v25 =	vperm.xlane v10, v4;
	v12 =	vperm.xlane v9, v4;
	v16 =	vld.idx.msk [tilespmem:v14+s31+$0x0], $0xffff  }
0x24c: {  	v21 =	vperm.xlane v13, v4;
	[tilespmem:s30+$0x0] =	vst v6;
	v6 =	vsel vm1, v24, v17;
	v17 =	vld.idx.msk [tilespmem:v15+s31+$0x0], $0xffff  }
0x24d: {  	v9 =	vperm.xlane v8, v1;
	v14 =	vsel vm1, v12, v25;
	[tilespmem:s29+$0xFFFFFFE0] =	vst v6;
	v12 =	vld.idx.msk [tilespmem:v20+s31+$0x0], $0xffff  }
0x24e: {  	v10 =	vperm.xlane v8, v4;
	v8 =	vperm.xlane v11, v4;
	[tilespmem:s30+$0xFFFFFFE0] =	vst v14;
	v14 =	vld.idx.msk [tilespmem:v7+s31+$0x0], $0xffff  }
0x24f: {  	v15 =	vperm.xlane v11, v1;
	v6 =	vadd.s32 v5, v22;
	v20 =	vperm.xlane v13, v1;
	v7 =	vld.idx.msk [tilespmem:v26+s31+$0x0], $0xffff  }
0x250: {  	s2 =	simm.s32 $0x4;
	s15 =	simm.s32 $0x6BF0;
	s0 =	simm.s32 $0x1C790;
	v13 =	vadd.s32 v5, v23;
	v11 =	vld.idx.msk [tilespmem:v19+s31+$0x0], $0xffff;
	v19 =	vperm.xlane v18, v1;
	v18 =	vperm.xlane v18, v4  }
.LBB2_25:
0x251: {  	v22 =	vld [tilespmem:s15+$0xFFFFFFF0];
	v9 =	vsel vm1, v20, v9;
	v10 =	vsel vm1, v21, v10  }
0x252: {  	v21 =	vperm.xlane v16, v1;
	v23 =	vperm.xlane v17, v1;
	v20 =	vld [tilespmem:s15+$0x0];
	[tilespmem:s29+$0xFFFFFFD0] =	vst v9;
	v15 =	vsel vm1, v15, v19  }
0x253: {  	s2 =	sadd.s32 $0x4, s2;
	v16 =	vperm.xlane v16, v4;
	v17 =	vperm.xlane v17, v4;
	v18 =	vsel vm1, v8, v18;
	v19 =	vld [tilespmem:s15+$0xFFFFFFA0];
	[tilespmem:s30+$0xFFFFFFD0] =	vst v10  }
0x254: {  	p0 =	slt.u32 s2, $0x78;
	v9 =	vperm.xlane v12, v1;
	v10 =	vperm.xlane v12, v4;
	v8 =	vsel vm1, v21, v23;
	v24 =	vld [tilespmem:s15+$0xFFFFFFB0];
	[tilespmem:s29+$0xFFFFFFF0] =	vst v15;
	s29 =	sadd.s32 $0x40, s29  }
0x255: {  	v21 =	vperm.xlane v11, v1;
	s30 =	sadd.s32 $0x40, s30;
	v23 =	vperm.xlane v14, v1;
	v12 =	vld [tilespmem:s15+$0xFFFFFFC0];
	[tilespmem:s29+$0x0] =	vst v8;
	v8 =	vsel vm1, v16, v17  }
0x256: {  	v11 =	vperm.xlane v11, v4;
	v14 =	vperm.xlane v14, v4;
	v16 =	vld [tilespmem:s15+$0xFFFFFFD0];
	v17 =	vadd.s32 v5, v22;
	[tilespmem:s30+$0x0] =	vst v8  }
0x257: {  	v15 =	vperm.xlane v7, v1;
	v8 =	vperm.xlane v7, v4;
	v22 =	vld [tilespmem:s15+$0xFFFFFFE0];
	v20 =	vadd.s32 v5, v20;
	[tilespmem:s0+$0xFFFFFFF0] =	vst v18;
	s0 =	smov.u32 s30  }
0x258: {  	v11 =	vsel vm1, v11, v14;
	v7 =	vld [tilespmem:s15+$0xFFFFFF90];
	v18 =	vadd.s32 v5, v19;
	v19 =	vsel vm1, v21, v23  }
0x259: {  	v14 =	vadd.s32 v5, v24;
	v21 =	vld.idx.msk [tilespmem:v13+s31+$0x0], $0xffff;
	[tilespmem:s29+$0xFFFFFFE0] =	vst v19  }
0x25a: {  	v19 =	vadd.s32 v5, v12;
	[tilespmem:s30+$0xFFFFFFE0] =	vst v11;
	v23 =	vld.idx.msk [tilespmem:v6+s31+$0x0], $0xffff  }
0x25b: {  	v24 =	vadd.s32 v5, v16;
	v16 =	vld.idx.msk [tilespmem:v17+s31+$0x0], $0xffff  }
.Ltmp11:
0x25c: {  	v6 =	vadd.s32 v5, v22;
	v17 =	vld.idx.msk [tilespmem:v20+s31+$0x0], $0xffff;
	(pc) =	sbr.rel @p0 .LBB2_25-.Ltmp11, $4  }
0x25d: {  	v13 =	vadd.s32 v5, v7;
	v12 =	vld.idx.msk [tilespmem:v18+s31+$0x0], $0xffff  }
0x25e: {  	v11 =	vld.idx.msk [tilespmem:v14+s31+$0x0], $0xffff  }
0x25f: {  	v20 =	vperm.xlane v21, v1;
	v21 =	vperm.xlane v21, v4;
	v14 =	vld.idx.msk [tilespmem:v19+s31+$0x0], $0xffff  }
0x260: {  	s15 =	sadd.s32 $0x400, s15;
	v19 =	vperm.xlane v23, v1;
	v18 =	vperm.xlane v23, v4;
	v7 =	vld.idx.msk [tilespmem:v24+s31+$0x0], $0xffff  }
0x261: {  	_ =	sdelay $0x2  }
0x262: {  	v9 =	vsel vm1, v20, v9;
	v10 =	vsel vm1, v21, v10  }
0x263: {  	v45 =	vperm.xlane v16, v1;
	v46 =	vperm.xlane v17, v1;
	v47 =	vld.idx.msk [tilespmem:v13+s31+$0x0], $0xffff;
	[tilespmem:s29+$0xFFFFFFD0] =	vst v9  }
0x264: {  	v6 =	vld.idx.msk [tilespmem:v6+s31+$0x0], $0xffff;
	v48 =	vsel vm1, v15, v19;
	[tilespmem:s30+$0xFFFFFFD0] =	vst v10  }
0x265: {  	v49 =	vperm.xlane v16, v4;
	v50 =	vperm.xlane v17, v4;
	s2 =	sadd.s32 $0x40, s29;
	v51 =	vsel vm1, v45, v46;
	[tilespmem:s29+$0xFFFFFFF0] =	vst v48  }
0x266: {  	v8 =	vsel vm1, v8, v18;
	v52 =	vperm.xlane v11, v1;
	v53 =	vperm.xlane v14, v1;
	[tilespmem:s2+$0x0] =	vst v51  }
0x267: {  	s15 =	sadd.s32 $0x40, s30;
	v54 =	vsel vm1, v49, v50;
	v55 =	vperm.xlane v11, v4;
	v56 =	vperm.xlane v14, v4;
	[tilespmem:s0+$0xFFFFFFF0] =	vst v8  }
0x268: {  	v57 =	vperm.xlane v12, v1;
	[tilespmem:s15+$0x0] =	vst v54;
	v58 =	vsel vm1, v52, v53;
	v59 =	vperm.xlane v47, v1  }
0x269: {  	v62 =	vperm.xlane v7, v1;
	v11 =	vsel vm1, v55, v56;
	v63 =	vperm.xlane v6, v1;
	[tilespmem:s2+$0xFFFFFFE0] =	vst v58  }
0x26a: {  	v60 =	vperm.xlane v12, v4;
	v61 =	vperm.xlane v47, v4;
	[tilespmem:s15+$0xFFFFFFE0] =	vst v11;
	v10 =	vsel vm1, v59, v57  }
0x26b: {  	v7 =	vperm.xlane v7, v4;
	v6 =	vperm.xlane v6, v4;
	v9 =	vsel vm1, v62, v63;
	[tilespmem:s2+$0xFFFFFFD0] =	vst v10  }
0x26c: {  	v8 =	vsel vm1, v61, v60;
	[tilespmem:s2+$0xFFFFFFF0] =	vst v9  }
0x26d: {  	v6 =	vsel vm1, v7, v6;
	[tilespmem:s15+$0xFFFFFFD0] =	vst v8  }
0x26e: {  	s0 =	simm.s32 $0x0;
	s2 =	simm.s32 $0xDF90;
	[tilespmem:s15+$0xFFFFFFF0] =	vst v6  }
.LBB2_27:
0x26f: {  	v6 =	vld [tilespmem:s2+$0xFFFFFFF0]  }
0x270: {  	v7 =	vld [tilespmem:s2+$0x0];
	_ =	sdelay $0x3  }
0x271: {  	v6 =	vadd.s32 v5, v6  }
0x272: {  	v7 =	vadd.s32 v5, v7;
	_ =	sdelay $0x3  }
0x273: {  	v6 =	vld.idx.msk [tilespmem:v6+s31+$0x0], $0xffff  }
0x274: {  	v7 =	vld.idx.msk [tilespmem:v7+s31+$0x0], $0xffff;
	_ =	sdelay $0x3  }
0x275: {  	p0 =	sne.s32 s0, $0x40  }
.Ltmp12:
0x276: {  	v8 =	vperm.xlane v6, v1;
	v9 =	vperm.xlane v7, v1;
	(pc) =	sbr.rel @p0 .LBB2_27-.Ltmp12, $4  }
0x277: {  	v6 =	vperm.xlane v6, v4;
	v7 =	vperm.xlane v7, v4  }
0x278: {  	s15 =	sshra.s32 s0, $0x2;
	v8 =	vsel vm1, v8, v9  }
0x279: {  	v6 =	vsel vm1, v6, v7;
	[tilespmem:s15+$0x19020] =	vst v8  }
0x27a: {  	s2 =	sadd.s32 $0x20, s2;
	s0 =	sadd.s32 $0x40, s0;
	[tilespmem:s15+$0x1CF20] =	vst v6  }
0x27b: {  	s0 =	simm.s32 $0x6470  }
0x27c: {  	v6 =	vld [tilespmem:s0+$0xFFFFFFF0]  }
0x27d: {  	v7 =	vld [tilespmem:s0+$0x0]  }
0x27e: {  	v8 =	vld [tilespmem:s0+$0xFFFFFFA0]  }
0x27f: {  	v9 =	vld [tilespmem:s0+$0xFFFFFFB0]  }
0x280: {  	v10 =	vld [tilespmem:s0+$0xFFFFFFC0]  }
0x281: {  	v11 =	vld [tilespmem:s0+$0xFFFFFFD0]  }
0x282: {  	s2 =	sor.u32 $0x180, s24;
	v12 =	vld [tilespmem:s0+$0xFFFFFFE0]  }
0x283: {  	s15 =	simm.s32 $0x6870;
	v5 =	vmov s2;
	v13 =	vld [tilespmem:s0+$0xFFFFFF90]  }
0x284: {  	v14 =	vld [tilespmem:s15+$0xFFFFFFF0];
	v6 =	vadd.s32 v5, v6  }
0x285: {  	v15 =	vld [tilespmem:s15+$0x0];
	v7 =	vadd.s32 v5, v7  }
0x286: {  	v16 =	vld [tilespmem:s15+$0xFFFFFFA0]  }
0x287: {  	v17 =	vld [tilespmem:s15+$0xFFFFFFB0]  }
0x288: {  	v18 =	vld [tilespmem:s15+$0xFFFFFFC0];
	v9 =	vadd.s32 v5, v9  }
0x289: {  	v10 =	vadd.s32 v5, v10;
	v6 =	vld.idx.msk [tilespmem:v6+s31+$0x0], $0xffff  }
0x28a: {  	v7 =	vld.idx.msk [tilespmem:v7+s31+$0x0], $0xffff  }
0x28b: {  	v21 =	vld [tilespmem:s15+$0xFFFFFFD0];
	v13 =	vadd.s32 v5, v13  }
0x28c: {  	v22 =	vld [tilespmem:s15+$0xFFFFFFE0];
	v8 =	vadd.s32 v5, v8  }
0x28d: {  	v11 =	vadd.s32 v5, v11;
	v9 =	vld.idx.msk [tilespmem:v9+s31+$0x0], $0xffff  }
0x28e: {  	v12 =	vadd.s32 v5, v12;
	v10 =	vld.idx.msk [tilespmem:v10+s31+$0x0], $0xffff  }
0x28f: {  	v23 =	vld [tilespmem:s15+$0xFFFFFF90];
	v14 =	vadd.s32 v5, v14;
	v19 =	vperm.xlane v6, v1;
	v20 =	vperm.xlane v7, v1  }
0x290: {  	v15 =	vadd.s32 v5, v15;
	v13 =	vld.idx.msk [tilespmem:v13+s31+$0x0], $0xffff;
	v6 =	vperm.xlane v6, v4;
	v7 =	vperm.xlane v7, v4  }
0x291: {  	v26 =	vadd.s32 v5, v21;
	v8 =	vld.idx.msk [tilespmem:v8+s31+$0x0], $0xffff;
	v19 =	vsel vm1, v19, v20;
	v20 =	vadd.s32 v5, v16  }
0x292: {  	s29 =	simm.s32 $0x19070;
	v11 =	vld.idx.msk [tilespmem:v11+s31+$0x0], $0xffff;
	v24 =	vperm.xlane v9, v1;
	v6 =	vsel vm1, v6, v7;
	v7 =	vadd.s32 v5, v18  }
0x293: {  	v18 =	vld.idx.msk [tilespmem:v12+s31+$0x0], $0xffff;
	[tilespmem:s29+$0x0] =	vst v19;
	v19 =	vadd.s32 v5, v17;
	v17 =	vperm.xlane v10, v1  }
0x294: {  	s30 =	simm.s32 $0x1CF70;
	v25 =	vperm.xlane v10, v4;
	v12 =	vperm.xlane v9, v4;
	v16 =	vld.idx.msk [tilespmem:v14+s31+$0x0], $0xffff  }
0x295: {  	v21 =	vperm.xlane v13, v4;
	[tilespmem:s30+$0x0] =	vst v6;
	v6 =	vsel vm1, v24, v17;
	v17 =	vld.idx.msk [tilespmem:v15+s31+$0x0], $0xffff  }
0x296: {  	v9 =	vperm.xlane v8, v1;
	v14 =	vsel vm1, v12, v25;
	[tilespmem:s29+$0xFFFFFFE0] =	vst v6;
	v12 =	vld.idx.msk [tilespmem:v20+s31+$0x0], $0xffff  }
0x297: {  	v10 =	vperm.xlane v8, v4;
	v8 =	vperm.xlane v11, v4;
	[tilespmem:s30+$0xFFFFFFE0] =	vst v14;
	v14 =	vld.idx.msk [tilespmem:v7+s31+$0x0], $0xffff  }
0x298: {  	v15 =	vperm.xlane v11, v1;
	v6 =	vadd.s32 v5, v22;
	v20 =	vperm.xlane v13, v1;
	v7 =	vld.idx.msk [tilespmem:v26+s31+$0x0], $0xffff  }
0x299: {  	s2 =	simm.s32 $0x4;
	s15 =	simm.s32 $0x6C70;
	s0 =	simm.s32 $0x1CF70;
	v13 =	vadd.s32 v5, v23;
	v11 =	vld.idx.msk [tilespmem:v19+s31+$0x0], $0xffff;
	v19 =	vperm.xlane v18, v1;
	v18 =	vperm.xlane v18, v4  }
.LBB2_29:
0x29a: {  	v22 =	vld [tilespmem:s15+$0xFFFFFFF0];
	v9 =	vsel vm1, v20, v9;
	v10 =	vsel vm1, v21, v10  }
0x29b: {  	v21 =	vperm.xlane v16, v1;
	v23 =	vperm.xlane v17, v1;
	v20 =	vld [tilespmem:s15+$0x0];
	[tilespmem:s29+$0xFFFFFFD0] =	vst v9;
	v15 =	vsel vm1, v15, v19  }
0x29c: {  	s2 =	sadd.s32 $0x4, s2;
	v16 =	vperm.xlane v16, v4;
	v17 =	vperm.xlane v17, v4;
	v18 =	vsel vm1, v8, v18;
	v19 =	vld [tilespmem:s15+$0xFFFFFFA0];
	[tilespmem:s30+$0xFFFFFFD0] =	vst v10  }
0x29d: {  	p0 =	slt.u32 s2, $0x78;
	v9 =	vperm.xlane v12, v1;
	v10 =	vperm.xlane v12, v4;
	v8 =	vsel vm1, v21, v23;
	v24 =	vld [tilespmem:s15+$0xFFFFFFB0];
	[tilespmem:s29+$0xFFFFFFF0] =	vst v15;
	s29 =	sadd.s32 $0x40, s29  }
0x29e: {  	v21 =	vperm.xlane v11, v1;
	s30 =	sadd.s32 $0x40, s30;
	v23 =	vperm.xlane v14, v1;
	v12 =	vld [tilespmem:s15+$0xFFFFFFC0];
	[tilespmem:s29+$0x0] =	vst v8;
	v8 =	vsel vm1, v16, v17  }
0x29f: {  	v11 =	vperm.xlane v11, v4;
	v14 =	vperm.xlane v14, v4;
	v16 =	vld [tilespmem:s15+$0xFFFFFFD0];
	v17 =	vadd.s32 v5, v22;
	[tilespmem:s30+$0x0] =	vst v8  }
0x2a0: {  	v15 =	vperm.xlane v7, v1;
	v8 =	vperm.xlane v7, v4;
	v22 =	vld [tilespmem:s15+$0xFFFFFFE0];
	v20 =	vadd.s32 v5, v20;
	[tilespmem:s0+$0xFFFFFFF0] =	vst v18;
	s0 =	smov.u32 s30  }
0x2a1: {  	v11 =	vsel vm1, v11, v14;
	v7 =	vld [tilespmem:s15+$0xFFFFFF90];
	v18 =	vadd.s32 v5, v19;
	v19 =	vsel vm1, v21, v23  }
0x2a2: {  	v14 =	vadd.s32 v5, v24;
	v21 =	vld.idx.msk [tilespmem:v13+s31+$0x0], $0xffff;
	[tilespmem:s29+$0xFFFFFFE0] =	vst v19  }
0x2a3: {  	v19 =	vadd.s32 v5, v12;
	[tilespmem:s30+$0xFFFFFFE0] =	vst v11;
	v23 =	vld.idx.msk [tilespmem:v6+s31+$0x0], $0xffff  }
0x2a4: {  	v24 =	vadd.s32 v5, v16;
	v16 =	vld.idx.msk [tilespmem:v17+s31+$0x0], $0xffff  }
.Ltmp13:
0x2a5: {  	v6 =	vadd.s32 v5, v22;
	v17 =	vld.idx.msk [tilespmem:v20+s31+$0x0], $0xffff;
	(pc) =	sbr.rel @p0 .LBB2_29-.Ltmp13, $4  }
0x2a6: {  	v13 =	vadd.s32 v5, v7;
	v12 =	vld.idx.msk [tilespmem:v18+s31+$0x0], $0xffff  }
0x2a7: {  	v11 =	vld.idx.msk [tilespmem:v14+s31+$0x0], $0xffff  }
0x2a8: {  	v20 =	vperm.xlane v21, v1;
	v21 =	vperm.xlane v21, v4;
	v14 =	vld.idx.msk [tilespmem:v19+s31+$0x0], $0xffff  }
0x2a9: {  	s15 =	sadd.s32 $0x400, s15;
	v19 =	vperm.xlane v23, v1;
	v18 =	vperm.xlane v23, v4;
	v7 =	vld.idx.msk [tilespmem:v24+s31+$0x0], $0xffff  }
0x2aa: {  	_ =	sdelay $0x2  }
0x2ab: {  	v9 =	vsel vm1, v20, v9;
	v10 =	vsel vm1, v21, v10  }
0x2ac: {  	v45 =	vperm.xlane v16, v1;
	v46 =	vperm.xlane v17, v1;
	v47 =	vld.idx.msk [tilespmem:v13+s31+$0x0], $0xffff;
	[tilespmem:s29+$0xFFFFFFD0] =	vst v9  }
0x2ad: {  	v6 =	vld.idx.msk [tilespmem:v6+s31+$0x0], $0xffff;
	v48 =	vsel vm1, v15, v19;
	[tilespmem:s30+$0xFFFFFFD0] =	vst v10  }
0x2ae: {  	v49 =	vperm.xlane v16, v4;
	v50 =	vperm.xlane v17, v4;
	s2 =	sadd.s32 $0x40, s29;
	v51 =	vsel vm1, v45, v46;
	[tilespmem:s29+$0xFFFFFFF0] =	vst v48  }
0x2af: {  	v8 =	vsel vm1, v8, v18;
	v52 =	vperm.xlane v11, v1;
	v53 =	vperm.xlane v14, v1;
	[tilespmem:s2+$0x0] =	vst v51  }
0x2b0: {  	v54 =	vsel vm1, v49, v50;
	s30 =	sadd.s32 $0x40, s30;
	v55 =	vperm.xlane v11, v4;
	v56 =	vperm.xlane v14, v4;
	[tilespmem:s0+$0xFFFFFFF0] =	vst v8  }
0x2b1: {  	v57 =	vperm.xlane v12, v1;
	[tilespmem:s30+$0x0] =	vst v54;
	v58 =	vsel vm1, v52, v53;
	v59 =	vperm.xlane v47, v1  }
0x2b2: {  	v62 =	vperm.xlane v7, v1;
	v11 =	vsel vm1, v55, v56;
	v63 =	vperm.xlane v6, v1;
	[tilespmem:s2+$0xFFFFFFE0] =	vst v58  }
0x2b3: {  	v60 =	vperm.xlane v12, v4;
	v61 =	vperm.xlane v47, v4;
	[tilespmem:s30+$0xFFFFFFE0] =	vst v11;
	v10 =	vsel vm1, v59, v57  }
0x2b4: {  	v7 =	vperm.xlane v7, v4;
	v6 =	vperm.xlane v6, v4;
	v9 =	vsel vm1, v62, v63;
	[tilespmem:s2+$0xFFFFFFD0] =	vst v10  }
0x2b5: {  	v8 =	vsel vm1, v61, v60;
	[tilespmem:s2+$0xFFFFFFF0] =	vst v9  }
0x2b6: {  	v6 =	vsel vm1, v7, v6;
	[tilespmem:s30+$0xFFFFFFD0] =	vst v8  }
0x2b7: {  	s15 =	simm.s32 $0x1D700;
	s0 =	simm.s32 $0x7C00;
	s2 =	simm.s32 $0x19800;
	[tilespmem:s30+$0xFFFFFFF0] =	vst v6  }
.LBB2_31:
0x2b8: {  	s29 =	sor.u32 $0x300, s0  }
0x2b9: {  	s30 =	sor.u32 $0x310, s0;
	v6 =	vld [tilespmem:s29+$0x6100]  }
0x2ba: {  	v7 =	vld [tilespmem:s30+$0x6100];
	_ =	sdelay $0x3  }
0x2bb: {  	v6 =	vadd.s32 v5, v6  }
0x2bc: {  	v7 =	vadd.s32 v5, v7;
	_ =	sdelay $0x3  }
0x2bd: {  	v6 =	vld.idx.msk [tilespmem:v6+s31+$0x0], $0xffff  }
0x2be: {  	v7 =	vld.idx.msk [tilespmem:v7+s31+$0x0], $0xffff;
	_ =	sdelay $0x3  }
0x2bf: {  	p0 =	sne.s32 s0, $0x7D20  }
.Ltmp14:
0x2c0: {  	v8 =	vperm.xlane v6, v1;
	v9 =	vperm.xlane v7, v1;
	(pc) =	sbr.rel @p0 .LBB2_31-.Ltmp14, $4  }
0x2c1: {  	v6 =	vperm.xlane v6, v4;
	v7 =	vperm.xlane v7, v4  }
0x2c2: {  	v8 =	vsel vm1, v8, v9  }
0x2c3: {  	v6 =	vsel vm1, v6, v7;
	[tilespmem:s2+$0x0] =	vst v8  }
0x2c4: {  	s0 =	sadd.s32 $0x120, s0;
	s2 =	sadd.s32 $0x10, s2;
	[tilespmem:s15+$0x0] =	vst v6;
	s15 =	sadd.s32 $0x10, s15  }
0x2c5: {  	s0 =	simm.s32 $0x64F0  }
0x2c6: {  	v6 =	vld [tilespmem:s0+$0xFFFFFFF0]  }
0x2c7: {  	v7 =	vld [tilespmem:s0+$0x0]  }
0x2c8: {  	v8 =	vld [tilespmem:s0+$0xFFFFFFA0]  }
0x2c9: {  	v9 =	vld [tilespmem:s0+$0xFFFFFFB0]  }
0x2ca: {  	v10 =	vld [tilespmem:s0+$0xFFFFFFC0]  }
0x2cb: {  	v11 =	vld [tilespmem:s0+$0xFFFFFFD0]  }
0x2cc: {  	s2 =	sor.u32 $0x1C0, s24;
	v12 =	vld [tilespmem:s0+$0xFFFFFFE0]  }
0x2cd: {  	s15 =	simm.s32 $0x68F0;
	v5 =	vmov s2;
	v13 =	vld [tilespmem:s0+$0xFFFFFF90]  }
0x2ce: {  	v14 =	vld [tilespmem:s15+$0xFFFFFFF0];
	v6 =	vadd.s32 v5, v6  }
0x2cf: {  	v15 =	vld [tilespmem:s15+$0x0];
	v7 =	vadd.s32 v5, v7  }
0x2d0: {  	v16 =	vld [tilespmem:s15+$0xFFFFFFA0]  }
0x2d1: {  	v17 =	vld [tilespmem:s15+$0xFFFFFFB0]  }
0x2d2: {  	v18 =	vld [tilespmem:s15+$0xFFFFFFC0];
	v9 =	vadd.s32 v5, v9  }
0x2d3: {  	v10 =	vadd.s32 v5, v10;
	v6 =	vld.idx.msk [tilespmem:v6+s31+$0x0], $0xffff  }
0x2d4: {  	v7 =	vld.idx.msk [tilespmem:v7+s31+$0x0], $0xffff  }
0x2d5: {  	v21 =	vld [tilespmem:s15+$0xFFFFFFD0];
	v13 =	vadd.s32 v5, v13  }
0x2d6: {  	v22 =	vld [tilespmem:s15+$0xFFFFFFE0];
	v8 =	vadd.s32 v5, v8  }
0x2d7: {  	v11 =	vadd.s32 v5, v11;
	v9 =	vld.idx.msk [tilespmem:v9+s31+$0x0], $0xffff  }
0x2d8: {  	v12 =	vadd.s32 v5, v12;
	v10 =	vld.idx.msk [tilespmem:v10+s31+$0x0], $0xffff  }
0x2d9: {  	v23 =	vld [tilespmem:s15+$0xFFFFFF90];
	v14 =	vadd.s32 v5, v14;
	v19 =	vperm.xlane v6, v1;
	v20 =	vperm.xlane v7, v1  }
0x2da: {  	v15 =	vadd.s32 v5, v15;
	v13 =	vld.idx.msk [tilespmem:v13+s31+$0x0], $0xffff;
	v6 =	vperm.xlane v6, v4;
	v7 =	vperm.xlane v7, v4  }
0x2db: {  	v26 =	vadd.s32 v5, v21;
	v8 =	vld.idx.msk [tilespmem:v8+s31+$0x0], $0xffff;
	v19 =	vsel vm1, v19, v20;
	v20 =	vadd.s32 v5, v16  }
0x2dc: {  	s24 =	simm.s32 $0x19850;
	v11 =	vld.idx.msk [tilespmem:v11+s31+$0x0], $0xffff;
	v24 =	vperm.xlane v9, v1;
	v6 =	vsel vm1, v6, v7;
	v7 =	vadd.s32 v5, v18  }
0x2dd: {  	v18 =	vld.idx.msk [tilespmem:v12+s31+$0x0], $0xffff;
	[tilespmem:s24+$0x0] =	vst v19;
	v19 =	vadd.s32 v5, v17;
	v17 =	vperm.xlane v10, v1  }
0x2de: {  	s29 =	simm.s32 $0x1D750;
	v25 =	vperm.xlane v10, v4;
	v12 =	vperm.xlane v9, v4;
	v16 =	vld.idx.msk [tilespmem:v14+s31+$0x0], $0xffff  }
0x2df: {  	v21 =	vperm.xlane v13, v4;
	[tilespmem:s29+$0x0] =	vst v6;
	v6 =	vsel vm1, v24, v17;
	v17 =	vld.idx.msk [tilespmem:v15+s31+$0x0], $0xffff  }
0x2e0: {  	v9 =	vperm.xlane v8, v1;
	v14 =	vsel vm1, v12, v25;
	[tilespmem:s24+$0xFFFFFFE0] =	vst v6;
	v12 =	vld.idx.msk [tilespmem:v20+s31+$0x0], $0xffff  }
0x2e1: {  	v10 =	vperm.xlane v8, v4;
	v8 =	vperm.xlane v11, v4;
	[tilespmem:s29+$0xFFFFFFE0] =	vst v14;
	v14 =	vld.idx.msk [tilespmem:v7+s31+$0x0], $0xffff  }
0x2e2: {  	s30 =	smov.u32 s7;
	v15 =	vperm.xlane v11, v1;
	v6 =	vadd.s32 v5, v22;
	v20 =	vperm.xlane v13, v1;
	v7 =	vld.idx.msk [tilespmem:v26+s31+$0x0], $0xffff  }
0x2e3: {  	s2 =	simm.s32 $0x4;
	s15 =	simm.s32 $0x6CF0;
	s0 =	simm.s32 $0x1D750;
	v13 =	vadd.s32 v5, v23;
	v11 =	vld.idx.msk [tilespmem:v19+s31+$0x0], $0xffff;
	v19 =	vperm.xlane v18, v1;
	v18 =	vperm.xlane v18, v4  }
.LBB2_33:
0x2e4: {  	v22 =	vld [tilespmem:s15+$0xFFFFFFF0];
	v9 =	vsel vm1, v20, v9;
	v10 =	vsel vm1, v21, v10  }
0x2e5: {  	v21 =	vperm.xlane v16, v1;
	v23 =	vperm.xlane v17, v1;
	v20 =	vld [tilespmem:s15+$0x0];
	[tilespmem:s24+$0xFFFFFFD0] =	vst v9;
	v15 =	vsel vm1, v15, v19  }
0x2e6: {  	s2 =	sadd.s32 $0x4, s2;
	v16 =	vperm.xlane v16, v4;
	v17 =	vperm.xlane v17, v4;
	v18 =	vsel vm1, v8, v18;
	v19 =	vld [tilespmem:s15+$0xFFFFFFA0];
	[tilespmem:s29+$0xFFFFFFD0] =	vst v10  }
0x2e7: {  	p0 =	slt.u32 s2, $0x78;
	v9 =	vperm.xlane v12, v1;
	v10 =	vperm.xlane v12, v4;
	v8 =	vsel vm1, v21, v23;
	v24 =	vld [tilespmem:s15+$0xFFFFFFB0];
	[tilespmem:s24+$0xFFFFFFF0] =	vst v15;
	s24 =	sadd.s32 $0x40, s24  }
0x2e8: {  	v21 =	vperm.xlane v11, v1;
	s29 =	sadd.s32 $0x40, s29;
	v23 =	vperm.xlane v14, v1;
	v12 =	vld [tilespmem:s15+$0xFFFFFFC0];
	[tilespmem:s24+$0x0] =	vst v8;
	v8 =	vsel vm1, v16, v17  }
0x2e9: {  	v11 =	vperm.xlane v11, v4;
	v14 =	vperm.xlane v14, v4;
	v16 =	vld [tilespmem:s15+$0xFFFFFFD0];
	v17 =	vadd.s32 v5, v22;
	[tilespmem:s29+$0x0] =	vst v8  }
0x2ea: {  	v15 =	vperm.xlane v7, v1;
	v8 =	vperm.xlane v7, v4;
	v22 =	vld [tilespmem:s15+$0xFFFFFFE0];
	v20 =	vadd.s32 v5, v20;
	[tilespmem:s0+$0xFFFFFFF0] =	vst v18;
	s0 =	smov.u32 s29  }
0x2eb: {  	v11 =	vsel vm1, v11, v14;
	v7 =	vld [tilespmem:s15+$0xFFFFFF90];
	v18 =	vadd.s32 v5, v19;
	v19 =	vsel vm1, v21, v23  }
0x2ec: {  	v14 =	vadd.s32 v5, v24;
	v21 =	vld.idx.msk [tilespmem:v13+s31+$0x0], $0xffff;
	[tilespmem:s24+$0xFFFFFFE0] =	vst v19  }
0x2ed: {  	v19 =	vadd.s32 v5, v12;
	[tilespmem:s29+$0xFFFFFFE0] =	vst v11;
	v23 =	vld.idx.msk [tilespmem:v6+s31+$0x0], $0xffff  }
0x2ee: {  	v24 =	vadd.s32 v5, v16;
	v16 =	vld.idx.msk [tilespmem:v17+s31+$0x0], $0xffff  }
.Ltmp15:
0x2ef: {  	v6 =	vadd.s32 v5, v22;
	v17 =	vld.idx.msk [tilespmem:v20+s31+$0x0], $0xffff;
	(pc) =	sbr.rel @p0 .LBB2_33-.Ltmp15, $4  }
0x2f0: {  	v13 =	vadd.s32 v5, v7;
	v12 =	vld.idx.msk [tilespmem:v18+s31+$0x0], $0xffff  }
0x2f1: {  	v11 =	vld.idx.msk [tilespmem:v14+s31+$0x0], $0xffff  }
0x2f2: {  	v20 =	vperm.xlane v21, v1;
	v21 =	vperm.xlane v21, v4;
	v14 =	vld.idx.msk [tilespmem:v19+s31+$0x0], $0xffff  }
0x2f3: {  	s15 =	sadd.s32 $0x400, s15;
	v19 =	vperm.xlane v23, v1;
	v18 =	vperm.xlane v23, v4;
	v7 =	vld.idx.msk [tilespmem:v24+s31+$0x0], $0xffff  }
0x2f4: {  	_ =	sdelay $0x2  }
0x2f5: {  	v9 =	vsel vm1, v20, v9;
	v10 =	vsel vm1, v21, v10  }
0x2f6: {  	v45 =	vperm.xlane v16, v1;
	v46 =	vperm.xlane v17, v1;
	v47 =	vld.idx.msk [tilespmem:v13+s31+$0x0], $0xffff;
	[tilespmem:s24+$0xFFFFFFD0] =	vst v9  }
0x2f7: {  	v6 =	vld.idx.msk [tilespmem:v6+s31+$0x0], $0xffff;
	v48 =	vsel vm1, v15, v19;
	[tilespmem:s29+$0xFFFFFFD0] =	vst v10  }
0x2f8: {  	v49 =	vperm.xlane v16, v4;
	v50 =	vperm.xlane v17, v4;
	s2 =	sadd.s32 $0x40, s24;
	v51 =	vsel vm1, v45, v46;
	[tilespmem:s24+$0xFFFFFFF0] =	vst v48  }
0x2f9: {  	v8 =	vsel vm1, v8, v18;
	v52 =	vperm.xlane v11, v1;
	v53 =	vperm.xlane v14, v1;
	[tilespmem:s2+$0x0] =	vst v51  }
0x2fa: {  	v54 =	vsel vm1, v49, v50;
	s29 =	sadd.s32 $0x40, s29;
	v55 =	vperm.xlane v11, v4;
	v56 =	vperm.xlane v14, v4;
	[tilespmem:s0+$0xFFFFFFF0] =	vst v8  }
0x2fb: {  	v57 =	vperm.xlane v12, v1;
	[tilespmem:s29+$0x0] =	vst v54;
	v58 =	vsel vm1, v52, v53;
	v59 =	vperm.xlane v47, v1  }
0x2fc: {  	v62 =	vperm.xlane v7, v1;
	v11 =	vsel vm1, v55, v56;
	v63 =	vperm.xlane v6, v1;
	[tilespmem:s2+$0xFFFFFFE0] =	vst v58  }
0x2fd: {  	v60 =	vperm.xlane v12, v4;
	v61 =	vperm.xlane v47, v4;
	[tilespmem:s29+$0xFFFFFFE0] =	vst v11;
	v10 =	vsel vm1, v59, v57  }
0x2fe: {  	v7 =	vperm.xlane v7, v4;
	v6 =	vperm.xlane v6, v4;
	v9 =	vsel vm1, v62, v63;
	[tilespmem:s2+$0xFFFFFFD0] =	vst v10  }
0x2ff: {  	v8 =	vsel vm1, v61, v60;
	[tilespmem:s2+$0xFFFFFFF0] =	vst v9  }
0x300: {  	s15 =	simm.s32 $0x1DEE0;
	v6 =	vsel vm1, v7, v6;
	[tilespmem:s29+$0xFFFFFFD0] =	vst v8  }
0x301: {  	s7 =	simm.s32 $0x18080;
	s0 =	simm.s32 $0x7C00;
	s2 =	simm.s32 $0x19FE0;
	[tilespmem:s29+$0xFFFFFFF0] =	vst v6  }
.LBB2_35:
0x302: {  	s24 =	sor.u32 $0x380, s0  }
0x303: {  	s29 =	sor.u32 $0x390, s0;
	v6 =	vld [tilespmem:s24+$0x6100]  }
0x304: {  	v7 =	vld [tilespmem:s29+$0x6100];
	_ =	sdelay $0x3  }
0x305: {  	v6 =	vadd.s32 v5, v6  }
0x306: {  	v7 =	vadd.s32 v5, v7;
	_ =	sdelay $0x3  }
0x307: {  	v6 =	vld.idx.msk [tilespmem:v6+s31+$0x0], $0xffff  }
0x308: {  	v7 =	vld.idx.msk [tilespmem:v7+s31+$0x0], $0xffff;
	_ =	sdelay $0x3  }
0x309: {  	p0 =	sne.s32 s0, $0x7D20  }
.Ltmp16:
0x30a: {  	v8 =	vperm.xlane v6, v1;
	v9 =	vperm.xlane v7, v1;
	(pc) =	sbr.rel @p0 .LBB2_35-.Ltmp16, $4  }
0x30b: {  	v6 =	vperm.xlane v6, v4;
	v7 =	vperm.xlane v7, v4  }
0x30c: {  	v8 =	vsel vm1, v8, v9  }
0x30d: {  	v6 =	vsel vm1, v6, v7;
	[tilespmem:s2+$0x0] =	vst v8  }
0x30e: {  	s0 =	sadd.s32 $0x120, s0;
	s2 =	sadd.s32 $0x10, s2;
	[tilespmem:s15+$0x0] =	vst v6;
	s15 =	sadd.s32 $0x10, s15  }
0x30f: {  	s0 =	smul.u32 $0x7E0, s25;
	_ =	sdelay $0x1  }
0x310: {  	s0 =	sshrl.u32 s0, $0x3  }
0x311: {  	s0 =	sadd.s32 $0x3F0, s0  }
0x312: {  	s24 =	sor.u32 $0x1, s20;
	s2 =	sadd.s32 s5, s0  }
0x313: {  	[hbm4b:s2+s3] =	stream.linear.scatter [tilespmem:s7], [sflag:$0x5], $0x1F80, $0x38;
	[tilespmem:$0x1DF00] =	vst v63  }
0x314: {  	s25 =	simm.s32 $0x1BF80;
	p0 =	sgt.u32 s24, $0xE;
	s0 =	sadd.s32 s6, s0  }
0x315: {  	[hbm4b:s0+s3] =	stream.linear.scatter [tilespmem:s25], [sflag:$0x5], $0x1F80, $0x38;
	[tilespmem:$0x1DF00] =	vst v63  }
0x316: {  	v5 =	vld.msk @!p0 [tilespmem:s28+$0x10], $0xff;
	_ =	sdelay $0x4  }
0x317: {  	v6 =	vshll.u32 @!p0 v5, $0x5  }
0x318: {  	v7 =	vlaneseq.u32 @!p0;
	v5 =	vand.u32 @!p0 $0x7, v5;
	v6 =	vand.u32 @!p0 $0xFFFFFF00, v6  }
0x319: {  	v5 =	vor.u32 @!p0 v5, v6;
	v6 =	vand.u32 @!p0 $0x7, v7;
	v7 =	vshrl.u32 @!p0 v7, $0x3  }
0x31a: {  	v5 =	vperm.xlane @!p0 v5, v6;
	v6 =	vmul.u32 @!p0 $0x8, v7;
	_ =	sdelay $0x1  }
0x31b: {  	v5 =	vadd.s32 @!p0 v6, v5;
	_ =	sdelay $0x3  }
0x31c: {  	vm2 =	vmmov @!p0 $0xffff;
	s2 =	simm.s32 @!p0 $0x6100;
	s0 =	simm.s32 @!p0 $0x0  }
0x31d: {  	[tilespmem:s2], [sflag:$0x2] =	stream.indirect_vreg.gather @!p0 [hbm4b:s30+s0], $0x80, v5, vm2, $0xb8;
	[tilespmem:$0x1DF00] =	vst v63  }
0x31e: {  	s29 =	smov.u32 s5;
	s5 =	rddreg [dreg:$0x5];
	s2 =	simm.s32 @!p0 $0x6900  }
0x31f: {  	[tilespmem:s2], [sflag:$0x2] =	stream.indirect_vreg.gather @!p0 [hbm4b:s5+s0], $0x80, v5, vm2, $0xb8;
	[tilespmem:$0x1DF00] =	vst v63  }
0x320: {  	s2 =	simm.s32 @!p0 $0x7100  }
0x321: {  	[tilespmem:s2], [sflag:$0x2] =	stream.indirect_vreg.gather @!p0 [hbm4b:s8+s0], $0x80, v5, vm2, $0xb8;
	[tilespmem:$0x1DF00] =	vst v63  }
0x322: {  	s2 =	simm.s32 @!p0 $0x7900  }
0x323: {  	[tilespmem:s2], [sflag:$0x2] =	stream.indirect_vreg.gather @!p0 [hbm4b:s9+s0], $0x80, v5, vm2, $0xb8;
	[tilespmem:$0x1DF00] =	vst v63  }
0x324: {  	s2 =	simm.s32 @!p0 $0x8100  }
0x325: {  	[tilespmem:s2], [sflag:$0x2] =	stream.indirect_vreg.gather @!p0 [hbm4b:s10+s0], $0x80, v5, vm2, $0xb8;
	[tilespmem:$0x1DF00] =	vst v63  }
0x326: {  	s2 =	simm.s32 @!p0 $0x8900  }
0x327: {  	[tilespmem:s2], [sflag:$0x2] =	stream.indirect_vreg.gather @!p0 [hbm4b:s11+s0], $0x80, v5, vm2, $0xb8;
	[tilespmem:$0x1DF00] =	vst v63  }
0x328: {  	s2 =	simm.s32 @!p0 $0x9100  }
0x329: {  	[tilespmem:s2], [sflag:$0x2] =	stream.indirect_vreg.gather @!p0 [hbm4b:s12+s0], $0x80, v5, vm2, $0xb8;
	[tilespmem:$0x1DF00] =	vst v63  }
0x32a: {  	s2 =	simm.s32 @!p0 $0x9900  }
0x32b: {  	[tilespmem:s2], [sflag:$0x2] =	stream.indirect_vreg.gather @!p0 [hbm4b:s13+s0], $0x80, v5, vm2, $0xb8;
	[tilespmem:$0x1DF00] =	vst v63  }
0x32c: {  	s2 =	simm.s32 @!p0 $0xA100  }
0x32d: {  	[tilespmem:s2], [sflag:$0x2] =	stream.indirect_vreg.gather @!p0 [hbm4b:s14+s0], $0x80, v5, vm2, $0xb8;
	[tilespmem:$0x1DF00] =	vst v63  }
0x32e: {  	s2 =	simm.s32 @!p0 $0xA900  }
0x32f: {  	[tilespmem:s2], [sflag:$0x2] =	stream.indirect_vreg.gather @!p0 [hbm4b:s16+s0], $0x80, v5, vm2, $0xb8;
	[tilespmem:$0x1DF00] =	vst v63  }
0x330: {  	s2 =	simm.s32 @!p0 $0xB100  }
0x331: {  	[tilespmem:s2], [sflag:$0x2] =	stream.indirect_vreg.gather @!p0 [hbm4b:s17+s0], $0x80, v5, vm2, $0xb8;
	[tilespmem:$0x1DF00] =	vst v63  }
0x332: {  	s2 =	simm.s32 @!p0 $0xB900  }
0x333: {  	[tilespmem:s2], [sflag:$0x2] =	stream.indirect_vreg.gather @!p0 [hbm4b:s18+s0], $0x80, v5, vm2, $0xb8;
	[tilespmem:$0x1DF00] =	vst v63  }
0x334: {  	s2 =	simm.s32 @!p0 $0xC100  }
0x335: {  	[tilespmem:s2], [sflag:$0x2] =	stream.indirect_vreg.gather @!p0 [hbm4b:s19+s0], $0x80, v5, vm2, $0xb8;
	[tilespmem:$0x1DF00] =	vst v63  }
0x336: {  	s2 =	simm.s32 @!p0 $0xC900  }
0x337: {  	[tilespmem:s2], [sflag:$0x2] =	stream.indirect_vreg.gather @!p0 [hbm4b:s21+s0], $0x80, v5, vm2, $0xb8;
	[tilespmem:$0x1DF00] =	vst v63  }
0x338: {  	s2 =	simm.s32 @!p0 $0xD100  }
0x339: {  	[tilespmem:s2], [sflag:$0x2] =	stream.indirect_vreg.gather @!p0 [hbm4b:s22+s0], $0x80, v5, vm2, $0xb8;
	[tilespmem:$0x1DF00] =	vst v63  }
0x33a: {  	s2 =	simm.s32 @!p0 $0xD900  }
0x33b: {  	[tilespmem:s2], [sflag:$0x2] =	stream.indirect_vreg.gather @!p0 [hbm4b:s23+s0], $0x80, v5, vm2, $0xb8;
	[tilespmem:$0x1DF00] =	vst v63  }
0x33c: {  	s2 =	simm.s32 $0x3  }
0x33d: {  	_ =	swait.ge [sflag:s2], $0x8000  }
0x33e: {  	[sflag:s2] =	ssyncset.done $0x0  }
0x33f: {  	[sflag:s2] =	ssyncadd.s32 $0xFFFF8000  }
0x340: {  	_ =	swait.ge [sflag:s4], $0x1F80  }
0x341: {  	[sflag:s4] =	ssyncset.done $0x0  }
0x342: {  	[sflag:s4] =	ssyncadd.s32 $0xFFFFE080  }
0x343: {  	_ =	swait.ge [sflag:s4], $0x1F80  }
0x344: {  	[sflag:s4] =	ssyncset.done $0x0  }
0x345: {  	s5 =	simm.s32 $0xE140;
	[sflag:s4] =	ssyncadd.s32 $0xFFFFE080  }
0x346: {  	v6 =	vld [tilespmem:s5+$0x20]  }
0x347: {  	v7 =	vld [tilespmem:s5+$0x30]  }
0x348: {  	v8 =	vld [tilespmem:s5+$0xFFFFFFD0]  }
0x349: {  	v9 =	vld [tilespmem:s5+$0xFFFFFFE0]  }
0x34a: {  	v10 =	vld [tilespmem:s5+$0xFFFFFFF0]  }
0x34b: {  	v11 =	vld [tilespmem:s5+$0x0]  }
0x34c: {  	s20 =	sshll.u32 s24, $0x9;
	v12 =	vld [tilespmem:s5+$0x10]  }
0x34d: {  	s15 =	simm.s32 $0xE540;
	v5 =	vmov s20;
	v13 =	vld [tilespmem:s5+$0xFFFFFFC0]  }
0x34e: {  	v14 =	vld [tilespmem:s15+$0x20];
	v6 =	vadd.s32 v5, v6  }
0x34f: {  	v15 =	vld [tilespmem:s15+$0x30];
	v7 =	vadd.s32 v5, v7  }
0x350: {  	v16 =	vld [tilespmem:s15+$0xFFFFFFD0]  }
0x351: {  	v17 =	vld [tilespmem:s15+$0xFFFFFFE0]  }
0x352: {  	v18 =	vld [tilespmem:s15+$0xFFFFFFF0];
	v9 =	vadd.s32 v5, v9  }
0x353: {  	v10 =	vadd.s32 v5, v10;
	v6 =	vld.idx.msk [tilespmem:v6+s31+$0x0], $0xffff  }
0x354: {  	v7 =	vld.idx.msk [tilespmem:v7+s31+$0x0], $0xffff  }
0x355: {  	v21 =	vld [tilespmem:s15+$0x0];
	v13 =	vadd.s32 v5, v13  }
0x356: {  	v22 =	vld [tilespmem:s15+$0x10];
	v8 =	vadd.s32 v5, v8  }
0x357: {  	v11 =	vadd.s32 v5, v11;
	v9 =	vld.idx.msk [tilespmem:v9+s31+$0x0], $0xffff  }
0x358: {  	v12 =	vadd.s32 v5, v12;
	v10 =	vld.idx.msk [tilespmem:v10+s31+$0x0], $0xffff  }
0x359: {  	v23 =	vld [tilespmem:s15+$0xFFFFFFC0];
	v14 =	vadd.s32 v5, v14;
	v19 =	vperm.xlane v6, v1;
	v20 =	vperm.xlane v7, v1  }
0x35a: {  	v15 =	vadd.s32 v5, v15;
	v13 =	vld.idx.msk [tilespmem:v13+s31+$0x0], $0xffff;
	v6 =	vperm.xlane v6, v4;
	v7 =	vperm.xlane v7, v4  }
0x35b: {  	v26 =	vadd.s32 v5, v21;
	v8 =	vld.idx.msk [tilespmem:v8+s31+$0x0], $0xffff;
	v19 =	vsel vm1, v19, v20;
	v20 =	vadd.s32 v5, v16  }
0x35c: {  	s25 =	simm.s32 $0x16120;
	v11 =	vld.idx.msk [tilespmem:v11+s31+$0x0], $0xffff;
	v24 =	vperm.xlane v9, v1;
	v6 =	vsel vm1, v6, v7;
	v7 =	vadd.s32 v5, v18  }
0x35d: {  	v18 =	vld.idx.msk [tilespmem:v12+s31+$0x0], $0xffff;
	[tilespmem:s25+$0x10] =	vst v19;
	v19 =	vadd.s32 v5, v17;
	v17 =	vperm.xlane v10, v1  }
0x35e: {  	s28 =	simm.s32 $0x1A020;
	v25 =	vperm.xlane v10, v4;
	v12 =	vperm.xlane v9, v4;
	v16 =	vld.idx.msk [tilespmem:v14+s31+$0x0], $0xffff  }
0x35f: {  	v21 =	vperm.xlane v13, v4;
	[tilespmem:s28+$0x10] =	vst v6;
	v6 =	vsel vm1, v24, v17;
	v17 =	vld.idx.msk [tilespmem:v15+s31+$0x0], $0xffff  }
0x360: {  	v9 =	vperm.xlane v8, v1;
	v14 =	vsel vm1, v12, v25;
	[tilespmem:s25+$0xFFFFFFF0] =	vst v6;
	v12 =	vld.idx.msk [tilespmem:v20+s31+$0x0], $0xffff  }
0x361: {  	v10 =	vperm.xlane v8, v4;
	v8 =	vperm.xlane v11, v4;
	[tilespmem:s28+$0xFFFFFFF0] =	vst v14;
	v14 =	vld.idx.msk [tilespmem:v7+s31+$0x0], $0xffff  }
0x362: {  	v15 =	vperm.xlane v11, v1;
	v6 =	vadd.s32 v5, v22;
	v20 =	vperm.xlane v13, v1;
	v7 =	vld.idx.msk [tilespmem:v26+s31+$0x0], $0xffff  }
0x363: {  	s0 =	simm.s32 $0x1A020;
	s2 =	simm.s32 $0x4;
	s15 =	simm.s32 $0xE940;
	v13 =	vadd.s32 v5, v23;
	v11 =	vld.idx.msk [tilespmem:v19+s31+$0x0], $0xffff;
	v19 =	vperm.xlane v18, v1;
	v18 =	vperm.xlane v18, v4  }
.LBB2_37:
0x364: {  	v22 =	vld [tilespmem:s15+$0x20];
	v9 =	vsel vm1, v20, v9;
	v10 =	vsel vm1, v21, v10  }
0x365: {  	v21 =	vperm.xlane v16, v1;
	v23 =	vperm.xlane v17, v1;
	v20 =	vld [tilespmem:s15+$0x30];
	[tilespmem:s25+$0xFFFFFFE0] =	vst v9;
	v15 =	vsel vm1, v15, v19  }
0x366: {  	s2 =	sadd.s32 $0x4, s2;
	v16 =	vperm.xlane v16, v4;
	v17 =	vperm.xlane v17, v4;
	v18 =	vsel vm1, v8, v18;
	v19 =	vld [tilespmem:s15+$0xFFFFFFD0];
	[tilespmem:s28+$0xFFFFFFE0] =	vst v10  }
0x367: {  	p0 =	slt.u32 s2, $0x78;
	v9 =	vperm.xlane v12, v1;
	v10 =	vperm.xlane v12, v4;
	v8 =	vsel vm1, v21, v23;
	v24 =	vld [tilespmem:s15+$0xFFFFFFE0];
	[tilespmem:s25+$0x0] =	vst v15;
	s25 =	sadd.s32 $0x40, s25  }
0x368: {  	v21 =	vperm.xlane v11, v1;
	s28 =	sadd.s32 $0x40, s28;
	v23 =	vperm.xlane v14, v1;
	v12 =	vld [tilespmem:s15+$0xFFFFFFF0];
	[tilespmem:s25+$0x10] =	vst v8;
	v8 =	vsel vm1, v16, v17  }
0x369: {  	v11 =	vperm.xlane v11, v4;
	v14 =	vperm.xlane v14, v4;
	v16 =	vld [tilespmem:s15+$0x0];
	v17 =	vadd.s32 v5, v22;
	[tilespmem:s28+$0x10] =	vst v8  }
0x36a: {  	v15 =	vperm.xlane v7, v1;
	v8 =	vperm.xlane v7, v4;
	v22 =	vld [tilespmem:s15+$0x10];
	v20 =	vadd.s32 v5, v20;
	[tilespmem:s0+$0x0] =	vst v18;
	s0 =	smov.u32 s28  }
0x36b: {  	v11 =	vsel vm1, v11, v14;
	v7 =	vld [tilespmem:s15+$0xFFFFFFC0];
	v18 =	vadd.s32 v5, v19;
	v19 =	vsel vm1, v21, v23  }
0x36c: {  	v14 =	vadd.s32 v5, v24;
	v21 =	vld.idx.msk [tilespmem:v13+s31+$0x0], $0xffff;
	[tilespmem:s25+$0xFFFFFFF0] =	vst v19  }
0x36d: {  	v19 =	vadd.s32 v5, v12;
	[tilespmem:s28+$0xFFFFFFF0] =	vst v11;
	v23 =	vld.idx.msk [tilespmem:v6+s31+$0x0], $0xffff  }
0x36e: {  	v24 =	vadd.s32 v5, v16;
	v16 =	vld.idx.msk [tilespmem:v17+s31+$0x0], $0xffff  }
.Ltmp17:
0x36f: {  	v6 =	vadd.s32 v5, v22;
	v17 =	vld.idx.msk [tilespmem:v20+s31+$0x0], $0xffff;
	(pc) =	sbr.rel @p0 .LBB2_37-.Ltmp17, $4  }
0x370: {  	v13 =	vadd.s32 v5, v7;
	v12 =	vld.idx.msk [tilespmem:v18+s31+$0x0], $0xffff  }
0x371: {  	v11 =	vld.idx.msk [tilespmem:v14+s31+$0x0], $0xffff  }
0x372: {  	v20 =	vperm.xlane v21, v1;
	v21 =	vperm.xlane v21, v4;
	v14 =	vld.idx.msk [tilespmem:v19+s31+$0x0], $0xffff  }
0x373: {  	s15 =	sadd.s32 $0x400, s15;
	v19 =	vperm.xlane v23, v1;
	v18 =	vperm.xlane v23, v4;
	v7 =	vld.idx.msk [tilespmem:v24+s31+$0x0], $0xffff  }
0x374: {  	_ =	sdelay $0x2  }
0x375: {  	v9 =	vsel vm1, v20, v9;
	v10 =	vsel vm1, v21, v10  }
0x376: {  	v45 =	vperm.xlane v16, v1;
	v46 =	vperm.xlane v17, v1;
	v47 =	vld.idx.msk [tilespmem:v13+s31+$0x0], $0xffff;
	[tilespmem:s25+$0xFFFFFFE0] =	vst v9  }
0x377: {  	v6 =	vld.idx.msk [tilespmem:v6+s31+$0x0], $0xffff;
	v48 =	vsel vm1, v15, v19;
	[tilespmem:s28+$0xFFFFFFE0] =	vst v10  }
0x378: {  	v49 =	vperm.xlane v16, v4;
	v50 =	vperm.xlane v17, v4;
	s2 =	sadd.s32 $0x40, s25;
	v51 =	vsel vm1, v45, v46;
	[tilespmem:s25+$0x0] =	vst v48  }
0x379: {  	v8 =	vsel vm1, v8, v18;
	v52 =	vperm.xlane v11, v1;
	v53 =	vperm.xlane v14, v1;
	[tilespmem:s2+$0x10] =	vst v51  }
0x37a: {  	s15 =	sadd.s32 $0x40, s28;
	v54 =	vsel vm1, v49, v50;
	v55 =	vperm.xlane v11, v4;
	v56 =	vperm.xlane v14, v4;
	[tilespmem:s0+$0x0] =	vst v8  }
0x37b: {  	v57 =	vperm.xlane v12, v1;
	[tilespmem:s15+$0x10] =	vst v54;
	v58 =	vsel vm1, v52, v53;
	v59 =	vperm.xlane v47, v1  }
0x37c: {  	v62 =	vperm.xlane v7, v1;
	v11 =	vsel vm1, v55, v56;
	v63 =	vperm.xlane v6, v1;
	[tilespmem:s2+$0xFFFFFFF0] =	vst v58  }
0x37d: {  	v60 =	vperm.xlane v12, v4;
	v61 =	vperm.xlane v47, v4;
	[tilespmem:s15+$0xFFFFFFF0] =	vst v11;
	v10 =	vsel vm1, v59, v57  }
0x37e: {  	v7 =	vperm.xlane v7, v4;
	v6 =	vperm.xlane v6, v4;
	v9 =	vsel vm1, v62, v63;
	[tilespmem:s2+$0xFFFFFFE0] =	vst v10  }
0x37f: {  	v8 =	vsel vm1, v61, v60;
	[tilespmem:s2+$0x0] =	vst v9  }
0x380: {  	v6 =	vsel vm1, v7, v6;
	[tilespmem:s15+$0xFFFFFFE0] =	vst v8  }
0x381: {  	s0 =	simm.s32 $0x0;
	s2 =	simm.s32 $0x15D10;
	[tilespmem:s15+$0x0] =	vst v6  }
.LBB2_39:
0x382: {  	v6 =	vld [tilespmem:s2+$0xFFFFFFF0]  }
0x383: {  	v7 =	vld [tilespmem:s2+$0x0];
	_ =	sdelay $0x3  }
0x384: {  	v6 =	vadd.s32 v5, v6  }
0x385: {  	v7 =	vadd.s32 v5, v7;
	_ =	sdelay $0x3  }
0x386: {  	v6 =	vld.idx.msk [tilespmem:v6+s31+$0x0], $0xffff  }
0x387: {  	v7 =	vld.idx.msk [tilespmem:v7+s31+$0x0], $0xffff;
	_ =	sdelay $0x3  }
0x388: {  	p0 =	sne.s32 s0, $0x40  }
.Ltmp18:
0x389: {  	v8 =	vperm.xlane v6, v1;
	v9 =	vperm.xlane v7, v1;
	(pc) =	sbr.rel @p0 .LBB2_39-.Ltmp18, $4  }
0x38a: {  	v6 =	vperm.xlane v6, v4;
	v7 =	vperm.xlane v7, v4  }
0x38b: {  	s15 =	sshra.s32 s0, $0x2;
	v8 =	vsel vm1, v8, v9  }
0x38c: {  	v6 =	vsel vm1, v6, v7;
	[tilespmem:s15+$0x168C0] =	vst v8  }
0x38d: {  	s2 =	sadd.s32 $0x20, s2;
	s0 =	sadd.s32 $0x40, s0;
	[tilespmem:s15+$0x1A7C0] =	vst v6  }
0x38e: {  	s0 =	simm.s32 $0xE1F0  }
0x38f: {  	v6 =	vld [tilespmem:s0+$0xFFFFFFF0]  }
0x390: {  	v7 =	vld [tilespmem:s0+$0x0]  }
0x391: {  	v8 =	vld [tilespmem:s0+$0xFFFFFFA0]  }
0x392: {  	v9 =	vld [tilespmem:s0+$0xFFFFFFB0]  }
0x393: {  	v10 =	vld [tilespmem:s0+$0xFFFFFFC0]  }
0x394: {  	v11 =	vld [tilespmem:s0+$0xFFFFFFD0]  }
0x395: {  	s2 =	sor.u32 $0x40, s20;
	v12 =	vld [tilespmem:s0+$0xFFFFFFE0]  }
0x396: {  	s15 =	simm.s32 $0xE5F0;
	v5 =	vmov s2;
	v13 =	vld [tilespmem:s0+$0xFFFFFF90]  }
0x397: {  	v14 =	vld [tilespmem:s15+$0xFFFFFFF0];
	v6 =	vadd.s32 v5, v6  }
0x398: {  	v15 =	vld [tilespmem:s15+$0x0];
	v7 =	vadd.s32 v5, v7  }
0x399: {  	v16 =	vld [tilespmem:s15+$0xFFFFFFA0]  }
0x39a: {  	v17 =	vld [tilespmem:s15+$0xFFFFFFB0]  }
0x39b: {  	v18 =	vld [tilespmem:s15+$0xFFFFFFC0];
	v9 =	vadd.s32 v5, v9  }
0x39c: {  	v10 =	vadd.s32 v5, v10;
	v6 =	vld.idx.msk [tilespmem:v6+s31+$0x0], $0xffff  }
0x39d: {  	v7 =	vld.idx.msk [tilespmem:v7+s31+$0x0], $0xffff  }
0x39e: {  	v21 =	vld [tilespmem:s15+$0xFFFFFFD0];
	v13 =	vadd.s32 v5, v13  }
0x39f: {  	v22 =	vld [tilespmem:s15+$0xFFFFFFE0];
	v8 =	vadd.s32 v5, v8  }
0x3a0: {  	v11 =	vadd.s32 v5, v11;
	v9 =	vld.idx.msk [tilespmem:v9+s31+$0x0], $0xffff  }
0x3a1: {  	v12 =	vadd.s32 v5, v12;
	v10 =	vld.idx.msk [tilespmem:v10+s31+$0x0], $0xffff  }
0x3a2: {  	v23 =	vld [tilespmem:s15+$0xFFFFFF90];
	v14 =	vadd.s32 v5, v14;
	v19 =	vperm.xlane v6, v1;
	v20 =	vperm.xlane v7, v1  }
0x3a3: {  	v15 =	vadd.s32 v5, v15;
	v13 =	vld.idx.msk [tilespmem:v13+s31+$0x0], $0xffff;
	v6 =	vperm.xlane v6, v4;
	v7 =	vperm.xlane v7, v4  }
0x3a4: {  	v26 =	vadd.s32 v5, v21;
	v8 =	vld.idx.msk [tilespmem:v8+s31+$0x0], $0xffff;
	v19 =	vsel vm1, v19, v20;
	v20 =	vadd.s32 v5, v16  }
0x3a5: {  	s25 =	simm.s32 $0x16910;
	v11 =	vld.idx.msk [tilespmem:v11+s31+$0x0], $0xffff;
	v24 =	vperm.xlane v9, v1;
	v6 =	vsel vm1, v6, v7;
	v7 =	vadd.s32 v5, v18  }
0x3a6: {  	v18 =	vld.idx.msk [tilespmem:v12+s31+$0x0], $0xffff;
	[tilespmem:s25+$0x0] =	vst v19;
	v19 =	vadd.s32 v5, v17;
	v17 =	vperm.xlane v10, v1  }
0x3a7: {  	s28 =	simm.s32 $0x1A810;
	v25 =	vperm.xlane v10, v4;
	v12 =	vperm.xlane v9, v4;
	v16 =	vld.idx.msk [tilespmem:v14+s31+$0x0], $0xffff  }
0x3a8: {  	v21 =	vperm.xlane v13, v4;
	[tilespmem:s28+$0x0] =	vst v6;
	v6 =	vsel vm1, v24, v17;
	v17 =	vld.idx.msk [tilespmem:v15+s31+$0x0], $0xffff  }
0x3a9: {  	v9 =	vperm.xlane v8, v1;
	v14 =	vsel vm1, v12, v25;
	[tilespmem:s25+$0xFFFFFFE0] =	vst v6;
	v12 =	vld.idx.msk [tilespmem:v20+s31+$0x0], $0xffff  }
0x3aa: {  	v10 =	vperm.xlane v8, v4;
	v8 =	vperm.xlane v11, v4;
	[tilespmem:s28+$0xFFFFFFE0] =	vst v14;
	v14 =	vld.idx.msk [tilespmem:v7+s31+$0x0], $0xffff  }
0x3ab: {  	v15 =	vperm.xlane v11, v1;
	v6 =	vadd.s32 v5, v22;
	v20 =	vperm.xlane v13, v1;
	v7 =	vld.idx.msk [tilespmem:v26+s31+$0x0], $0xffff  }
0x3ac: {  	s2 =	simm.s32 $0x4;
	s15 =	simm.s32 $0xE9F0;
	s0 =	simm.s32 $0x1A810;
	v13 =	vadd.s32 v5, v23;
	v11 =	vld.idx.msk [tilespmem:v19+s31+$0x0], $0xffff;
	v19 =	vperm.xlane v18, v1;
	v18 =	vperm.xlane v18, v4  }
.LBB2_41:
0x3ad: {  	v22 =	vld [tilespmem:s15+$0xFFFFFFF0];
	v9 =	vsel vm1, v20, v9;
	v10 =	vsel vm1, v21, v10  }
0x3ae: {  	v21 =	vperm.xlane v16, v1;
	v23 =	vperm.xlane v17, v1;
	v20 =	vld [tilespmem:s15+$0x0];
	[tilespmem:s25+$0xFFFFFFD0] =	vst v9;
	v15 =	vsel vm1, v15, v19  }
0x3af: {  	s2 =	sadd.s32 $0x4, s2;
	v16 =	vperm.xlane v16, v4;
	v17 =	vperm.xlane v17, v4;
	v18 =	vsel vm1, v8, v18;
	v19 =	vld [tilespmem:s15+$0xFFFFFFA0];
	[tilespmem:s28+$0xFFFFFFD0] =	vst v10  }
0x3b0: {  	p0 =	slt.u32 s2, $0x78;
	v9 =	vperm.xlane v12, v1;
	v10 =	vperm.xlane v12, v4;
	v8 =	vsel vm1, v21, v23;
	v24 =	vld [tilespmem:s15+$0xFFFFFFB0];
	[tilespmem:s25+$0xFFFFFFF0] =	vst v15;
	s25 =	sadd.s32 $0x40, s25  }
0x3b1: {  	v21 =	vperm.xlane v11, v1;
	s28 =	sadd.s32 $0x40, s28;
	v23 =	vperm.xlane v14, v1;
	v12 =	vld [tilespmem:s15+$0xFFFFFFC0];
	[tilespmem:s25+$0x0] =	vst v8;
	v8 =	vsel vm1, v16, v17  }
0x3b2: {  	v11 =	vperm.xlane v11, v4;
	v14 =	vperm.xlane v14, v4;
	v16 =	vld [tilespmem:s15+$0xFFFFFFD0];
	v17 =	vadd.s32 v5, v22;
	[tilespmem:s28+$0x0] =	vst v8  }
0x3b3: {  	v15 =	vperm.xlane v7, v1;
	v8 =	vperm.xlane v7, v4;
	v22 =	vld [tilespmem:s15+$0xFFFFFFE0];
	v20 =	vadd.s32 v5, v20;
	[tilespmem:s0+$0xFFFFFFF0] =	vst v18;
	s0 =	smov.u32 s28  }
0x3b4: {  	v11 =	vsel vm1, v11, v14;
	v7 =	vld [tilespmem:s15+$0xFFFFFF90];
	v18 =	vadd.s32 v5, v19;
	v19 =	vsel vm1, v21, v23  }
0x3b5: {  	v14 =	vadd.s32 v5, v24;
	v21 =	vld.idx.msk [tilespmem:v13+s31+$0x0], $0xffff;
	[tilespmem:s25+$0xFFFFFFE0] =	vst v19  }
0x3b6: {  	v19 =	vadd.s32 v5, v12;
	[tilespmem:s28+$0xFFFFFFE0] =	vst v11;
	v23 =	vld.idx.msk [tilespmem:v6+s31+$0x0], $0xffff  }
0x3b7: {  	v24 =	vadd.s32 v5, v16;
	v16 =	vld.idx.msk [tilespmem:v17+s31+$0x0], $0xffff  }
.Ltmp19:
0x3b8: {  	v6 =	vadd.s32 v5, v22;
	v17 =	vld.idx.msk [tilespmem:v20+s31+$0x0], $0xffff;
	(pc) =	sbr.rel @p0 .LBB2_41-.Ltmp19, $4  }
0x3b9: {  	v13 =	vadd.s32 v5, v7;
	v12 =	vld.idx.msk [tilespmem:v18+s31+$0x0], $0xffff  }
0x3ba: {  	v11 =	vld.idx.msk [tilespmem:v14+s31+$0x0], $0xffff  }
0x3bb: {  	v20 =	vperm.xlane v21, v1;
	v21 =	vperm.xlane v21, v4;
	v14 =	vld.idx.msk [tilespmem:v19+s31+$0x0], $0xffff  }
0x3bc: {  	s15 =	sadd.s32 $0x400, s15;
	v19 =	vperm.xlane v23, v1;
	v18 =	vperm.xlane v23, v4;
	v7 =	vld.idx.msk [tilespmem:v24+s31+$0x0], $0xffff  }
0x3bd: {  	_ =	sdelay $0x2  }
0x3be: {  	v9 =	vsel vm1, v20, v9;
	v10 =	vsel vm1, v21, v10  }
0x3bf: {  	v45 =	vperm.xlane v16, v1;
	v46 =	vperm.xlane v17, v1;
	v47 =	vld.idx.msk [tilespmem:v13+s31+$0x0], $0xffff;
	[tilespmem:s25+$0xFFFFFFD0] =	vst v9  }
0x3c0: {  	v6 =	vld.idx.msk [tilespmem:v6+s31+$0x0], $0xffff;
	v48 =	vsel vm1, v15, v19;
	[tilespmem:s28+$0xFFFFFFD0] =	vst v10  }
0x3c1: {  	v49 =	vperm.xlane v16, v4;
	v50 =	vperm.xlane v17, v4;
	s2 =	sadd.s32 $0x40, s25;
	v51 =	vsel vm1, v45, v46;
	[tilespmem:s25+$0xFFFFFFF0] =	vst v48  }
0x3c2: {  	v8 =	vsel vm1, v8, v18;
	v52 =	vperm.xlane v11, v1;
	v53 =	vperm.xlane v14, v1;
	[tilespmem:s2+$0x0] =	vst v51  }
0x3c3: {  	s15 =	sadd.s32 $0x40, s28;
	v54 =	vsel vm1, v49, v50;
	v55 =	vperm.xlane v11, v4;
	v56 =	vperm.xlane v14, v4;
	[tilespmem:s0+$0xFFFFFFF0] =	vst v8  }
0x3c4: {  	v57 =	vperm.xlane v12, v1;
	[tilespmem:s15+$0x0] =	vst v54;
	v58 =	vsel vm1, v52, v53;
	v59 =	vperm.xlane v47, v1  }
0x3c5: {  	v62 =	vperm.xlane v7, v1;
	v11 =	vsel vm1, v55, v56;
	v63 =	vperm.xlane v6, v1;
	[tilespmem:s2+$0xFFFFFFE0] =	vst v58  }
0x3c6: {  	v60 =	vperm.xlane v12, v4;
	v61 =	vperm.xlane v47, v4;
	[tilespmem:s15+$0xFFFFFFE0] =	vst v11;
	v10 =	vsel vm1, v59, v57  }
0x3c7: {  	v7 =	vperm.xlane v7, v4;
	v6 =	vperm.xlane v6, v4;
	v9 =	vsel vm1, v62, v63;
	[tilespmem:s2+$0xFFFFFFD0] =	vst v10  }
0x3c8: {  	v8 =	vsel vm1, v61, v60;
	[tilespmem:s2+$0xFFFFFFF0] =	vst v9  }
0x3c9: {  	v6 =	vsel vm1, v7, v6;
	[tilespmem:s15+$0xFFFFFFD0] =	vst v8  }
0x3ca: {  	s0 =	simm.s32 $0x0;
	s2 =	simm.s32 $0x15D90;
	[tilespmem:s15+$0xFFFFFFF0] =	vst v6  }
.LBB2_43:
0x3cb: {  	v6 =	vld [tilespmem:s2+$0xFFFFFFF0]  }
0x3cc: {  	v7 =	vld [tilespmem:s2+$0x0];
	_ =	sdelay $0x3  }
0x3cd: {  	v6 =	vadd.s32 v5, v6  }
0x3ce: {  	v7 =	vadd.s32 v5, v7;
	_ =	sdelay $0x3  }
0x3cf: {  	v6 =	vld.idx.msk [tilespmem:v6+s31+$0x0], $0xffff  }
0x3d0: {  	v7 =	vld.idx.msk [tilespmem:v7+s31+$0x0], $0xffff;
	_ =	sdelay $0x3  }
0x3d1: {  	p0 =	sne.s32 s0, $0x40  }
.Ltmp20:
0x3d2: {  	v8 =	vperm.xlane v6, v1;
	v9 =	vperm.xlane v7, v1;
	(pc) =	sbr.rel @p0 .LBB2_43-.Ltmp20, $4  }
0x3d3: {  	v6 =	vperm.xlane v6, v4;
	v7 =	vperm.xlane v7, v4  }
0x3d4: {  	s15 =	sshra.s32 s0, $0x2;
	v8 =	vsel vm1, v8, v9  }
0x3d5: {  	v6 =	vsel vm1, v6, v7;
	[tilespmem:s15+$0x170A0] =	vst v8  }
0x3d6: {  	s2 =	sadd.s32 $0x20, s2;
	s0 =	sadd.s32 $0x40, s0;
	[tilespmem:s15+$0x1AFA0] =	vst v6  }
0x3d7: {  	s0 =	simm.s32 $0xE270  }
0x3d8: {  	v6 =	vld [tilespmem:s0+$0xFFFFFFF0]  }
0x3d9: {  	v7 =	vld [tilespmem:s0+$0x0]  }
0x3da: {  	v8 =	vld [tilespmem:s0+$0xFFFFFFA0]  }
0x3db: {  	v9 =	vld [tilespmem:s0+$0xFFFFFFB0]  }
0x3dc: {  	v10 =	vld [tilespmem:s0+$0xFFFFFFC0]  }
0x3dd: {  	v11 =	vld [tilespmem:s0+$0xFFFFFFD0]  }
0x3de: {  	s2 =	sor.u32 $0x80, s20;
	v12 =	vld [tilespmem:s0+$0xFFFFFFE0]  }
0x3df: {  	s15 =	simm.s32 $0xE670;
	v5 =	vmov s2;
	v13 =	vld [tilespmem:s0+$0xFFFFFF90]  }
0x3e0: {  	v14 =	vld [tilespmem:s15+$0xFFFFFFF0];
	v6 =	vadd.s32 v5, v6  }
0x3e1: {  	v15 =	vld [tilespmem:s15+$0x0];
	v7 =	vadd.s32 v5, v7  }
0x3e2: {  	v16 =	vld [tilespmem:s15+$0xFFFFFFA0]  }
0x3e3: {  	v17 =	vld [tilespmem:s15+$0xFFFFFFB0]  }
0x3e4: {  	v18 =	vld [tilespmem:s15+$0xFFFFFFC0];
	v9 =	vadd.s32 v5, v9  }
0x3e5: {  	v10 =	vadd.s32 v5, v10;
	v6 =	vld.idx.msk [tilespmem:v6+s31+$0x0], $0xffff  }
0x3e6: {  	v7 =	vld.idx.msk [tilespmem:v7+s31+$0x0], $0xffff  }
0x3e7: {  	v21 =	vld [tilespmem:s15+$0xFFFFFFD0];
	v13 =	vadd.s32 v5, v13  }
0x3e8: {  	v22 =	vld [tilespmem:s15+$0xFFFFFFE0];
	v8 =	vadd.s32 v5, v8  }
0x3e9: {  	v11 =	vadd.s32 v5, v11;
	v9 =	vld.idx.msk [tilespmem:v9+s31+$0x0], $0xffff  }
0x3ea: {  	v12 =	vadd.s32 v5, v12;
	v10 =	vld.idx.msk [tilespmem:v10+s31+$0x0], $0xffff  }
0x3eb: {  	v23 =	vld [tilespmem:s15+$0xFFFFFF90];
	v14 =	vadd.s32 v5, v14;
	v19 =	vperm.xlane v6, v1;
	v20 =	vperm.xlane v7, v1  }
0x3ec: {  	v15 =	vadd.s32 v5, v15;
	v13 =	vld.idx.msk [tilespmem:v13+s31+$0x0], $0xffff;
	v6 =	vperm.xlane v6, v4;
	v7 =	vperm.xlane v7, v4  }
0x3ed: {  	v26 =	vadd.s32 v5, v21;
	v8 =	vld.idx.msk [tilespmem:v8+s31+$0x0], $0xffff;
	v19 =	vsel vm1, v19, v20;
	v20 =	vadd.s32 v5, v16  }
0x3ee: {  	s25 =	simm.s32 $0x170F0;
	v11 =	vld.idx.msk [tilespmem:v11+s31+$0x0], $0xffff;
	v24 =	vperm.xlane v9, v1;
	v6 =	vsel vm1, v6, v7;
	v7 =	vadd.s32 v5, v18  }
0x3ef: {  	v18 =	vld.idx.msk [tilespmem:v12+s31+$0x0], $0xffff;
	[tilespmem:s25+$0x0] =	vst v19;
	v19 =	vadd.s32 v5, v17;
	v17 =	vperm.xlane v10, v1  }
0x3f0: {  	s28 =	simm.s32 $0x1AFF0;
	v25 =	vperm.xlane v10, v4;
	v12 =	vperm.xlane v9, v4;
	v16 =	vld.idx.msk [tilespmem:v14+s31+$0x0], $0xffff  }
0x3f1: {  	v21 =	vperm.xlane v13, v4;
	[tilespmem:s28+$0x0] =	vst v6;
	v6 =	vsel vm1, v24, v17;
	v17 =	vld.idx.msk [tilespmem:v15+s31+$0x0], $0xffff  }
0x3f2: {  	v9 =	vperm.xlane v8, v1;
	v14 =	vsel vm1, v12, v25;
	[tilespmem:s25+$0xFFFFFFE0] =	vst v6;
	v12 =	vld.idx.msk [tilespmem:v20+s31+$0x0], $0xffff  }
0x3f3: {  	v10 =	vperm.xlane v8, v4;
	v8 =	vperm.xlane v11, v4;
	[tilespmem:s28+$0xFFFFFFE0] =	vst v14;
	v14 =	vld.idx.msk [tilespmem:v7+s31+$0x0], $0xffff  }
0x3f4: {  	v15 =	vperm.xlane v11, v1;
	v6 =	vadd.s32 v5, v22;
	v20 =	vperm.xlane v13, v1;
	v7 =	vld.idx.msk [tilespmem:v26+s31+$0x0], $0xffff  }
0x3f5: {  	s2 =	simm.s32 $0x4;
	s15 =	simm.s32 $0xEA70;
	s0 =	simm.s32 $0x1AFF0;
	v13 =	vadd.s32 v5, v23;
	v11 =	vld.idx.msk [tilespmem:v19+s31+$0x0], $0xffff;
	v19 =	vperm.xlane v18, v1;
	v18 =	vperm.xlane v18, v4  }
.LBB2_45:
0x3f6: {  	v22 =	vld [tilespmem:s15+$0xFFFFFFF0];
	v9 =	vsel vm1, v20, v9;
	v10 =	vsel vm1, v21, v10  }
0x3f7: {  	v21 =	vperm.xlane v16, v1;
	v23 =	vperm.xlane v17, v1;
	v20 =	vld [tilespmem:s15+$0x0];
	[tilespmem:s25+$0xFFFFFFD0] =	vst v9;
	v15 =	vsel vm1, v15, v19  }
0x3f8: {  	s2 =	sadd.s32 $0x4, s2;
	v16 =	vperm.xlane v16, v4;
	v17 =	vperm.xlane v17, v4;
	v18 =	vsel vm1, v8, v18;
	v19 =	vld [tilespmem:s15+$0xFFFFFFA0];
	[tilespmem:s28+$0xFFFFFFD0] =	vst v10  }
0x3f9: {  	p0 =	slt.u32 s2, $0x78;
	v9 =	vperm.xlane v12, v1;
	v10 =	vperm.xlane v12, v4;
	v8 =	vsel vm1, v21, v23;
	v24 =	vld [tilespmem:s15+$0xFFFFFFB0];
	[tilespmem:s25+$0xFFFFFFF0] =	vst v15;
	s25 =	sadd.s32 $0x40, s25  }
0x3fa: {  	v21 =	vperm.xlane v11, v1;
	s28 =	sadd.s32 $0x40, s28;
	v23 =	vperm.xlane v14, v1;
	v12 =	vld [tilespmem:s15+$0xFFFFFFC0];
	[tilespmem:s25+$0x0] =	vst v8;
	v8 =	vsel vm1, v16, v17  }
0x3fb: {  	v11 =	vperm.xlane v11, v4;
	v14 =	vperm.xlane v14, v4;
	v16 =	vld [tilespmem:s15+$0xFFFFFFD0];
	v17 =	vadd.s32 v5, v22;
	[tilespmem:s28+$0x0] =	vst v8  }
0x3fc: {  	v15 =	vperm.xlane v7, v1;
	v8 =	vperm.xlane v7, v4;
	v22 =	vld [tilespmem:s15+$0xFFFFFFE0];
	v20 =	vadd.s32 v5, v20;
	[tilespmem:s0+$0xFFFFFFF0] =	vst v18;
	s0 =	smov.u32 s28  }
0x3fd: {  	v11 =	vsel vm1, v11, v14;
	v7 =	vld [tilespmem:s15+$0xFFFFFF90];
	v18 =	vadd.s32 v5, v19;
	v19 =	vsel vm1, v21, v23  }
0x3fe: {  	v14 =	vadd.s32 v5, v24;
	v21 =	vld.idx.msk [tilespmem:v13+s31+$0x0], $0xffff;
	[tilespmem:s25+$0xFFFFFFE0] =	vst v19  }
0x3ff: {  	v19 =	vadd.s32 v5, v12;
	[tilespmem:s28+$0xFFFFFFE0] =	vst v11;
	v23 =	vld.idx.msk [tilespmem:v6+s31+$0x0], $0xffff  }
0x400: {  	v24 =	vadd.s32 v5, v16;
	v16 =	vld.idx.msk [tilespmem:v17+s31+$0x0], $0xffff  }
.Ltmp21:
0x401: {  	v6 =	vadd.s32 v5, v22;
	v17 =	vld.idx.msk [tilespmem:v20+s31+$0x0], $0xffff;
	(pc) =	sbr.rel @p0 .LBB2_45-.Ltmp21, $4  }
0x402: {  	v13 =	vadd.s32 v5, v7;
	v12 =	vld.idx.msk [tilespmem:v18+s31+$0x0], $0xffff  }
0x403: {  	v11 =	vld.idx.msk [tilespmem:v14+s31+$0x0], $0xffff  }
0x404: {  	v20 =	vperm.xlane v21, v1;
	v21 =	vperm.xlane v21, v4;
	v14 =	vld.idx.msk [tilespmem:v19+s31+$0x0], $0xffff  }
0x405: {  	s15 =	sadd.s32 $0x400, s15;
	v19 =	vperm.xlane v23, v1;
	v18 =	vperm.xlane v23, v4;
	v7 =	vld.idx.msk [tilespmem:v24+s31+$0x0], $0xffff  }
0x406: {  	_ =	sdelay $0x2  }
0x407: {  	v9 =	vsel vm1, v20, v9;
	v10 =	vsel vm1, v21, v10  }
0x408: {  	v45 =	vperm.xlane v16, v1;
	v46 =	vperm.xlane v17, v1;
	v47 =	vld.idx.msk [tilespmem:v13+s31+$0x0], $0xffff;
	[tilespmem:s25+$0xFFFFFFD0] =	vst v9  }
0x409: {  	v6 =	vld.idx.msk [tilespmem:v6+s31+$0x0], $0xffff;
	v48 =	vsel vm1, v15, v19;
	[tilespmem:s28+$0xFFFFFFD0] =	vst v10  }
0x40a: {  	v49 =	vperm.xlane v16, v4;
	v50 =	vperm.xlane v17, v4;
	s2 =	sadd.s32 $0x40, s25;
	v51 =	vsel vm1, v45, v46;
	[tilespmem:s25+$0xFFFFFFF0] =	vst v48  }
0x40b: {  	v8 =	vsel vm1, v8, v18;
	v52 =	vperm.xlane v11, v1;
	v53 =	vperm.xlane v14, v1;
	[tilespmem:s2+$0x0] =	vst v51  }
0x40c: {  	s15 =	sadd.s32 $0x40, s28;
	v54 =	vsel vm1, v49, v50;
	v55 =	vperm.xlane v11, v4;
	v56 =	vperm.xlane v14, v4;
	[tilespmem:s0+$0xFFFFFFF0] =	vst v8  }
0x40d: {  	v57 =	vperm.xlane v12, v1;
	[tilespmem:s15+$0x0] =	vst v54;
	v58 =	vsel vm1, v52, v53;
	v59 =	vperm.xlane v47, v1  }
0x40e: {  	v62 =	vperm.xlane v7, v1;
	v11 =	vsel vm1, v55, v56;
	v63 =	vperm.xlane v6, v1;
	[tilespmem:s2+$0xFFFFFFE0] =	vst v58  }
0x40f: {  	v60 =	vperm.xlane v12, v4;
	v61 =	vperm.xlane v47, v4;
	[tilespmem:s15+$0xFFFFFFE0] =	vst v11;
	v10 =	vsel vm1, v59, v57  }
0x410: {  	v7 =	vperm.xlane v7, v4;
	v6 =	vperm.xlane v6, v4;
	v9 =	vsel vm1, v62, v63;
	[tilespmem:s2+$0xFFFFFFD0] =	vst v10  }
0x411: {  	v8 =	vsel vm1, v61, v60;
	[tilespmem:s2+$0xFFFFFFF0] =	vst v9  }
0x412: {  	v6 =	vsel vm1, v7, v6;
	[tilespmem:s15+$0xFFFFFFD0] =	vst v8  }
0x413: {  	s0 =	simm.s32 $0x0;
	s2 =	simm.s32 $0x15E10;
	[tilespmem:s15+$0xFFFFFFF0] =	vst v6  }
.LBB2_47:
0x414: {  	v6 =	vld [tilespmem:s2+$0xFFFFFFF0]  }
0x415: {  	v7 =	vld [tilespmem:s2+$0x0];
	_ =	sdelay $0x3  }
0x416: {  	v6 =	vadd.s32 v5, v6  }
0x417: {  	v7 =	vadd.s32 v5, v7;
	_ =	sdelay $0x3  }
0x418: {  	v6 =	vld.idx.msk [tilespmem:v6+s31+$0x0], $0xffff  }
0x419: {  	v7 =	vld.idx.msk [tilespmem:v7+s31+$0x0], $0xffff;
	_ =	sdelay $0x3  }
0x41a: {  	p0 =	sne.s32 s0, $0x40  }
.Ltmp22:
0x41b: {  	v8 =	vperm.xlane v6, v1;
	v9 =	vperm.xlane v7, v1;
	(pc) =	sbr.rel @p0 .LBB2_47-.Ltmp22, $4  }
0x41c: {  	v6 =	vperm.xlane v6, v4;
	v7 =	vperm.xlane v7, v4  }
0x41d: {  	s15 =	sshra.s32 s0, $0x2;
	v8 =	vsel vm1, v8, v9  }
0x41e: {  	v6 =	vsel vm1, v6, v7;
	[tilespmem:s15+$0x17880] =	vst v8  }
0x41f: {  	s2 =	sadd.s32 $0x20, s2;
	s0 =	sadd.s32 $0x40, s0;
	[tilespmem:s15+$0x1B780] =	vst v6  }
0x420: {  	s0 =	simm.s32 $0xE2F0  }
0x421: {  	v6 =	vld [tilespmem:s0+$0xFFFFFFF0]  }
0x422: {  	v7 =	vld [tilespmem:s0+$0x0]  }
0x423: {  	v8 =	vld [tilespmem:s0+$0xFFFFFFA0]  }
0x424: {  	v9 =	vld [tilespmem:s0+$0xFFFFFFB0]  }
0x425: {  	v10 =	vld [tilespmem:s0+$0xFFFFFFC0]  }
0x426: {  	v11 =	vld [tilespmem:s0+$0xFFFFFFD0]  }
0x427: {  	s2 =	sor.u32 $0xC0, s20;
	v12 =	vld [tilespmem:s0+$0xFFFFFFE0]  }
0x428: {  	s15 =	simm.s32 $0xE6F0;
	v5 =	vmov s2;
	v13 =	vld [tilespmem:s0+$0xFFFFFF90]  }
0x429: {  	v14 =	vld [tilespmem:s15+$0xFFFFFFF0];
	v6 =	vadd.s32 v5, v6  }
0x42a: {  	v15 =	vld [tilespmem:s15+$0x0];
	v7 =	vadd.s32 v5, v7  }
0x42b: {  	v16 =	vld [tilespmem:s15+$0xFFFFFFA0]  }
0x42c: {  	v17 =	vld [tilespmem:s15+$0xFFFFFFB0]  }
0x42d: {  	v18 =	vld [tilespmem:s15+$0xFFFFFFC0];
	v9 =	vadd.s32 v5, v9  }
0x42e: {  	v10 =	vadd.s32 v5, v10;
	v6 =	vld.idx.msk [tilespmem:v6+s31+$0x0], $0xffff  }
0x42f: {  	v7 =	vld.idx.msk [tilespmem:v7+s31+$0x0], $0xffff  }
0x430: {  	v21 =	vld [tilespmem:s15+$0xFFFFFFD0];
	v13 =	vadd.s32 v5, v13  }
0x431: {  	v22 =	vld [tilespmem:s15+$0xFFFFFFE0];
	v8 =	vadd.s32 v5, v8  }
0x432: {  	v11 =	vadd.s32 v5, v11;
	v9 =	vld.idx.msk [tilespmem:v9+s31+$0x0], $0xffff  }
0x433: {  	v12 =	vadd.s32 v5, v12;
	v10 =	vld.idx.msk [tilespmem:v10+s31+$0x0], $0xffff  }
0x434: {  	v23 =	vld [tilespmem:s15+$0xFFFFFF90];
	v14 =	vadd.s32 v5, v14;
	v19 =	vperm.xlane v6, v1;
	v20 =	vperm.xlane v7, v1  }
0x435: {  	v15 =	vadd.s32 v5, v15;
	v13 =	vld.idx.msk [tilespmem:v13+s31+$0x0], $0xffff;
	v6 =	vperm.xlane v6, v4;
	v7 =	vperm.xlane v7, v4  }
0x436: {  	v26 =	vadd.s32 v5, v21;
	v8 =	vld.idx.msk [tilespmem:v8+s31+$0x0], $0xffff;
	v19 =	vsel vm1, v19, v20;
	v20 =	vadd.s32 v5, v16  }
0x437: {  	s25 =	simm.s32 $0x178D0;
	v11 =	vld.idx.msk [tilespmem:v11+s31+$0x0], $0xffff;
	v24 =	vperm.xlane v9, v1;
	v6 =	vsel vm1, v6, v7;
	v7 =	vadd.s32 v5, v18  }
0x438: {  	v18 =	vld.idx.msk [tilespmem:v12+s31+$0x0], $0xffff;
	[tilespmem:s25+$0x0] =	vst v19;
	v19 =	vadd.s32 v5, v17;
	v17 =	vperm.xlane v10, v1  }
0x439: {  	s28 =	simm.s32 $0x1B7D0;
	v25 =	vperm.xlane v10, v4;
	v12 =	vperm.xlane v9, v4;
	v16 =	vld.idx.msk [tilespmem:v14+s31+$0x0], $0xffff  }
0x43a: {  	v21 =	vperm.xlane v13, v4;
	[tilespmem:s28+$0x0] =	vst v6;
	v6 =	vsel vm1, v24, v17;
	v17 =	vld.idx.msk [tilespmem:v15+s31+$0x0], $0xffff  }
0x43b: {  	v9 =	vperm.xlane v8, v1;
	v14 =	vsel vm1, v12, v25;
	[tilespmem:s25+$0xFFFFFFE0] =	vst v6;
	v12 =	vld.idx.msk [tilespmem:v20+s31+$0x0], $0xffff  }
0x43c: {  	v10 =	vperm.xlane v8, v4;
	v8 =	vperm.xlane v11, v4;
	[tilespmem:s28+$0xFFFFFFE0] =	vst v14;
	v14 =	vld.idx.msk [tilespmem:v7+s31+$0x0], $0xffff  }
0x43d: {  	v15 =	vperm.xlane v11, v1;
	v6 =	vadd.s32 v5, v22;
	v20 =	vperm.xlane v13, v1;
	v7 =	vld.idx.msk [tilespmem:v26+s31+$0x0], $0xffff  }
0x43e: {  	s2 =	simm.s32 $0x4;
	s15 =	simm.s32 $0xEAF0;
	s0 =	simm.s32 $0x1B7D0;
	v13 =	vadd.s32 v5, v23;
	v11 =	vld.idx.msk [tilespmem:v19+s31+$0x0], $0xffff;
	v19 =	vperm.xlane v18, v1;
	v18 =	vperm.xlane v18, v4  }
.LBB2_49:
0x43f: {  	v22 =	vld [tilespmem:s15+$0xFFFFFFF0];
	v9 =	vsel vm1, v20, v9;
	v10 =	vsel vm1, v21, v10  }
0x440: {  	v21 =	vperm.xlane v16, v1;
	v23 =	vperm.xlane v17, v1;
	v20 =	vld [tilespmem:s15+$0x0];
	[tilespmem:s25+$0xFFFFFFD0] =	vst v9;
	v15 =	vsel vm1, v15, v19  }
0x441: {  	s2 =	sadd.s32 $0x4, s2;
	v16 =	vperm.xlane v16, v4;
	v17 =	vperm.xlane v17, v4;
	v18 =	vsel vm1, v8, v18;
	v19 =	vld [tilespmem:s15+$0xFFFFFFA0];
	[tilespmem:s28+$0xFFFFFFD0] =	vst v10  }
0x442: {  	p0 =	slt.u32 s2, $0x78;
	v9 =	vperm.xlane v12, v1;
	v10 =	vperm.xlane v12, v4;
	v8 =	vsel vm1, v21, v23;
	v24 =	vld [tilespmem:s15+$0xFFFFFFB0];
	[tilespmem:s25+$0xFFFFFFF0] =	vst v15;
	s25 =	sadd.s32 $0x40, s25  }
0x443: {  	v21 =	vperm.xlane v11, v1;
	s28 =	sadd.s32 $0x40, s28;
	v23 =	vperm.xlane v14, v1;
	v12 =	vld [tilespmem:s15+$0xFFFFFFC0];
	[tilespmem:s25+$0x0] =	vst v8;
	v8 =	vsel vm1, v16, v17  }
0x444: {  	v11 =	vperm.xlane v11, v4;
	v14 =	vperm.xlane v14, v4;
	v16 =	vld [tilespmem:s15+$0xFFFFFFD0];
	v17 =	vadd.s32 v5, v22;
	[tilespmem:s28+$0x0] =	vst v8  }
0x445: {  	v15 =	vperm.xlane v7, v1;
	v8 =	vperm.xlane v7, v4;
	v22 =	vld [tilespmem:s15+$0xFFFFFFE0];
	v20 =	vadd.s32 v5, v20;
	[tilespmem:s0+$0xFFFFFFF0] =	vst v18;
	s0 =	smov.u32 s28  }
0x446: {  	v11 =	vsel vm1, v11, v14;
	v7 =	vld [tilespmem:s15+$0xFFFFFF90];
	v18 =	vadd.s32 v5, v19;
	v19 =	vsel vm1, v21, v23  }
0x447: {  	v14 =	vadd.s32 v5, v24;
	v21 =	vld.idx.msk [tilespmem:v13+s31+$0x0], $0xffff;
	[tilespmem:s25+$0xFFFFFFE0] =	vst v19  }
0x448: {  	v19 =	vadd.s32 v5, v12;
	[tilespmem:s28+$0xFFFFFFE0] =	vst v11;
	v23 =	vld.idx.msk [tilespmem:v6+s31+$0x0], $0xffff  }
0x449: {  	v24 =	vadd.s32 v5, v16;
	v16 =	vld.idx.msk [tilespmem:v17+s31+$0x0], $0xffff  }
.Ltmp23:
0x44a: {  	v6 =	vadd.s32 v5, v22;
	v17 =	vld.idx.msk [tilespmem:v20+s31+$0x0], $0xffff;
	(pc) =	sbr.rel @p0 .LBB2_49-.Ltmp23, $4  }
0x44b: {  	v13 =	vadd.s32 v5, v7;
	v12 =	vld.idx.msk [tilespmem:v18+s31+$0x0], $0xffff  }
0x44c: {  	v11 =	vld.idx.msk [tilespmem:v14+s31+$0x0], $0xffff  }
0x44d: {  	v20 =	vperm.xlane v21, v1;
	v21 =	vperm.xlane v21, v4;
	v14 =	vld.idx.msk [tilespmem:v19+s31+$0x0], $0xffff  }
0x44e: {  	s15 =	sadd.s32 $0x400, s15;
	v19 =	vperm.xlane v23, v1;
	v18 =	vperm.xlane v23, v4;
	v7 =	vld.idx.msk [tilespmem:v24+s31+$0x0], $0xffff  }
0x44f: {  	_ =	sdelay $0x2  }
0x450: {  	v9 =	vsel vm1, v20, v9;
	v10 =	vsel vm1, v21, v10  }
0x451: {  	v45 =	vperm.xlane v16, v1;
	v46 =	vperm.xlane v17, v1;
	v47 =	vld.idx.msk [tilespmem:v13+s31+$0x0], $0xffff;
	[tilespmem:s25+$0xFFFFFFD0] =	vst v9  }
0x452: {  	v6 =	vld.idx.msk [tilespmem:v6+s31+$0x0], $0xffff;
	v48 =	vsel vm1, v15, v19;
	[tilespmem:s28+$0xFFFFFFD0] =	vst v10  }
0x453: {  	v49 =	vperm.xlane v16, v4;
	v50 =	vperm.xlane v17, v4;
	s2 =	sadd.s32 $0x40, s25;
	v51 =	vsel vm1, v45, v46;
	[tilespmem:s25+$0xFFFFFFF0] =	vst v48  }
0x454: {  	v8 =	vsel vm1, v8, v18;
	v52 =	vperm.xlane v11, v1;
	v53 =	vperm.xlane v14, v1;
	[tilespmem:s2+$0x0] =	vst v51  }
0x455: {  	s15 =	sadd.s32 $0x40, s28;
	v54 =	vsel vm1, v49, v50;
	v55 =	vperm.xlane v11, v4;
	v56 =	vperm.xlane v14, v4;
	[tilespmem:s0+$0xFFFFFFF0] =	vst v8  }
0x456: {  	v57 =	vperm.xlane v12, v1;
	[tilespmem:s15+$0x0] =	vst v54;
	v58 =	vsel vm1, v52, v53;
	v59 =	vperm.xlane v47, v1  }
0x457: {  	v62 =	vperm.xlane v7, v1;
	v11 =	vsel vm1, v55, v56;
	v63 =	vperm.xlane v6, v1;
	[tilespmem:s2+$0xFFFFFFE0] =	vst v58  }
0x458: {  	v60 =	vperm.xlane v12, v4;
	v61 =	vperm.xlane v47, v4;
	[tilespmem:s15+$0xFFFFFFE0] =	vst v11;
	v10 =	vsel vm1, v59, v57  }
0x459: {  	v7 =	vperm.xlane v7, v4;
	v6 =	vperm.xlane v6, v4;
	v9 =	vsel vm1, v62, v63;
	[tilespmem:s2+$0xFFFFFFD0] =	vst v10  }
0x45a: {  	v8 =	vsel vm1, v61, v60;
	[tilespmem:s2+$0xFFFFFFF0] =	vst v9  }
0x45b: {  	v6 =	vsel vm1, v7, v6;
	[tilespmem:s15+$0xFFFFFFD0] =	vst v8  }
0x45c: {  	s0 =	simm.s32 $0x0;
	s2 =	simm.s32 $0x15E90;
	[tilespmem:s15+$0xFFFFFFF0] =	vst v6  }
.LBB2_51:
0x45d: {  	v6 =	vld [tilespmem:s2+$0xFFFFFFF0]  }
0x45e: {  	v7 =	vld [tilespmem:s2+$0x0];
	_ =	sdelay $0x3  }
0x45f: {  	v6 =	vadd.s32 v5, v6  }
0x460: {  	v7 =	vadd.s32 v5, v7;
	_ =	sdelay $0x3  }
0x461: {  	v6 =	vld.idx.msk [tilespmem:v6+s31+$0x0], $0xffff  }
0x462: {  	v7 =	vld.idx.msk [tilespmem:v7+s31+$0x0], $0xffff;
	_ =	sdelay $0x3  }
0x463: {  	p0 =	sne.s32 s0, $0x40  }
.Ltmp24:
0x464: {  	v8 =	vperm.xlane v6, v1;
	v9 =	vperm.xlane v7, v1;
	(pc) =	sbr.rel @p0 .LBB2_51-.Ltmp24, $4  }
0x465: {  	v6 =	vperm.xlane v6, v4;
	v7 =	vperm.xlane v7, v4  }
0x466: {  	s15 =	sshra.s32 s0, $0x2;
	v8 =	vsel vm1, v8, v9  }
0x467: {  	v6 =	vsel vm1, v6, v7;
	[tilespmem:s15+$0x18060] =	vst v8  }
0x468: {  	s2 =	sadd.s32 $0x20, s2;
	s0 =	sadd.s32 $0x40, s0;
	[tilespmem:s15+$0x1BF60] =	vst v6  }
0x469: {  	s0 =	sshll.u32 s24, $0x3;
	s2 =	rddreg [dreg:$0x6]  }
0x46a: {  	s24 =	sadd.s32 s2, s0  }
0x46b: {  	s0 =	smul.u32 $0xFC, s24;
	_ =	sdelay $0x1  }
0x46c: {  	s5 =	simm.s32 $0x16100;
	s25 =	sadd.s32 s29, s0  }
0x46d: {  	[hbm4b:s25+s3] =	stream.linear.scatter [tilespmem:s5], [sflag:$0x4], $0x1F80, $0x38;
	[tilespmem:$0x1DF00] =	vst v63  }
0x46e: {  	s15 =	simm.s32 $0x1A000;
	s0 =	sadd.s32 s6, s0  }
0x46f: {  	[hbm4b:s0+s3] =	stream.linear.scatter [tilespmem:s15], [sflag:$0x4], $0x1F80, $0x38;
	[tilespmem:$0x1DF00] =	vst v63  }
0x470: {  	_ =	swait.ge [sflag:s1], $0x1F80  }
0x471: {  	[sflag:s1] =	ssyncset.done $0x0  }
0x472: {  	[sflag:s1] =	ssyncadd.s32 $0xFFFFE080  }
0x473: {  	_ =	swait.ge [sflag:s1], $0x1F80  }
0x474: {  	[sflag:s1] =	ssyncset.done $0x0  }
0x475: {  	s25 =	simm.s32 $0xE370;
	[sflag:s1] =	ssyncadd.s32 $0xFFFFE080  }
0x476: {  	v6 =	vld [tilespmem:s25+$0xFFFFFFF0]  }
0x477: {  	v7 =	vld [tilespmem:s25+$0x0]  }
0x478: {  	v8 =	vld [tilespmem:s25+$0xFFFFFFA0]  }
0x479: {  	v9 =	vld [tilespmem:s25+$0xFFFFFFB0]  }
0x47a: {  	v10 =	vld [tilespmem:s25+$0xFFFFFFC0]  }
0x47b: {  	v11 =	vld [tilespmem:s25+$0xFFFFFFD0]  }
0x47c: {  	s5 =	sor.u32 $0x100, s20;
	v12 =	vld [tilespmem:s25+$0xFFFFFFE0]  }
0x47d: {  	v5 =	vmov s5;
	s15 =	simm.s32 $0xE770;
	v13 =	vld [tilespmem:s25+$0xFFFFFF90]  }
0x47e: {  	v14 =	vld [tilespmem:s15+$0xFFFFFFF0];
	v6 =	vadd.s32 v5, v6  }
0x47f: {  	v15 =	vld [tilespmem:s15+$0x0];
	v7 =	vadd.s32 v5, v7  }
0x480: {  	v16 =	vld [tilespmem:s15+$0xFFFFFFA0]  }
0x481: {  	v17 =	vld [tilespmem:s15+$0xFFFFFFB0]  }
0x482: {  	v18 =	vld [tilespmem:s15+$0xFFFFFFC0];
	v9 =	vadd.s32 v5, v9  }
0x483: {  	v10 =	vadd.s32 v5, v10;
	v6 =	vld.idx.msk [tilespmem:v6+s31+$0x0], $0xffff  }
0x484: {  	v7 =	vld.idx.msk [tilespmem:v7+s31+$0x0], $0xffff  }
0x485: {  	v21 =	vld [tilespmem:s15+$0xFFFFFFD0];
	v13 =	vadd.s32 v5, v13  }
0x486: {  	v22 =	vld [tilespmem:s15+$0xFFFFFFE0];
	v8 =	vadd.s32 v5, v8  }
0x487: {  	v11 =	vadd.s32 v5, v11;
	v9 =	vld.idx.msk [tilespmem:v9+s31+$0x0], $0xffff  }
0x488: {  	v12 =	vadd.s32 v5, v12;
	v10 =	vld.idx.msk [tilespmem:v10+s31+$0x0], $0xffff  }
0x489: {  	v23 =	vld [tilespmem:s15+$0xFFFFFF90];
	v14 =	vadd.s32 v5, v14;
	v19 =	vperm.xlane v6, v1;
	v20 =	vperm.xlane v7, v1  }
0x48a: {  	v15 =	vadd.s32 v5, v15;
	v13 =	vld.idx.msk [tilespmem:v13+s31+$0x0], $0xffff;
	v6 =	vperm.xlane v6, v4;
	v7 =	vperm.xlane v7, v4  }
0x48b: {  	v26 =	vadd.s32 v5, v21;
	v8 =	vld.idx.msk [tilespmem:v8+s31+$0x0], $0xffff;
	v19 =	vsel vm1, v19, v20;
	v20 =	vadd.s32 v5, v16  }
0x48c: {  	s25 =	simm.s32 $0x180A0;
	v11 =	vld.idx.msk [tilespmem:v11+s31+$0x0], $0xffff;
	v24 =	vperm.xlane v9, v1;
	v6 =	vsel vm1, v6, v7;
	v7 =	vadd.s32 v5, v18  }
0x48d: {  	v18 =	vld.idx.msk [tilespmem:v12+s31+$0x0], $0xffff;
	[tilespmem:s25+$0x10] =	vst v19;
	v19 =	vadd.s32 v5, v17;
	v17 =	vperm.xlane v10, v1  }
0x48e: {  	s28 =	simm.s32 $0x1BFA0;
	v25 =	vperm.xlane v10, v4;
	v12 =	vperm.xlane v9, v4;
	v16 =	vld.idx.msk [tilespmem:v14+s31+$0x0], $0xffff  }
0x48f: {  	v21 =	vperm.xlane v13, v4;
	[tilespmem:s28+$0x10] =	vst v6;
	v6 =	vsel vm1, v24, v17;
	v17 =	vld.idx.msk [tilespmem:v15+s31+$0x0], $0xffff  }
0x490: {  	v9 =	vperm.xlane v8, v1;
	v14 =	vsel vm1, v12, v25;
	[tilespmem:s25+$0xFFFFFFF0] =	vst v6;
	v12 =	vld.idx.msk [tilespmem:v20+s31+$0x0], $0xffff  }
0x491: {  	v10 =	vperm.xlane v8, v4;
	v8 =	vperm.xlane v11, v4;
	[tilespmem:s28+$0xFFFFFFF0] =	vst v14;
	v14 =	vld.idx.msk [tilespmem:v7+s31+$0x0], $0xffff  }
0x492: {  	v15 =	vperm.xlane v11, v1;
	v6 =	vadd.s32 v5, v22;
	v20 =	vperm.xlane v13, v1;
	v7 =	vld.idx.msk [tilespmem:v26+s31+$0x0], $0xffff  }
0x493: {  	s2 =	simm.s32 $0x4;
	s0 =	simm.s32 $0x1BFA0;
	s15 =	simm.s32 $0xEB70;
	v13 =	vadd.s32 v5, v23;
	v11 =	vld.idx.msk [tilespmem:v19+s31+$0x0], $0xffff;
	v19 =	vperm.xlane v18, v1;
	v18 =	vperm.xlane v18, v4  }
.LBB2_53:
0x494: {  	v22 =	vld [tilespmem:s15+$0xFFFFFFF0];
	v9 =	vsel vm1, v20, v9;
	v10 =	vsel vm1, v21, v10  }
0x495: {  	v21 =	vperm.xlane v16, v1;
	v23 =	vperm.xlane v17, v1;
	v20 =	vld [tilespmem:s15+$0x0];
	[tilespmem:s25+$0xFFFFFFE0] =	vst v9;
	v15 =	vsel vm1, v15, v19  }
0x496: {  	s2 =	sadd.s32 $0x4, s2;
	v16 =	vperm.xlane v16, v4;
	v17 =	vperm.xlane v17, v4;
	v18 =	vsel vm1, v8, v18;
	v19 =	vld [tilespmem:s15+$0xFFFFFFA0];
	[tilespmem:s28+$0xFFFFFFE0] =	vst v10  }
0x497: {  	p0 =	slt.u32 s2, $0x78;
	v9 =	vperm.xlane v12, v1;
	v10 =	vperm.xlane v12, v4;
	v8 =	vsel vm1, v21, v23;
	v24 =	vld [tilespmem:s15+$0xFFFFFFB0];
	[tilespmem:s25+$0x0] =	vst v15;
	s25 =	sadd.s32 $0x40, s25  }
0x498: {  	v21 =	vperm.xlane v11, v1;
	s28 =	sadd.s32 $0x40, s28;
	v23 =	vperm.xlane v14, v1;
	v12 =	vld [tilespmem:s15+$0xFFFFFFC0];
	[tilespmem:s25+$0x10] =	vst v8;
	v8 =	vsel vm1, v16, v17  }
0x499: {  	v11 =	vperm.xlane v11, v4;
	v14 =	vperm.xlane v14, v4;
	v16 =	vld [tilespmem:s15+$0xFFFFFFD0];
	v17 =	vadd.s32 v5, v22;
	[tilespmem:s28+$0x10] =	vst v8  }
0x49a: {  	v15 =	vperm.xlane v7, v1;
	v8 =	vperm.xlane v7, v4;
	v22 =	vld [tilespmem:s15+$0xFFFFFFE0];
	v20 =	vadd.s32 v5, v20;
	[tilespmem:s0+$0x0] =	vst v18;
	s0 =	smov.u32 s28  }
0x49b: {  	v11 =	vsel vm1, v11, v14;
	v7 =	vld [tilespmem:s15+$0xFFFFFF90];
	v18 =	vadd.s32 v5, v19;
	v19 =	vsel vm1, v21, v23  }
0x49c: {  	v14 =	vadd.s32 v5, v24;
	v21 =	vld.idx.msk [tilespmem:v13+s31+$0x0], $0xffff;
	[tilespmem:s25+$0xFFFFFFF0] =	vst v19  }
0x49d: {  	v19 =	vadd.s32 v5, v12;
	[tilespmem:s28+$0xFFFFFFF0] =	vst v11;
	v23 =	vld.idx.msk [tilespmem:v6+s31+$0x0], $0xffff  }
0x49e: {  	v24 =	vadd.s32 v5, v16;
	v16 =	vld.idx.msk [tilespmem:v17+s31+$0x0], $0xffff  }
.Ltmp25:
0x49f: {  	v6 =	vadd.s32 v5, v22;
	v17 =	vld.idx.msk [tilespmem:v20+s31+$0x0], $0xffff;
	(pc) =	sbr.rel @p0 .LBB2_53-.Ltmp25, $4  }
0x4a0: {  	v13 =	vadd.s32 v5, v7;
	v12 =	vld.idx.msk [tilespmem:v18+s31+$0x0], $0xffff  }
0x4a1: {  	v11 =	vld.idx.msk [tilespmem:v14+s31+$0x0], $0xffff  }
0x4a2: {  	v20 =	vperm.xlane v21, v1;
	v21 =	vperm.xlane v21, v4;
	v14 =	vld.idx.msk [tilespmem:v19+s31+$0x0], $0xffff  }
0x4a3: {  	s15 =	sadd.s32 $0x400, s15;
	v19 =	vperm.xlane v23, v1;
	v18 =	vperm.xlane v23, v4;
	v7 =	vld.idx.msk [tilespmem:v24+s31+$0x0], $0xffff  }
0x4a4: {  	_ =	sdelay $0x2  }
0x4a5: {  	v9 =	vsel vm1, v20, v9;
	v10 =	vsel vm1, v21, v10  }
0x4a6: {  	v45 =	vperm.xlane v16, v1;
	v46 =	vperm.xlane v17, v1;
	v47 =	vld.idx.msk [tilespmem:v13+s31+$0x0], $0xffff;
	[tilespmem:s25+$0xFFFFFFE0] =	vst v9  }
0x4a7: {  	v6 =	vld.idx.msk [tilespmem:v6+s31+$0x0], $0xffff;
	v48 =	vsel vm1, v15, v19;
	[tilespmem:s28+$0xFFFFFFE0] =	vst v10  }
0x4a8: {  	v49 =	vperm.xlane v16, v4;
	v50 =	vperm.xlane v17, v4;
	s2 =	sadd.s32 $0x40, s25;
	v51 =	vsel vm1, v45, v46;
	[tilespmem:s25+$0x0] =	vst v48  }
0x4a9: {  	v8 =	vsel vm1, v8, v18;
	v52 =	vperm.xlane v11, v1;
	v53 =	vperm.xlane v14, v1;
	[tilespmem:s2+$0x10] =	vst v51  }
0x4aa: {  	s15 =	sadd.s32 $0x40, s28;
	v54 =	vsel vm1, v49, v50;
	v55 =	vperm.xlane v11, v4;
	v56 =	vperm.xlane v14, v4;
	[tilespmem:s0+$0x0] =	vst v8  }
0x4ab: {  	v57 =	vperm.xlane v12, v1;
	[tilespmem:s15+$0x10] =	vst v54;
	v58 =	vsel vm1, v52, v53;
	v59 =	vperm.xlane v47, v1  }
0x4ac: {  	v62 =	vperm.xlane v7, v1;
	v11 =	vsel vm1, v55, v56;
	v63 =	vperm.xlane v6, v1;
	[tilespmem:s2+$0xFFFFFFF0] =	vst v58  }
0x4ad: {  	v60 =	vperm.xlane v12, v4;
	v61 =	vperm.xlane v47, v4;
	[tilespmem:s15+$0xFFFFFFF0] =	vst v11;
	v10 =	vsel vm1, v59, v57  }
0x4ae: {  	v7 =	vperm.xlane v7, v4;
	v6 =	vperm.xlane v6, v4;
	v9 =	vsel vm1, v62, v63;
	[tilespmem:s2+$0xFFFFFFE0] =	vst v10  }
0x4af: {  	v8 =	vsel vm1, v61, v60;
	[tilespmem:s2+$0x0] =	vst v9  }
0x4b0: {  	v6 =	vsel vm1, v7, v6;
	[tilespmem:s15+$0xFFFFFFE0] =	vst v8  }
0x4b1: {  	s0 =	simm.s32 $0x0;
	s2 =	simm.s32 $0x15F10;
	[tilespmem:s15+$0x0] =	vst v6  }
.LBB2_55:
0x4b2: {  	v6 =	vld [tilespmem:s2+$0xFFFFFFF0]  }
0x4b3: {  	v7 =	vld [tilespmem:s2+$0x0];
	_ =	sdelay $0x3  }
0x4b4: {  	v6 =	vadd.s32 v5, v6  }
0x4b5: {  	v7 =	vadd.s32 v5, v7;
	_ =	sdelay $0x3  }
0x4b6: {  	v6 =	vld.idx.msk [tilespmem:v6+s31+$0x0], $0xffff  }
0x4b7: {  	v7 =	vld.idx.msk [tilespmem:v7+s31+$0x0], $0xffff;
	_ =	sdelay $0x3  }
0x4b8: {  	p0 =	sne.s32 s0, $0x40  }
.Ltmp26:
0x4b9: {  	v8 =	vperm.xlane v6, v1;
	v9 =	vperm.xlane v7, v1;
	(pc) =	sbr.rel @p0 .LBB2_55-.Ltmp26, $4  }
0x4ba: {  	v6 =	vperm.xlane v6, v4;
	v7 =	vperm.xlane v7, v4  }
0x4bb: {  	s15 =	sshra.s32 s0, $0x2;
	v8 =	vsel vm1, v8, v9  }
0x4bc: {  	v6 =	vsel vm1, v6, v7;
	[tilespmem:s15+$0x18840] =	vst v8  }
0x4bd: {  	s2 =	sadd.s32 $0x20, s2;
	s0 =	sadd.s32 $0x40, s0;
	[tilespmem:s15+$0x1C740] =	vst v6  }
0x4be: {  	s0 =	simm.s32 $0xE3F0  }
0x4bf: {  	v6 =	vld [tilespmem:s0+$0xFFFFFFF0]  }
0x4c0: {  	v7 =	vld [tilespmem:s0+$0x0]  }
0x4c1: {  	v8 =	vld [tilespmem:s0+$0xFFFFFFA0]  }
0x4c2: {  	v9 =	vld [tilespmem:s0+$0xFFFFFFB0]  }
0x4c3: {  	v10 =	vld [tilespmem:s0+$0xFFFFFFC0]  }
0x4c4: {  	v11 =	vld [tilespmem:s0+$0xFFFFFFD0]  }
0x4c5: {  	s2 =	sor.u32 $0x140, s20;
	v12 =	vld [tilespmem:s0+$0xFFFFFFE0]  }
0x4c6: {  	s15 =	simm.s32 $0xE7F0;
	v5 =	vmov s2;
	v13 =	vld [tilespmem:s0+$0xFFFFFF90]  }
0x4c7: {  	v14 =	vld [tilespmem:s15+$0xFFFFFFF0];
	v6 =	vadd.s32 v5, v6  }
0x4c8: {  	v15 =	vld [tilespmem:s15+$0x0];
	v7 =	vadd.s32 v5, v7  }
0x4c9: {  	v16 =	vld [tilespmem:s15+$0xFFFFFFA0]  }
0x4ca: {  	v17 =	vld [tilespmem:s15+$0xFFFFFFB0]  }
0x4cb: {  	v18 =	vld [tilespmem:s15+$0xFFFFFFC0];
	v9 =	vadd.s32 v5, v9  }
0x4cc: {  	v10 =	vadd.s32 v5, v10;
	v6 =	vld.idx.msk [tilespmem:v6+s31+$0x0], $0xffff  }
0x4cd: {  	v7 =	vld.idx.msk [tilespmem:v7+s31+$0x0], $0xffff  }
0x4ce: {  	v21 =	vld [tilespmem:s15+$0xFFFFFFD0];
	v13 =	vadd.s32 v5, v13  }
0x4cf: {  	v22 =	vld [tilespmem:s15+$0xFFFFFFE0];
	v8 =	vadd.s32 v5, v8  }
0x4d0: {  	v11 =	vadd.s32 v5, v11;
	v9 =	vld.idx.msk [tilespmem:v9+s31+$0x0], $0xffff  }
0x4d1: {  	v12 =	vadd.s32 v5, v12;
	v10 =	vld.idx.msk [tilespmem:v10+s31+$0x0], $0xffff  }
0x4d2: {  	v23 =	vld [tilespmem:s15+$0xFFFFFF90];
	v14 =	vadd.s32 v5, v14;
	v19 =	vperm.xlane v6, v1;
	v20 =	vperm.xlane v7, v1  }
0x4d3: {  	v15 =	vadd.s32 v5, v15;
	v13 =	vld.idx.msk [tilespmem:v13+s31+$0x0], $0xffff;
	v6 =	vperm.xlane v6, v4;
	v7 =	vperm.xlane v7, v4  }
0x4d4: {  	v26 =	vadd.s32 v5, v21;
	v8 =	vld.idx.msk [tilespmem:v8+s31+$0x0], $0xffff;
	v19 =	vsel vm1, v19, v20;
	v20 =	vadd.s32 v5, v16  }
0x4d5: {  	s25 =	simm.s32 $0x18890;
	v11 =	vld.idx.msk [tilespmem:v11+s31+$0x0], $0xffff;
	v24 =	vperm.xlane v9, v1;
	v6 =	vsel vm1, v6, v7;
	v7 =	vadd.s32 v5, v18  }
0x4d6: {  	v18 =	vld.idx.msk [tilespmem:v12+s31+$0x0], $0xffff;
	[tilespmem:s25+$0x0] =	vst v19;
	v19 =	vadd.s32 v5, v17;
	v17 =	vperm.xlane v10, v1  }
0x4d7: {  	s28 =	simm.s32 $0x1C790;
	v25 =	vperm.xlane v10, v4;
	v12 =	vperm.xlane v9, v4;
	v16 =	vld.idx.msk [tilespmem:v14+s31+$0x0], $0xffff  }
0x4d8: {  	v21 =	vperm.xlane v13, v4;
	[tilespmem:s28+$0x0] =	vst v6;
	v6 =	vsel vm1, v24, v17;
	v17 =	vld.idx.msk [tilespmem:v15+s31+$0x0], $0xffff  }
0x4d9: {  	v9 =	vperm.xlane v8, v1;
	v14 =	vsel vm1, v12, v25;
	[tilespmem:s25+$0xFFFFFFE0] =	vst v6;
	v12 =	vld.idx.msk [tilespmem:v20+s31+$0x0], $0xffff  }
0x4da: {  	v10 =	vperm.xlane v8, v4;
	v8 =	vperm.xlane v11, v4;
	[tilespmem:s28+$0xFFFFFFE0] =	vst v14;
	v14 =	vld.idx.msk [tilespmem:v7+s31+$0x0], $0xffff  }
0x4db: {  	v15 =	vperm.xlane v11, v1;
	v6 =	vadd.s32 v5, v22;
	v20 =	vperm.xlane v13, v1;
	v7 =	vld.idx.msk [tilespmem:v26+s31+$0x0], $0xffff  }
0x4dc: {  	s2 =	simm.s32 $0x4;
	s15 =	simm.s32 $0xEBF0;
	s0 =	simm.s32 $0x1C790;
	v13 =	vadd.s32 v5, v23;
	v11 =	vld.idx.msk [tilespmem:v19+s31+$0x0], $0xffff;
	v19 =	vperm.xlane v18, v1;
	v18 =	vperm.xlane v18, v4  }
.LBB2_57:
0x4dd: {  	v22 =	vld [tilespmem:s15+$0xFFFFFFF0];
	v9 =	vsel vm1, v20, v9;
	v10 =	vsel vm1, v21, v10  }
0x4de: {  	v21 =	vperm.xlane v16, v1;
	v23 =	vperm.xlane v17, v1;
	v20 =	vld [tilespmem:s15+$0x0];
	[tilespmem:s25+$0xFFFFFFD0] =	vst v9;
	v15 =	vsel vm1, v15, v19  }
0x4df: {  	s2 =	sadd.s32 $0x4, s2;
	v16 =	vperm.xlane v16, v4;
	v17 =	vperm.xlane v17, v4;
	v18 =	vsel vm1, v8, v18;
	v19 =	vld [tilespmem:s15+$0xFFFFFFA0];
	[tilespmem:s28+$0xFFFFFFD0] =	vst v10  }
0x4e0: {  	p0 =	slt.u32 s2, $0x78;
	v9 =	vperm.xlane v12, v1;
	v10 =	vperm.xlane v12, v4;
	v8 =	vsel vm1, v21, v23;
	v24 =	vld [tilespmem:s15+$0xFFFFFFB0];
	[tilespmem:s25+$0xFFFFFFF0] =	vst v15;
	s25 =	sadd.s32 $0x40, s25  }
0x4e1: {  	v21 =	vperm.xlane v11, v1;
	s28 =	sadd.s32 $0x40, s28;
	v23 =	vperm.xlane v14, v1;
	v12 =	vld [tilespmem:s15+$0xFFFFFFC0];
	[tilespmem:s25+$0x0] =	vst v8;
	v8 =	vsel vm1, v16, v17  }
0x4e2: {  	v11 =	vperm.xlane v11, v4;
	v14 =	vperm.xlane v14, v4;
	v16 =	vld [tilespmem:s15+$0xFFFFFFD0];
	v17 =	vadd.s32 v5, v22;
	[tilespmem:s28+$0x0] =	vst v8  }
0x4e3: {  	v15 =	vperm.xlane v7, v1;
	v8 =	vperm.xlane v7, v4;
	v22 =	vld [tilespmem:s15+$0xFFFFFFE0];
	v20 =	vadd.s32 v5, v20;
	[tilespmem:s0+$0xFFFFFFF0] =	vst v18;
	s0 =	smov.u32 s28  }
0x4e4: {  	v11 =	vsel vm1, v11, v14;
	v7 =	vld [tilespmem:s15+$0xFFFFFF90];
	v18 =	vadd.s32 v5, v19;
	v19 =	vsel vm1, v21, v23  }
0x4e5: {  	v14 =	vadd.s32 v5, v24;
	v21 =	vld.idx.msk [tilespmem:v13+s31+$0x0], $0xffff;
	[tilespmem:s25+$0xFFFFFFE0] =	vst v19  }
0x4e6: {  	v19 =	vadd.s32 v5, v12;
	[tilespmem:s28+$0xFFFFFFE0] =	vst v11;
	v23 =	vld.idx.msk [tilespmem:v6+s31+$0x0], $0xffff  }
0x4e7: {  	v24 =	vadd.s32 v5, v16;
	v16 =	vld.idx.msk [tilespmem:v17+s31+$0x0], $0xffff  }
.Ltmp27:
0x4e8: {  	v6 =	vadd.s32 v5, v22;
	v17 =	vld.idx.msk [tilespmem:v20+s31+$0x0], $0xffff;
	(pc) =	sbr.rel @p0 .LBB2_57-.Ltmp27, $4  }
0x4e9: {  	v13 =	vadd.s32 v5, v7;
	v12 =	vld.idx.msk [tilespmem:v18+s31+$0x0], $0xffff  }
0x4ea: {  	v11 =	vld.idx.msk [tilespmem:v14+s31+$0x0], $0xffff  }
0x4eb: {  	v20 =	vperm.xlane v21, v1;
	v21 =	vperm.xlane v21, v4;
	v14 =	vld.idx.msk [tilespmem:v19+s31+$0x0], $0xffff  }
0x4ec: {  	s15 =	sadd.s32 $0x400, s15;
	v19 =	vperm.xlane v23, v1;
	v18 =	vperm.xlane v23, v4;
	v7 =	vld.idx.msk [tilespmem:v24+s31+$0x0], $0xffff  }
0x4ed: {  	_ =	sdelay $0x2  }
0x4ee: {  	v9 =	vsel vm1, v20, v9;
	v10 =	vsel vm1, v21, v10  }
0x4ef: {  	v45 =	vperm.xlane v16, v1;
	v46 =	vperm.xlane v17, v1;
	v47 =	vld.idx.msk [tilespmem:v13+s31+$0x0], $0xffff;
	[tilespmem:s25+$0xFFFFFFD0] =	vst v9  }
0x4f0: {  	v6 =	vld.idx.msk [tilespmem:v6+s31+$0x0], $0xffff;
	v48 =	vsel vm1, v15, v19;
	[tilespmem:s28+$0xFFFFFFD0] =	vst v10  }
0x4f1: {  	v49 =	vperm.xlane v16, v4;
	v50 =	vperm.xlane v17, v4;
	s2 =	sadd.s32 $0x40, s25;
	v51 =	vsel vm1, v45, v46;
	[tilespmem:s25+$0xFFFFFFF0] =	vst v48  }
0x4f2: {  	v8 =	vsel vm1, v8, v18;
	v52 =	vperm.xlane v11, v1;
	v53 =	vperm.xlane v14, v1;
	[tilespmem:s2+$0x0] =	vst v51  }
0x4f3: {  	s15 =	sadd.s32 $0x40, s28;
	v54 =	vsel vm1, v49, v50;
	v55 =	vperm.xlane v11, v4;
	v56 =	vperm.xlane v14, v4;
	[tilespmem:s0+$0xFFFFFFF0] =	vst v8  }
0x4f4: {  	v57 =	vperm.xlane v12, v1;
	[tilespmem:s15+$0x0] =	vst v54;
	v58 =	vsel vm1, v52, v53;
	v59 =	vperm.xlane v47, v1  }
0x4f5: {  	v62 =	vperm.xlane v7, v1;
	v11 =	vsel vm1, v55, v56;
	v63 =	vperm.xlane v6, v1;
	[tilespmem:s2+$0xFFFFFFE0] =	vst v58  }
0x4f6: {  	v60 =	vperm.xlane v12, v4;
	v61 =	vperm.xlane v47, v4;
	[tilespmem:s15+$0xFFFFFFE0] =	vst v11;
	v10 =	vsel vm1, v59, v57  }
0x4f7: {  	v7 =	vperm.xlane v7, v4;
	v6 =	vperm.xlane v6, v4;
	v9 =	vsel vm1, v62, v63;
	[tilespmem:s2+$0xFFFFFFD0] =	vst v10  }
0x4f8: {  	v8 =	vsel vm1, v61, v60;
	[tilespmem:s2+$0xFFFFFFF0] =	vst v9  }
0x4f9: {  	v6 =	vsel vm1, v7, v6;
	[tilespmem:s15+$0xFFFFFFD0] =	vst v8  }
0x4fa: {  	s0 =	simm.s32 $0x0;
	s2 =	simm.s32 $0x15F90;
	[tilespmem:s15+$0xFFFFFFF0] =	vst v6  }
.LBB2_59:
0x4fb: {  	v6 =	vld [tilespmem:s2+$0xFFFFFFF0]  }
0x4fc: {  	v7 =	vld [tilespmem:s2+$0x0];
	_ =	sdelay $0x3  }
0x4fd: {  	v6 =	vadd.s32 v5, v6  }
0x4fe: {  	v7 =	vadd.s32 v5, v7;
	_ =	sdelay $0x3  }
0x4ff: {  	v6 =	vld.idx.msk [tilespmem:v6+s31+$0x0], $0xffff  }
0x500: {  	v7 =	vld.idx.msk [tilespmem:v7+s31+$0x0], $0xffff;
	_ =	sdelay $0x3  }
0x501: {  	p0 =	sne.s32 s0, $0x40  }
.Ltmp28:
0x502: {  	v8 =	vperm.xlane v6, v1;
	v9 =	vperm.xlane v7, v1;
	(pc) =	sbr.rel @p0 .LBB2_59-.Ltmp28, $4  }
0x503: {  	v6 =	vperm.xlane v6, v4;
	v7 =	vperm.xlane v7, v4  }
0x504: {  	s15 =	sshra.s32 s0, $0x2;
	v8 =	vsel vm1, v8, v9  }
0x505: {  	v6 =	vsel vm1, v6, v7;
	[tilespmem:s15+$0x19020] =	vst v8  }
0x506: {  	s2 =	sadd.s32 $0x20, s2;
	s0 =	sadd.s32 $0x40, s0;
	[tilespmem:s15+$0x1CF20] =	vst v6  }
0x507: {  	s0 =	simm.s32 $0xE470  }
0x508: {  	v6 =	vld [tilespmem:s0+$0xFFFFFFF0]  }
0x509: {  	v7 =	vld [tilespmem:s0+$0x0]  }
0x50a: {  	v8 =	vld [tilespmem:s0+$0xFFFFFFA0]  }
0x50b: {  	v9 =	vld [tilespmem:s0+$0xFFFFFFB0]  }
0x50c: {  	v10 =	vld [tilespmem:s0+$0xFFFFFFC0]  }
0x50d: {  	v11 =	vld [tilespmem:s0+$0xFFFFFFD0]  }
0x50e: {  	s2 =	sor.u32 $0x180, s20;
	v12 =	vld [tilespmem:s0+$0xFFFFFFE0]  }
0x50f: {  	s15 =	simm.s32 $0xE870;
	v5 =	vmov s2;
	v13 =	vld [tilespmem:s0+$0xFFFFFF90]  }
0x510: {  	v14 =	vld [tilespmem:s15+$0xFFFFFFF0];
	v6 =	vadd.s32 v5, v6  }
0x511: {  	v15 =	vld [tilespmem:s15+$0x0];
	v7 =	vadd.s32 v5, v7  }
0x512: {  	v16 =	vld [tilespmem:s15+$0xFFFFFFA0]  }
0x513: {  	v17 =	vld [tilespmem:s15+$0xFFFFFFB0]  }
0x514: {  	v18 =	vld [tilespmem:s15+$0xFFFFFFC0];
	v9 =	vadd.s32 v5, v9  }
0x515: {  	v10 =	vadd.s32 v5, v10;
	v6 =	vld.idx.msk [tilespmem:v6+s31+$0x0], $0xffff  }
0x516: {  	v7 =	vld.idx.msk [tilespmem:v7+s31+$0x0], $0xffff  }
0x517: {  	v21 =	vld [tilespmem:s15+$0xFFFFFFD0];
	v13 =	vadd.s32 v5, v13  }
0x518: {  	v22 =	vld [tilespmem:s15+$0xFFFFFFE0];
	v8 =	vadd.s32 v5, v8  }
0x519: {  	v11 =	vadd.s32 v5, v11;
	v9 =	vld.idx.msk [tilespmem:v9+s31+$0x0], $0xffff  }
0x51a: {  	v12 =	vadd.s32 v5, v12;
	v10 =	vld.idx.msk [tilespmem:v10+s31+$0x0], $0xffff  }
0x51b: {  	v23 =	vld [tilespmem:s15+$0xFFFFFF90];
	v14 =	vadd.s32 v5, v14;
	v19 =	vperm.xlane v6, v1;
	v20 =	vperm.xlane v7, v1  }
0x51c: {  	v15 =	vadd.s32 v5, v15;
	v13 =	vld.idx.msk [tilespmem:v13+s31+$0x0], $0xffff;
	v6 =	vperm.xlane v6, v4;
	v7 =	vperm.xlane v7, v4  }
0x51d: {  	v26 =	vadd.s32 v5, v21;
	v8 =	vld.idx.msk [tilespmem:v8+s31+$0x0], $0xffff;
	v19 =	vsel vm1, v19, v20;
	v20 =	vadd.s32 v5, v16  }
0x51e: {  	s25 =	simm.s32 $0x19070;
	v11 =	vld.idx.msk [tilespmem:v11+s31+$0x0], $0xffff;
	v24 =	vperm.xlane v9, v1;
	v6 =	vsel vm1, v6, v7;
	v7 =	vadd.s32 v5, v18  }
0x51f: {  	v18 =	vld.idx.msk [tilespmem:v12+s31+$0x0], $0xffff;
	[tilespmem:s25+$0x0] =	vst v19;
	v19 =	vadd.s32 v5, v17;
	v17 =	vperm.xlane v10, v1  }
0x520: {  	s28 =	simm.s32 $0x1CF70;
	v25 =	vperm.xlane v10, v4;
	v12 =	vperm.xlane v9, v4;
	v16 =	vld.idx.msk [tilespmem:v14+s31+$0x0], $0xffff  }
0x521: {  	v21 =	vperm.xlane v13, v4;
	[tilespmem:s28+$0x0] =	vst v6;
	v6 =	vsel vm1, v24, v17;
	v17 =	vld.idx.msk [tilespmem:v15+s31+$0x0], $0xffff  }
0x522: {  	v9 =	vperm.xlane v8, v1;
	v14 =	vsel vm1, v12, v25;
	[tilespmem:s25+$0xFFFFFFE0] =	vst v6;
	v12 =	vld.idx.msk [tilespmem:v20+s31+$0x0], $0xffff  }
0x523: {  	v10 =	vperm.xlane v8, v4;
	v8 =	vperm.xlane v11, v4;
	[tilespmem:s28+$0xFFFFFFE0] =	vst v14;
	v14 =	vld.idx.msk [tilespmem:v7+s31+$0x0], $0xffff  }
0x524: {  	v15 =	vperm.xlane v11, v1;
	v6 =	vadd.s32 v5, v22;
	v20 =	vperm.xlane v13, v1;
	v7 =	vld.idx.msk [tilespmem:v26+s31+$0x0], $0xffff  }
0x525: {  	s2 =	simm.s32 $0x4;
	s15 =	simm.s32 $0xEC70;
	s0 =	simm.s32 $0x1CF70;
	v13 =	vadd.s32 v5, v23;
	v11 =	vld.idx.msk [tilespmem:v19+s31+$0x0], $0xffff;
	v19 =	vperm.xlane v18, v1;
	v18 =	vperm.xlane v18, v4  }
.LBB2_61:
0x526: {  	v22 =	vld [tilespmem:s15+$0xFFFFFFF0];
	v9 =	vsel vm1, v20, v9;
	v10 =	vsel vm1, v21, v10  }
0x527: {  	v21 =	vperm.xlane v16, v1;
	v23 =	vperm.xlane v17, v1;
	v20 =	vld [tilespmem:s15+$0x0];
	[tilespmem:s25+$0xFFFFFFD0] =	vst v9;
	v15 =	vsel vm1, v15, v19  }
0x528: {  	s2 =	sadd.s32 $0x4, s2;
	v16 =	vperm.xlane v16, v4;
	v17 =	vperm.xlane v17, v4;
	v18 =	vsel vm1, v8, v18;
	v19 =	vld [tilespmem:s15+$0xFFFFFFA0];
	[tilespmem:s28+$0xFFFFFFD0] =	vst v10  }
0x529: {  	p0 =	slt.u32 s2, $0x78;
	v9 =	vperm.xlane v12, v1;
	v10 =	vperm.xlane v12, v4;
	v8 =	vsel vm1, v21, v23;
	v24 =	vld [tilespmem:s15+$0xFFFFFFB0];
	[tilespmem:s25+$0xFFFFFFF0] =	vst v15;
	s25 =	sadd.s32 $0x40, s25  }
0x52a: {  	v21 =	vperm.xlane v11, v1;
	s28 =	sadd.s32 $0x40, s28;
	v23 =	vperm.xlane v14, v1;
	v12 =	vld [tilespmem:s15+$0xFFFFFFC0];
	[tilespmem:s25+$0x0] =	vst v8;
	v8 =	vsel vm1, v16, v17  }
0x52b: {  	v11 =	vperm.xlane v11, v4;
	v14 =	vperm.xlane v14, v4;
	v16 =	vld [tilespmem:s15+$0xFFFFFFD0];
	v17 =	vadd.s32 v5, v22;
	[tilespmem:s28+$0x0] =	vst v8  }
0x52c: {  	v15 =	vperm.xlane v7, v1;
	v8 =	vperm.xlane v7, v4;
	v22 =	vld [tilespmem:s15+$0xFFFFFFE0];
	v20 =	vadd.s32 v5, v20;
	[tilespmem:s0+$0xFFFFFFF0] =	vst v18;
	s0 =	smov.u32 s28  }
0x52d: {  	v11 =	vsel vm1, v11, v14;
	v7 =	vld [tilespmem:s15+$0xFFFFFF90];
	v18 =	vadd.s32 v5, v19;
	v19 =	vsel vm1, v21, v23  }
0x52e: {  	v14 =	vadd.s32 v5, v24;
	v21 =	vld.idx.msk [tilespmem:v13+s31+$0x0], $0xffff;
	[tilespmem:s25+$0xFFFFFFE0] =	vst v19  }
0x52f: {  	v19 =	vadd.s32 v5, v12;
	[tilespmem:s28+$0xFFFFFFE0] =	vst v11;
	v23 =	vld.idx.msk [tilespmem:v6+s31+$0x0], $0xffff  }
0x530: {  	v24 =	vadd.s32 v5, v16;
	v16 =	vld.idx.msk [tilespmem:v17+s31+$0x0], $0xffff  }
.Ltmp29:
0x531: {  	v6 =	vadd.s32 v5, v22;
	v17 =	vld.idx.msk [tilespmem:v20+s31+$0x0], $0xffff;
	(pc) =	sbr.rel @p0 .LBB2_61-.Ltmp29, $4  }
0x532: {  	v13 =	vadd.s32 v5, v7;
	v12 =	vld.idx.msk [tilespmem:v18+s31+$0x0], $0xffff  }
0x533: {  	v11 =	vld.idx.msk [tilespmem:v14+s31+$0x0], $0xffff  }
0x534: {  	v20 =	vperm.xlane v21, v1;
	v21 =	vperm.xlane v21, v4;
	v14 =	vld.idx.msk [tilespmem:v19+s31+$0x0], $0xffff  }
0x535: {  	s15 =	sadd.s32 $0x400, s15;
	v19 =	vperm.xlane v23, v1;
	v18 =	vperm.xlane v23, v4;
	v7 =	vld.idx.msk [tilespmem:v24+s31+$0x0], $0xffff  }
0x536: {  	_ =	sdelay $0x2  }
0x537: {  	v9 =	vsel vm1, v20, v9;
	v10 =	vsel vm1, v21, v10  }
0x538: {  	v45 =	vperm.xlane v16, v1;
	v46 =	vperm.xlane v17, v1;
	v47 =	vld.idx.msk [tilespmem:v13+s31+$0x0], $0xffff;
	[tilespmem:s25+$0xFFFFFFD0] =	vst v9  }
0x539: {  	v6 =	vld.idx.msk [tilespmem:v6+s31+$0x0], $0xffff;
	v48 =	vsel vm1, v15, v19;
	[tilespmem:s28+$0xFFFFFFD0] =	vst v10  }
0x53a: {  	v49 =	vperm.xlane v16, v4;
	v50 =	vperm.xlane v17, v4;
	s2 =	sadd.s32 $0x40, s25;
	v51 =	vsel vm1, v45, v46;
	[tilespmem:s25+$0xFFFFFFF0] =	vst v48  }
0x53b: {  	v8 =	vsel vm1, v8, v18;
	v52 =	vperm.xlane v11, v1;
	v53 =	vperm.xlane v14, v1;
	[tilespmem:s2+$0x0] =	vst v51  }
0x53c: {  	v54 =	vsel vm1, v49, v50;
	s28 =	sadd.s32 $0x40, s28;
	v55 =	vperm.xlane v11, v4;
	v56 =	vperm.xlane v14, v4;
	[tilespmem:s0+$0xFFFFFFF0] =	vst v8  }
0x53d: {  	v57 =	vperm.xlane v12, v1;
	[tilespmem:s28+$0x0] =	vst v54;
	v58 =	vsel vm1, v52, v53;
	v59 =	vperm.xlane v47, v1  }
0x53e: {  	v62 =	vperm.xlane v7, v1;
	v11 =	vsel vm1, v55, v56;
	v63 =	vperm.xlane v6, v1;
	[tilespmem:s2+$0xFFFFFFE0] =	vst v58  }
0x53f: {  	v60 =	vperm.xlane v12, v4;
	v61 =	vperm.xlane v47, v4;
	[tilespmem:s28+$0xFFFFFFE0] =	vst v11;
	v10 =	vsel vm1, v59, v57  }
0x540: {  	v7 =	vperm.xlane v7, v4;
	v6 =	vperm.xlane v6, v4;
	v9 =	vsel vm1, v62, v63;
	[tilespmem:s2+$0xFFFFFFD0] =	vst v10  }
0x541: {  	v8 =	vsel vm1, v61, v60;
	[tilespmem:s2+$0xFFFFFFF0] =	vst v9  }
0x542: {  	v6 =	vsel vm1, v7, v6;
	[tilespmem:s28+$0xFFFFFFD0] =	vst v8  }
0x543: {  	s15 =	simm.s32 $0x1D700;
	s0 =	simm.s32 $0x7C00;
	s2 =	simm.s32 $0x19800;
	[tilespmem:s28+$0xFFFFFFF0] =	vst v6  }
.LBB2_63:
0x544: {  	s25 =	sor.u32 $0x300, s0  }
0x545: {  	s28 =	sor.u32 $0x310, s0;
	v6 =	vld [tilespmem:s25+$0xE100]  }
0x546: {  	v7 =	vld [tilespmem:s28+$0xE100];
	_ =	sdelay $0x3  }
0x547: {  	v6 =	vadd.s32 v5, v6  }
0x548: {  	v7 =	vadd.s32 v5, v7;
	_ =	sdelay $0x3  }
0x549: {  	v6 =	vld.idx.msk [tilespmem:v6+s31+$0x0], $0xffff  }
0x54a: {  	v7 =	vld.idx.msk [tilespmem:v7+s31+$0x0], $0xffff;
	_ =	sdelay $0x3  }
0x54b: {  	p0 =	sne.s32 s0, $0x7D20  }
.Ltmp30:
0x54c: {  	v8 =	vperm.xlane v6, v1;
	v9 =	vperm.xlane v7, v1;
	(pc) =	sbr.rel @p0 .LBB2_63-.Ltmp30, $4  }
0x54d: {  	v6 =	vperm.xlane v6, v4;
	v7 =	vperm.xlane v7, v4  }
0x54e: {  	v8 =	vsel vm1, v8, v9  }
0x54f: {  	v6 =	vsel vm1, v6, v7;
	[tilespmem:s2+$0x0] =	vst v8  }
0x550: {  	s0 =	sadd.s32 $0x120, s0;
	s2 =	sadd.s32 $0x10, s2;
	[tilespmem:s15+$0x0] =	vst v6;
	s15 =	sadd.s32 $0x10, s15  }
0x551: {  	s0 =	simm.s32 $0xE4F0  }
0x552: {  	v6 =	vld [tilespmem:s0+$0xFFFFFFF0]  }
0x553: {  	v7 =	vld [tilespmem:s0+$0x0]  }
0x554: {  	v8 =	vld [tilespmem:s0+$0xFFFFFFA0]  }
0x555: {  	v9 =	vld [tilespmem:s0+$0xFFFFFFB0]  }
0x556: {  	v10 =	vld [tilespmem:s0+$0xFFFFFFC0]  }
0x557: {  	v11 =	vld [tilespmem:s0+$0xFFFFFFD0]  }
0x558: {  	s2 =	sor.u32 $0x1C0, s20;
	v12 =	vld [tilespmem:s0+$0xFFFFFFE0]  }
0x559: {  	s28 =	simm.s32 $0xE8F0;
	v5 =	vmov s2;
	v13 =	vld [tilespmem:s0+$0xFFFFFF90]  }
0x55a: {  	v14 =	vld [tilespmem:s28+$0xFFFFFFF0];
	v6 =	vadd.s32 v5, v6  }
0x55b: {  	v15 =	vld [tilespmem:s28+$0x0];
	v7 =	vadd.s32 v5, v7  }
0x55c: {  	v16 =	vld [tilespmem:s28+$0xFFFFFFA0]  }
0x55d: {  	v17 =	vld [tilespmem:s28+$0xFFFFFFB0]  }
0x55e: {  	v18 =	vld [tilespmem:s28+$0xFFFFFFC0];
	v9 =	vadd.s32 v5, v9  }
0x55f: {  	v10 =	vadd.s32 v5, v10;
	v6 =	vld.idx.msk [tilespmem:v6+s31+$0x0], $0xffff  }
0x560: {  	v7 =	vld.idx.msk [tilespmem:v7+s31+$0x0], $0xffff  }
0x561: {  	v21 =	vld [tilespmem:s28+$0xFFFFFFD0];
	v13 =	vadd.s32 v5, v13  }
0x562: {  	v22 =	vld [tilespmem:s28+$0xFFFFFFE0];
	v8 =	vadd.s32 v5, v8  }
0x563: {  	v11 =	vadd.s32 v5, v11;
	v9 =	vld.idx.msk [tilespmem:v9+s31+$0x0], $0xffff  }
0x564: {  	v12 =	vadd.s32 v5, v12;
	v10 =	vld.idx.msk [tilespmem:v10+s31+$0x0], $0xffff  }
0x565: {  	v23 =	vld [tilespmem:s28+$0xFFFFFF90];
	v14 =	vadd.s32 v5, v14;
	v19 =	vperm.xlane v6, v1;
	v20 =	vperm.xlane v7, v1  }
0x566: {  	v15 =	vadd.s32 v5, v15;
	v13 =	vld.idx.msk [tilespmem:v13+s31+$0x0], $0xffff;
	v6 =	vperm.xlane v6, v4;
	v7 =	vperm.xlane v7, v4  }
0x567: {  	v26 =	vadd.s32 v5, v21;
	v8 =	vld.idx.msk [tilespmem:v8+s31+$0x0], $0xffff;
	v19 =	vsel vm1, v19, v20;
	v20 =	vadd.s32 v5, v16  }
0x568: {  	s20 =	simm.s32 $0x19850;
	v11 =	vld.idx.msk [tilespmem:v11+s31+$0x0], $0xffff;
	v24 =	vperm.xlane v9, v1;
	v6 =	vsel vm1, v6, v7;
	v7 =	vadd.s32 v5, v18  }
0x569: {  	v18 =	vld.idx.msk [tilespmem:v12+s31+$0x0], $0xffff;
	[tilespmem:s20+$0x0] =	vst v19;
	v19 =	vadd.s32 v5, v17;
	v17 =	vperm.xlane v10, v1  }
0x56a: {  	s25 =	simm.s32 $0x1D750;
	v25 =	vperm.xlane v10, v4;
	v12 =	vperm.xlane v9, v4;
	v16 =	vld.idx.msk [tilespmem:v14+s31+$0x0], $0xffff  }
0x56b: {  	v21 =	vperm.xlane v13, v4;
	[tilespmem:s25+$0x0] =	vst v6;
	v6 =	vsel vm1, v24, v17;
	v17 =	vld.idx.msk [tilespmem:v15+s31+$0x0], $0xffff  }
0x56c: {  	v9 =	vperm.xlane v8, v1;
	v14 =	vsel vm1, v12, v25;
	[tilespmem:s20+$0xFFFFFFE0] =	vst v6;
	v12 =	vld.idx.msk [tilespmem:v20+s31+$0x0], $0xffff  }
0x56d: {  	v10 =	vperm.xlane v8, v4;
	v8 =	vperm.xlane v11, v4;
	[tilespmem:s25+$0xFFFFFFE0] =	vst v14;
	v14 =	vld.idx.msk [tilespmem:v7+s31+$0x0], $0xffff  }
0x56e: {  	v15 =	vperm.xlane v11, v1;
	v6 =	vadd.s32 v5, v22;
	v20 =	vperm.xlane v13, v1;
	v7 =	vld.idx.msk [tilespmem:v26+s31+$0x0], $0xffff  }
0x56f: {  	s15 =	simm.s32 $0xECF0;
	s2 =	simm.s32 $0x4;
	s0 =	simm.s32 $0x1D750;
	v13 =	vadd.s32 v5, v23;
	v11 =	vld.idx.msk [tilespmem:v19+s31+$0x0], $0xffff;
	v19 =	vperm.xlane v18, v1;
	v18 =	vperm.xlane v18, v4  }
.LBB2_65:
0x570: {  	v22 =	vld [tilespmem:s15+$0xFFFFFFF0];
	v9 =	vsel vm1, v20, v9;
	v10 =	vsel vm1, v21, v10  }
0x571: {  	v21 =	vperm.xlane v16, v1;
	v23 =	vperm.xlane v17, v1;
	v20 =	vld [tilespmem:s15+$0x0];
	[tilespmem:s20+$0xFFFFFFD0] =	vst v9;
	v15 =	vsel vm1, v15, v19  }
0x572: {  	s2 =	sadd.s32 $0x4, s2;
	v16 =	vperm.xlane v16, v4;
	v17 =	vperm.xlane v17, v4;
	v18 =	vsel vm1, v8, v18;
	v19 =	vld [tilespmem:s15+$0xFFFFFFA0];
	[tilespmem:s25+$0xFFFFFFD0] =	vst v10  }
0x573: {  	p0 =	slt.u32 s2, $0x78;
	v9 =	vperm.xlane v12, v1;
	v10 =	vperm.xlane v12, v4;
	v8 =	vsel vm1, v21, v23;
	v24 =	vld [tilespmem:s15+$0xFFFFFFB0];
	[tilespmem:s20+$0xFFFFFFF0] =	vst v15;
	s20 =	sadd.s32 $0x40, s20  }
0x574: {  	v21 =	vperm.xlane v11, v1;
	s25 =	sadd.s32 $0x40, s25;
	v23 =	vperm.xlane v14, v1;
	v12 =	vld [tilespmem:s15+$0xFFFFFFC0];
	[tilespmem:s20+$0x0] =	vst v8;
	v8 =	vsel vm1, v16, v17  }
0x575: {  	v11 =	vperm.xlane v11, v4;
	v14 =	vperm.xlane v14, v4;
	v16 =	vld [tilespmem:s15+$0xFFFFFFD0];
	v17 =	vadd.s32 v5, v22;
	[tilespmem:s25+$0x0] =	vst v8  }
0x576: {  	v15 =	vperm.xlane v7, v1;
	v8 =	vperm.xlane v7, v4;
	v22 =	vld [tilespmem:s15+$0xFFFFFFE0];
	v20 =	vadd.s32 v5, v20;
	[tilespmem:s0+$0xFFFFFFF0] =	vst v18;
	s0 =	smov.u32 s25  }
0x577: {  	v11 =	vsel vm1, v11, v14;
	v7 =	vld [tilespmem:s15+$0xFFFFFF90];
	v18 =	vadd.s32 v5, v19;
	v19 =	vsel vm1, v21, v23  }
0x578: {  	v14 =	vadd.s32 v5, v24;
	v21 =	vld.idx.msk [tilespmem:v13+s31+$0x0], $0xffff;
	[tilespmem:s20+$0xFFFFFFE0] =	vst v19  }
0x579: {  	v19 =	vadd.s32 v5, v12;
	[tilespmem:s25+$0xFFFFFFE0] =	vst v11;
	v23 =	vld.idx.msk [tilespmem:v6+s31+$0x0], $0xffff  }
0x57a: {  	v24 =	vadd.s32 v5, v16;
	v16 =	vld.idx.msk [tilespmem:v17+s31+$0x0], $0xffff  }
.Ltmp31:
0x57b: {  	v6 =	vadd.s32 v5, v22;
	v17 =	vld.idx.msk [tilespmem:v20+s31+$0x0], $0xffff;
	(pc) =	sbr.rel @p0 .LBB2_65-.Ltmp31, $4  }
0x57c: {  	v13 =	vadd.s32 v5, v7;
	v12 =	vld.idx.msk [tilespmem:v18+s31+$0x0], $0xffff  }
0x57d: {  	v11 =	vld.idx.msk [tilespmem:v14+s31+$0x0], $0xffff  }
0x57e: {  	v20 =	vperm.xlane v21, v1;
	v21 =	vperm.xlane v21, v4;
	v14 =	vld.idx.msk [tilespmem:v19+s31+$0x0], $0xffff  }
0x57f: {  	s15 =	sadd.s32 $0x400, s15;
	v19 =	vperm.xlane v23, v1;
	v18 =	vperm.xlane v23, v4;
	v7 =	vld.idx.msk [tilespmem:v24+s31+$0x0], $0xffff  }
0x580: {  	_ =	sdelay $0x2  }
0x581: {  	v9 =	vsel vm1, v20, v9;
	v10 =	vsel vm1, v21, v10  }
0x582: {  	v45 =	vperm.xlane v16, v1;
	v46 =	vperm.xlane v17, v1;
	v47 =	vld.idx.msk [tilespmem:v13+s31+$0x0], $0xffff;
	[tilespmem:s20+$0xFFFFFFD0] =	vst v9  }
0x583: {  	v6 =	vld.idx.msk [tilespmem:v6+s31+$0x0], $0xffff;
	v48 =	vsel vm1, v15, v19;
	[tilespmem:s25+$0xFFFFFFD0] =	vst v10  }
0x584: {  	v49 =	vperm.xlane v16, v4;
	v50 =	vperm.xlane v17, v4;
	s2 =	sadd.s32 $0x40, s20;
	v51 =	vsel vm1, v45, v46;
	[tilespmem:s20+$0xFFFFFFF0] =	vst v48  }
0x585: {  	v8 =	vsel vm1, v8, v18;
	v52 =	vperm.xlane v11, v1;
	v53 =	vperm.xlane v14, v1;
	[tilespmem:s2+$0x0] =	vst v51  }
0x586: {  	s28 =	sadd.s32 $0x40, s25;
	v54 =	vsel vm1, v49, v50;
	v55 =	vperm.xlane v11, v4;
	v56 =	vperm.xlane v14, v4;
	[tilespmem:s0+$0xFFFFFFF0] =	vst v8  }
0x587: {  	v57 =	vperm.xlane v12, v1;
	[tilespmem:s28+$0x0] =	vst v54;
	v58 =	vsel vm1, v52, v53;
	v59 =	vperm.xlane v47, v1  }
0x588: {  	v62 =	vperm.xlane v7, v1;
	v11 =	vsel vm1, v55, v56;
	v63 =	vperm.xlane v6, v1;
	[tilespmem:s2+$0xFFFFFFE0] =	vst v58  }
0x589: {  	v60 =	vperm.xlane v12, v4;
	v61 =	vperm.xlane v47, v4;
	[tilespmem:s28+$0xFFFFFFE0] =	vst v11;
	v10 =	vsel vm1, v59, v57  }
0x58a: {  	v7 =	vperm.xlane v7, v4;
	v6 =	vperm.xlane v6, v4;
	v9 =	vsel vm1, v62, v63;
	[tilespmem:s2+$0xFFFFFFD0] =	vst v10  }
0x58b: {  	v8 =	vsel vm1, v61, v60;
	[tilespmem:s2+$0xFFFFFFF0] =	vst v9  }
0x58c: {  	v6 =	vsel vm1, v7, v6;
	[tilespmem:s28+$0xFFFFFFD0] =	vst v8  }
0x58d: {  	s15 =	simm.s32 $0x1DEE0;
	s0 =	simm.s32 $0x7C00;
	s2 =	simm.s32 $0x19FE0;
	[tilespmem:s28+$0xFFFFFFF0] =	vst v6  }
.LBB2_67:
0x58e: {  	s20 =	sor.u32 $0x380, s0  }
0x58f: {  	s28 =	sor.u32 $0x390, s0;
	v6 =	vld [tilespmem:s20+$0xE100]  }
0x590: {  	v7 =	vld [tilespmem:s28+$0xE100];
	_ =	sdelay $0x3  }
0x591: {  	v6 =	vadd.s32 v5, v6  }
0x592: {  	v7 =	vadd.s32 v5, v7;
	_ =	sdelay $0x3  }
0x593: {  	v6 =	vld.idx.msk [tilespmem:v6+s31+$0x0], $0xffff  }
0x594: {  	v7 =	vld.idx.msk [tilespmem:v7+s31+$0x0], $0xffff;
	_ =	sdelay $0x3  }
0x595: {  	p0 =	sne.s32 s0, $0x7D20  }
.Ltmp32:
0x596: {  	v8 =	vperm.xlane v6, v1;
	v9 =	vperm.xlane v7, v1;
	(pc) =	sbr.rel @p0 .LBB2_67-.Ltmp32, $4  }
0x597: {  	v6 =	vperm.xlane v6, v4;
	v7 =	vperm.xlane v7, v4  }
0x598: {  	v8 =	vsel vm1, v8, v9  }
0x599: {  	v6 =	vsel vm1, v6, v7;
	[tilespmem:s2+$0x0] =	vst v8  }
0x59a: {  	s0 =	sadd.s32 $0x120, s0;
	s2 =	sadd.s32 $0x10, s2;
	[tilespmem:s15+$0x0] =	vst v6;
	s15 =	sadd.s32 $0x10, s15  }
0x59b: {  	s0 =	smul.u32 $0x7E0, s24  }
0x59c: {  	s26 =	sadd.s32 $0x1, s26  }
0x59d: {  	p0 =	sne.s32 s26, $0x8;
	s0 =	sshrl.u32 s0, $0x3  }
.Ltmp33:
0x59e: {  	s0 =	sadd.s32 $0x3F0, s0;
	(pc) =	sbr.rel @p0 .LBB2_4-.Ltmp33, $4  }
0x59f: {  	s2 =	sadd.s32 s29, s0  }
0x5a0: {  	[hbm4b:s2+s3] =	stream.linear.scatter [tilespmem:s7], [sflag:$0x5], $0x1F80, $0x38;
	[tilespmem:$0x1DF00] =	vst v63  }
0x5a1: {  	s28 =	simm.s32 $0x1BF80;
	s0 =	sadd.s32 s6, s0  }
0x5a2: {  	[hbm4b:s0+s3] =	stream.linear.scatter [tilespmem:s28], [sflag:$0x5], $0x1F80, $0x38;
	[tilespmem:$0x1DF00] =	vst v63  }
0x5a3: {  	_ =	swait.ge [sflag:s4], $0x1F80  }
0x5a4: {  	[sflag:s4] =	ssyncset.done $0x0  }
0x5a5: {  	[sflag:s4] =	ssyncadd.s32 $0xFFFFE080  }
0x5a6: {  	_ =	swait.ge [sflag:s4], $0x1F80  }
0x5a7: {  	[sflag:s4] =	ssyncset.done $0x0  }
0x5a8: {  	[sflag:s4] =	ssyncadd.s32 $0xFFFFE080  }
0x5a9: {  	_ =	swait.ge [sflag:s1], $0x1F80  }
0x5aa: {  	[sflag:s1] =	ssyncset.done $0x0  }
0x5ab: {  	[sflag:s1] =	ssyncadd.s32 $0xFFFFE080  }
0x5ac: {  	_ =	swait.ge [sflag:s1], $0x1F80  }
0x5ad: {  	s2 =	rddreg [dreg:$0x9]  }
0x5ae: {  	s0 =	rddreg [dreg:$0x8];
	s2 =	sadd.s32 $0x1, s2  }
0x5af: {  	p0 =	sne.s32 s2, s0  }
.Ltmp34:
0x5b0: {  	_ = 	snop;
	(pc) =	sbr.rel @p0 .LBB2_1-.Ltmp34, $3  }
0x5b1: {  	_ =	sdelay $0x1  }
0x5b2: {  	[sflag:s1] =	ssyncset.done $0x0  }
0x5b3: {  	[sflag:s1] =	ssyncadd.s32 $0xFFFFE080  }
0x5b4: {  	_ =	sfence.sel $0x180000  }
0x5b5: {  	[bflag:$0x0] =	sbarrier.arrive $0xFFFF  }
0x5b6: {  	_ =	strace $0x9000004A  }
0x5b7: {  	s0 =	stileid.u32;
	[bflag:$0x2] =	sbarrier.arrive $0xFFFF  }
0x5b8: {  	p0 =	sne.s32 s0, $0x0;
	s0 =	rddreg [dreg:$0x4]  }
0x5b9: {  	s0 =	sadd.s32 @!p0 $0x100000, s0  }
0x5ba: {  	[sflag:s0] =	ssyncadd.tile.s32 @!p0 $0x1;
	_ =	shalt  }
.Lfunc_end2:
_tile_overlayer_lowered:
.L_overlay_start_2:
0x5bb: {  	(tag) =	ssettag $0x2  }
0x5bc: {  	s0 =	rddreg [dreg:$0x0];
	s2 =	stileid.u32  }
0x5bd: {  	s1 =	rddreg [dreg:$0x1];
	p0 =	sne.s32 s2, $0x0  }
0x5be: {  	s3 =	rddreg [dreg:$0x2];
	[bflag:$0x3] =	sbarrier.arrive $0xFFFF;
	s2 =	simm.s32 @!p0 $0x1C06  }
0x5bf: {  	[timem:s3], [sflag:s2] =	dma.local @!p0 [hbm:s0], s1  }
0x5c0: {  	s0 =	simm.s32 @!p0 $0x6  }
0x5c1: {  	_ =	swait.ge @!p0 [sflag:s0], s1  }
0x5c2: {  	s1 =	ssub.s32 @!p0 $0x0, s1;
	[sflag:s0] =	ssyncset.done @!p0 $0x0  }
0x5c3: {  	[sflag:s0] =	ssyncadd.s32 @!p0 s1  }
0x5c4: {  	[bflag:$0x3] =	sbarrier.arrive $0xFFFF  }
0x5c5: {  	_ =	shalt  }

// kernel: sparse-core-data-format-call.cloned.1.call-start
scs
called_computation_lowered:
.L_overlay_start_0:
0x0: {  	s1 =	sld [smem:$0x3FD9]  }
0x1: {  	s2 =	sld [smem:$0x3FFE];
	_ =	sdelay $0x1  }
0x2: {  	s3 =	srdreg.scid  }
0x3: {  	s0 =	sand.u32 $0x1, s3  }
0x4: {  	s17 =	sshll.u32 s0, $0xA;
	s1 =	sadd.s32 s2, s1  }
0x5: {  	s1 =	sadd.s32 s1, s17  }
0x6: {  	[smem:$0x3FC5] =	sst s1  }
0x7: {  	_ = 	snop  }
0x8: {  	(tm) =	ssettm $0x1  }
0x9: {  	s18 =	sld [smem:$0x3FFB];
	_ =	sdelay $0x3  }
0xa: {  	_ =	strace s18  }
0xb: {  	s1 =	sld [smem:$0x3FFC];
	_ =	sdelay $0x3  }
0xc: {  	_ =	strace s1  }
0xd: {  	s1 =	sld [smem:$0x3FFD];
	_ =	sdelay $0x3  }
0xe: {  	_ =	strace s1  }
0xf: {  	_ =	strace $0x8FFFFFFF  }
0x10: {  	s19 =	sld [smem:$0x3FDB];
	_ =	sdelay $0x1  }
0x11: {  	s20 =	simm.s32 $_scs_section_size  }
0x12: {  	s4 =	simm.s32 $_size__tile_overlayer_lowered;
	s5 =	simm.s32 $_tile_overlayer_lowered  }
0x13: {  	s23 =	simm.s32 $0x1BFF;
	s22 =	sshll.u32 s5, $0x1;
	s1 =	sadd.s32 s20, s19  }
0x14: {  	s6 =	simm.s32 $0x0;
	s21 =	sshll.u32 s4, $0x1;
	s4 =	sadd.s32 s22, s1  }
0x15: {  	[timem:s6], [sflag:s23] =	dma.local [hbm:s4], s21  }
0x16: {  	_ =	swait.ge [sflag:s23], s21  }
0x17: {  	s2 =	ssub.s32 $0x0, s21;
	[sflag:s23] =	ssyncset.done $0x0  }
0x18: {  	[sflag:s23] =	ssyncadd.s32 s2;
	_ =	sdelay $0x1  }
0x19: {  	s24 =	simm.s32 $0x1B8B  }
0x1a: {  	_ =	swait.ge [sflag:s24], $0x1  }
0x1b: {  	[sflag:s24] =	ssyncset.done $0x0  }
0x1c: {  	s26 =	simm.s32 $0x1B8E;
	s25 =	sld [smem:$0x3FFE];
	[sflag:s24] =	ssyncadd.s32 $0xFFFFFFFF  }
0x1d: {  	s27 =	simm.s32 $execute0_lowered;
	[smem:$0x3FD2] =	sst s26  }
0x1e: {  	s4 =	sshll.u32 s27, $0x1;
	_ =	strace $0x80000046;
	[dreg:$0x1] =	wrdreg $0xFFFFFFFF  }
0x1f: {  	s28 =	simm.s32 $_size_execute0_lowered;
	s1 =	sadd.s32 s1, s4;
	[dreg:$0x0] =	wrdreg $0x0  }
0x20: {  	s4 =	sshll.u32 s28, $0x1;
	[dreg:$0x2] =	wrdreg s1  }
0x21: {  	[dreg:$0x3] =	wrdreg s4  }
0x22: {  	[dreg:$0x4] =	wrdreg $0xC0  }
0x23: {  	_ =	task [dreg:s6], $0x5FFFF  }
0x24: {  	[dreg:$0x1] =	wrdreg $0xFFFFFFFF  }
0x25: {  	[dreg:$0x0] =	wrdreg $0x60  }
0x26: {  	[dreg:$0x2] =	wrdreg s25  }
0x27: {  	[dreg:$0x3] =	wrdreg $0x9  }
0x28: {  	_ =	task.clear_ibuf [dreg:s6], $0x4FFFF;
	_ =	strace $0x90000046  }
0x29: {  	s29 =	simm.s32 $0x9;
	_ =	strace $0x80000048  }
0x2a: {  	_ =	swait.ge [sflag:s29], $0x1  }
0x2b: {  	[sflag:s29] =	ssyncadd.s32 $0xFFFFFFFF  }
0x2c: {  	_ =	strace $0x90000048  }
0x2d: {  	_ =	sfence  }
0x2e: {  	s30 =	sld [smem:$0x0];
	_ =	sdelay $0x2  }
0x2f: {  	s31 =	sshll.u32 s3, $0xD;
	s3 =	sshrl.u32 s3, $0x2  }
0x30: {  	s2 =	sand.u32 $0x4000, s31;
	s1 =	sadd.s32 s3, s30  }
0x31: {  	s0 =	sor.u32 s2, s0;
	s1 =	sshll.u32 s1, $0x11  }
0x32: {  	s0 =	sor.u32 s1, s0  }
0x33: {  	s0 =	sadd.s32 $0x8F2B, s0  }
0x34: {  	[sflag:s0] =	ssyncadd.remote.s32 $0x1  }
0x35: {  	_ =	sfence.sel $0xFFFF  }
0x36: {  	[dreg:$0x0] =	wrdreg $0xFFFFFFFF;
	(pc) =	sbr.abs _section_cstart, $3  }
0x37: {  	[dreg:$0x1] =	wrdreg $0xFFFFFFFF  }
0x38: {  	_ =	task.clear_ibuf [dreg:s6], $0x2FFFF;
	_ =	strace $0x9FFFFFFF  }
0x39: {  	(tm) =	ssettm $0x7FFFFFFF  }
tec
execute0_lowered:
.L_overlay_start_1:
0x0: {  	(tag) =	ssettag $0x1  }
0x1: {  	s4 =	rddreg [dreg:$0x0]  }
0x2: {  	s0 =	rddreg [dreg:$0x1]  }
0x3: {  	s1 =	srdreg.scid;
	_ =	strace $0x80000047;
	s6 =	simm.s32 $0x2  }
0x4: {  	s11 =	simm.s32 $0x0;
	p0 =	por $0x0, $0x0;
	s10 =	simm.s32 $0x0  }
.Ltmp0:
0x5: {  	s8 =	simm.s32 $0x0;
	s3 =	sshll.u32 s1, $0x4;
	(pc) =	sbr.rel .LBB1_1-.Ltmp0, $4  }
0x6: {  	s7 =	simm.s32 $0x0;
	s1 =	stileid.u32;
	s5 =	sand.u32 $0x10, s3  }
0x7: {  	s2 =	sadd.s32 $0x2E00, s4;
	s3 =	simm.s32 $0x1;
	s5 =	sor.u32 s1, s5  }
0x8: {  	s4 =	sadd.s32 $0x3F2E00, s4;
	[sflag:s3] =	ssyncpa.u1 $0x0;
	s5 =	sshll.u32 s5, $0x7  }
0x9: {  	[sflag:s6] =	ssyncpa.u1 $0x0;
	s6 =	simm.s32 $0x8000;
	s9 =	smov.u32 s5  }
.LBB1_5:
0xa: {  	s12 =	sadd.s32 $0x80, s8  }
0xb: {  	s10 =	sadd.s32 $0x1000, s9;
	s14 =	smov.u32 s9;
	p2 =	sgt.s32 s12, $0x1FFF  }
0xc: {  	p1 =	slt.u32 s7, $0x2;
	s14 =	smov.u32 @p2 s10  }
0xd: {  	s7 =	sadd.s32 $0x1, s7;
	s12 =	simm.s32 @p2 $0x0;
	p2 =	sgt.s32 s14, $0xFBF  }
0xe: {  	s14 =	smov.u32 @p2 s5;
	p2 =	sne.s32 s7, $0x42  }
.Ltmp1:
0xf: {  	_ = 	snop;
	(pc) =	sbr.rel @!p2 .LBB1_6-.Ltmp1, $4  }
0x10: {  	s13 =	simm.s32 @!p1 $0x2  }
0x11: {  	s11 =	smov.u32 s8;
	_ =	swait.ge @!p1 [sflag:s13], $0x4000  }
0x12: {  	p0 =	por !p0, !p0;
	s10 =	smov.u32 s9;
	[sflag:s13] =	ssyncset.done @!p1 $0x0  }
0x13: {  	s8 =	smov.u32 s12;
	[sflag:s13] =	ssyncadd.s32 @!p1 $0xFFFFC000;
	s9 =	smov.u32 s14  }
.LBB1_1:
0x14: {  	p1 =	sgt.u32 s7, $0x3F;
	s15 =	smov.u32 s9  }
0x15: {  	s12 =	sshll.u32 @!p1 s9, $0xD;
	s13 =	sand.u32 @!p1 $0x78, s8;
	p2 =	sgt.s32 @!p1 s9, $0xF40  }
0x16: {  	s14 =	sshll.u32 @!p1 s8, $0x3;
	s16 =	sshra.s32 @!p1 s9, $0x1F;
	s18 =	sshra.s32 @!p1 s8, $0x1F  }
0x17: {  	s12 =	sand.u32 @!p1 $0xFFFF0000, s12;
	p2 =	por !p2, p1;
	s16 =	sand.u32 @!p1 s16, s9  }
0x18: {  	s18 =	sand.u32 @!p1 s18, s8;
	s15 =	simm.s32 @p2 $0xF40;
	p2 =	sgt.s32 @!p1 s8, $0x1F80  }
0x19: {  	s12 =	sadd.s32 @!p1 s12, s14;
	s14 =	sand.u32 @!p1 $0x1C00, s14;
	s15 =	ssub.s32 @!p1 s15, s16  }
0x1a: {  	p2 =	por !p2, p1;
	s16 =	smov.u32 s8;
	s12 =	sshrl.u32 @!p1 s12, $0xD  }
0x1b: {  	s17 =	sadd.s32 @!p1 $0xFFFFF0C0, s15;
	s16 =	simm.s32 @p2 $0x1F80;
	s15 =	ssub.s32 @!p1 $0xFC0, s15  }
0x1c: {  	p2 =	sgt.s32 @!p1 s17, $0x7F;
	s17 =	sshll.u32 @!p1 s9, $0x7;
	s16 =	ssub.s32 @!p1 s16, s18  }
0x1d: {  	s17 =	sand.u32 @!p1 $0x380, s17;
	p2 =	por !p2, p1;
	s18 =	sadd.s32 @!p1 $0xFFFFE080, s16  }
0x1e: {  	s15 =	simm.s32 @!p2 $0x0;
	p2 =	sgt.s32 @!p1 s18, $0x7F;
	s18 =	smulhi.u32 @!p1 $0x104105, s12  }
0x1f: {  	s16 =	ssub.s32 @!p1 $0x2000, s16;
	s13 =	sor.u32 @!p1 s17, s13;
	p2 =	por !p2, p1  }
0x20: {  	s13 =	sor.u32 @!p1 s14, s13;
	s18 =	smul.u32 @!p1 $0xFC0, s18;
	s16 =	simm.s32 @!p2 $0x0  }
0x21: {  	s17 =	sxor.u32 @!p1 $0xFFFFFFFF, s7;
	s13 =	sshrl.u32 @!p1 s13, $0x3;
	s15 =	smul.u32 @!p1 s15, s16  }
0x22: {  	s16 =	sshll.u32 @!p1 s17, $0xE;
	s13 =	sadd.s32 @!p1 s2, s13  }
0x23: {  	s12 =	ssub.s32 @!p1 s12, s18;
	s14 =	sand.u32 @!p1 $0x3FFFFFFF, s15;
	s15 =	sand.u32 @!p1 $0x7, s8  }
0x24: {  	s16 =	sand.u32 @!p1 $0x4000, s16;
	s12 =	sshll.u32 @!p1 s12, $0xA;
	s15 =	sshll.u32 @!p1 s15, $0x12  }
0x25: {  	s12 =	sadd.s32 @!p1 s12, s13;
	s13 =	sor.u32 @!p1 $0x400, s15;
	s15 =	simm.s32 @!p1 $0x10000  }
0x26: {  	[tilespmem:s16], [sflag:$0x1] =	stream.strided.gather @!p1 [hbm4b:s12+s13], s14, s15, s13, $0x38;
	[tilespmem:$0x10100] =	vst v63  }
0x27: {  	p1 =	seq.s32 s7, $0x0  }
0x28: {  	p2 =	seq.s32 @!p1 s7, $0x41  }
0x29: {  	p1 =	por p1, p2  }
.Ltmp2:
0x2a: {  	_ = 	snop;
	(pc) =	sbr.rel @p1 .LBB1_5-.Ltmp2, $1  }
0x2b: {  	_ =	sdelay $0x3  }
0x2c: {  	p1 =	sgt.s32 s10, $0xF40  }
0x2d: {  	s12 =	smov.u32 s10;
	s13 =	sshra.s32 s10, $0x1F;
	s14 =	smov.u32 s11  }
0x2e: {  	s15 =	sshra.s32 s11, $0x1F;
	s12 =	simm.s32 @!p1 $0xF40;
	p1 =	sgt.s32 s11, $0x1F80  }
0x2f: {  	s13 =	sand.u32 s13, s10;
	s27 =	sand.u32 s15, s11;
	s14 =	simm.s32 @!p1 $0x1F80  }
0x30: {  	s12 =	ssub.s32 s12, s13;
	s13 =	ssub.s32 s14, s27  }
0x31: {  	s28 =	sadd.s32 $0xFFFFF0C0, s12;
	s12 =	ssub.s32 $0xFC0, s12;
	s14 =	sadd.s32 $0xFFFFE080, s13  }
0x32: {  	p1 =	sgt.s32 s28, $0x7F;
	s13 =	ssub.s32 $0x2000, s13;
	p2 =	sgt.s32 s14, $0x7F  }
0x33: {  	s12 =	simm.s32 @p1 $0x0;
	s13 =	simm.s32 @p2 $0x0  }
0x34: {  	s12 =	smul.u32 s12, s13;
	_ =	sdelay $0x1  }
0x35: {  	s13 =	simm.s32 $0x1;
	s12 =	sand.u32 $0x3FFFFFFF, s12  }
0x36: {  	s13 =	simm.s32 @!p0 $0x0;
	_ =	swait.ge [sflag:s3], s12  }
0x37: {  	s29 =	sshll.u32 s13, $0xE;
	s12 =	ssub.s32 $0x0, s12;
	[sflag:s3] =	ssyncset.done $0x0  }
0x38: {  	s14 =	sor.u32 $0x40, s29;
	[sflag:s3] =	ssyncadd.s32 s12  }
0x39: {  	s30 =	smul.u32 $0x10200, s13;
	v0 =	vld [tilespmem:s14+$0x30]  }
0x3a: {  	v3 =	vld [tilespmem:s14+$0xFFFFFFD0]  }
0x3b: {  	s12 =	sshrl.u32 s30, $0x2;
	v4 =	vld [tilespmem:s14+$0xFFFFFFE0]  }
0x3c: {  	s13 =	sor.u32 $0x8000, s12;
	v5 =	vld [tilespmem:s14+$0xFFFFFFF0]  }
0x3d: {  	s31 =	sand.u32 $0x1, s7;
	v1 =	vld [tilespmem:s14+$0x0];
	s15 =	sadd.s32 $0x0, s13  }
0x3e: {  	s12 =	smul.u32 $0x10200, s31;
	v2 =	vld [tilespmem:s14+$0x10];
	[tilespmem:s15+$0x3870 ss:$0x81] =	vst.msk $0xffff, v0  }
0x3f: {  	[tilespmem:s15+$0x810 ss:$0x81] =	vst.msk $0xffff, v3;
	v3 =	vld [tilespmem:s14+$0x20]  }
0x40: {  	s12 =	sshrl.u32 s12, $0x2;
	v0 =	vld [tilespmem:s14+$0xFFFFFFC0];
	[tilespmem:s15+$0x1020 ss:$0x81] =	vst.msk $0xffff, v4;
	s14 =	sadd.s32 $0x80, s14  }
0x41: {  	s16 =	simm.s32 $0x4;
	s17 =	simm.s32 $0x8;
	s12 =	sor.u32 $0x8000, s12;
	[tilespmem:s15+$0x1830 ss:$0x81] =	vst.msk $0xffff, v5;
	v4 =	vld [tilespmem:s14+$0x30]  }
.LBB1_3:
0x42: {  	p1 =	sne.s32 s17, $0x1FC;
	v5 =	vld [tilespmem:s14+$0xFFFFFFD0];
	[tilespmem:s15+$0x2040 ss:$0x81] =	vst.msk $0xffff, v1  }
0x43: {  	v6 =	vld [tilespmem:s14+$0xFFFFFFE0];
	[tilespmem:s15+$0x2850 ss:$0x81] =	vst.msk $0xffff, v2  }
0x44: {  	s18 =	sshra.s32 s16, $0x2;
	s16 =	smov.u32 s17;
	v7 =	vld [tilespmem:s14+$0xFFFFFFF0];
	[tilespmem:s15+$0x3060 ss:$0x81] =	vst.msk $0xffff, v3  }
.Ltmp3:
0x45: {  	v1 =	vld [tilespmem:s14+$0x0];
	[tilespmem:s15+$0x0 ss:$0x81] =	vst.msk $0xffff, v0;
	s15 =	sadd.s32 s18, s13;
	(pc) =	sbr.rel @p1 .LBB1_3-.Ltmp3, $4  }
0x46: {  	v2 =	vld [tilespmem:s14+$0x10];
	[tilespmem:s15+$0x3870 ss:$0x81] =	vst.msk $0xffff, v4  }
0x47: {  	[tilespmem:s15+$0x810 ss:$0x81] =	vst.msk $0xffff, v5;
	v3 =	vld [tilespmem:s14+$0x20]  }
0x48: {  	v0 =	vld [tilespmem:s14+$0xFFFFFFC0];
	[tilespmem:s15+$0x1020 ss:$0x81] =	vst.msk $0xffff, v6;
	s14 =	sadd.s32 $0x80, s14  }
0x49: {  	s17 =	sadd.s32 $0x4, s17;
	v4 =	vld [tilespmem:s14+$0x30];
	[tilespmem:s15+$0x1830 ss:$0x81] =	vst.msk $0xffff, v7  }
0x4a: {  	v5 =	vld [tilespmem:s14+$0xFFFFFFD0]  }
0x4b: {  	[tilespmem:s15+$0x2040 ss:$0x81] =	vst.msk $0xffff, v1;
	v58 =	vld [tilespmem:s14+$0xFFFFFFE0]  }
0x4c: {  	v59 =	vld [tilespmem:s14+$0xFFFFFFF0];
	[tilespmem:s15+$0x2850 ss:$0x81] =	vst.msk $0xffff, v2  }
0x4d: {  	s16 =	sshra.s32 s16, $0x2;
	v60 =	vld [tilespmem:s14+$0x0];
	[tilespmem:s15+$0x3060 ss:$0x81] =	vst.msk $0xffff, v3  }
0x4e: {  	v61 =	vld [tilespmem:s14+$0x10];
	s13 =	sadd.s32 s16, s13;
	[tilespmem:s15+$0x0 ss:$0x81] =	vst.msk $0xffff, v0  }
0x4f: {  	s26 =	sshll.u32 s11, $0xC;
	v62 =	vld [tilespmem:s14+$0x20];
	[tilespmem:s13+$0x3870 ss:$0x81] =	vst.msk $0xffff, v4  }
0x50: {  	s27 =	sand.u32 $0x78, s10;
	s17 =	sshll.u32 s10, $0x3;
	v63 =	vld [tilespmem:s14+$0xFFFFFFC0];
	s29 =	sshll.u32 s11, $0x7;
	[tilespmem:s13+$0x810 ss:$0x81] =	vst.msk $0xffff, v5  }
0x51: {  	s28 =	sand.u32 $0x1FFFC00, s17;
	s17 =	sand.u32 $0xC00, s17;
	s15 =	sand.u32 $0x1FF8000, s26;
	[tilespmem:s13+$0x1020 ss:$0x81] =	vst.msk $0xffff, v58  }
0x52: {  	s11 =	sand.u32 $0x380, s29;
	s30 =	sor.u32 s27, s17;
	s14 =	sadd.s32 s28, s15;
	[tilespmem:s13+$0x1830 ss:$0x81] =	vst.msk $0xffff, v59  }
.Ltmp4:
0x53: {  	s11 =	sor.u32 s11, s30;
	[tilespmem:s13+$0x2040 ss:$0x81] =	vst.msk $0xffff, v60;
	s14 =	sand.u32 $0x1FFF000, s14;
	(pc) =	sbr.rel .LBB1_5-.Ltmp4, $4  }
0x54: {  	s31 =	sand.u32 $0x7, s10;
	[tilespmem:s13+$0x2850 ss:$0x81] =	vst.msk $0xffff, v61;
	s11 =	sor.u32 s14, s11  }
0x55: {  	s10 =	sshll.u32 s31, $0x12;
	[tilespmem:s13+$0x3060 ss:$0x81] =	vst.msk $0xffff, v62;
	s11 =	sshrl.u32 s11, $0x3  }
0x56: {  	s10 =	sor.u32 $0x400, s10;
	[tilespmem:s13+$0x0 ss:$0x81] =	vst.msk $0xffff, v63;
	s11 =	sadd.s32 s4, s11  }
0x57: {  	[hbm4b:s11+s10] =	stream.strided.scatter [tilespmem:s12], [sflag:$0x2], $0x4000, s6, s10, $0x20;
	[tilespmem:$0x10100] =	vst v63  }
.LBB1_6:
0x58: {  	_ =	sfence.sel $0x180000  }
0x59: {  	s2 =	simm.s32 $0x1;
	[bflag:$0x0] =	sbarrier.arrive $0xFFFF  }
0x5a: {  	s31 =	simm.s32 $0x2;
	[sflag:s2] =	ssyncpa.u1 $0x1  }
0x5b: {  	[sflag:s31] =	ssyncpa.u1 $0x1  }
0x5c: {  	p0 =	sne.s32 s1, $0x0;
	_ =	strace $0x90000047  }
0x5d: {  	s0 =	sadd.s32 @!p0 $0x100000, s0;
	[bflag:$0x2] =	sbarrier.arrive $0xFFFF  }
0x5e: {  	[sflag:s0] =	ssyncadd.tile.s32 @!p0 $0x1;
	_ =	shalt  }
.Lfunc_end1:
_tile_overlayer_lowered:
.L_overlay_start_2:
0x5f: {  	(tag) =	ssettag $0x2  }
0x60: {  	s0 =	rddreg [dreg:$0x0];
	s2 =	stileid.u32  }
0x61: {  	s1 =	rddreg [dreg:$0x1];
	p0 =	sne.s32 s2, $0x0  }
0x62: {  	s3 =	rddreg [dreg:$0x2];
	[bflag:$0x3] =	sbarrier.arrive $0xFFFF;
	s2 =	simm.s32 @!p0 $0x1C01  }
0x63: {  	[timem:s3], [sflag:s2] =	dma.local @!p0 [hbm:s0], s1  }
0x64: {  	s0 =	simm.s32 @!p0 $0x1  }
0x65: {  	_ =	swait.ge @!p0 [sflag:s0], s1  }
0x66: {  	s1 =	ssub.s32 @!p0 $0x0, s1;
	[sflag:s0] =	ssyncset.done @!p0 $0x0  }
0x67: {  	[sflag:s0] =	ssyncadd.s32 @!p0 s1  }
0x68: {  	[bflag:$0x3] =	sbarrier.arrive $0xFFFF  }
0x69: {  	_ =	shalt  }

</sc_bundles>
